<compile_context>
chip_gen: v7x
topology: tpu7x:2x2x1
jax: 0.10.2.dev20260603
libtpu: 0.0.44.dev20260713+nightly
codegen_flags: <defaults>
</compile_context>

<pallas_src>
import functools
import math

import jax
import jax.numpy as jnp
from jax import lax
from jax.experimental import pallas as pl
from jax.experimental.pallas import tpu as pltpu
from jax.experimental.pallas import tpu_sc as plsc

LANES = 16
NBUF = 3


@functools.lru_cache(maxsize=None)
def _make_sc_gather(n_rows: int, d: int, k: int):
    info = plsc.get_sparse_core_info()
    nc, ns = info.num_cores, info.num_subcores
    nw = nc * ns
    assert n_rows % (nw * k) == 0
    rows_per_w = n_rows // nw
    n_chunks = rows_per_w // k
    assert n_chunks >= 2 * NBUF + 1 and (n_chunks - NBUF - 4) % NBUF == 0
    scale = math.sqrt(float(d))
    mesh = plsc.VectorSubcoreMesh(core_axis_name="c", subcore_axis_name="s")

    @functools.partial(
        pl.kernel,
        mesh=mesh,
        out_type=jax.ShapeDtypeStruct((n_rows, d), jnp.float32),
        scratch_types=[
            pltpu.VMEM((n_chunks, k), jnp.int32),
            pltpu.VMEM((NBUF, k, d), jnp.float32),
            pltpu.VMEM((NBUF, k, d), jnp.float32),
            pltpu.SemaphoreType.DMA,
            pltpu.SemaphoreType.DMA,
            pltpu.SemaphoreType.DMA,
            pltpu.SemaphoreType.DMA,
            pltpu.SemaphoreType.DMA,
            pltpu.SemaphoreType.DMA,
        ],
    )
    def gather_scale(idx_hbm, table_hbm, out_hbm, idx_v, gbuf, sbuf,
                     sem_g0, sem_g1, sem_g2, sem_s0, sem_s1, sem_s2):
        wid = lax.axis_index("s") * nc + lax.axis_index("c")
        base = wid * rows_per_w
        sems_g = (sem_g0, sem_g1, sem_g2)
        sems_s = (sem_s0, sem_s1, sem_s2)

        pltpu.sync_copy(idx_hbm.at[wid], idx_v)

        def issue_gather(cc, b):
            pltpu.async_copy(table_hbm.at[idx_v.at[cc]], gbuf.at[b], sems_g[b])

        def wait_gather(b):
            pltpu.make_async_copy(table_hbm.at[idx_v.at[0]], gbuf.at[b],
                                  sems_g[b]).wait()

        def issue_scatter(cc, b):
            pltpu.async_copy(sbuf.at[b], out_hbm.at[pl.ds(base + cc * k, k)],
                             sems_s[b])

        def wait_scatter(b):
            pltpu.make_async_copy(sbuf.at[b], out_hbm.at[pl.ds(base, k)],
                                  sems_s[b]).wait()

        def scale_chunk(b):
            @plsc.parallel_loop(0, d // LANES, unroll=8)
            def _(j):
                for r in range(k):
                    sbuf[b, r, pl.ds(j * LANES, LANES)] = (
                        gbuf[b, r, pl.ds(j * LANES, LANES)] * scale
                    )

        def visit(cc, b, s_wait, g_issue):
            wait_gather(b)
            if s_wait:
                wait_scatter(b)
            scale_chunk(b)
            if g_issue:
                issue_gather(cc + NBUF, b)
            issue_scatter(cc, b)

        for b in range(NBUF):
            issue_gather(b, b)

        for b in range(NBUF):
            visit(b, b, False, True)

        def group(g, carry):
            cc0 = g * NBUF
            for u in range(NBUF):
                visit(cc0 + u, u, True, True)
            return carry

        lax.fori_loop(1, (n_chunks - 4) // NBUF, group, 0, unroll=False)

        visit(n_chunks - 4, (n_chunks - 4) % NBUF, True, True)
        for cc in range(n_chunks - NBUF, n_chunks):
            visit(cc, cc % NBUF, True, False)

        for b in range(NBUF):
            wait_scatter(b)

    return gather_scale


def kernel(sequence, table):
    b, s = sequence.shape
    vocab, d = table.shape
    n_rows = b * s
    k = 8
    info = plsc.get_sparse_core_info()
    nw = info.num_cores * info.num_subcores
    idx = sequence.reshape(nw, (n_rows // nw) // k, k).astype(jnp.int32)
    fn = _make_sc_gather(n_rows, d, k)
    out = fn(idx, table)
    return out.reshape(b, s, d)

# --- scband reference (transcript-rebuilt; emitter-appended) ---
"""Pipeline reference for scband-embedding-transformer-31516470018739 (READ-ONLY COPY).

The authoritative reference and input builder live on the scoring server;
editing this copy changes nothing except your own understanding.
"""

import jax, jax.numpy as jnp
import numpy as np
import math

VOCAB_SIZE = 100000
D_MODEL = 2048
BATCH = 4
SEQ_LEN = 4096

def setup_inputs(seed: int = 0) -> dict:
    key = jax.random.key(seed)
    k_seq, k_tab = jax.random.split(key)
    sequence = jax.random.randint(k_seq, (BATCH, SEQ_LEN), 0, VOCAB_SIZE, dtype=jnp.int64 if jax.config.jax_enable_x64 else jnp.int32)
    table = jax.random.normal(k_tab, (VOCAB_SIZE, D_MODEL), dtype=jnp.float32)
    return {"sequence": sequence, "table": table}

def reference(sequence, table):
    # Embedding lookup scaled by sqrt(d_model), as in the original forward
    out = jnp.take(table, sequence, axis=0) * math.sqrt(D_MODEL)
    return out

if __name__ == "__main__":
    import jax
    _d = setup_inputs()
    print(jax.jit(kernel)(*tuple(_d.values())))

</pallas_src>

<mosaic_0001>
#map = affine_map<(d0, d1) -> (0, 0, 0)>
#map1 = affine_map<(d0, d1) -> (0, 0)>
module attributes {stable_mosaic.version = 14 : i64} {
  func.func @gather_scale(%arg0: i32, %arg1: i32, %arg2: memref<32x64x8xi32, #tpu.memory_space<hbm>>, %arg3: memref<100000x2048xf32, #tpu.memory_space<hbm>>, %arg4: memref<16384x2048xf32, #tpu.memory_space<hbm>>, %arg5: memref<64x8xi32, #tpu.memory_space<vmem>>, %arg6: memref<3x8x2048xf32, #tpu.memory_space<vmem>>, %arg7: memref<3x8x2048xf32, #tpu.memory_space<vmem>>, %arg8: memref<!tpu.dma_semaphore, #tpu.memory_space<semaphore_mem>>, %arg9: memref<!tpu.dma_semaphore, #tpu.memory_space<semaphore_mem>>, %arg10: memref<!tpu.dma_semaphore, #tpu.memory_space<semaphore_mem>>, %arg11: memref<!tpu.dma_semaphore, #tpu.memory_space<semaphore_mem>>, %arg12: memref<!tpu.dma_semaphore, #tpu.memory_space<semaphore_mem>>, %arg13: memref<!tpu.dma_semaphore, #tpu.memory_space<semaphore_mem>>) attributes {dimension_semantics = [#tpu.dimension_semantics<core_parallel>, #tpu.dimension_semantics<subcore_parallel>], iteration_bounds = array<i64: 2, 16>, scalar_prefetch = 0 : i64, scratch_operands = 9 : i64, tpu.core_type = #tpu.core_type<sc_vector_subcore>, window_params = [{transform_indices = #map}, {transform_indices = #map1}, {transform_indices = #map1}]} {
    %mul3A = arith.constant 2 : i32
    %mul3A_0 = arith.muli %arg1, %mul3A : i32
    %add3A = arith.addi %mul3A_0, %arg0 : i32
    %mul3A_1 = arith.constant 512 : i32
    %mul3A_2 = arith.muli %add3A, %mul3A_1 : i32
    "tpu.region"() ({
      %run_scoped3A = tpu.sem_alloc : memref<!tpu.dma_semaphore, #tpu.memory_space<semaphore_mem>>
      %dma_start3A_390 = arith.constant 0 : i32
      %dma_start3A_391 = arith.constant 0 : i32
      %dma_start3A_392 = tpu.memref_slice %arg2[%add3A, %dma_start3A_390, %dma_start3A_391] : memref<32x64x8xi32, #tpu.memory_space<hbm>> -> memref<1x64x8xi32, #tpu.memory_space<hbm>>
      %dma_start3A_393 = tpu.memref_squeeze %dma_start3A_392 : memref<1x64x8xi32, #tpu.memory_space<hbm>> -> memref<64x8xi32, #tpu.memory_space<hbm>>
      %dma_start3A_394 = arith.constant 0 : i32
      %dma_start3A_395 = arith.constant 0 : i32
      %dma_start3A_396 = tpu.memref_slice %arg2[%add3A, %dma_start3A_394, %dma_start3A_395] : memref<32x64x8xi32, #tpu.memory_space<hbm>> -> memref<1x64x8xi32, #tpu.memory_space<hbm>>
      %dma_start3A_397 = tpu.memref_squeeze %dma_start3A_396 : memref<1x64x8xi32, #tpu.memory_space<hbm>> -> memref<64x8xi32, #tpu.memory_space<hbm>>
      tpu.enqueue_dma source(%dma_start3A_397 : memref<64x8xi32, #tpu.memory_space<hbm>>) target(%arg5 : memref<64x8xi32, #tpu.memory_space<vmem>>) target_semaphore(%run_scoped3A : memref<!tpu.dma_semaphore, #tpu.memory_space<semaphore_mem>>)
      %dma_wait3A_398 = arith.constant 0 : i32
      %dma_wait3A_399 = arith.constant 0 : i32
      %dma_wait3A_400 = tpu.memref_slice %arg2[%add3A, %dma_wait3A_398, %dma_wait3A_399] : memref<32x64x8xi32, #tpu.memory_space<hbm>> -> memref<1x64x8xi32, #tpu.memory_space<hbm>>
      %dma_wait3A_401 = tpu.memref_squeeze %dma_wait3A_400 : memref<1x64x8xi32, #tpu.memory_space<hbm>> -> memref<64x8xi32, #tpu.memory_space<hbm>>
      %dma_wait3A_402 = arith.constant 0 : i32
      %dma_wait3A_403 = arith.constant 0 : i32
      %dma_wait3A_404 = tpu.memref_slice %arg2[%add3A, %dma_wait3A_402, %dma_wait3A_403] : memref<32x64x8xi32, #tpu.memory_space<hbm>> -> memref<1x64x8xi32, #tpu.memory_space<hbm>>
      %dma_wait3A_405 = tpu.memref_squeeze %dma_wait3A_404 : memref<1x64x8xi32, #tpu.memory_space<hbm>> -> memref<64x8xi32, #tpu.memory_space<hbm>>
      tpu.wait_dma2 semaphore(%run_scoped3A : memref<!tpu.dma_semaphore, #tpu.memory_space<semaphore_mem>>) src(%dma_wait3A_405 : memref<64x8xi32, #tpu.memory_space<hbm>>) dst(%arg5 : memref<64x8xi32, #tpu.memory_space<vmem>>)
      tpu.yield
    }) : () -> ()
    %dma_start3A = arith.constant 0 : i32
    %dma_start3A_3 = arith.constant 0 : i32
    %dma_start3A_4 = arith.constant 0 : i32
    %dma_start3A_5 = arith.constant 0 : i32
    %dma_start3A_6 = tpu.memref_slice %arg6[%dma_start3A_3, %dma_start3A_4, %dma_start3A_5] : memref<3x8x2048xf32, #tpu.memory_space<vmem>> -> memref<1x8x2048xf32, #tpu.memory_space<vmem>>
    %dma_start3A_7 = tpu.memref_squeeze %dma_start3A_6 : memref<1x8x2048xf32, #tpu.memory_space<vmem>> -> memref<8x2048xf32, #tpu.memory_space<vmem>>
    %dma_start3A_8 = arith.constant 0 : i32
    %dma_start3A_9 = tpu.memref_slice %arg5[%dma_start3A, %dma_start3A_8] : memref<64x8xi32, #tpu.memory_space<vmem>> -> memref<1x8xi32, #tpu.memory_space<vmem>>
    %dma_start3A_10 = tpu.memref_squeeze %dma_start3A_9 : memref<1x8xi32, #tpu.memory_space<vmem>> -> memref<8xi32, #tpu.memory_space<vmem>>
    %dma_start3A_11 = arith.constant 0 : i32
    %dma_start3A_12 = arith.constant 0 : i32
    %dma_start3A_13 = tpu.memref_slice %arg3[%dma_start3A_11, %dma_start3A_12] : memref<100000x2048xf32, #tpu.memory_space<hbm>> -> memref<100000x2048xf32, #tpu.memory_space<hbm>>
    tpu.enqueue_indirect_dma source(%dma_start3A_13 : memref<100000x2048xf32, #tpu.memory_space<hbm>>) target(%dma_start3A_7 : memref<8x2048xf32, #tpu.memory_space<vmem>>) offsets(%dma_start3A_10 : memref<8xi32, #tpu.memory_space<vmem>>) semaphore(%arg8 : memref<!tpu.dma_semaphore, #tpu.memory_space<semaphore_mem>>)
    %dma_start3A_14 = arith.constant 1 : i32
    %dma_start3A_15 = arith.constant 1 : i32
    %dma_start3A_16 = arith.constant 0 : i32
    %dma_start3A_17 = arith.constant 0 : i32
    %dma_start3A_18 = tpu.memref_slice %arg6[%dma_start3A_15, %dma_start3A_16, %dma_start3A_17] : memref<3x8x2048xf32, #tpu.memory_space<vmem>> -> memref<1x8x2048xf32, #tpu.memory_space<vmem>>
    %dma_start3A_19 = tpu.memref_squeeze %dma_start3A_18 : memref<1x8x2048xf32, #tpu.memory_space<vmem>> -> memref<8x2048xf32, #tpu.memory_space<vmem>>
    %dma_start3A_20 = arith.constant 0 : i32
    %dma_start3A_21 = tpu.memref_slice %arg5[%dma_start3A_14, %dma_start3A_20] : memref<64x8xi32, #tpu.memory_space<vmem>> -> memref<1x8xi32, #tpu.memory_space<vmem>>
    %dma_start3A_22 = tpu.memref_squeeze %dma_start3A_21 : memref<1x8xi32, #tpu.memory_space<vmem>> -> memref<8xi32, #tpu.memory_space<vmem>>
    %dma_start3A_23 = arith.constant 0 : i32
    %dma_start3A_24 = arith.constant 0 : i32
    %dma_start3A_25 = tpu.memref_slice %arg3[%dma_start3A_23, %dma_start3A_24] : memref<100000x2048xf32, #tpu.memory_space<hbm>> -> memref<100000x2048xf32, #tpu.memory_space<hbm>>
    tpu.enqueue_indirect_dma source(%dma_start3A_25 : memref<100000x2048xf32, #tpu.memory_space<hbm>>) target(%dma_start3A_19 : memref<8x2048xf32, #tpu.memory_space<vmem>>) offsets(%dma_start3A_22 : memref<8xi32, #tpu.memory_space<vmem>>) semaphore(%arg9 : memref<!tpu.dma_semaphore, #tpu.memory_space<semaphore_mem>>)
    %dma_start3A_26 = arith.constant 2 : i32
    %dma_start3A_27 = arith.constant 2 : i32
    %dma_start3A_28 = arith.constant 0 : i32
    %dma_start3A_29 = arith.constant 0 : i32
    %dma_start3A_30 = tpu.memref_slice %arg6[%dma_start3A_27, %dma_start3A_28, %dma_start3A_29] : memref<3x8x2048xf32, #tpu.memory_space<vmem>> -> memref<1x8x2048xf32, #tpu.memory_space<vmem>>
    %dma_start3A_31 = tpu.memref_squeeze %dma_start3A_30 : memref<1x8x2048xf32, #tpu.memory_space<vmem>> -> memref<8x2048xf32, #tpu.memory_space<vmem>>
    %dma_start3A_32 = arith.constant 0 : i32
    %dma_start3A_33 = tpu.memref_slice %arg5[%dma_start3A_26, %dma_start3A_32] : memref<64x8xi32, #tpu.memory_space<vmem>> -> memref<1x8xi32, #tpu.memory_space<vmem>>
    %dma_start3A_34 = tpu.memref_squeeze %dma_start3A_33 : memref<1x8xi32, #tpu.memory_space<vmem>> -> memref<8xi32, #tpu.memory_space<vmem>>
    %dma_start3A_35 = arith.constant 0 : i32
    %dma_start3A_36 = arith.constant 0 : i32
    %dma_start3A_37 = tpu.memref_slice %arg3[%dma_start3A_35, %dma_start3A_36] : memref<100000x2048xf32, #tpu.memory_space<hbm>> -> memref<100000x2048xf32, #tpu.memory_space<hbm>>
    tpu.enqueue_indirect_dma source(%dma_start3A_37 : memref<100000x2048xf32, #tpu.memory_space<hbm>>) target(%dma_start3A_31 : memref<8x2048xf32, #tpu.memory_space<vmem>>) offsets(%dma_start3A_34 : memref<8xi32, #tpu.memory_space<vmem>>) semaphore(%arg10 : memref<!tpu.dma_semaphore, #tpu.memory_space<semaphore_mem>>)
    %dma_wait3A = arith.constant 0 : i32
    %dma_wait3A_38 = arith.constant 0 : i32
    %dma_wait3A_39 = arith.constant 0 : i32
    %dma_wait3A_40 = arith.constant 0 : i32
    %dma_wait3A_41 = tpu.memref_slice %arg6[%dma_wait3A_38, %dma_wait3A_39, %dma_wait3A_40] : memref<3x8x2048xf32, #tpu.memory_space<vmem>> -> memref<1x8x2048xf32, #tpu.memory_space<vmem>>
    %dma_wait3A_42 = tpu.memref_squeeze %dma_wait3A_41 : memref<1x8x2048xf32, #tpu.memory_space<vmem>> -> memref<8x2048xf32, #tpu.memory_space<vmem>>
    %dma_wait3A_43 = arith.constant 0 : i32
    %dma_wait3A_44 = tpu.memref_slice %arg5[%dma_wait3A, %dma_wait3A_43] : memref<64x8xi32, #tpu.memory_space<vmem>> -> memref<1x8xi32, #tpu.memory_space<vmem>>
    %dma_wait3A_45 = tpu.memref_squeeze %dma_wait3A_44 : memref<1x8xi32, #tpu.memory_space<vmem>> -> memref<8xi32, #tpu.memory_space<vmem>>
    %dma_wait3A_46 = arith.constant 0 : i32
    %dma_wait3A_47 = arith.constant 0 : i32
    %dma_wait3A_48 = tpu.memref_slice %arg3[%dma_wait3A_46, %dma_wait3A_47] : memref<100000x2048xf32, #tpu.memory_space<hbm>> -> memref<100000x2048xf32, #tpu.memory_space<hbm>>
    tpu.wait_indirect_dma semaphore(%arg8 : memref<!tpu.dma_semaphore, #tpu.memory_space<semaphore_mem>>) src(%dma_wait3A_48 : memref<100000x2048xf32, #tpu.memory_space<hbm>>) dst(%dma_wait3A_42 : memref<8x2048xf32, #tpu.memory_space<vmem>>)
    %parallel_loop3A = arith.constant 0 : i32
    %parallel_loop3A_49 = arith.constant 128 : i32
    %parallel_loop3A_50 = arith.constant 1 : i32
    scf.for %parallel_loop3A_390 = %parallel_loop3A to %parallel_loop3A_49 step %parallel_loop3A_50  : i32 {
      %parallel_loop3A_391 = arith.constant 16 : i32
      %parallel_loop3A_392 = arith.muli %parallel_loop3A_390, %parallel_loop3A_391 : i32
      %parallel_loop3A_393 = arith.constant 0 : i32
      %parallel_loop3A_394 = arith.constant 0 : i32
      %parallel_loop3A_395 = arith.index_cast %parallel_loop3A_393 : i32 to index
      %parallel_loop3A_396 = arith.index_cast %parallel_loop3A_394 : i32 to index
      %parallel_loop3A_397 = arith.index_cast %parallel_loop3A_392 : i32 to index
      %parallel_loop3A_398 = tpu.vector_load %arg6[%parallel_loop3A_395, %parallel_loop3A_396, %parallel_loop3A_397] {strides = array<i32>} : memref<3x8x2048xf32, #tpu.memory_space<vmem>>, vector<1x1x16xf32>,
      %parallel_loop3A_399 = vector.shape_cast %parallel_loop3A_398 : vector<1x1x16xf32> to vector<16xf32>
      %parallel_loop3A_400 = arith.constant 45.2548332 : f32
      %parallel_loop3A_401 = vector.broadcast %parallel_loop3A_400 : f32 to vector<16xf32>
      %parallel_loop3A_402 = arith.mulf %parallel_loop3A_399, %parallel_loop3A_401 : vector<16xf32>
      %parallel_loop3A_403 = arith.constant 16 : i32
      %parallel_loop3A_404 = arith.muli %parallel_loop3A_390, %parallel_loop3A_403 : i32
      %parallel_loop3A_405 = arith.constant 0 : i32
      %parallel_loop3A_406 = arith.constant 0 : i32
      %parallel_loop3A_407 = arith.index_cast %parallel_loop3A_405 : i32 to index
      %parallel_loop3A_408 = arith.index_cast %parallel_loop3A_406 : i32 to index
      %parallel_loop3A_409 = arith.index_cast %parallel_loop3A_404 : i32 to index
      %parallel_loop3A_410 = tpu.vector_load %arg7[%parallel_loop3A_407, %parallel_loop3A_408, %parallel_loop3A_409] {strides = array<i32>} : memref<3x8x2048xf32, #tpu.memory_space<vmem>>, vector<1x1x16xf32>,
      %parallel_loop3A_411 = vector.shape_cast %parallel_loop3A_410 : vector<1x1x16xf32> to vector<16xf32>
      %parallel_loop3A_412 = vector.shape_cast %parallel_loop3A_402 : vector<16xf32> to vector<1x1x16xf32>
      tpu.vector_store %arg7[%parallel_loop3A_407, %parallel_loop3A_408, %parallel_loop3A_409], %parallel_loop3A_412 {strides = array<i32>} : memref<3x8x2048xf32, #tpu.memory_space<vmem>>, vector<1x1x16xf32>,
      %parallel_loop3A_413 = arith.constant 16 : i32
      %parallel_loop3A_414 = arith.muli %parallel_loop3A_390, %parallel_loop3A_413 : i32
      %parallel_loop3A_415 = arith.constant 0 : i32
      %parallel_loop3A_416 = arith.constant 1 : i32
      %parallel_loop3A_417 = arith.index_cast %parallel_loop3A_415 : i32 to index
      %parallel_loop3A_418 = arith.index_cast %parallel_loop3A_416 : i32 to index
      %parallel_loop3A_419 = arith.index_cast %parallel_loop3A_414 : i32 to index
      %parallel_loop3A_420 = tpu.vector_load %arg6[%parallel_loop3A_417, %parallel_loop3A_418, %parallel_loop3A_419] {strides = array<i32>} : memref<3x8x2048xf32, #tpu.memory_space<vmem>>, vector<1x1x16xf32>,
      %parallel_loop3A_421 = vector.shape_cast %parallel_loop3A_420 : vector<1x1x16xf32> to vector<16xf32>
      %parallel_loop3A_422 = arith.constant 45.2548332 : f32
      %parallel_loop3A_423 = vector.broadcast %parallel_loop3A_422 : f32 to vector<16xf32>
      %parallel_loop3A_424 = arith.mulf %parallel_loop3A_421, %parallel_loop3A_423 : vector<16xf32>
      %parallel_loop3A_425 = arith.constant 16 : i32
      %parallel_loop3A_426 = arith.muli %parallel_loop3A_390, %parallel_loop3A_425 : i32
      %parallel_loop3A_427 = arith.constant 0 : i32
      %parallel_loop3A_428 = arith.constant 1 : i32
      %parallel_loop3A_429 = arith.index_cast %parallel_loop3A_427 : i32 to index
      %parallel_loop3A_430 = arith.index_cast %parallel_loop3A_428 : i32 to index
      %parallel_loop3A_431 = arith.index_cast %parallel_loop3A_426 : i32 to index
      %parallel_loop3A_432 = tpu.vector_load %arg7[%parallel_loop3A_429, %parallel_loop3A_430, %parallel_loop3A_431] {strides = array<i32>} : memref<3x8x2048xf32, #tpu.memory_space<vmem>>, vector<1x1x16xf32>,
      %parallel_loop3A_433 = vector.shape_cast %parallel_loop3A_432 : vector<1x1x16xf32> to vector<16xf32>
      %parallel_loop3A_434 = vector.shape_cast %parallel_loop3A_424 : vector<16xf32> to vector<1x1x16xf32>
      tpu.vector_store %arg7[%parallel_loop3A_429, %parallel_loop3A_430, %parallel_loop3A_431], %parallel_loop3A_434 {strides = array<i32>} : memref<3x8x2048xf32, #tpu.memory_space<vmem>>, vector<1x1x16xf32>,
      %parallel_loop3A_435 = arith.constant 16 : i32
      %parallel_loop3A_436 = arith.muli %parallel_loop3A_390, %parallel_loop3A_435 : i32
      %parallel_loop3A_437 = arith.constant 0 : i32
      %parallel_loop3A_438 = arith.constant 2 : i32
      %parallel_loop3A_439 = arith.index_cast %parallel_loop3A_437 : i32 to index
      %parallel_loop3A_440 = arith.index_cast %parallel_loop3A_438 : i32 to index
      %parallel_loop3A_441 = arith.index_cast %parallel_loop3A_436 : i32 to index
      %parallel_loop3A_442 = tpu.vector_load %arg6[%parallel_loop3A_439, %parallel_loop3A_440, %parallel_loop3A_441] {strides = array<i32>} : memref<3x8x2048xf32, #tpu.memory_space<vmem>>, vector<1x1x16xf32>,
      %parallel_loop3A_443 = vector.shape_cast %parallel_loop3A_442 : vector<1x1x16xf32> to vector<16xf32>
      %parallel_loop3A_444 = arith.constant 45.2548332 : f32
      %parallel_loop3A_445 = vector.broadcast %parallel_loop3A_444 : f32 to vector<16xf32>
      %parallel_loop3A_446 = arith.mulf %parallel_loop3A_443, %parallel_loop3A_445 : vector<16xf32>
      %parallel_loop3A_447 = arith.constant 16 : i32
      %parallel_loop3A_448 = arith.muli %parallel_loop3A_390, %parallel_loop3A_447 : i32
      %parallel_loop3A_449 = arith.constant 0 : i32
      %parallel_loop3A_450 = arith.constant 2 : i32
      %parallel_loop3A_451 = arith.index_cast %parallel_loop3A_449 : i32 to index
      %parallel_loop3A_452 = arith.index_cast %parallel_loop3A_450 : i32 to index
      %parallel_loop3A_453 = arith.index_cast %parallel_loop3A_448 : i32 to index
      %parallel_loop3A_454 = tpu.vector_load %arg7[%parallel_loop3A_451, %parallel_loop3A_452, %parallel_loop3A_453] {strides = array<i32>} : memref<3x8x2048xf32, #tpu.memory_space<vmem>>, vector<1x1x16xf32>,
      %parallel_loop3A_455 = vector.shape_cast %parallel_loop3A_454 : vector<1x1x16xf32> to vector<16xf32>
      %parallel_loop3A_456 = vector.shape_cast %parallel_loop3A_446 : vector<16xf32> to vector<1x1x16xf32>
      tpu.vector_store %arg7[%parallel_loop3A_451, %parallel_loop3A_452, %parallel_loop3A_453], %parallel_loop3A_456 {strides = array<i32>} : memref<3x8x2048xf32, #tpu.memory_space<vmem>>, vector<1x1x16xf32>,
      %parallel_loop3A_457 = arith.constant 16 : i32
      %parallel_loop3A_458 = arith.muli %parallel_loop3A_390, %parallel_loop3A_457 : i32
      %parallel_loop3A_459 = arith.constant 0 : i32
      %parallel_loop3A_460 = arith.constant 3 : i32
      %parallel_loop3A_461 = arith.index_cast %parallel_loop3A_459 : i32 to index
      %parallel_loop3A_462 = arith.index_cast %parallel_loop3A_460 : i32 to index
      %parallel_loop3A_463 = arith.index_cast %parallel_loop3A_458 : i32 to index
      %parallel_loop3A_464 = tpu.vector_load %arg6[%parallel_loop3A_461, %parallel_loop3A_462, %parallel_loop3A_463] {strides = array<i32>} : memref<3x8x2048xf32, #tpu.memory_space<vmem>>, vector<1x1x16xf32>,
      %parallel_loop3A_465 = vector.shape_cast %parallel_loop3A_464 : vector<1x1x16xf32> to vector<16xf32>
      %parallel_loop3A_466 = arith.constant 45.2548332 : f32
      %parallel_loop3A_467 = vector.broadcast %parallel_loop3A_466 : f32 to vector<16xf32>
      %parallel_loop3A_468 = arith.mulf %parallel_loop3A_465, %parallel_loop3A_467 : vector<16xf32>
      %parallel_loop3A_469 = arith.constant 16 : i32
      %parallel_loop3A_470 = arith.muli %parallel_loop3A_390, %parallel_loop3A_469 : i32
      %parallel_loop3A_471 = arith.constant 0 : i32
      %parallel_loop3A_472 = arith.constant 3 : i32
      %parallel_loop3A_473 = arith.index_cast %parallel_loop3A_471 : i32 to index
      %parallel_loop3A_474 = arith.index_cast %parallel_loop3A_472 : i32 to index
      %parallel_loop3A_475 = arith.index_cast %parallel_loop3A_470 : i32 to index
      %parallel_loop3A_476 = tpu.vector_load %arg7[%parallel_loop3A_473, %parallel_loop3A_474, %parallel_loop3A_475] {strides = array<i32>} : memref<3x8x2048xf32, #tpu.memory_space<vmem>>, vector<1x1x16xf32>,
      %parallel_loop3A_477 = vector.shape_cast %parallel_loop3A_476 : vector<1x1x16xf32> to vector<16xf32>
      %parallel_loop3A_478 = vector.shape_cast %parallel_loop3A_468 : vector<16xf32> to vector<1x1x16xf32>
      tpu.vector_store %arg7[%parallel_loop3A_473, %parallel_loop3A_474, %parallel_loop3A_475], %parallel_loop3A_478 {strides = array<i32>} : memref<3x8x2048xf32, #tpu.memory_space<vmem>>, vector<1x1x16xf32>,
      %parallel_loop3A_479 = arith.constant 16 : i32
      %parallel_loop3A_480 = arith.muli %parallel_loop3A_390, %parallel_loop3A_479 : i32
      %parallel_loop3A_481 = arith.constant 0 : i32
      %parallel_loop3A_482 = arith.constant 4 : i32
      %parallel_loop3A_483 = arith.index_cast %parallel_loop3A_481 : i32 to index
      %parallel_loop3A_484 = arith.index_cast %parallel_loop3A_482 : i32 to index
      %parallel_loop3A_485 = arith.index_cast %parallel_loop3A_480 : i32 to index
      %parallel_loop3A_486 = tpu.vector_load %arg6[%parallel_loop3A_483, %parallel_loop3A_484, %parallel_loop3A_485] {strides = array<i32>} : memref<3x8x2048xf32, #tpu.memory_space<vmem>>, vector<1x1x16xf32>,
      %parallel_loop3A_487 = vector.shape_cast %parallel_loop3A_486 : vector<1x1x16xf32> to vector<16xf32>
      %parallel_loop3A_488 = arith.constant 45.2548332 : f32
      %parallel_loop3A_489 = vector.broadcast %parallel_loop3A_488 : f32 to vector<16xf32>
      %parallel_loop3A_490 = arith.mulf %parallel_loop3A_487, %parallel_loop3A_489 : vector<16xf32>
      %parallel_loop3A_491 = arith.constant 16 : i32
      %parallel_loop3A_492 = arith.muli %parallel_loop3A_390, %parallel_loop3A_491 : i32
      %parallel_loop3A_493 = arith.constant 0 : i32
      %parallel_loop3A_494 = arith.constant 4 : i32
      %parallel_loop3A_495 = arith.index_cast %parallel_loop3A_493 : i32 to index
      %parallel_loop3A_496 = arith.index_cast %parallel_loop3A_494 : i32 to index
      %parallel_loop3A_497 = arith.index_cast %parallel_loop3A_492 : i32 to index
      %parallel_loop3A_498 = tpu.vector_load %arg7[%parallel_loop3A_495, %parallel_loop3A_496, %parallel_loop3A_497] {strides = array<i32>} : memref<3x8x2048xf32, #tpu.memory_space<vmem>>, vector<1x1x16xf32>,
      %parallel_loop3A_499 = vector.shape_cast %parallel_loop3A_498 : vector<1x1x16xf32> to vector<16xf32>
      %parallel_loop3A_500 = vector.shape_cast %parallel_loop3A_490 : vector<16xf32> to vector<1x1x16xf32>
      tpu.vector_store %arg7[%parallel_loop3A_495, %parallel_loop3A_496, %parallel_loop3A_497], %parallel_loop3A_500 {strides = array<i32>} : memref<3x8x2048xf32, #tpu.memory_space<vmem>>, vector<1x1x16xf32>,
      %parallel_loop3A_501 = arith.constant 16 : i32
      %parallel_loop3A_502 = arith.muli %parallel_loop3A_390, %parallel_loop3A_501 : i32
      %parallel_loop3A_503 = arith.constant 0 : i32
      %parallel_loop3A_504 = arith.constant 5 : i32
      %parallel_loop3A_505 = arith.index_cast %parallel_loop3A_503 : i32 to index
      %parallel_loop3A_506 = arith.index_cast %parallel_loop3A_504 : i32 to index
      %parallel_loop3A_507 = arith.index_cast %parallel_loop3A_502 : i32 to index
      %parallel_loop3A_508 = tpu.vector_load %arg6[%parallel_loop3A_505, %parallel_loop3A_506, %parallel_loop3A_507] {strides = array<i32>} : memref<3x8x2048xf32, #tpu.memory_space<vmem>>, vector<1x1x16xf32>,
      %parallel_loop3A_509 = vector.shape_cast %parallel_loop3A_508 : vector<1x1x16xf32> to vector<16xf32>
      %parallel_loop3A_510 = arith.constant 45.2548332 : f32
      %parallel_loop3A_511 = vector.broadcast %parallel_loop3A_510 : f32 to vector<16xf32>
      %parallel_loop3A_512 = arith.mulf %parallel_loop3A_509, %parallel_loop3A_511 : vector<16xf32>
      %parallel_loop3A_513 = arith.constant 16 : i32
      %parallel_loop3A_514 = arith.muli %parallel_loop3A_390, %parallel_loop3A_513 : i32
      %parallel_loop3A_515 = arith.constant 0 : i32
      %parallel_loop3A_516 = arith.constant 5 : i32
      %parallel_loop3A_517 = arith.index_cast %parallel_loop3A_515 : i32 to index
      %parallel_loop3A_518 = arith.index_cast %parallel_loop3A_516 : i32 to index
      %parallel_loop3A_519 = arith.index_cast %parallel_loop3A_514 : i32 to index
      %parallel_loop3A_520 = tpu.vector_load %arg7[%parallel_loop3A_517, %parallel_loop3A_518, %parallel_loop3A_519] {strides = array<i32>} : memref<3x8x2048xf32, #tpu.memory_space<vmem>>, vector<1x1x16xf32>,
      %parallel_loop3A_521 = vector.shape_cast %parallel_loop3A_520 : vector<1x1x16xf32> to vector<16xf32>
      %parallel_loop3A_522 = vector.shape_cast %parallel_loop3A_512 : vector<16xf32> to vector<1x1x16xf32>
      tpu.vector_store %arg7[%parallel_loop3A_517, %parallel_loop3A_518, %parallel_loop3A_519], %parallel_loop3A_522 {strides = array<i32>} : memref<3x8x2048xf32, #tpu.memory_space<vmem>>, vector<1x1x16xf32>,
      %parallel_loop3A_523 = arith.constant 16 : i32
      %parallel_loop3A_524 = arith.muli %parallel_loop3A_390, %parallel_loop3A_523 : i32
      %parallel_loop3A_525 = arith.constant 0 : i32
      %parallel_loop3A_526 = arith.constant 6 : i32
      %parallel_loop3A_527 = arith.index_cast %parallel_loop3A_525 : i32 to index
      %parallel_loop3A_528 = arith.index_cast %parallel_loop3A_526 : i32 to index
      %parallel_loop3A_529 = arith.index_cast %parallel_loop3A_524 : i32 to index
      %parallel_loop3A_530 = tpu.vector_load %arg6[%parallel_loop3A_527, %parallel_loop3A_528, %parallel_loop3A_529] {strides = array<i32>} : memref<3x8x2048xf32, #tpu.memory_space<vmem>>, vector<1x1x16xf32>,
      %parallel_loop3A_531 = vector.shape_cast %parallel_loop3A_530 : vector<1x1x16xf32> to vector<16xf32>
      %parallel_loop3A_532 = arith.constant 45.2548332 : f32
      %parallel_loop3A_533 = vector.broadcast %parallel_loop3A_532 : f32 to vector<16xf32>
      %parallel_loop3A_534 = arith.mulf %parallel_loop3A_531, %parallel_loop3A_533 : vector<16xf32>
      %parallel_loop3A_535 = arith.constant 16 : i32
      %parallel_loop3A_536 = arith.muli %parallel_loop3A_390, %parallel_loop3A_535 : i32
      %parallel_loop3A_537 = arith.constant 0 : i32
      %parallel_loop3A_538 = arith.constant 6 : i32
      %parallel_loop3A_539 = arith.index_cast %parallel_loop3A_537 : i32 to index
      %parallel_loop3A_540 = arith.index_cast %parallel_loop3A_538 : i32 to index
      %parallel_loop3A_541 = arith.index_cast %parallel_loop3A_536 : i32 to index
      %parallel_loop3A_542 = tpu.vector_load %arg7[%parallel_loop3A_539, %parallel_loop3A_540, %parallel_loop3A_541] {strides = array<i32>} : memref<3x8x2048xf32, #tpu.memory_space<vmem>>, vector<1x1x16xf32>,
      %parallel_loop3A_543 = vector.shape_cast %parallel_loop3A_542 : vector<1x1x16xf32> to vector<16xf32>
      %parallel_loop3A_544 = vector.shape_cast %parallel_loop3A_534 : vector<16xf32> to vector<1x1x16xf32>
      tpu.vector_store %arg7[%parallel_loop3A_539, %parallel_loop3A_540, %parallel_loop3A_541], %parallel_loop3A_544 {strides = array<i32>} : memref<3x8x2048xf32, #tpu.memory_space<vmem>>, vector<1x1x16xf32>,
      %parallel_loop3A_545 = arith.constant 16 : i32
      %parallel_loop3A_546 = arith.muli %parallel_loop3A_390, %parallel_loop3A_545 : i32
      %parallel_loop3A_547 = arith.constant 0 : i32
      %parallel_loop3A_548 = arith.constant 7 : i32
      %parallel_loop3A_549 = arith.index_cast %parallel_loop3A_547 : i32 to index
      %parallel_loop3A_550 = arith.index_cast %parallel_loop3A_548 : i32 to index
      %parallel_loop3A_551 = arith.index_cast %parallel_loop3A_546 : i32 to index
      %parallel_loop3A_552 = tpu.vector_load %arg6[%parallel_loop3A_549, %parallel_loop3A_550, %parallel_loop3A_551] {strides = array<i32>} : memref<3x8x2048xf32, #tpu.memory_space<vmem>>, vector<1x1x16xf32>,
      %parallel_loop3A_553 = vector.shape_cast %parallel_loop3A_552 : vector<1x1x16xf32> to vector<16xf32>
      %parallel_loop3A_554 = arith.constant 45.2548332 : f32
      %parallel_loop3A_555 = vector.broadcast %parallel_loop3A_554 : f32 to vector<16xf32>
      %parallel_loop3A_556 = arith.mulf %parallel_loop3A_553, %parallel_loop3A_555 : vector<16xf32>
      %parallel_loop3A_557 = arith.constant 16 : i32
      %parallel_loop3A_558 = arith.muli %parallel_loop3A_390, %parallel_loop3A_557 : i32
      %parallel_loop3A_559 = arith.constant 0 : i32
      %parallel_loop3A_560 = arith.constant 7 : i32
      %parallel_loop3A_561 = arith.index_cast %parallel_loop3A_559 : i32 to index
      %parallel_loop3A_562 = arith.index_cast %parallel_loop3A_560 : i32 to index
      %parallel_loop3A_563 = arith.index_cast %parallel_loop3A_558 : i32 to index
      %parallel_loop3A_564 = tpu.vector_load %arg7[%parallel_loop3A_561, %parallel_loop3A_562, %parallel_loop3A_563] {strides = array<i32>} : memref<3x8x2048xf32, #tpu.memory_space<vmem>>, vector<1x1x16xf32>,
      %parallel_loop3A_565 = vector.shape_cast %parallel_loop3A_564 : vector<1x1x16xf32> to vector<16xf32>
      %parallel_loop3A_566 = vector.shape_cast %parallel_loop3A_556 : vector<16xf32> to vector<1x1x16xf32>
      tpu.vector_store %arg7[%parallel_loop3A_561, %parallel_loop3A_562, %parallel_loop3A_563], %parallel_loop3A_566 {strides = array<i32>} : memref<3x8x2048xf32, #tpu.memory_space<vmem>>, vector<1x1x16xf32>,
    } {sc.loop_unroll_factor = 8 : i64, sc.parallel_access}
    %dma_start3A_51 = arith.constant 3 : i32
    %dma_start3A_52 = arith.constant 0 : i32
    %dma_start3A_53 = arith.constant 0 : i32
    %dma_start3A_54 = arith.constant 0 : i32
    %dma_start3A_55 = tpu.memref_slice %arg6[%dma_start3A_52, %dma_start3A_53, %dma_start3A_54] : memref<3x8x2048xf32, #tpu.memory_space<vmem>> -> memref<1x8x2048xf32, #tpu.memory_space<vmem>>
    %dma_start3A_56 = tpu.memref_squeeze %dma_start3A_55 : memref<1x8x2048xf32, #tpu.memory_space<vmem>> -> memref<8x2048xf32, #tpu.memory_space<vmem>>
    %dma_start3A_57 = arith.constant 0 : i32
    %dma_start3A_58 = tpu.memref_slice %arg5[%dma_start3A_51, %dma_start3A_57] : memref<64x8xi32, #tpu.memory_space<vmem>> -> memref<1x8xi32, #tpu.memory_space<vmem>>
    %dma_start3A_59 = tpu.memref_squeeze %dma_start3A_58 : memref<1x8xi32, #tpu.memory_space<vmem>> -> memref<8xi32, #tpu.memory_space<vmem>>
    %dma_start3A_60 = arith.constant 0 : i32
    %dma_start3A_61 = arith.constant 0 : i32
    %dma_start3A_62 = tpu.memref_slice %arg3[%dma_start3A_60, %dma_start3A_61] : memref<100000x2048xf32, #tpu.memory_space<hbm>> -> memref<100000x2048xf32, #tpu.memory_space<hbm>>
    tpu.enqueue_indirect_dma source(%dma_start3A_62 : memref<100000x2048xf32, #tpu.memory_space<hbm>>) target(%dma_start3A_56 : memref<8x2048xf32, #tpu.memory_space<vmem>>) offsets(%dma_start3A_59 : memref<8xi32, #tpu.memory_space<vmem>>) semaphore(%arg8 : memref<!tpu.dma_semaphore, #tpu.memory_space<semaphore_mem>>)
    %add3A_63 = arith.constant 0 : i32
    %add3A_64 = arith.addi %mul3A_2, %add3A_63 : i32
    %dma_start3A_65 = arith.constant 0 : i32
    %dma_start3A_66 = arith.constant 0 : i32
    %dma_start3A_67 = arith.constant 0 : i32
    %dma_start3A_68 = tpu.memref_slice %arg7[%dma_start3A_65, %dma_start3A_66, %dma_start3A_67] : memref<3x8x2048xf32, #tpu.memory_space<vmem>> -> memref<1x8x2048xf32, #tpu.memory_space<vmem>>
    %dma_start3A_69 = tpu.memref_squeeze %dma_start3A_68 : memref<1x8x2048xf32, #tpu.memory_space<vmem>> -> memref<8x2048xf32, #tpu.memory_space<vmem>>
    %dma_start3A_70 = arith.constant 0 : i32
    %dma_start3A_71 = tpu.memref_slice %arg4[%add3A_64, %dma_start3A_70] : memref<16384x2048xf32, #tpu.memory_space<hbm>> -> memref<8x2048xf32, #tpu.memory_space<hbm>>
    %dma_start3A_72 = arith.constant 0 : i32
    %dma_start3A_73 = tpu.memref_slice %arg4[%add3A_64, %dma_start3A_72] : memref<16384x2048xf32, #tpu.memory_space<hbm>> -> memref<8x2048xf32, #tpu.memory_space<hbm>>
    %dma_start3A_74 = arith.constant 0 : i32
    %dma_start3A_75 = arith.constant 0 : i32
    %dma_start3A_76 = tpu.memref_slice %arg7[%dma_start3A_65, %dma_start3A_74, %dma_start3A_75] : memref<3x8x2048xf32, #tpu.memory_space<vmem>> -> memref<1x8x2048xf32, #tpu.memory_space<vmem>>
    %dma_start3A_77 = tpu.memref_squeeze %dma_start3A_76 : memref<1x8x2048xf32, #tpu.memory_space<vmem>> -> memref<8x2048xf32, #tpu.memory_space<vmem>>
    tpu.enqueue_dma source(%dma_start3A_77 : memref<8x2048xf32, #tpu.memory_space<vmem>>) target(%dma_start3A_73 : memref<8x2048xf32, #tpu.memory_space<hbm>>) target_semaphore(%arg11 : memref<!tpu.dma_semaphore, #tpu.memory_space<semaphore_mem>>)
    %dma_wait3A_78 = arith.constant 0 : i32
    %dma_wait3A_79 = arith.constant 1 : i32
    %dma_wait3A_80 = arith.constant 0 : i32
    %dma_wait3A_81 = arith.constant 0 : i32
    %dma_wait3A_82 = tpu.memref_slice %arg6[%dma_wait3A_79, %dma_wait3A_80, %dma_wait3A_81] : memref<3x8x2048xf32, #tpu.memory_space<vmem>> -> memref<1x8x2048xf32, #tpu.memory_space<vmem>>
    %dma_wait3A_83 = tpu.memref_squeeze %dma_wait3A_82 : memref<1x8x2048xf32, #tpu.memory_space<vmem>> -> memref<8x2048xf32, #tpu.memory_space<vmem>>
    %dma_wait3A_84 = arith.constant 0 : i32
    %dma_wait3A_85 = tpu.memref_slice %arg5[%dma_wait3A_78, %dma_wait3A_84] : memref<64x8xi32, #tpu.memory_space<vmem>> -> memref<1x8xi32, #tpu.memory_space<vmem>>
    %dma_wait3A_86 = tpu.memref_squeeze %dma_wait3A_85 : memref<1x8xi32, #tpu.memory_space<vmem>> -> memref<8xi32, #tpu.memory_space<vmem>>
    %dma_wait3A_87 = arith.constant 0 : i32
    %dma_wait3A_88 = arith.constant 0 : i32
    %dma_wait3A_89 = tpu.memref_slice %arg3[%dma_wait3A_87, %dma_wait3A_88] : memref<100000x2048xf32, #tpu.memory_space<hbm>> -> memref<100000x2048xf32, #tpu.memory_space<hbm>>
    tpu.wait_indirect_dma semaphore(%arg9 : memref<!tpu.dma_semaphore, #tpu.memory_space<semaphore_mem>>) src(%dma_wait3A_89 : memref<100000x2048xf32, #tpu.memory_space<hbm>>) dst(%dma_wait3A_83 : memref<8x2048xf32, #tpu.memory_space<vmem>>)
    %parallel_loop3A_90 = arith.constant 0 : i32
    %parallel_loop3A_91 = arith.constant 128 : i32
    %parallel_loop3A_92 = arith.constant 1 : i32
    scf.for %parallel_loop3A_390 = %parallel_loop3A_90 to %parallel_loop3A_91 step %parallel_loop3A_92  : i32 {
      %parallel_loop3A_391 = arith.constant 16 : i32
      %parallel_loop3A_392 = arith.muli %parallel_loop3A_390, %parallel_loop3A_391 : i32
      %parallel_loop3A_393 = arith.constant 1 : i32
      %parallel_loop3A_394 = arith.constant 0 : i32
      %parallel_loop3A_395 = arith.index_cast %parallel_loop3A_393 : i32 to index
      %parallel_loop3A_396 = arith.index_cast %parallel_loop3A_394 : i32 to index
      %parallel_loop3A_397 = arith.index_cast %parallel_loop3A_392 : i32 to index
      %parallel_loop3A_398 = tpu.vector_load %arg6[%parallel_loop3A_395, %parallel_loop3A_396, %parallel_loop3A_397] {strides = array<i32>} : memref<3x8x2048xf32, #tpu.memory_space<vmem>>, vector<1x1x16xf32>,
      %parallel_loop3A_399 = vector.shape_cast %parallel_loop3A_398 : vector<1x1x16xf32> to vector<16xf32>
      %parallel_loop3A_400 = arith.constant 45.2548332 : f32
      %parallel_loop3A_401 = vector.broadcast %parallel_loop3A_400 : f32 to vector<16xf32>
      %parallel_loop3A_402 = arith.mulf %parallel_loop3A_399, %parallel_loop3A_401 : vector<16xf32>
      %parallel_loop3A_403 = arith.constant 16 : i32
      %parallel_loop3A_404 = arith.muli %parallel_loop3A_390, %parallel_loop3A_403 : i32
      %parallel_loop3A_405 = arith.constant 1 : i32
      %parallel_loop3A_406 = arith.constant 0 : i32
      %parallel_loop3A_407 = arith.index_cast %parallel_loop3A_405 : i32 to index
      %parallel_loop3A_408 = arith.index_cast %parallel_loop3A_406 : i32 to index
      %parallel_loop3A_409 = arith.index_cast %parallel_loop3A_404 : i32 to index
      %parallel_loop3A_410 = tpu.vector_load %arg7[%parallel_loop3A_407, %parallel_loop3A_408, %parallel_loop3A_409] {strides = array<i32>} : memref<3x8x2048xf32, #tpu.memory_space<vmem>>, vector<1x1x16xf32>,
      %parallel_loop3A_411 = vector.shape_cast %parallel_loop3A_410 : vector<1x1x16xf32> to vector<16xf32>
      %parallel_loop3A_412 = vector.shape_cast %parallel_loop3A_402 : vector<16xf32> to vector<1x1x16xf32>
      tpu.vector_store %arg7[%parallel_loop3A_407, %parallel_loop3A_408, %parallel_loop3A_409], %parallel_loop3A_412 {strides = array<i32>} : memref<3x8x2048xf32, #tpu.memory_space<vmem>>, vector<1x1x16xf32>,
      %parallel_loop3A_413 = arith.constant 16 : i32
      %parallel_loop3A_414 = arith.muli %parallel_loop3A_390, %parallel_loop3A_413 : i32
      %parallel_loop3A_415 = arith.constant 1 : i32
      %parallel_loop3A_416 = arith.constant 1 : i32
      %parallel_loop3A_417 = arith.index_cast %parallel_loop3A_415 : i32 to index
      %parallel_loop3A_418 = arith.index_cast %parallel_loop3A_416 : i32 to index
      %parallel_loop3A_419 = arith.index_cast %parallel_loop3A_414 : i32 to index
      %parallel_loop3A_420 = tpu.vector_load %arg6[%parallel_loop3A_417, %parallel_loop3A_418, %parallel_loop3A_419] {strides = array<i32>} : memref<3x8x2048xf32, #tpu.memory_space<vmem>>, vector<1x1x16xf32>,
      %parallel_loop3A_421 = vector.shape_cast %parallel_loop3A_420 : vector<1x1x16xf32> to vector<16xf32>
      %parallel_loop3A_422 = arith.constant 45.2548332 : f32
      %parallel_loop3A_423 = vector.broadcast %parallel_loop3A_422 : f32 to vector<16xf32>
      %parallel_loop3A_424 = arith.mulf %parallel_loop3A_421, %parallel_loop3A_423 : vector<16xf32>
      %parallel_loop3A_425 = arith.constant 16 : i32
      %parallel_loop3A_426 = arith.muli %parallel_loop3A_390, %parallel_loop3A_425 : i32
      %parallel_loop3A_427 = arith.constant 1 : i32
      %parallel_loop3A_428 = arith.constant 1 : i32
      %parallel_loop3A_429 = arith.index_cast %parallel_loop3A_427 : i32 to index
      %parallel_loop3A_430 = arith.index_cast %parallel_loop3A_428 : i32 to index
      %parallel_loop3A_431 = arith.index_cast %parallel_loop3A_426 : i32 to index
      %parallel_loop3A_432 = tpu.vector_load %arg7[%parallel_loop3A_429, %parallel_loop3A_430, %parallel_loop3A_431] {strides = array<i32>} : memref<3x8x2048xf32, #tpu.memory_space<vmem>>, vector<1x1x16xf32>,
      %parallel_loop3A_433 = vector.shape_cast %parallel_loop3A_432 : vector<1x1x16xf32> to vector<16xf32>
      %parallel_loop3A_434 = vector.shape_cast %parallel_loop3A_424 : vector<16xf32> to vector<1x1x16xf32>
      tpu.vector_store %arg7[%parallel_loop3A_429, %parallel_loop3A_430, %parallel_loop3A_431], %parallel_loop3A_434 {strides = array<i32>} : memref<3x8x2048xf32, #tpu.memory_space<vmem>>, vector<1x1x16xf32>,
      %parallel_loop3A_435 = arith.constant 16 : i32
      %parallel_loop3A_436 = arith.muli %parallel_loop3A_390, %parallel_loop3A_435 : i32
      %parallel_loop3A_437 = arith.constant 1 : i32
      %parallel_loop3A_438 = arith.constant 2 : i32
      %parallel_loop3A_439 = arith.index_cast %parallel_loop3A_437 : i32 to index
      %parallel_loop3A_440 = arith.index_cast %parallel_loop3A_438 : i32 to index
      %parallel_loop3A_441 = arith.index_cast %parallel_loop3A_436 : i32 to index
      %parallel_loop3A_442 = tpu.vector_load %arg6[%parallel_loop3A_439, %parallel_loop3A_440, %parallel_loop3A_441] {strides = array<i32>} : memref<3x8x2048xf32, #tpu.memory_space<vmem>>, vector<1x1x16xf32>,
      %parallel_loop3A_443 = vector.shape_cast %parallel_loop3A_442 : vector<1x1x16xf32> to vector<16xf32>
      %parallel_loop3A_444 = arith.constant 45.2548332 : f32
      %parallel_loop3A_445 = vector.broadcast %parallel_loop3A_444 : f32 to vector<16xf32>
      %parallel_loop3A_446 = arith.mulf %parallel_loop3A_443, %parallel_loop3A_445 : vector<16xf32>
      %parallel_loop3A_447 = arith.constant 16 : i32
      %parallel_loop3A_448 = arith.muli %parallel_loop3A_390, %parallel_loop3A_447 : i32
      %parallel_loop3A_449 = arith.constant 1 : i32
      %parallel_loop3A_450 = arith.constant 2 : i32
      %parallel_loop3A_451 = arith.index_cast %parallel_loop3A_449 : i32 to index
      %parallel_loop3A_452 = arith.index_cast %parallel_loop3A_450 : i32 to index
      %parallel_loop3A_453 = arith.index_cast %parallel_loop3A_448 : i32 to index
      %parallel_loop3A_454 = tpu.vector_load %arg7[%parallel_loop3A_451, %parallel_loop3A_452, %parallel_loop3A_453] {strides = array<i32>} : memref<3x8x2048xf32, #tpu.memory_space<vmem>>, vector<1x1x16xf32>,
      %parallel_loop3A_455 = vector.shape_cast %parallel_loop3A_454 : vector<1x1x16xf32> to vector<16xf32>
      %parallel_loop3A_456 = vector.shape_cast %parallel_loop3A_446 : vector<16xf32> to vector<1x1x16xf32>
      tpu.vector_store %arg7[%parallel_loop3A_451, %parallel_loop3A_452, %parallel_loop3A_453], %parallel_loop3A_456 {strides = array<i32>} : memref<3x8x2048xf32, #tpu.memory_space<vmem>>, vector<1x1x16xf32>,
      %parallel_loop3A_457 = arith.constant 16 : i32
      %parallel_loop3A_458 = arith.muli %parallel_loop3A_390, %parallel_loop3A_457 : i32
      %parallel_loop3A_459 = arith.constant 1 : i32
      %parallel_loop3A_460 = arith.constant 3 : i32
      %parallel_loop3A_461 = arith.index_cast %parallel_loop3A_459 : i32 to index
      %parallel_loop3A_462 = arith.index_cast %parallel_loop3A_460 : i32 to index
      %parallel_loop3A_463 = arith.index_cast %parallel_loop3A_458 : i32 to index
      %parallel_loop3A_464 = tpu.vector_load %arg6[%parallel_loop3A_461, %parallel_loop3A_462, %parallel_loop3A_463] {strides = array<i32>} : memref<3x8x2048xf32, #tpu.memory_space<vmem>>, vector<1x1x16xf32>,
      %parallel_loop3A_465 = vector.shape_cast %parallel_loop3A_464 : vector<1x1x16xf32> to vector<16xf32>
      %parallel_loop3A_466 = arith.constant 45.2548332 : f32
      %parallel_loop3A_467 = vector.broadcast %parallel_loop3A_466 : f32 to vector<16xf32>
      %parallel_loop3A_468 = arith.mulf %parallel_loop3A_465, %parallel_loop3A_467 : vector<16xf32>
      %parallel_loop3A_469 = arith.constant 16 : i32
      %parallel_loop3A_470 = arith.muli %parallel_loop3A_390, %parallel_loop3A_469 : i32
      %parallel_loop3A_471 = arith.constant 1 : i32
      %parallel_loop3A_472 = arith.constant 3 : i32
      %parallel_loop3A_473 = arith.index_cast %parallel_loop3A_471 : i32 to index
      %parallel_loop3A_474 = arith.index_cast %parallel_loop3A_472 : i32 to index
      %parallel_loop3A_475 = arith.index_cast %parallel_loop3A_470 : i32 to index
      %parallel_loop3A_476 = tpu.vector_load %arg7[%parallel_loop3A_473, %parallel_loop3A_474, %parallel_loop3A_475] {strides = array<i32>} : memref<3x8x2048xf32, #tpu.memory_space<vmem>>, vector<1x1x16xf32>,
      %parallel_loop3A_477 = vector.shape_cast %parallel_loop3A_476 : vector<1x1x16xf32> to vector<16xf32>
      %parallel_loop3A_478 = vector.shape_cast %parallel_loop3A_468 : vector<16xf32> to vector<1x1x16xf32>
      tpu.vector_store %arg7[%parallel_loop3A_473, %parallel_loop3A_474, %parallel_loop3A_475], %parallel_loop3A_478 {strides = array<i32>} : memref<3x8x2048xf32, #tpu.memory_space<vmem>>, vector<1x1x16xf32>,
      %parallel_loop3A_479 = arith.constant 16 : i32
      %parallel_loop3A_480 = arith.muli %parallel_loop3A_390, %parallel_loop3A_479 : i32
      %parallel_loop3A_481 = arith.constant 1 : i32
      %parallel_loop3A_482 = arith.constant 4 : i32
      %parallel_loop3A_483 = arith.index_cast %parallel_loop3A_481 : i32 to index
      %parallel_loop3A_484 = arith.index_cast %parallel_loop3A_482 : i32 to index
      %parallel_loop3A_485 = arith.index_cast %parallel_loop3A_480 : i32 to index
      %parallel_loop3A_486 = tpu.vector_load %arg6[%parallel_loop3A_483, %parallel_loop3A_484, %parallel_loop3A_485] {strides = array<i32>} : memref<3x8x2048xf32, #tpu.memory_space<vmem>>, vector<1x1x16xf32>,
      %parallel_loop3A_487 = vector.shape_cast %parallel_loop3A_486 : vector<1x1x16xf32> to vector<16xf32>
      %parallel_loop3A_488 = arith.constant 45.2548332 : f32
      %parallel_loop3A_489 = vector.broadcast %parallel_loop3A_488 : f32 to vector<16xf32>
      %parallel_loop3A_490 = arith.mulf %parallel_loop3A_487, %parallel_loop3A_489 : vector<16xf32>
      %parallel_loop3A_491 = arith.constant 16 : i32
      %parallel_loop3A_492 = arith.muli %parallel_loop3A_390, %parallel_loop3A_491 : i32
      %parallel_loop3A_493 = arith.constant 1 : i32
      %parallel_loop3A_494 = arith.constant 4 : i32
      %parallel_loop3A_495 = arith.index_cast %parallel_loop3A_493 : i32 to index
      %parallel_loop3A_496 = arith.index_cast %parallel_loop3A_494 : i32 to index
      %parallel_loop3A_497 = arith.index_cast %parallel_loop3A_492 : i32 to index
      %parallel_loop3A_498 = tpu.vector_load %arg7[%parallel_loop3A_495, %parallel_loop3A_496, %parallel_loop3A_497] {strides = array<i32>} : memref<3x8x2048xf32, #tpu.memory_space<vmem>>, vector<1x1x16xf32>,
      %parallel_loop3A_499 = vector.shape_cast %parallel_loop3A_498 : vector<1x1x16xf32> to vector<16xf32>
      %parallel_loop3A_500 = vector.shape_cast %parallel_loop3A_490 : vector<16xf32> to vector<1x1x16xf32>
      tpu.vector_store %arg7[%parallel_loop3A_495, %parallel_loop3A_496, %parallel_loop3A_497], %parallel_loop3A_500 {strides = array<i32>} : memref<3x8x2048xf32, #tpu.memory_space<vmem>>, vector<1x1x16xf32>,
      %parallel_loop3A_501 = arith.constant 16 : i32
      %parallel_loop3A_502 = arith.muli %parallel_loop3A_390, %parallel_loop3A_501 : i32
      %parallel_loop3A_503 = arith.constant 1 : i32
      %parallel_loop3A_504 = arith.constant 5 : i32
      %parallel_loop3A_505 = arith.index_cast %parallel_loop3A_503 : i32 to index
      %parallel_loop3A_506 = arith.index_cast %parallel_loop3A_504 : i32 to index
      %parallel_loop3A_507 = arith.index_cast %parallel_loop3A_502 : i32 to index
      %parallel_loop3A_508 = tpu.vector_load %arg6[%parallel_loop3A_505, %parallel_loop3A_506, %parallel_loop3A_507] {strides = array<i32>} : memref<3x8x2048xf32, #tpu.memory_space<vmem>>, vector<1x1x16xf32>,
      %parallel_loop3A_509 = vector.shape_cast %parallel_loop3A_508 : vector<1x1x16xf32> to vector<16xf32>
      %parallel_loop3A_510 = arith.constant 45.2548332 : f32
      %parallel_loop3A_511 = vector.broadcast %parallel_loop3A_510 : f32 to vector<16xf32>
      %parallel_loop3A_512 = arith.mulf %parallel_loop3A_509, %parallel_loop3A_511 : vector<16xf32>
      %parallel_loop3A_513 = arith.constant 16 : i32
      %parallel_loop3A_514 = arith.muli %parallel_loop3A_390, %parallel_loop3A_513 : i32
      %parallel_loop3A_515 = arith.constant 1 : i32
      %parallel_loop3A_516 = arith.constant 5 : i32
      %parallel_loop3A_517 = arith.index_cast %parallel_loop3A_515 : i32 to index
      %parallel_loop3A_518 = arith.index_cast %parallel_loop3A_516 : i32 to index
      %parallel_loop3A_519 = arith.index_cast %parallel_loop3A_514 : i32 to index
      %parallel_loop3A_520 = tpu.vector_load %arg7[%parallel_loop3A_517, %parallel_loop3A_518, %parallel_loop3A_519] {strides = array<i32>} : memref<3x8x2048xf32, #tpu.memory_space<vmem>>, vector<1x1x16xf32>,
      %parallel_loop3A_521 = vector.shape_cast %parallel_loop3A_520 : vector<1x1x16xf32> to vector<16xf32>
      %parallel_loop3A_522 = vector.shape_cast %parallel_loop3A_512 : vector<16xf32> to vector<1x1x16xf32>
      tpu.vector_store %arg7[%parallel_loop3A_517, %parallel_loop3A_518, %parallel_loop3A_519], %parallel_loop3A_522 {strides = array<i32>} : memref<3x8x2048xf32, #tpu.memory_space<vmem>>, vector<1x1x16xf32>,
      %parallel_loop3A_523 = arith.constant 16 : i32
      %parallel_loop3A_524 = arith.muli %parallel_loop3A_390, %parallel_loop3A_523 : i32
      %parallel_loop3A_525 = arith.constant 1 : i32
      %parallel_loop3A_526 = arith.constant 6 : i32
      %parallel_loop3A_527 = arith.index_cast %parallel_loop3A_525 : i32 to index
      %parallel_loop3A_528 = arith.index_cast %parallel_loop3A_526 : i32 to index
      %parallel_loop3A_529 = arith.index_cast %parallel_loop3A_524 : i32 to index
      %parallel_loop3A_530 = tpu.vector_load %arg6[%parallel_loop3A_527, %parallel_loop3A_528, %parallel_loop3A_529] {strides = array<i32>} : memref<3x8x2048xf32, #tpu.memory_space<vmem>>, vector<1x1x16xf32>,
      %parallel_loop3A_531 = vector.shape_cast %parallel_loop3A_530 : vector<1x1x16xf32> to vector<16xf32>
      %parallel_loop3A_532 = arith.constant 45.2548332 : f32
      %parallel_loop3A_533 = vector.broadcast %parallel_loop3A_532 : f32 to vector<16xf32>
      %parallel_loop3A_534 = arith.mulf %parallel_loop3A_531, %parallel_loop3A_533 : vector<16xf32>
      %parallel_loop3A_535 = arith.constant 16 : i32
      %parallel_loop3A_536 = arith.muli %parallel_loop3A_390, %parallel_loop3A_535 : i32
      %parallel_loop3A_537 = arith.constant 1 : i32
      %parallel_loop3A_538 = arith.constant 6 : i32
      %parallel_loop3A_539 = arith.index_cast %parallel_loop3A_537 : i32 to index
      %parallel_loop3A_540 = arith.index_cast %parallel_loop3A_538 : i32 to index
      %parallel_loop3A_541 = arith.index_cast %parallel_loop3A_536 : i32 to index
      %parallel_loop3A_542 = tpu.vector_load %arg7[%parallel_loop3A_539, %parallel_loop3A_540, %parallel_loop3A_541] {strides = array<i32>} : memref<3x8x2048xf32, #tpu.memory_space<vmem>>, vector<1x1x16xf32>,
      %parallel_loop3A_543 = vector.shape_cast %parallel_loop3A_542 : vector<1x1x16xf32> to vector<16xf32>
      %parallel_loop3A_544 = vector.shape_cast %parallel_loop3A_534 : vector<16xf32> to vector<1x1x16xf32>
      tpu.vector_store %arg7[%parallel_loop3A_539, %parallel_loop3A_540, %parallel_loop3A_541], %parallel_loop3A_544 {strides = array<i32>} : memref<3x8x2048xf32, #tpu.memory_space<vmem>>, vector<1x1x16xf32>,
      %parallel_loop3A_545 = arith.constant 16 : i32
      %parallel_loop3A_546 = arith.muli %parallel_loop3A_390, %parallel_loop3A_545 : i32
      %parallel_loop3A_547 = arith.constant 1 : i32
      %parallel_loop3A_548 = arith.constant 7 : i32
      %parallel_loop3A_549 = arith.index_cast %parallel_loop3A_547 : i32 to index
      %parallel_loop3A_550 = arith.index_cast %parallel_loop3A_548 : i32 to index
      %parallel_loop3A_551 = arith.index_cast %parallel_loop3A_546 : i32 to index
      %parallel_loop3A_552 = tpu.vector_load %arg6[%parallel_loop3A_549, %parallel_loop3A_550, %parallel_loop3A_551] {strides = array<i32>} : memref<3x8x2048xf32, #tpu.memory_space<vmem>>, vector<1x1x16xf32>,
      %parallel_loop3A_553 = vector.shape_cast %parallel_loop3A_552 : vector<1x1x16xf32> to vector<16xf32>
      %parallel_loop3A_554 = arith.constant 45.2548332 : f32
      %parallel_loop3A_555 = vector.broadcast %parallel_loop3A_554 : f32 to vector<16xf32>
      %parallel_loop3A_556 = arith.mulf %parallel_loop3A_553, %parallel_loop3A_555 : vector<16xf32>
      %parallel_loop3A_557 = arith.constant 16 : i32
      %parallel_loop3A_558 = arith.muli %parallel_loop3A_390, %parallel_loop3A_557 : i32
      %parallel_loop3A_559 = arith.constant 1 : i32
      %parallel_loop3A_560 = arith.constant 7 : i32
      %parallel_loop3A_561 = arith.index_cast %parallel_loop3A_559 : i32 to index
      %parallel_loop3A_562 = arith.index_cast %parallel_loop3A_560 : i32 to index
      %parallel_loop3A_563 = arith.index_cast %parallel_loop3A_558 : i32 to index
      %parallel_loop3A_564 = tpu.vector_load %arg7[%parallel_loop3A_561, %parallel_loop3A_562, %parallel_loop3A_563] {strides = array<i32>} : memref<3x8x2048xf32, #tpu.memory_space<vmem>>, vector<1x1x16xf32>,
      %parallel_loop3A_565 = vector.shape_cast %parallel_loop3A_564 : vector<1x1x16xf32> to vector<16xf32>
      %parallel_loop3A_566 = vector.shape_cast %parallel_loop3A_556 : vector<16xf32> to vector<1x1x16xf32>
      tpu.vector_store %arg7[%parallel_loop3A_561, %parallel_loop3A_562, %parallel_loop3A_563], %parallel_loop3A_566 {strides = array<i32>} : memref<3x8x2048xf32, #tpu.memory_space<vmem>>, vector<1x1x16xf32>,
    } {sc.loop_unroll_factor = 8 : i64, sc.parallel_access}
    %dma_start3A_93 = arith.constant 4 : i32
    %dma_start3A_94 = arith.constant 1 : i32
    %dma_start3A_95 = arith.constant 0 : i32
    %dma_start3A_96 = arith.constant 0 : i32
    %dma_start3A_97 = tpu.memref_slice %arg6[%dma_start3A_94, %dma_start3A_95, %dma_start3A_96] : memref<3x8x2048xf32, #tpu.memory_space<vmem>> -> memref<1x8x2048xf32, #tpu.memory_space<vmem>>
    %dma_start3A_98 = tpu.memref_squeeze %dma_start3A_97 : memref<1x8x2048xf32, #tpu.memory_space<vmem>> -> memref<8x2048xf32, #tpu.memory_space<vmem>>
    %dma_start3A_99 = arith.constant 0 : i32
    %dma_start3A_100 = tpu.memref_slice %arg5[%dma_start3A_93, %dma_start3A_99] : memref<64x8xi32, #tpu.memory_space<vmem>> -> memref<1x8xi32, #tpu.memory_space<vmem>>
    %dma_start3A_101 = tpu.memref_squeeze %dma_start3A_100 : memref<1x8xi32, #tpu.memory_space<vmem>> -> memref<8xi32, #tpu.memory_space<vmem>>
    %dma_start3A_102 = arith.constant 0 : i32
    %dma_start3A_103 = arith.constant 0 : i32
    %dma_start3A_104 = tpu.memref_slice %arg3[%dma_start3A_102, %dma_start3A_103] : memref<100000x2048xf32, #tpu.memory_space<hbm>> -> memref<100000x2048xf32, #tpu.memory_space<hbm>>
    tpu.enqueue_indirect_dma source(%dma_start3A_104 : memref<100000x2048xf32, #tpu.memory_space<hbm>>) target(%dma_start3A_98 : memref<8x2048xf32, #tpu.memory_space<vmem>>) offsets(%dma_start3A_101 : memref<8xi32, #tpu.memory_space<vmem>>) semaphore(%arg9 : memref<!tpu.dma_semaphore, #tpu.memory_space<semaphore_mem>>)
    %add3A_105 = arith.constant 8 : i32
    %add3A_106 = arith.addi %mul3A_2, %add3A_105 : i32
    %dma_start3A_107 = arith.constant 1 : i32
    %dma_start3A_108 = arith.constant 0 : i32
    %dma_start3A_109 = arith.constant 0 : i32
    %dma_start3A_110 = tpu.memref_slice %arg7[%dma_start3A_107, %dma_start3A_108, %dma_start3A_109] : memref<3x8x2048xf32, #tpu.memory_space<vmem>> -> memref<1x8x2048xf32, #tpu.memory_space<vmem>>
    %dma_start3A_111 = tpu.memref_squeeze %dma_start3A_110 : memref<1x8x2048xf32, #tpu.memory_space<vmem>> -> memref<8x2048xf32, #tpu.memory_space<vmem>>
    %dma_start3A_112 = arith.constant 0 : i32
    %dma_start3A_113 = tpu.memref_slice %arg4[%add3A_106, %dma_start3A_112] : memref<16384x2048xf32, #tpu.memory_space<hbm>> -> memref<8x2048xf32, #tpu.memory_space<hbm>>
    %dma_start3A_114 = arith.constant 0 : i32
    %dma_start3A_115 = tpu.memref_slice %arg4[%add3A_106, %dma_start3A_114] : memref<16384x2048xf32, #tpu.memory_space<hbm>> -> memref<8x2048xf32, #tpu.memory_space<hbm>>
    %dma_start3A_116 = arith.constant 0 : i32
    %dma_start3A_117 = arith.constant 0 : i32
    %dma_start3A_118 = tpu.memref_slice %arg7[%dma_start3A_107, %dma_start3A_116, %dma_start3A_117] : memref<3x8x2048xf32, #tpu.memory_space<vmem>> -> memref<1x8x2048xf32, #tpu.memory_space<vmem>>
    %dma_start3A_119 = tpu.memref_squeeze %dma_start3A_118 : memref<1x8x2048xf32, #tpu.memory_space<vmem>> -> memref<8x2048xf32, #tpu.memory_space<vmem>>
    tpu.enqueue_dma source(%dma_start3A_119 : memref<8x2048xf32, #tpu.memory_space<vmem>>) target(%dma_start3A_115 : memref<8x2048xf32, #tpu.memory_space<hbm>>) target_semaphore(%arg12 : memref<!tpu.dma_semaphore, #tpu.memory_space<semaphore_mem>>)
    %dma_wait3A_120 = arith.constant 0 : i32
    %dma_wait3A_121 = arith.constant 2 : i32
    %dma_wait3A_122 = arith.constant 0 : i32
    %dma_wait3A_123 = arith.constant 0 : i32
    %dma_wait3A_124 = tpu.memref_slice %arg6[%dma_wait3A_121, %dma_wait3A_122, %dma_wait3A_123] : memref<3x8x2048xf32, #tpu.memory_space<vmem>> -> memref<1x8x2048xf32, #tpu.memory_space<vmem>>
    %dma_wait3A_125 = tpu.memref_squeeze %dma_wait3A_124 : memref<1x8x2048xf32, #tpu.memory_space<vmem>> -> memref<8x2048xf32, #tpu.memory_space<vmem>>
    %dma_wait3A_126 = arith.constant 0 : i32
    %dma_wait3A_127 = tpu.memref_slice %arg5[%dma_wait3A_120, %dma_wait3A_126] : memref<64x8xi32, #tpu.memory_space<vmem>> -> memref<1x8xi32, #tpu.memory_space<vmem>>
    %dma_wait3A_128 = tpu.memref_squeeze %dma_wait3A_127 : memref<1x8xi32, #tpu.memory_space<vmem>> -> memref<8xi32, #tpu.memory_space<vmem>>
    %dma_wait3A_129 = arith.constant 0 : i32
    %dma_wait3A_130 = arith.constant 0 : i32
    %dma_wait3A_131 = tpu.memref_slice %arg3[%dma_wait3A_129, %dma_wait3A_130] : memref<100000x2048xf32, #tpu.memory_space<hbm>> -> memref<100000x2048xf32, #tpu.memory_space<hbm>>
    tpu.wait_indirect_dma semaphore(%arg10 : memref<!tpu.dma_semaphore, #tpu.memory_space<semaphore_mem>>) src(%dma_wait3A_131 : memref<100000x2048xf32, #tpu.memory_space<hbm>>) dst(%dma_wait3A_125 : memref<8x2048xf32, #tpu.memory_space<vmem>>)
    %parallel_loop3A_132 = arith.constant 0 : i32
    %parallel_loop3A_133 = arith.constant 128 : i32
    %parallel_loop3A_134 = arith.constant 1 : i32
    scf.for %parallel_loop3A_390 = %parallel_loop3A_132 to %parallel_loop3A_133 step %parallel_loop3A_134  : i32 {
      %parallel_loop3A_391 = arith.constant 16 : i32
      %parallel_loop3A_392 = arith.muli %parallel_loop3A_390, %parallel_loop3A_391 : i32
      %parallel_loop3A_393 = arith.constant 2 : i32
      %parallel_loop3A_394 = arith.constant 0 : i32
      %parallel_loop3A_395 = arith.index_cast %parallel_loop3A_393 : i32 to index
      %parallel_loop3A_396 = arith.index_cast %parallel_loop3A_394 : i32 to index
      %parallel_loop3A_397 = arith.index_cast %parallel_loop3A_392 : i32 to index
      %parallel_loop3A_398 = tpu.vector_load %arg6[%parallel_loop3A_395, %parallel_loop3A_396, %parallel_loop3A_397] {strides = array<i32>} : memref<3x8x2048xf32, #tpu.memory_space<vmem>>, vector<1x1x16xf32>,
      %parallel_loop3A_399 = vector.shape_cast %parallel_loop3A_398 : vector<1x1x16xf32> to vector<16xf32>
      %parallel_loop3A_400 = arith.constant 45.2548332 : f32
      %parallel_loop3A_401 = vector.broadcast %parallel_loop3A_400 : f32 to vector<16xf32>
      %parallel_loop3A_402 = arith.mulf %parallel_loop3A_399, %parallel_loop3A_401 : vector<16xf32>
      %parallel_loop3A_403 = arith.constant 16 : i32
      %parallel_loop3A_404 = arith.muli %parallel_loop3A_390, %parallel_loop3A_403 : i32
      %parallel_loop3A_405 = arith.constant 2 : i32
      %parallel_loop3A_406 = arith.constant 0 : i32
      %parallel_loop3A_407 = arith.index_cast %parallel_loop3A_405 : i32 to index
      %parallel_loop3A_408 = arith.index_cast %parallel_loop3A_406 : i32 to index
      %parallel_loop3A_409 = arith.index_cast %parallel_loop3A_404 : i32 to index
      %parallel_loop3A_410 = tpu.vector_load %arg7[%parallel_loop3A_407, %parallel_loop3A_408, %parallel_loop3A_409] {strides = array<i32>} : memref<3x8x2048xf32, #tpu.memory_space<vmem>>, vector<1x1x16xf32>,
      %parallel_loop3A_411 = vector.shape_cast %parallel_loop3A_410 : vector<1x1x16xf32> to vector<16xf32>
      %parallel_loop3A_412 = vector.shape_cast %parallel_loop3A_402 : vector<16xf32> to vector<1x1x16xf32>
      tpu.vector_store %arg7[%parallel_loop3A_407, %parallel_loop3A_408, %parallel_loop3A_409], %parallel_loop3A_412 {strides = array<i32>} : memref<3x8x2048xf32, #tpu.memory_space<vmem>>, vector<1x1x16xf32>,
      %parallel_loop3A_413 = arith.constant 16 : i32
      %parallel_loop3A_414 = arith.muli %parallel_loop3A_390, %parallel_loop3A_413 : i32
      %parallel_loop3A_415 = arith.constant 2 : i32
      %parallel_loop3A_416 = arith.constant 1 : i32
      %parallel_loop3A_417 = arith.index_cast %parallel_loop3A_415 : i32 to index
      %parallel_loop3A_418 = arith.index_cast %parallel_loop3A_416 : i32 to index
      %parallel_loop3A_419 = arith.index_cast %parallel_loop3A_414 : i32 to index
      %parallel_loop3A_420 = tpu.vector_load %arg6[%parallel_loop3A_417, %parallel_loop3A_418, %parallel_loop3A_419] {strides = array<i32>} : memref<3x8x2048xf32, #tpu.memory_space<vmem>>, vector<1x1x16xf32>,
      %parallel_loop3A_421 = vector.shape_cast %parallel_loop3A_420 : vector<1x1x16xf32> to vector<16xf32>
      %parallel_loop3A_422 = arith.constant 45.2548332 : f32
      %parallel_loop3A_423 = vector.broadcast %parallel_loop3A_422 : f32 to vector<16xf32>
      %parallel_loop3A_424 = arith.mulf %parallel_loop3A_421, %parallel_loop3A_423 : vector<16xf32>
      %parallel_loop3A_425 = arith.constant 16 : i32
      %parallel_loop3A_426 = arith.muli %parallel_loop3A_390, %parallel_loop3A_425 : i32
      %parallel_loop3A_427 = arith.constant 2 : i32
      %parallel_loop3A_428 = arith.constant 1 : i32
      %parallel_loop3A_429 = arith.index_cast %parallel_loop3A_427 : i32 to index
      %parallel_loop3A_430 = arith.index_cast %parallel_loop3A_428 : i32 to index
      %parallel_loop3A_431 = arith.index_cast %parallel_loop3A_426 : i32 to index
      %parallel_loop3A_432 = tpu.vector_load %arg7[%parallel_loop3A_429, %parallel_loop3A_430, %parallel_loop3A_431] {strides = array<i32>} : memref<3x8x2048xf32, #tpu.memory_space<vmem>>, vector<1x1x16xf32>,
      %parallel_loop3A_433 = vector.shape_cast %parallel_loop3A_432 : vector<1x1x16xf32> to vector<16xf32>
      %parallel_loop3A_434 = vector.shape_cast %parallel_loop3A_424 : vector<16xf32> to vector<1x1x16xf32>
      tpu.vector_store %arg7[%parallel_loop3A_429, %parallel_loop3A_430, %parallel_loop3A_431], %parallel_loop3A_434 {strides = array<i32>} : memref<3x8x2048xf32, #tpu.memory_space<vmem>>, vector<1x1x16xf32>,
      %parallel_loop3A_435 = arith.constant 16 : i32
      %parallel_loop3A_436 = arith.muli %parallel_loop3A_390, %parallel_loop3A_435 : i32
      %parallel_loop3A_437 = arith.constant 2 : i32
      %parallel_loop3A_438 = arith.constant 2 : i32
      %parallel_loop3A_439 = arith.index_cast %parallel_loop3A_437 : i32 to index
      %parallel_loop3A_440 = arith.index_cast %parallel_loop3A_438 : i32 to index
      %parallel_loop3A_441 = arith.index_cast %parallel_loop3A_436 : i32 to index
      %parallel_loop3A_442 = tpu.vector_load %arg6[%parallel_loop3A_439, %parallel_loop3A_440, %parallel_loop3A_441] {strides = array<i32>} : memref<3x8x2048xf32, #tpu.memory_space<vmem>>, vector<1x1x16xf32>,
      %parallel_loop3A_443 = vector.shape_cast %parallel_loop3A_442 : vector<1x1x16xf32> to vector<16xf32>
      %parallel_loop3A_444 = arith.constant 45.2548332 : f32
      %parallel_loop3A_445 = vector.broadcast %parallel_loop3A_444 : f32 to vector<16xf32>
      %parallel_loop3A_446 = arith.mulf %parallel_loop3A_443, %parallel_loop3A_445 : vector<16xf32>
      %parallel_loop3A_447 = arith.constant 16 : i32
      %parallel_loop3A_448 = arith.muli %parallel_loop3A_390, %parallel_loop3A_447 : i32
      %parallel_loop3A_449 = arith.constant 2 : i32
      %parallel_loop3A_450 = arith.constant 2 : i32
      %parallel_loop3A_451 = arith.index_cast %parallel_loop3A_449 : i32 to index
      %parallel_loop3A_452 = arith.index_cast %parallel_loop3A_450 : i32 to index
      %parallel_loop3A_453 = arith.index_cast %parallel_loop3A_448 : i32 to index
      %parallel_loop3A_454 = tpu.vector_load %arg7[%parallel_loop3A_451, %parallel_loop3A_452, %parallel_loop3A_453] {strides = array<i32>} : memref<3x8x2048xf32, #tpu.memory_space<vmem>>, vector<1x1x16xf32>,
      %parallel_loop3A_455 = vector.shape_cast %parallel_loop3A_454 : vector<1x1x16xf32> to vector<16xf32>
      %parallel_loop3A_456 = vector.shape_cast %parallel_loop3A_446 : vector<16xf32> to vector<1x1x16xf32>
      tpu.vector_store %arg7[%parallel_loop3A_451, %parallel_loop3A_452, %parallel_loop3A_453], %parallel_loop3A_456 {strides = array<i32>} : memref<3x8x2048xf32, #tpu.memory_space<vmem>>, vector<1x1x16xf32>,
      %parallel_loop3A_457 = arith.constant 16 : i32
      %parallel_loop3A_458 = arith.muli %parallel_loop3A_390, %parallel_loop3A_457 : i32
      %parallel_loop3A_459 = arith.constant 2 : i32
      %parallel_loop3A_460 = arith.constant 3 : i32
      %parallel_loop3A_461 = arith.index_cast %parallel_loop3A_459 : i32 to index
      %parallel_loop3A_462 = arith.index_cast %parallel_loop3A_460 : i32 to index
      %parallel_loop3A_463 = arith.index_cast %parallel_loop3A_458 : i32 to index
      %parallel_loop3A_464 = tpu.vector_load %arg6[%parallel_loop3A_461, %parallel_loop3A_462, %parallel_loop3A_463] {strides = array<i32>} : memref<3x8x2048xf32, #tpu.memory_space<vmem>>, vector<1x1x16xf32>,
      %parallel_loop3A_465 = vector.shape_cast %parallel_loop3A_464 : vector<1x1x16xf32> to vector<16xf32>
      %parallel_loop3A_466 = arith.constant 45.2548332 : f32
      %parallel_loop3A_467 = vector.broadcast %parallel_loop3A_466 : f32 to vector<16xf32>
      %parallel_loop3A_468 = arith.mulf %parallel_loop3A_465, %parallel_loop3A_467 : vector<16xf32>
      %parallel_loop3A_469 = arith.constant 16 : i32
      %parallel_loop3A_470 = arith.muli %parallel_loop3A_390, %parallel_loop3A_469 : i32
      %parallel_loop3A_471 = arith.constant 2 : i32
      %parallel_loop3A_472 = arith.constant 3 : i32
      %parallel_loop3A_473 = arith.index_cast %parallel_loop3A_471 : i32 to index
      %parallel_loop3A_474 = arith.index_cast %parallel_loop3A_472 : i32 to index
      %parallel_loop3A_475 = arith.index_cast %parallel_loop3A_470 : i32 to index
      %parallel_loop3A_476 = tpu.vector_load %arg7[%parallel_loop3A_473, %parallel_loop3A_474, %parallel_loop3A_475] {strides = array<i32>} : memref<3x8x2048xf32, #tpu.memory_space<vmem>>, vector<1x1x16xf32>,
      %parallel_loop3A_477 = vector.shape_cast %parallel_loop3A_476 : vector<1x1x16xf32> to vector<16xf32>
      %parallel_loop3A_478 = vector.shape_cast %parallel_loop3A_468 : vector<16xf32> to vector<1x1x16xf32>
      tpu.vector_store %arg7[%parallel_loop3A_473, %parallel_loop3A_474, %parallel_loop3A_475], %parallel_loop3A_478 {strides = array<i32>} : memref<3x8x2048xf32, #tpu.memory_space<vmem>>, vector<1x1x16xf32>,
      %parallel_loop3A_479 = arith.constant 16 : i32
      %parallel_loop3A_480 = arith.muli %parallel_loop3A_390, %parallel_loop3A_479 : i32
      %parallel_loop3A_481 = arith.constant 2 : i32
      %parallel_loop3A_482 = arith.constant 4 : i32
      %parallel_loop3A_483 = arith.index_cast %parallel_loop3A_481 : i32 to index
      %parallel_loop3A_484 = arith.index_cast %parallel_loop3A_482 : i32 to index
      %parallel_loop3A_485 = arith.index_cast %parallel_loop3A_480 : i32 to index
      %parallel_loop3A_486 = tpu.vector_load %arg6[%parallel_loop3A_483, %parallel_loop3A_484, %parallel_loop3A_485] {strides = array<i32>} : memref<3x8x2048xf32, #tpu.memory_space<vmem>>, vector<1x1x16xf32>,
      %parallel_loop3A_487 = vector.shape_cast %parallel_loop3A_486 : vector<1x1x16xf32> to vector<16xf32>
      %parallel_loop3A_488 = arith.constant 45.2548332 : f32
      %parallel_loop3A_489 = vector.broadcast %parallel_loop3A_488 : f32 to vector<16xf32>
      %parallel_loop3A_490 = arith.mulf %parallel_loop3A_487, %parallel_loop3A_489 : vector<16xf32>
      %parallel_loop3A_491 = arith.constant 16 : i32
      %parallel_loop3A_492 = arith.muli %parallel_loop3A_390, %parallel_loop3A_491 : i32
      %parallel_loop3A_493 = arith.constant 2 : i32
      %parallel_loop3A_494 = arith.constant 4 : i32
      %parallel_loop3A_495 = arith.index_cast %parallel_loop3A_493 : i32 to index
      %parallel_loop3A_496 = arith.index_cast %parallel_loop3A_494 : i32 to index
      %parallel_loop3A_497 = arith.index_cast %parallel_loop3A_492 : i32 to index
      %parallel_loop3A_498 = tpu.vector_load %arg7[%parallel_loop3A_495, %parallel_loop3A_496, %parallel_loop3A_497] {strides = array<i32>} : memref<3x8x2048xf32, #tpu.memory_space<vmem>>, vector<1x1x16xf32>,
      %parallel_loop3A_499 = vector.shape_cast %parallel_loop3A_498 : vector<1x1x16xf32> to vector<16xf32>
      %parallel_loop3A_500 = vector.shape_cast %parallel_loop3A_490 : vector<16xf32> to vector<1x1x16xf32>
      tpu.vector_store %arg7[%parallel_loop3A_495, %parallel_loop3A_496, %parallel_loop3A_497], %parallel_loop3A_500 {strides = array<i32>} : memref<3x8x2048xf32, #tpu.memory_space<vmem>>, vector<1x1x16xf32>,
      %parallel_loop3A_501 = arith.constant 16 : i32
      %parallel_loop3A_502 = arith.muli %parallel_loop3A_390, %parallel_loop3A_501 : i32
      %parallel_loop3A_503 = arith.constant 2 : i32
      %parallel_loop3A_504 = arith.constant 5 : i32
      %parallel_loop3A_505 = arith.index_cast %parallel_loop3A_503 : i32 to index
      %parallel_loop3A_506 = arith.index_cast %parallel_loop3A_504 : i32 to index
      %parallel_loop3A_507 = arith.index_cast %parallel_loop3A_502 : i32 to index
      %parallel_loop3A_508 = tpu.vector_load %arg6[%parallel_loop3A_505, %parallel_loop3A_506, %parallel_loop3A_507] {strides = array<i32>} : memref<3x8x2048xf32, #tpu.memory_space<vmem>>, vector<1x1x16xf32>,
      %parallel_loop3A_509 = vector.shape_cast %parallel_loop3A_508 : vector<1x1x16xf32> to vector<16xf32>
      %parallel_loop3A_510 = arith.constant 45.2548332 : f32
      %parallel_loop3A_511 = vector.broadcast %parallel_loop3A_510 : f32 to vector<16xf32>
      %parallel_loop3A_512 = arith.mulf %parallel_loop3A_509, %parallel_loop3A_511 : vector<16xf32>
      %parallel_loop3A_513 = arith.constant 16 : i32
      %parallel_loop3A_514 = arith.muli %parallel_loop3A_390, %parallel_loop3A_513 : i32
      %parallel_loop3A_515 = arith.constant 2 : i32
      %parallel_loop3A_516 = arith.constant 5 : i32
      %parallel_loop3A_517 = arith.index_cast %parallel_loop3A_515 : i32 to index
      %parallel_loop3A_518 = arith.index_cast %parallel_loop3A_516 : i32 to index
      %parallel_loop3A_519 = arith.index_cast %parallel_loop3A_514 : i32 to index
      %parallel_loop3A_520 = tpu.vector_load %arg7[%parallel_loop3A_517, %parallel_loop3A_518, %parallel_loop3A_519] {strides = array<i32>} : memref<3x8x2048xf32, #tpu.memory_space<vmem>>, vector<1x1x16xf32>,
      %parallel_loop3A_521 = vector.shape_cast %parallel_loop3A_520 : vector<1x1x16xf32> to vector<16xf32>
      %parallel_loop3A_522 = vector.shape_cast %parallel_loop3A_512 : vector<16xf32> to vector<1x1x16xf32>
      tpu.vector_store %arg7[%parallel_loop3A_517, %parallel_loop3A_518, %parallel_loop3A_519], %parallel_loop3A_522 {strides = array<i32>} : memref<3x8x2048xf32, #tpu.memory_space<vmem>>, vector<1x1x16xf32>,
      %parallel_loop3A_523 = arith.constant 16 : i32
      %parallel_loop3A_524 = arith.muli %parallel_loop3A_390, %parallel_loop3A_523 : i32
      %parallel_loop3A_525 = arith.constant 2 : i32
      %parallel_loop3A_526 = arith.constant 6 : i32
      %parallel_loop3A_527 = arith.index_cast %parallel_loop3A_525 : i32 to index
      %parallel_loop3A_528 = arith.index_cast %parallel_loop3A_526 : i32 to index
      %parallel_loop3A_529 = arith.index_cast %parallel_loop3A_524 : i32 to index
      %parallel_loop3A_530 = tpu.vector_load %arg6[%parallel_loop3A_527, %parallel_loop3A_528, %parallel_loop3A_529] {strides = array<i32>} : memref<3x8x2048xf32, #tpu.memory_space<vmem>>, vector<1x1x16xf32>,
      %parallel_loop3A_531 = vector.shape_cast %parallel_loop3A_530 : vector<1x1x16xf32> to vector<16xf32>
      %parallel_loop3A_532 = arith.constant 45.2548332 : f32
      %parallel_loop3A_533 = vector.broadcast %parallel_loop3A_532 : f32 to vector<16xf32>
      %parallel_loop3A_534 = arith.mulf %parallel_loop3A_531, %parallel_loop3A_533 : vector<16xf32>
      %parallel_loop3A_535 = arith.constant 16 : i32
      %parallel_loop3A_536 = arith.muli %parallel_loop3A_390, %parallel_loop3A_535 : i32
      %parallel_loop3A_537 = arith.constant 2 : i32
      %parallel_loop3A_538 = arith.constant 6 : i32
      %parallel_loop3A_539 = arith.index_cast %parallel_loop3A_537 : i32 to index
      %parallel_loop3A_540 = arith.index_cast %parallel_loop3A_538 : i32 to index
      %parallel_loop3A_541 = arith.index_cast %parallel_loop3A_536 : i32 to index
      %parallel_loop3A_542 = tpu.vector_load %arg7[%parallel_loop3A_539, %parallel_loop3A_540, %parallel_loop3A_541] {strides = array<i32>} : memref<3x8x2048xf32, #tpu.memory_space<vmem>>, vector<1x1x16xf32>,
      %parallel_loop3A_543 = vector.shape_cast %parallel_loop3A_542 : vector<1x1x16xf32> to vector<16xf32>
      %parallel_loop3A_544 = vector.shape_cast %parallel_loop3A_534 : vector<16xf32> to vector<1x1x16xf32>
      tpu.vector_store %arg7[%parallel_loop3A_539, %parallel_loop3A_540, %parallel_loop3A_541], %parallel_loop3A_544 {strides = array<i32>} : memref<3x8x2048xf32, #tpu.memory_space<vmem>>, vector<1x1x16xf32>,
      %parallel_loop3A_545 = arith.constant 16 : i32
      %parallel_loop3A_546 = arith.muli %parallel_loop3A_390, %parallel_loop3A_545 : i32
      %parallel_loop3A_547 = arith.constant 2 : i32
      %parallel_loop3A_548 = arith.constant 7 : i32
      %parallel_loop3A_549 = arith.index_cast %parallel_loop3A_547 : i32 to index
      %parallel_loop3A_550 = arith.index_cast %parallel_loop3A_548 : i32 to index
      %parallel_loop3A_551 = arith.index_cast %parallel_loop3A_546 : i32 to index
      %parallel_loop3A_552 = tpu.vector_load %arg6[%parallel_loop3A_549, %parallel_loop3A_550, %parallel_loop3A_551] {strides = array<i32>} : memref<3x8x2048xf32, #tpu.memory_space<vmem>>, vector<1x1x16xf32>,
      %parallel_loop3A_553 = vector.shape_cast %parallel_loop3A_552 : vector<1x1x16xf32> to vector<16xf32>
      %parallel_loop3A_554 = arith.constant 45.2548332 : f32
      %parallel_loop3A_555 = vector.broadcast %parallel_loop3A_554 : f32 to vector<16xf32>
      %parallel_loop3A_556 = arith.mulf %parallel_loop3A_553, %parallel_loop3A_555 : vector<16xf32>
      %parallel_loop3A_557 = arith.constant 16 : i32
      %parallel_loop3A_558 = arith.muli %parallel_loop3A_390, %parallel_loop3A_557 : i32
      %parallel_loop3A_559 = arith.constant 2 : i32
      %parallel_loop3A_560 = arith.constant 7 : i32
      %parallel_loop3A_561 = arith.index_cast %parallel_loop3A_559 : i32 to index
      %parallel_loop3A_562 = arith.index_cast %parallel_loop3A_560 : i32 to index
      %parallel_loop3A_563 = arith.index_cast %parallel_loop3A_558 : i32 to index
      %parallel_loop3A_564 = tpu.vector_load %arg7[%parallel_loop3A_561, %parallel_loop3A_562, %parallel_loop3A_563] {strides = array<i32>} : memref<3x8x2048xf32, #tpu.memory_space<vmem>>, vector<1x1x16xf32>,
      %parallel_loop3A_565 = vector.shape_cast %parallel_loop3A_564 : vector<1x1x16xf32> to vector<16xf32>
      %parallel_loop3A_566 = vector.shape_cast %parallel_loop3A_556 : vector<16xf32> to vector<1x1x16xf32>
      tpu.vector_store %arg7[%parallel_loop3A_561, %parallel_loop3A_562, %parallel_loop3A_563], %parallel_loop3A_566 {strides = array<i32>} : memref<3x8x2048xf32, #tpu.memory_space<vmem>>, vector<1x1x16xf32>,
    } {sc.loop_unroll_factor = 8 : i64, sc.parallel_access}
    %dma_start3A_135 = arith.constant 5 : i32
    %dma_start3A_136 = arith.constant 2 : i32
    %dma_start3A_137 = arith.constant 0 : i32
    %dma_start3A_138 = arith.constant 0 : i32
    %dma_start3A_139 = tpu.memref_slice %arg6[%dma_start3A_136, %dma_start3A_137, %dma_start3A_138] : memref<3x8x2048xf32, #tpu.memory_space<vmem>> -> memref<1x8x2048xf32, #tpu.memory_space<vmem>>
    %dma_start3A_140 = tpu.memref_squeeze %dma_start3A_139 : memref<1x8x2048xf32, #tpu.memory_space<vmem>> -> memref<8x2048xf32, #tpu.memory_space<vmem>>
    %dma_start3A_141 = arith.constant 0 : i32
    %dma_start3A_142 = tpu.memref_slice %arg5[%dma_start3A_135, %dma_start3A_141] : memref<64x8xi32, #tpu.memory_space<vmem>> -> memref<1x8xi32, #tpu.memory_space<vmem>>
    %dma_start3A_143 = tpu.memref_squeeze %dma_start3A_142 : memref<1x8xi32, #tpu.memory_space<vmem>> -> memref<8xi32, #tpu.memory_space<vmem>>
    %dma_start3A_144 = arith.constant 0 : i32
    %dma_start3A_145 = arith.constant 0 : i32
    %dma_start3A_146 = tpu.memref_slice %arg3[%dma_start3A_144, %dma_start3A_145] : memref<100000x2048xf32, #tpu.memory_space<hbm>> -> memref<100000x2048xf32, #tpu.memory_space<hbm>>
    tpu.enqueue_indirect_dma source(%dma_start3A_146 : memref<100000x2048xf32, #tpu.memory_space<hbm>>) target(%dma_start3A_140 : memref<8x2048xf32, #tpu.memory_space<vmem>>) offsets(%dma_start3A_143 : memref<8xi32, #tpu.memory_space<vmem>>) semaphore(%arg10 : memref<!tpu.dma_semaphore, #tpu.memory_space<semaphore_mem>>)
    %add3A_147 = arith.constant 16 : i32
    %add3A_148 = arith.addi %mul3A_2, %add3A_147 : i32
    %dma_start3A_149 = arith.constant 2 : i32
    %dma_start3A_150 = arith.constant 0 : i32
    %dma_start3A_151 = arith.constant 0 : i32
    %dma_start3A_152 = tpu.memref_slice %arg7[%dma_start3A_149, %dma_start3A_150, %dma_start3A_151] : memref<3x8x2048xf32, #tpu.memory_space<vmem>> -> memref<1x8x2048xf32, #tpu.memory_space<vmem>>
    %dma_start3A_153 = tpu.memref_squeeze %dma_start3A_152 : memref<1x8x2048xf32, #tpu.memory_space<vmem>> -> memref<8x2048xf32, #tpu.memory_space<vmem>>
    %dma_start3A_154 = arith.constant 0 : i32
    %dma_start3A_155 = tpu.memref_slice %arg4[%add3A_148, %dma_start3A_154] : memref<16384x2048xf32, #tpu.memory_space<hbm>> -> memref<8x2048xf32, #tpu.memory_space<hbm>>
    %dma_start3A_156 = arith.constant 0 : i32
    %dma_start3A_157 = tpu.memref_slice %arg4[%add3A_148, %dma_start3A_156] : memref<16384x2048xf32, #tpu.memory_space<hbm>> -> memref<8x2048xf32, #tpu.memory_space<hbm>>
    %dma_start3A_158 = arith.constant 0 : i32
    %dma_start3A_159 = arith.constant 0 : i32
    %dma_start3A_160 = tpu.memref_slice %arg7[%dma_start3A_149, %dma_start3A_158, %dma_start3A_159] : memref<3x8x2048xf32, #tpu.memory_space<vmem>> -> memref<1x8x2048xf32, #tpu.memory_space<vmem>>
    %dma_start3A_161 = tpu.memref_squeeze %dma_start3A_160 : memref<1x8x2048xf32, #tpu.memory_space<vmem>> -> memref<8x2048xf32, #tpu.memory_space<vmem>>
    tpu.enqueue_dma source(%dma_start3A_161 : memref<8x2048xf32, #tpu.memory_space<vmem>>) target(%dma_start3A_157 : memref<8x2048xf32, #tpu.memory_space<hbm>>) target_semaphore(%arg13 : memref<!tpu.dma_semaphore, #tpu.memory_space<semaphore_mem>>)
    %scan3A = arith.constant 0 : i32
    %scan3A_162 = arith.constant 1 : i32
    %scan3A_163 = arith.constant 19 : i32
    %scan3A_164 = arith.addi %scan3A_162, %scan3A_163 : i32
    %scan3A_165 = arith.constant 1 : i32
    scf.for %scan3A_390 = %scan3A_162 to %scan3A_164 step %scan3A_165  : i32 {
      %mul3A_391 = arith.constant 3 : i32
      %mul3A_392 = arith.muli %scan3A_390, %mul3A_391 : i32
      %add3A_393 = arith.constant 0 : i32
      %add3A_394 = arith.addi %mul3A_392, %add3A_393 : i32
      %dma_wait3A_395 = arith.constant 0 : i32
      %dma_wait3A_396 = arith.constant 0 : i32
      %dma_wait3A_397 = arith.constant 0 : i32
      %dma_wait3A_398 = arith.constant 0 : i32
      %dma_wait3A_399 = tpu.memref_slice %arg6[%dma_wait3A_396, %dma_wait3A_397, %dma_wait3A_398] : memref<3x8x2048xf32, #tpu.memory_space<vmem>> -> memref<1x8x2048xf32, #tpu.memory_space<vmem>>
      %dma_wait3A_400 = tpu.memref_squeeze %dma_wait3A_399 : memref<1x8x2048xf32, #tpu.memory_space<vmem>> -> memref<8x2048xf32, #tpu.memory_space<vmem>>
      %dma_wait3A_401 = arith.constant 0 : i32
      %dma_wait3A_402 = tpu.memref_slice %arg5[%dma_wait3A_395, %dma_wait3A_401] : memref<64x8xi32, #tpu.memory_space<vmem>> -> memref<1x8xi32, #tpu.memory_space<vmem>>
      %dma_wait3A_403 = tpu.memref_squeeze %dma_wait3A_402 : memref<1x8xi32, #tpu.memory_space<vmem>> -> memref<8xi32, #tpu.memory_space<vmem>>
      %dma_wait3A_404 = arith.constant 0 : i32
      %dma_wait3A_405 = arith.constant 0 : i32
      %dma_wait3A_406 = tpu.memref_slice %arg3[%dma_wait3A_404, %dma_wait3A_405] : memref<100000x2048xf32, #tpu.memory_space<hbm>> -> memref<100000x2048xf32, #tpu.memory_space<hbm>>
      tpu.wait_indirect_dma semaphore(%arg8 : memref<!tpu.dma_semaphore, #tpu.memory_space<semaphore_mem>>) src(%dma_wait3A_406 : memref<100000x2048xf32, #tpu.memory_space<hbm>>) dst(%dma_wait3A_400 : memref<8x2048xf32, #tpu.memory_space<vmem>>)
      %dma_wait3A_407 = arith.constant 0 : i32
      %dma_wait3A_408 = arith.constant 0 : i32
      %dma_wait3A_409 = arith.constant 0 : i32
      %dma_wait3A_410 = tpu.memref_slice %arg7[%dma_wait3A_407, %dma_wait3A_408, %dma_wait3A_409] : memref<3x8x2048xf32, #tpu.memory_space<vmem>> -> memref<1x8x2048xf32, #tpu.memory_space<vmem>>
      %dma_wait3A_411 = tpu.memref_squeeze %dma_wait3A_410 : memref<1x8x2048xf32, #tpu.memory_space<vmem>> -> memref<8x2048xf32, #tpu.memory_space<vmem>>
      %dma_wait3A_412 = arith.constant 0 : i32
      %dma_wait3A_413 = tpu.memref_slice %arg4[%mul3A_2, %dma_wait3A_412] : memref<16384x2048xf32, #tpu.memory_space<hbm>> -> memref<8x2048xf32, #tpu.memory_space<hbm>>
      %dma_wait3A_414 = arith.constant 0 : i32
      %dma_wait3A_415 = tpu.memref_slice %arg4[%mul3A_2, %dma_wait3A_414] : memref<16384x2048xf32, #tpu.memory_space<hbm>> -> memref<8x2048xf32, #tpu.memory_space<hbm>>
      %dma_wait3A_416 = arith.constant 0 : i32
      %dma_wait3A_417 = arith.constant 0 : i32
      %dma_wait3A_418 = tpu.memref_slice %arg7[%dma_wait3A_407, %dma_wait3A_416, %dma_wait3A_417] : memref<3x8x2048xf32, #tpu.memory_space<vmem>> -> memref<1x8x2048xf32, #tpu.memory_space<vmem>>
      %dma_wait3A_419 = tpu.memref_squeeze %dma_wait3A_418 : memref<1x8x2048xf32, #tpu.memory_space<vmem>> -> memref<8x2048xf32, #tpu.memory_space<vmem>>
      tpu.wait_dma2 semaphore(%arg11 : memref<!tpu.dma_semaphore, #tpu.memory_space<semaphore_mem>>) src(%dma_wait3A_419 : memref<8x2048xf32, #tpu.memory_space<vmem>>) dst(%dma_wait3A_415 : memref<8x2048xf32, #tpu.memory_space<hbm>>)
      %parallel_loop3A_420 = arith.constant 0 : i32
      %parallel_loop3A_421 = arith.constant 128 : i32
      %parallel_loop3A_422 = arith.constant 1 : i32
      scf.for %parallel_loop3A_570 = %parallel_loop3A_420 to %parallel_loop3A_421 step %parallel_loop3A_422  : i32 {
        %parallel_loop3A_571 = arith.constant 16 : i32
        %parallel_loop3A_572 = arith.muli %parallel_loop3A_570, %parallel_loop3A_571 : i32
        %parallel_loop3A_573 = arith.constant 0 : i32
        %parallel_loop3A_574 = arith.constant 0 : i32
        %parallel_loop3A_575 = arith.index_cast %parallel_loop3A_573 : i32 to index
        %parallel_loop3A_576 = arith.index_cast %parallel_loop3A_574 : i32 to index
        %parallel_loop3A_577 = arith.index_cast %parallel_loop3A_572 : i32 to index
        %parallel_loop3A_578 = tpu.vector_load %arg6[%parallel_loop3A_575, %parallel_loop3A_576, %parallel_loop3A_577] {strides = array<i32>} : memref<3x8x2048xf32, #tpu.memory_space<vmem>>, vector<1x1x16xf32>,
        %parallel_loop3A_579 = vector.shape_cast %parallel_loop3A_578 : vector<1x1x16xf32> to vector<16xf32>
        %parallel_loop3A_580 = arith.constant 45.2548332 : f32
        %parallel_loop3A_581 = vector.broadcast %parallel_loop3A_580 : f32 to vector<16xf32>
        %parallel_loop3A_582 = arith.mulf %parallel_loop3A_579, %parallel_loop3A_581 : vector<16xf32>
        %parallel_loop3A_583 = arith.constant 16 : i32
        %parallel_loop3A_584 = arith.muli %parallel_loop3A_570, %parallel_loop3A_583 : i32
        %parallel_loop3A_585 = arith.constant 0 : i32
        %parallel_loop3A_586 = arith.constant 0 : i32
        %parallel_loop3A_587 = arith.index_cast %parallel_loop3A_585 : i32 to index
        %parallel_loop3A_588 = arith.index_cast %parallel_loop3A_586 : i32 to index
        %parallel_loop3A_589 = arith.index_cast %parallel_loop3A_584 : i32 to index
        %parallel_loop3A_590 = tpu.vector_load %arg7[%parallel_loop3A_587, %parallel_loop3A_588, %parallel_loop3A_589] {strides = array<i32>} : memref<3x8x2048xf32, #tpu.memory_space<vmem>>, vector<1x1x16xf32>,
        %parallel_loop3A_591 = vector.shape_cast %parallel_loop3A_590 : vector<1x1x16xf32> to vector<16xf32>
        %parallel_loop3A_592 = vector.shape_cast %parallel_loop3A_582 : vector<16xf32> to vector<1x1x16xf32>
        tpu.vector_store %arg7[%parallel_loop3A_587, %parallel_loop3A_588, %parallel_loop3A_589], %parallel_loop3A_592 {strides = array<i32>} : memref<3x8x2048xf32, #tpu.memory_space<vmem>>, vector<1x1x16xf32>,
        %parallel_loop3A_593 = arith.constant 16 : i32
        %parallel_loop3A_594 = arith.muli %parallel_loop3A_570, %parallel_loop3A_593 : i32
        %parallel_loop3A_595 = arith.constant 0 : i32
        %parallel_loop3A_596 = arith.constant 1 : i32
        %parallel_loop3A_597 = arith.index_cast %parallel_loop3A_595 : i32 to index
        %parallel_loop3A_598 = arith.index_cast %parallel_loop3A_596 : i32 to index
        %parallel_loop3A_599 = arith.index_cast %parallel_loop3A_594 : i32 to index
        %parallel_loop3A_600 = tpu.vector_load %arg6[%parallel_loop3A_597, %parallel_loop3A_598, %parallel_loop3A_599] {strides = array<i32>} : memref<3x8x2048xf32, #tpu.memory_space<vmem>>, vector<1x1x16xf32>,
        %parallel_loop3A_601 = vector.shape_cast %parallel_loop3A_600 : vector<1x1x16xf32> to vector<16xf32>
        %parallel_loop3A_602 = arith.constant 45.2548332 : f32
        %parallel_loop3A_603 = vector.broadcast %parallel_loop3A_602 : f32 to vector<16xf32>
        %parallel_loop3A_604 = arith.mulf %parallel_loop3A_601, %parallel_loop3A_603 : vector<16xf32>
        %parallel_loop3A_605 = arith.constant 16 : i32
        %parallel_loop3A_606 = arith.muli %parallel_loop3A_570, %parallel_loop3A_605 : i32
        %parallel_loop3A_607 = arith.constant 0 : i32
        %parallel_loop3A_608 = arith.constant 1 : i32
        %parallel_loop3A_609 = arith.index_cast %parallel_loop3A_607 : i32 to index
        %parallel_loop3A_610 = arith.index_cast %parallel_loop3A_608 : i32 to index
        %parallel_loop3A_611 = arith.index_cast %parallel_loop3A_606 : i32 to index
        %parallel_loop3A_612 = tpu.vector_load %arg7[%parallel_loop3A_609, %parallel_loop3A_610, %parallel_loop3A_611] {strides = array<i32>} : memref<3x8x2048xf32, #tpu.memory_space<vmem>>, vector<1x1x16xf32>,
        %parallel_loop3A_613 = vector.shape_cast %parallel_loop3A_612 : vector<1x1x16xf32> to vector<16xf32>
        %parallel_loop3A_614 = vector.shape_cast %parallel_loop3A_604 : vector<16xf32> to vector<1x1x16xf32>
        tpu.vector_store %arg7[%parallel_loop3A_609, %parallel_loop3A_610, %parallel_loop3A_611], %parallel_loop3A_614 {strides = array<i32>} : memref<3x8x2048xf32, #tpu.memory_space<vmem>>, vector<1x1x16xf32>,
        %parallel_loop3A_615 = arith.constant 16 : i32
        %parallel_loop3A_616 = arith.muli %parallel_loop3A_570, %parallel_loop3A_615 : i32
        %parallel_loop3A_617 = arith.constant 0 : i32
        %parallel_loop3A_618 = arith.constant 2 : i32
        %parallel_loop3A_619 = arith.index_cast %parallel_loop3A_617 : i32 to index
        %parallel_loop3A_620 = arith.index_cast %parallel_loop3A_618 : i32 to index
        %parallel_loop3A_621 = arith.index_cast %parallel_loop3A_616 : i32 to index
        %parallel_loop3A_622 = tpu.vector_load %arg6[%parallel_loop3A_619, %parallel_loop3A_620, %parallel_loop3A_621] {strides = array<i32>} : memref<3x8x2048xf32, #tpu.memory_space<vmem>>, vector<1x1x16xf32>,
        %parallel_loop3A_623 = vector.shape_cast %parallel_loop3A_622 : vector<1x1x16xf32> to vector<16xf32>
        %parallel_loop3A_624 = arith.constant 45.2548332 : f32
        %parallel_loop3A_625 = vector.broadcast %parallel_loop3A_624 : f32 to vector<16xf32>
        %parallel_loop3A_626 = arith.mulf %parallel_loop3A_623, %parallel_loop3A_625 : vector<16xf32>
        %parallel_loop3A_627 = arith.constant 16 : i32
        %parallel_loop3A_628 = arith.muli %parallel_loop3A_570, %parallel_loop3A_627 : i32
        %parallel_loop3A_629 = arith.constant 0 : i32
        %parallel_loop3A_630 = arith.constant 2 : i32
        %parallel_loop3A_631 = arith.index_cast %parallel_loop3A_629 : i32 to index
        %parallel_loop3A_632 = arith.index_cast %parallel_loop3A_630 : i32 to index
        %parallel_loop3A_633 = arith.index_cast %parallel_loop3A_628 : i32 to index
        %parallel_loop3A_634 = tpu.vector_load %arg7[%parallel_loop3A_631, %parallel_loop3A_632, %parallel_loop3A_633] {strides = array<i32>} : memref<3x8x2048xf32, #tpu.memory_space<vmem>>, vector<1x1x16xf32>,
        %parallel_loop3A_635 = vector.shape_cast %parallel_loop3A_634 : vector<1x1x16xf32> to vector<16xf32>
        %parallel_loop3A_636 = vector.shape_cast %parallel_loop3A_626 : vector<16xf32> to vector<1x1x16xf32>
        tpu.vector_store %arg7[%parallel_loop3A_631, %parallel_loop3A_632, %parallel_loop3A_633], %parallel_loop3A_636 {strides = array<i32>} : memref<3x8x2048xf32, #tpu.memory_space<vmem>>, vector<1x1x16xf32>,
        %parallel_loop3A_637 = arith.constant 16 : i32
        %parallel_loop3A_638 = arith.muli %parallel_loop3A_570, %parallel_loop3A_637 : i32
        %parallel_loop3A_639 = arith.constant 0 : i32
        %parallel_loop3A_640 = arith.constant 3 : i32
        %parallel_loop3A_641 = arith.index_cast %parallel_loop3A_639 : i32 to index
        %parallel_loop3A_642 = arith.index_cast %parallel_loop3A_640 : i32 to index
        %parallel_loop3A_643 = arith.index_cast %parallel_loop3A_638 : i32 to index
        %parallel_loop3A_644 = tpu.vector_load %arg6[%parallel_loop3A_641, %parallel_loop3A_642, %parallel_loop3A_643] {strides = array<i32>} : memref<3x8x2048xf32, #tpu.memory_space<vmem>>, vector<1x1x16xf32>,
        %parallel_loop3A_645 = vector.shape_cast %parallel_loop3A_644 : vector<1x1x16xf32> to vector<16xf32>
        %parallel_loop3A_646 = arith.constant 45.2548332 : f32
        %parallel_loop3A_647 = vector.broadcast %parallel_loop3A_646 : f32 to vector<16xf32>
        %parallel_loop3A_648 = arith.mulf %parallel_loop3A_645, %parallel_loop3A_647 : vector<16xf32>
        %parallel_loop3A_649 = arith.constant 16 : i32
        %parallel_loop3A_650 = arith.muli %parallel_loop3A_570, %parallel_loop3A_649 : i32
        %parallel_loop3A_651 = arith.constant 0 : i32
        %parallel_loop3A_652 = arith.constant 3 : i32
        %parallel_loop3A_653 = arith.index_cast %parallel_loop3A_651 : i32 to index
        %parallel_loop3A_654 = arith.index_cast %parallel_loop3A_652 : i32 to index
        %parallel_loop3A_655 = arith.index_cast %parallel_loop3A_650 : i32 to index
        %parallel_loop3A_656 = tpu.vector_load %arg7[%parallel_loop3A_653, %parallel_loop3A_654, %parallel_loop3A_655] {strides = array<i32>} : memref<3x8x2048xf32, #tpu.memory_space<vmem>>, vector<1x1x16xf32>,
        %parallel_loop3A_657 = vector.shape_cast %parallel_loop3A_656 : vector<1x1x16xf32> to vector<16xf32>
        %parallel_loop3A_658 = vector.shape_cast %parallel_loop3A_648 : vector<16xf32> to vector<1x1x16xf32>
        tpu.vector_store %arg7[%parallel_loop3A_653, %parallel_loop3A_654, %parallel_loop3A_655], %parallel_loop3A_658 {strides = array<i32>} : memref<3x8x2048xf32, #tpu.memory_space<vmem>>, vector<1x1x16xf32>,
        %parallel_loop3A_659 = arith.constant 16 : i32
        %parallel_loop3A_660 = arith.muli %parallel_loop3A_570, %parallel_loop3A_659 : i32
        %parallel_loop3A_661 = arith.constant 0 : i32
        %parallel_loop3A_662 = arith.constant 4 : i32
        %parallel_loop3A_663 = arith.index_cast %parallel_loop3A_661 : i32 to index
        %parallel_loop3A_664 = arith.index_cast %parallel_loop3A_662 : i32 to index
        %parallel_loop3A_665 = arith.index_cast %parallel_loop3A_660 : i32 to index
        %parallel_loop3A_666 = tpu.vector_load %arg6[%parallel_loop3A_663, %parallel_loop3A_664, %parallel_loop3A_665] {strides = array<i32>} : memref<3x8x2048xf32, #tpu.memory_space<vmem>>, vector<1x1x16xf32>,
        %parallel_loop3A_667 = vector.shape_cast %parallel_loop3A_666 : vector<1x1x16xf32> to vector<16xf32>
        %parallel_loop3A_668 = arith.constant 45.2548332 : f32
        %parallel_loop3A_669 = vector.broadcast %parallel_loop3A_668 : f32 to vector<16xf32>
        %parallel_loop3A_670 = arith.mulf %parallel_loop3A_667, %parallel_loop3A_669 : vector<16xf32>
        %parallel_loop3A_671 = arith.constant 16 : i32
        %parallel_loop3A_672 = arith.muli %parallel_loop3A_570, %parallel_loop3A_671 : i32
        %parallel_loop3A_673 = arith.constant 0 : i32
        %parallel_loop3A_674 = arith.constant 4 : i32
        %parallel_loop3A_675 = arith.index_cast %parallel_loop3A_673 : i32 to index
        %parallel_loop3A_676 = arith.index_cast %parallel_loop3A_674 : i32 to index
        %parallel_loop3A_677 = arith.index_cast %parallel_loop3A_672 : i32 to index
        %parallel_loop3A_678 = tpu.vector_load %arg7[%parallel_loop3A_675, %parallel_loop3A_676, %parallel_loop3A_677] {strides = array<i32>} : memref<3x8x2048xf32, #tpu.memory_space<vmem>>, vector<1x1x16xf32>,
        %parallel_loop3A_679 = vector.shape_cast %parallel_loop3A_678 : vector<1x1x16xf32> to vector<16xf32>
        %parallel_loop3A_680 = vector.shape_cast %parallel_loop3A_670 : vector<16xf32> to vector<1x1x16xf32>
        tpu.vector_store %arg7[%parallel_loop3A_675, %parallel_loop3A_676, %parallel_loop3A_677], %parallel_loop3A_680 {strides = array<i32>} : memref<3x8x2048xf32, #tpu.memory_space<vmem>>, vector<1x1x16xf32>,
        %parallel_loop3A_681 = arith.constant 16 : i32
        %parallel_loop3A_682 = arith.muli %parallel_loop3A_570, %parallel_loop3A_681 : i32
        %parallel_loop3A_683 = arith.constant 0 : i32
        %parallel_loop3A_684 = arith.constant 5 : i32
        %parallel_loop3A_685 = arith.index_cast %parallel_loop3A_683 : i32 to index
        %parallel_loop3A_686 = arith.index_cast %parallel_loop3A_684 : i32 to index
        %parallel_loop3A_687 = arith.index_cast %parallel_loop3A_682 : i32 to index
        %parallel_loop3A_688 = tpu.vector_load %arg6[%parallel_loop3A_685, %parallel_loop3A_686, %parallel_loop3A_687] {strides = array<i32>} : memref<3x8x2048xf32, #tpu.memory_space<vmem>>, vector<1x1x16xf32>,
        %parallel_loop3A_689 = vector.shape_cast %parallel_loop3A_688 : vector<1x1x16xf32> to vector<16xf32>
        %parallel_loop3A_690 = arith.constant 45.2548332 : f32
        %parallel_loop3A_691 = vector.broadcast %parallel_loop3A_690 : f32 to vector<16xf32>
        %parallel_loop3A_692 = arith.mulf %parallel_loop3A_689, %parallel_loop3A_691 : vector<16xf32>
        %parallel_loop3A_693 = arith.constant 16 : i32
        %parallel_loop3A_694 = arith.muli %parallel_loop3A_570, %parallel_loop3A_693 : i32
        %parallel_loop3A_695 = arith.constant 0 : i32
        %parallel_loop3A_696 = arith.constant 5 : i32
        %parallel_loop3A_697 = arith.index_cast %parallel_loop3A_695 : i32 to index
        %parallel_loop3A_698 = arith.index_cast %parallel_loop3A_696 : i32 to index
        %parallel_loop3A_699 = arith.index_cast %parallel_loop3A_694 : i32 to index
        %parallel_loop3A_700 = tpu.vector_load %arg7[%parallel_loop3A_697, %parallel_loop3A_698, %parallel_loop3A_699] {strides = array<i32>} : memref<3x8x2048xf32, #tpu.memory_space<vmem>>, vector<1x1x16xf32>,
        %parallel_loop3A_701 = vector.shape_cast %parallel_loop3A_700 : vector<1x1x16xf32> to vector<16xf32>
        %parallel_loop3A_702 = vector.shape_cast %parallel_loop3A_692 : vector<16xf32> to vector<1x1x16xf32>
        tpu.vector_store %arg7[%parallel_loop3A_697, %parallel_loop3A_698, %parallel_loop3A_699], %parallel_loop3A_702 {strides = array<i32>} : memref<3x8x2048xf32, #tpu.memory_space<vmem>>, vector<1x1x16xf32>,
        %parallel_loop3A_703 = arith.constant 16 : i32
        %parallel_loop3A_704 = arith.muli %parallel_loop3A_570, %parallel_loop3A_703 : i32
        %parallel_loop3A_705 = arith.constant 0 : i32
        %parallel_loop3A_706 = arith.constant 6 : i32
        %parallel_loop3A_707 = arith.index_cast %parallel_loop3A_705 : i32 to index
        %parallel_loop3A_708 = arith.index_cast %parallel_loop3A_706 : i32 to index
        %parallel_loop3A_709 = arith.index_cast %parallel_loop3A_704 : i32 to index
        %parallel_loop3A_710 = tpu.vector_load %arg6[%parallel_loop3A_707, %parallel_loop3A_708, %parallel_loop3A_709] {strides = array<i32>} : memref<3x8x2048xf32, #tpu.memory_space<vmem>>, vector<1x1x16xf32>,
        %parallel_loop3A_711 = vector.shape_cast %parallel_loop3A_710 : vector<1x1x16xf32> to vector<16xf32>
        %parallel_loop3A_712 = arith.constant 45.2548332 : f32
        %parallel_loop3A_713 = vector.broadcast %parallel_loop3A_712 : f32 to vector<16xf32>
        %parallel_loop3A_714 = arith.mulf %parallel_loop3A_711, %parallel_loop3A_713 : vector<16xf32>
        %parallel_loop3A_715 = arith.constant 16 : i32
        %parallel_loop3A_716 = arith.muli %parallel_loop3A_570, %parallel_loop3A_715 : i32
        %parallel_loop3A_717 = arith.constant 0 : i32
        %parallel_loop3A_718 = arith.constant 6 : i32
        %parallel_loop3A_719 = arith.index_cast %parallel_loop3A_717 : i32 to index
        %parallel_loop3A_720 = arith.index_cast %parallel_loop3A_718 : i32 to index
        %parallel_loop3A_721 = arith.index_cast %parallel_loop3A_716 : i32 to index
        %parallel_loop3A_722 = tpu.vector_load %arg7[%parallel_loop3A_719, %parallel_loop3A_720, %parallel_loop3A_721] {strides = array<i32>} : memref<3x8x2048xf32, #tpu.memory_space<vmem>>, vector<1x1x16xf32>,
        %parallel_loop3A_723 = vector.shape_cast %parallel_loop3A_722 : vector<1x1x16xf32> to vector<16xf32>
        %parallel_loop3A_724 = vector.shape_cast %parallel_loop3A_714 : vector<16xf32> to vector<1x1x16xf32>
        tpu.vector_store %arg7[%parallel_loop3A_719, %parallel_loop3A_720, %parallel_loop3A_721], %parallel_loop3A_724 {strides = array<i32>} : memref<3x8x2048xf32, #tpu.memory_space<vmem>>, vector<1x1x16xf32>,
        %parallel_loop3A_725 = arith.constant 16 : i32
        %parallel_loop3A_726 = arith.muli %parallel_loop3A_570, %parallel_loop3A_725 : i32
        %parallel_loop3A_727 = arith.constant 0 : i32
        %parallel_loop3A_728 = arith.constant 7 : i32
        %parallel_loop3A_729 = arith.index_cast %parallel_loop3A_727 : i32 to index
        %parallel_loop3A_730 = arith.index_cast %parallel_loop3A_728 : i32 to index
        %parallel_loop3A_731 = arith.index_cast %parallel_loop3A_726 : i32 to index
        %parallel_loop3A_732 = tpu.vector_load %arg6[%parallel_loop3A_729, %parallel_loop3A_730, %parallel_loop3A_731] {strides = array<i32>} : memref<3x8x2048xf32, #tpu.memory_space<vmem>>, vector<1x1x16xf32>,
        %parallel_loop3A_733 = vector.shape_cast %parallel_loop3A_732 : vector<1x1x16xf32> to vector<16xf32>
        %parallel_loop3A_734 = arith.constant 45.2548332 : f32
        %parallel_loop3A_735 = vector.broadcast %parallel_loop3A_734 : f32 to vector<16xf32>
        %parallel_loop3A_736 = arith.mulf %parallel_loop3A_733, %parallel_loop3A_735 : vector<16xf32>
        %parallel_loop3A_737 = arith.constant 16 : i32
        %parallel_loop3A_738 = arith.muli %parallel_loop3A_570, %parallel_loop3A_737 : i32
        %parallel_loop3A_739 = arith.constant 0 : i32
        %parallel_loop3A_740 = arith.constant 7 : i32
        %parallel_loop3A_741 = arith.index_cast %parallel_loop3A_739 : i32 to index
        %parallel_loop3A_742 = arith.index_cast %parallel_loop3A_740 : i32 to index
        %parallel_loop3A_743 = arith.index_cast %parallel_loop3A_738 : i32 to index
        %parallel_loop3A_744 = tpu.vector_load %arg7[%parallel_loop3A_741, %parallel_loop3A_742, %parallel_loop3A_743] {strides = array<i32>} : memref<3x8x2048xf32, #tpu.memory_space<vmem>>, vector<1x1x16xf32>,
        %parallel_loop3A_745 = vector.shape_cast %parallel_loop3A_744 : vector<1x1x16xf32> to vector<16xf32>
        %parallel_loop3A_746 = vector.shape_cast %parallel_loop3A_736 : vector<16xf32> to vector<1x1x16xf32>
        tpu.vector_store %arg7[%parallel_loop3A_741, %parallel_loop3A_742, %parallel_loop3A_743], %parallel_loop3A_746 {strides = array<i32>} : memref<3x8x2048xf32, #tpu.memory_space<vmem>>, vector<1x1x16xf32>,
      } {sc.loop_unroll_factor = 8 : i64, sc.parallel_access}
      %add3A_423 = arith.constant 3 : i32
      %add3A_424 = arith.addi %add3A_394, %add3A_423 : i32
      %dma_start3A_425 = arith.constant 0 : i32
      %dma_start3A_426 = arith.constant 0 : i32
      %dma_start3A_427 = arith.constant 0 : i32
      %dma_start3A_428 = tpu.memref_slice %arg6[%dma_start3A_425, %dma_start3A_426, %dma_start3A_427] : memref<3x8x2048xf32, #tpu.memory_space<vmem>> -> memref<1x8x2048xf32, #tpu.memory_space<vmem>>
      %dma_start3A_429 = tpu.memref_squeeze %dma_start3A_428 : memref<1x8x2048xf32, #tpu.memory_space<vmem>> -> memref<8x2048xf32, #tpu.memory_space<vmem>>
      %dma_start3A_430 = arith.constant 0 : i32
      %dma_start3A_431 = tpu.memref_slice %arg5[%add3A_424, %dma_start3A_430] : memref<64x8xi32, #tpu.memory_space<vmem>> -> memref<1x8xi32, #tpu.memory_space<vmem>>
      %dma_start3A_432 = tpu.memref_squeeze %dma_start3A_431 : memref<1x8xi32, #tpu.memory_space<vmem>> -> memref<8xi32, #tpu.memory_space<vmem>>
      %dma_start3A_433 = arith.constant 0 : i32
      %dma_start3A_434 = arith.constant 0 : i32
      %dma_start3A_435 = tpu.memref_slice %arg3[%dma_start3A_433, %dma_start3A_434] : memref<100000x2048xf32, #tpu.memory_space<hbm>> -> memref<100000x2048xf32, #tpu.memory_space<hbm>>
      tpu.enqueue_indirect_dma source(%dma_start3A_435 : memref<100000x2048xf32, #tpu.memory_space<hbm>>) target(%dma_start3A_429 : memref<8x2048xf32, #tpu.memory_space<vmem>>) offsets(%dma_start3A_432 : memref<8xi32, #tpu.memory_space<vmem>>) semaphore(%arg8 : memref<!tpu.dma_semaphore, #tpu.memory_space<semaphore_mem>>)
      %mul3A_436 = arith.constant 8 : i32
      %mul3A_437 = arith.muli %add3A_394, %mul3A_436 : i32
      %add3A_438 = arith.addi %mul3A_2, %mul3A_437 : i32
      %dma_start3A_439 = arith.constant 0 : i32
      %dma_start3A_440 = arith.constant 0 : i32
      %dma_start3A_441 = arith.constant 0 : i32
      %dma_start3A_442 = tpu.memref_slice %arg7[%dma_start3A_439, %dma_start3A_440, %dma_start3A_441] : memref<3x8x2048xf32, #tpu.memory_space<vmem>> -> memref<1x8x2048xf32, #tpu.memory_space<vmem>>
      %dma_start3A_443 = tpu.memref_squeeze %dma_start3A_442 : memref<1x8x2048xf32, #tpu.memory_space<vmem>> -> memref<8x2048xf32, #tpu.memory_space<vmem>>
      %dma_start3A_444 = arith.constant 0 : i32
      %dma_start3A_445 = tpu.memref_slice %arg4[%add3A_438, %dma_start3A_444] : memref<16384x2048xf32, #tpu.memory_space<hbm>> -> memref<8x2048xf32, #tpu.memory_space<hbm>>
      %dma_start3A_446 = arith.constant 0 : i32
      %dma_start3A_447 = tpu.memref_slice %arg4[%add3A_438, %dma_start3A_446] : memref<16384x2048xf32, #tpu.memory_space<hbm>> -> memref<8x2048xf32, #tpu.memory_space<hbm>>
      %dma_start3A_448 = arith.constant 0 : i32
      %dma_start3A_449 = arith.constant 0 : i32
      %dma_start3A_450 = tpu.memref_slice %arg7[%dma_start3A_439, %dma_start3A_448, %dma_start3A_449] : memref<3x8x2048xf32, #tpu.memory_space<vmem>> -> memref<1x8x2048xf32, #tpu.memory_space<vmem>>
      %dma_start3A_451 = tpu.memref_squeeze %dma_start3A_450 : memref<1x8x2048xf32, #tpu.memory_space<vmem>> -> memref<8x2048xf32, #tpu.memory_space<vmem>>
      tpu.enqueue_dma source(%dma_start3A_451 : memref<8x2048xf32, #tpu.memory_space<vmem>>) target(%dma_start3A_447 : memref<8x2048xf32, #tpu.memory_space<hbm>>) target_semaphore(%arg11 : memref<!tpu.dma_semaphore, #tpu.memory_space<semaphore_mem>>)
      %add3A_452 = arith.constant 1 : i32
      %add3A_453 = arith.addi %mul3A_392, %add3A_452 : i32
      %dma_wait3A_454 = arith.constant 0 : i32
      %dma_wait3A_455 = arith.constant 1 : i32
      %dma_wait3A_456 = arith.constant 0 : i32
      %dma_wait3A_457 = arith.constant 0 : i32
      %dma_wait3A_458 = tpu.memref_slice %arg6[%dma_wait3A_455, %dma_wait3A_456, %dma_wait3A_457] : memref<3x8x2048xf32, #tpu.memory_space<vmem>> -> memref<1x8x2048xf32, #tpu.memory_space<vmem>>
      %dma_wait3A_459 = tpu.memref_squeeze %dma_wait3A_458 : memref<1x8x2048xf32, #tpu.memory_space<vmem>> -> memref<8x2048xf32, #tpu.memory_space<vmem>>
      %dma_wait3A_460 = arith.constant 0 : i32
      %dma_wait3A_461 = tpu.memref_slice %arg5[%dma_wait3A_454, %dma_wait3A_460] : memref<64x8xi32, #tpu.memory_space<vmem>> -> memref<1x8xi32, #tpu.memory_space<vmem>>
      %dma_wait3A_462 = tpu.memref_squeeze %dma_wait3A_461 : memref<1x8xi32, #tpu.memory_space<vmem>> -> memref<8xi32, #tpu.memory_space<vmem>>
      %dma_wait3A_463 = arith.constant 0 : i32
      %dma_wait3A_464 = arith.constant 0 : i32
      %dma_wait3A_465 = tpu.memref_slice %arg3[%dma_wait3A_463, %dma_wait3A_464] : memref<100000x2048xf32, #tpu.memory_space<hbm>> -> memref<100000x2048xf32, #tpu.memory_space<hbm>>
      tpu.wait_indirect_dma semaphore(%arg9 : memref<!tpu.dma_semaphore, #tpu.memory_space<semaphore_mem>>) src(%dma_wait3A_465 : memref<100000x2048xf32, #tpu.memory_space<hbm>>) dst(%dma_wait3A_459 : memref<8x2048xf32, #tpu.memory_space<vmem>>)
      %dma_wait3A_466 = arith.constant 1 : i32
      %dma_wait3A_467 = arith.constant 0 : i32
      %dma_wait3A_468 = arith.constant 0 : i32
      %dma_wait3A_469 = tpu.memref_slice %arg7[%dma_wait3A_466, %dma_wait3A_467, %dma_wait3A_468] : memref<3x8x2048xf32, #tpu.memory_space<vmem>> -> memref<1x8x2048xf32, #tpu.memory_space<vmem>>
      %dma_wait3A_470 = tpu.memref_squeeze %dma_wait3A_469 : memref<1x8x2048xf32, #tpu.memory_space<vmem>> -> memref<8x2048xf32, #tpu.memory_space<vmem>>
      %dma_wait3A_471 = arith.constant 0 : i32
      %dma_wait3A_472 = tpu.memref_slice %arg4[%mul3A_2, %dma_wait3A_471] : memref<16384x2048xf32, #tpu.memory_space<hbm>> -> memref<8x2048xf32, #tpu.memory_space<hbm>>
      %dma_wait3A_473 = arith.constant 0 : i32
      %dma_wait3A_474 = tpu.memref_slice %arg4[%mul3A_2, %dma_wait3A_473] : memref<16384x2048xf32, #tpu.memory_space<hbm>> -> memref<8x2048xf32, #tpu.memory_space<hbm>>
      %dma_wait3A_475 = arith.constant 0 : i32
      %dma_wait3A_476 = arith.constant 0 : i32
      %dma_wait3A_477 = tpu.memref_slice %arg7[%dma_wait3A_466, %dma_wait3A_475, %dma_wait3A_476] : memref<3x8x2048xf32, #tpu.memory_space<vmem>> -> memref<1x8x2048xf32, #tpu.memory_space<vmem>>
      %dma_wait3A_478 = tpu.memref_squeeze %dma_wait3A_477 : memref<1x8x2048xf32, #tpu.memory_space<vmem>> -> memref<8x2048xf32, #tpu.memory_space<vmem>>
      tpu.wait_dma2 semaphore(%arg12 : memref<!tpu.dma_semaphore, #tpu.memory_space<semaphore_mem>>) src(%dma_wait3A_478 : memref<8x2048xf32, #tpu.memory_space<vmem>>) dst(%dma_wait3A_474 : memref<8x2048xf32, #tpu.memory_space<hbm>>)
      %parallel_loop3A_479 = arith.constant 0 : i32
      %parallel_loop3A_480 = arith.constant 128 : i32
      %parallel_loop3A_481 = arith.constant 1 : i32
      scf.for %parallel_loop3A_570 = %parallel_loop3A_479 to %parallel_loop3A_480 step %parallel_loop3A_481  : i32 {
        %parallel_loop3A_571 = arith.constant 16 : i32
        %parallel_loop3A_572 = arith.muli %parallel_loop3A_570, %parallel_loop3A_571 : i32
        %parallel_loop3A_573 = arith.constant 1 : i32
        %parallel_loop3A_574 = arith.constant 0 : i32
        %parallel_loop3A_575 = arith.index_cast %parallel_loop3A_573 : i32 to index
        %parallel_loop3A_576 = arith.index_cast %parallel_loop3A_574 : i32 to index
        %parallel_loop3A_577 = arith.index_cast %parallel_loop3A_572 : i32 to index
        %parallel_loop3A_578 = tpu.vector_load %arg6[%parallel_loop3A_575, %parallel_loop3A_576, %parallel_loop3A_577] {strides = array<i32>} : memref<3x8x2048xf32, #tpu.memory_space<vmem>>, vector<1x1x16xf32>,
        %parallel_loop3A_579 = vector.shape_cast %parallel_loop3A_578 : vector<1x1x16xf32> to vector<16xf32>
        %parallel_loop3A_580 = arith.constant 45.2548332 : f32
        %parallel_loop3A_581 = vector.broadcast %parallel_loop3A_580 : f32 to vector<16xf32>
        %parallel_loop3A_582 = arith.mulf %parallel_loop3A_579, %parallel_loop3A_581 : vector<16xf32>
        %parallel_loop3A_583 = arith.constant 16 : i32
        %parallel_loop3A_584 = arith.muli %parallel_loop3A_570, %parallel_loop3A_583 : i32
        %parallel_loop3A_585 = arith.constant 1 : i32
        %parallel_loop3A_586 = arith.constant 0 : i32
        %parallel_loop3A_587 = arith.index_cast %parallel_loop3A_585 : i32 to index
        %parallel_loop3A_588 = arith.index_cast %parallel_loop3A_586 : i32 to index
        %parallel_loop3A_589 = arith.index_cast %parallel_loop3A_584 : i32 to index
        %parallel_loop3A_590 = tpu.vector_load %arg7[%parallel_loop3A_587, %parallel_loop3A_588, %parallel_loop3A_589] {strides = array<i32>} : memref<3x8x2048xf32, #tpu.memory_space<vmem>>, vector<1x1x16xf32>,
        %parallel_loop3A_591 = vector.shape_cast %parallel_loop3A_590 : vector<1x1x16xf32> to vector<16xf32>
        %parallel_loop3A_592 = vector.shape_cast %parallel_loop3A_582 : vector<16xf32> to vector<1x1x16xf32>
        tpu.vector_store %arg7[%parallel_loop3A_587, %parallel_loop3A_588, %parallel_loop3A_589], %parallel_loop3A_592 {strides = array<i32>} : memref<3x8x2048xf32, #tpu.memory_space<vmem>>, vector<1x1x16xf32>,
        %parallel_loop3A_593 = arith.constant 16 : i32
        %parallel_loop3A_594 = arith.muli %parallel_loop3A_570, %parallel_loop3A_593 : i32
        %parallel_loop3A_595 = arith.constant 1 : i32
        %parallel_loop3A_596 = arith.constant 1 : i32
        %parallel_loop3A_597 = arith.index_cast %parallel_loop3A_595 : i32 to index
        %parallel_loop3A_598 = arith.index_cast %parallel_loop3A_596 : i32 to index
        %parallel_loop3A_599 = arith.index_cast %parallel_loop3A_594 : i32 to index
        %parallel_loop3A_600 = tpu.vector_load %arg6[%parallel_loop3A_597, %parallel_loop3A_598, %parallel_loop3A_599] {strides = array<i32>} : memref<3x8x2048xf32, #tpu.memory_space<vmem>>, vector<1x1x16xf32>,
        %parallel_loop3A_601 = vector.shape_cast %parallel_loop3A_600 : vector<1x1x16xf32> to vector<16xf32>
        %parallel_loop3A_602 = arith.constant 45.2548332 : f32
        %parallel_loop3A_603 = vector.broadcast %parallel_loop3A_602 : f32 to vector<16xf32>
        %parallel_loop3A_604 = arith.mulf %parallel_loop3A_601, %parallel_loop3A_603 : vector<16xf32>
        %parallel_loop3A_605 = arith.constant 16 : i32
        %parallel_loop3A_606 = arith.muli %parallel_loop3A_570, %parallel_loop3A_605 : i32
        %parallel_loop3A_607 = arith.constant 1 : i32
        %parallel_loop3A_608 = arith.constant 1 : i32
        %parallel_loop3A_609 = arith.index_cast %parallel_loop3A_607 : i32 to index
        %parallel_loop3A_610 = arith.index_cast %parallel_loop3A_608 : i32 to index
        %parallel_loop3A_611 = arith.index_cast %parallel_loop3A_606 : i32 to index
        %parallel_loop3A_612 = tpu.vector_load %arg7[%parallel_loop3A_609, %parallel_loop3A_610, %parallel_loop3A_611] {strides = array<i32>} : memref<3x8x2048xf32, #tpu.memory_space<vmem>>, vector<1x1x16xf32>,
        %parallel_loop3A_613 = vector.shape_cast %parallel_loop3A_612 : vector<1x1x16xf32> to vector<16xf32>
        %parallel_loop3A_614 = vector.shape_cast %parallel_loop3A_604 : vector<16xf32> to vector<1x1x16xf32>
        tpu.vector_store %arg7[%parallel_loop3A_609, %parallel_loop3A_610, %parallel_loop3A_611], %parallel_loop3A_614 {strides = array<i32>} : memref<3x8x2048xf32, #tpu.memory_space<vmem>>, vector<1x1x16xf32>,
        %parallel_loop3A_615 = arith.constant 16 : i32
        %parallel_loop3A_616 = arith.muli %parallel_loop3A_570, %parallel_loop3A_615 : i32
        %parallel_loop3A_617 = arith.constant 1 : i32
        %parallel_loop3A_618 = arith.constant 2 : i32
        %parallel_loop3A_619 = arith.index_cast %parallel_loop3A_617 : i32 to index
        %parallel_loop3A_620 = arith.index_cast %parallel_loop3A_618 : i32 to index
        %parallel_loop3A_621 = arith.index_cast %parallel_loop3A_616 : i32 to index
        %parallel_loop3A_622 = tpu.vector_load %arg6[%parallel_loop3A_619, %parallel_loop3A_620, %parallel_loop3A_621] {strides = array<i32>} : memref<3x8x2048xf32, #tpu.memory_space<vmem>>, vector<1x1x16xf32>,
        %parallel_loop3A_623 = vector.shape_cast %parallel_loop3A_622 : vector<1x1x16xf32> to vector<16xf32>
        %parallel_loop3A_624 = arith.constant 45.2548332 : f32
        %parallel_loop3A_625 = vector.broadcast %parallel_loop3A_624 : f32 to vector<16xf32>
        %parallel_loop3A_626 = arith.mulf %parallel_loop3A_623, %parallel_loop3A_625 : vector<16xf32>
        %parallel_loop3A_627 = arith.constant 16 : i32
        %parallel_loop3A_628 = arith.muli %parallel_loop3A_570, %parallel_loop3A_627 : i32
        %parallel_loop3A_629 = arith.constant 1 : i32
        %parallel_loop3A_630 = arith.constant 2 : i32
        %parallel_loop3A_631 = arith.index_cast %parallel_loop3A_629 : i32 to index
        %parallel_loop3A_632 = arith.index_cast %parallel_loop3A_630 : i32 to index
        %parallel_loop3A_633 = arith.index_cast %parallel_loop3A_628 : i32 to index
        %parallel_loop3A_634 = tpu.vector_load %arg7[%parallel_loop3A_631, %parallel_loop3A_632, %parallel_loop3A_633] {strides = array<i32>} : memref<3x8x2048xf32, #tpu.memory_space<vmem>>, vector<1x1x16xf32>,
        %parallel_loop3A_635 = vector.shape_cast %parallel_loop3A_634 : vector<1x1x16xf32> to vector<16xf32>
        %parallel_loop3A_636 = vector.shape_cast %parallel_loop3A_626 : vector<16xf32> to vector<1x1x16xf32>
        tpu.vector_store %arg7[%parallel_loop3A_631, %parallel_loop3A_632, %parallel_loop3A_633], %parallel_loop3A_636 {strides = array<i32>} : memref<3x8x2048xf32, #tpu.memory_space<vmem>>, vector<1x1x16xf32>,
        %parallel_loop3A_637 = arith.constant 16 : i32
        %parallel_loop3A_638 = arith.muli %parallel_loop3A_570, %parallel_loop3A_637 : i32
        %parallel_loop3A_639 = arith.constant 1 : i32
        %parallel_loop3A_640 = arith.constant 3 : i32
        %parallel_loop3A_641 = arith.index_cast %parallel_loop3A_639 : i32 to index
        %parallel_loop3A_642 = arith.index_cast %parallel_loop3A_640 : i32 to index
        %parallel_loop3A_643 = arith.index_cast %parallel_loop3A_638 : i32 to index
        %parallel_loop3A_644 = tpu.vector_load %arg6[%parallel_loop3A_641, %parallel_loop3A_642, %parallel_loop3A_643] {strides = array<i32>} : memref<3x8x2048xf32, #tpu.memory_space<vmem>>, vector<1x1x16xf32>,
        %parallel_loop3A_645 = vector.shape_cast %parallel_loop3A_644 : vector<1x1x16xf32> to vector<16xf32>
        %parallel_loop3A_646 = arith.constant 45.2548332 : f32
        %parallel_loop3A_647 = vector.broadcast %parallel_loop3A_646 : f32 to vector<16xf32>
        %parallel_loop3A_648 = arith.mulf %parallel_loop3A_645, %parallel_loop3A_647 : vector<16xf32>
        %parallel_loop3A_649 = arith.constant 16 : i32
        %parallel_loop3A_650 = arith.muli %parallel_loop3A_570, %parallel_loop3A_649 : i32
        %parallel_loop3A_651 = arith.constant 1 : i32
        %parallel_loop3A_652 = arith.constant 3 : i32
        %parallel_loop3A_653 = arith.index_cast %parallel_loop3A_651 : i32 to index
        %parallel_loop3A_654 = arith.index_cast %parallel_loop3A_652 : i32 to index
        %parallel_loop3A_655 = arith.index_cast %parallel_loop3A_650 : i32 to index
        %parallel_loop3A_656 = tpu.vector_load %arg7[%parallel_loop3A_653, %parallel_loop3A_654, %parallel_loop3A_655] {strides = array<i32>} : memref<3x8x2048xf32, #tpu.memory_space<vmem>>, vector<1x1x16xf32>,
        %parallel_loop3A_657 = vector.shape_cast %parallel_loop3A_656 : vector<1x1x16xf32> to vector<16xf32>
        %parallel_loop3A_658 = vector.shape_cast %parallel_loop3A_648 : vector<16xf32> to vector<1x1x16xf32>
        tpu.vector_store %arg7[%parallel_loop3A_653, %parallel_loop3A_654, %parallel_loop3A_655], %parallel_loop3A_658 {strides = array<i32>} : memref<3x8x2048xf32, #tpu.memory_space<vmem>>, vector<1x1x16xf32>,
        %parallel_loop3A_659 = arith.constant 16 : i32
        %parallel_loop3A_660 = arith.muli %parallel_loop3A_570, %parallel_loop3A_659 : i32
        %parallel_loop3A_661 = arith.constant 1 : i32
        %parallel_loop3A_662 = arith.constant 4 : i32
        %parallel_loop3A_663 = arith.index_cast %parallel_loop3A_661 : i32 to index
        %parallel_loop3A_664 = arith.index_cast %parallel_loop3A_662 : i32 to index
        %parallel_loop3A_665 = arith.index_cast %parallel_loop3A_660 : i32 to index
        %parallel_loop3A_666 = tpu.vector_load %arg6[%parallel_loop3A_663, %parallel_loop3A_664, %parallel_loop3A_665] {strides = array<i32>} : memref<3x8x2048xf32, #tpu.memory_space<vmem>>, vector<1x1x16xf32>,
        %parallel_loop3A_667 = vector.shape_cast %parallel_loop3A_666 : vector<1x1x16xf32> to vector<16xf32>
        %parallel_loop3A_668 = arith.constant 45.2548332 : f32
        %parallel_loop3A_669 = vector.broadcast %parallel_loop3A_668 : f32 to vector<16xf32>
        %parallel_loop3A_670 = arith.mulf %parallel_loop3A_667, %parallel_loop3A_669 : vector<16xf32>
        %parallel_loop3A_671 = arith.constant 16 : i32
        %parallel_loop3A_672 = arith.muli %parallel_loop3A_570, %parallel_loop3A_671 : i32
        %parallel_loop3A_673 = arith.constant 1 : i32
        %parallel_loop3A_674 = arith.constant 4 : i32
        %parallel_loop3A_675 = arith.index_cast %parallel_loop3A_673 : i32 to index
        %parallel_loop3A_676 = arith.index_cast %parallel_loop3A_674 : i32 to index
        %parallel_loop3A_677 = arith.index_cast %parallel_loop3A_672 : i32 to index
        %parallel_loop3A_678 = tpu.vector_load %arg7[%parallel_loop3A_675, %parallel_loop3A_676, %parallel_loop3A_677] {strides = array<i32>} : memref<3x8x2048xf32, #tpu.memory_space<vmem>>, vector<1x1x16xf32>,
        %parallel_loop3A_679 = vector.shape_cast %parallel_loop3A_678 : vector<1x1x16xf32> to vector<16xf32>
        %parallel_loop3A_680 = vector.shape_cast %parallel_loop3A_670 : vector<16xf32> to vector<1x1x16xf32>
        tpu.vector_store %arg7[%parallel_loop3A_675, %parallel_loop3A_676, %parallel_loop3A_677], %parallel_loop3A_680 {strides = array<i32>} : memref<3x8x2048xf32, #tpu.memory_space<vmem>>, vector<1x1x16xf32>,
        %parallel_loop3A_681 = arith.constant 16 : i32
        %parallel_loop3A_682 = arith.muli %parallel_loop3A_570, %parallel_loop3A_681 : i32
        %parallel_loop3A_683 = arith.constant 1 : i32
        %parallel_loop3A_684 = arith.constant 5 : i32
        %parallel_loop3A_685 = arith.index_cast %parallel_loop3A_683 : i32 to index
        %parallel_loop3A_686 = arith.index_cast %parallel_loop3A_684 : i32 to index
        %parallel_loop3A_687 = arith.index_cast %parallel_loop3A_682 : i32 to index
        %parallel_loop3A_688 = tpu.vector_load %arg6[%parallel_loop3A_685, %parallel_loop3A_686, %parallel_loop3A_687] {strides = array<i32>} : memref<3x8x2048xf32, #tpu.memory_space<vmem>>, vector<1x1x16xf32>,
        %parallel_loop3A_689 = vector.shape_cast %parallel_loop3A_688 : vector<1x1x16xf32> to vector<16xf32>
        %parallel_loop3A_690 = arith.constant 45.2548332 : f32
        %parallel_loop3A_691 = vector.broadcast %parallel_loop3A_690 : f32 to vector<16xf32>
        %parallel_loop3A_692 = arith.mulf %parallel_loop3A_689, %parallel_loop3A_691 : vector<16xf32>
        %parallel_loop3A_693 = arith.constant 16 : i32
        %parallel_loop3A_694 = arith.muli %parallel_loop3A_570, %parallel_loop3A_693 : i32
        %parallel_loop3A_695 = arith.constant 1 : i32
        %parallel_loop3A_696 = arith.constant 5 : i32
        %parallel_loop3A_697 = arith.index_cast %parallel_loop3A_695 : i32 to index
        %parallel_loop3A_698 = arith.index_cast %parallel_loop3A_696 : i32 to index
        %parallel_loop3A_699 = arith.index_cast %parallel_loop3A_694 : i32 to index
        %parallel_loop3A_700 = tpu.vector_load %arg7[%parallel_loop3A_697, %parallel_loop3A_698, %parallel_loop3A_699] {strides = array<i32>} : memref<3x8x2048xf32, #tpu.memory_space<vmem>>, vector<1x1x16xf32>,
        %parallel_loop3A_701 = vector.shape_cast %parallel_loop3A_700 : vector<1x1x16xf32> to vector<16xf32>
        %parallel_loop3A_702 = vector.shape_cast %parallel_loop3A_692 : vector<16xf32> to vector<1x1x16xf32>
        tpu.vector_store %arg7[%parallel_loop3A_697, %parallel_loop3A_698, %parallel_loop3A_699], %parallel_loop3A_702 {strides = array<i32>} : memref<3x8x2048xf32, #tpu.memory_space<vmem>>, vector<1x1x16xf32>,
        %parallel_loop3A_703 = arith.constant 16 : i32
        %parallel_loop3A_704 = arith.muli %parallel_loop3A_570, %parallel_loop3A_703 : i32
        %parallel_loop3A_705 = arith.constant 1 : i32
        %parallel_loop3A_706 = arith.constant 6 : i32
        %parallel_loop3A_707 = arith.index_cast %parallel_loop3A_705 : i32 to index
        %parallel_loop3A_708 = arith.index_cast %parallel_loop3A_706 : i32 to index
        %parallel_loop3A_709 = arith.index_cast %parallel_loop3A_704 : i32 to index
        %parallel_loop3A_710 = tpu.vector_load %arg6[%parallel_loop3A_707, %parallel_loop3A_708, %parallel_loop3A_709] {strides = array<i32>} : memref<3x8x2048xf32, #tpu.memory_space<vmem>>, vector<1x1x16xf32>,
        %parallel_loop3A_711 = vector.shape_cast %parallel_loop3A_710 : vector<1x1x16xf32> to vector<16xf32>
        %parallel_loop3A_712 = arith.constant 45.2548332 : f32
        %parallel_loop3A_713 = vector.broadcast %parallel_loop3A_712 : f32 to vector<16xf32>
        %parallel_loop3A_714 = arith.mulf %parallel_loop3A_711, %parallel_loop3A_713 : vector<16xf32>
        %parallel_loop3A_715 = arith.constant 16 : i32
        %parallel_loop3A_716 = arith.muli %parallel_loop3A_570, %parallel_loop3A_715 : i32
        %parallel_loop3A_717 = arith.constant 1 : i32
        %parallel_loop3A_718 = arith.constant 6 : i32
        %parallel_loop3A_719 = arith.index_cast %parallel_loop3A_717 : i32 to index
        %parallel_loop3A_720 = arith.index_cast %parallel_loop3A_718 : i32 to index
        %parallel_loop3A_721 = arith.index_cast %parallel_loop3A_716 : i32 to index
        %parallel_loop3A_722 = tpu.vector_load %arg7[%parallel_loop3A_719, %parallel_loop3A_720, %parallel_loop3A_721] {strides = array<i32>} : memref<3x8x2048xf32, #tpu.memory_space<vmem>>, vector<1x1x16xf32>,
        %parallel_loop3A_723 = vector.shape_cast %parallel_loop3A_722 : vector<1x1x16xf32> to vector<16xf32>
        %parallel_loop3A_724 = vector.shape_cast %parallel_loop3A_714 : vector<16xf32> to vector<1x1x16xf32>
        tpu.vector_store %arg7[%parallel_loop3A_719, %parallel_loop3A_720, %parallel_loop3A_721], %parallel_loop3A_724 {strides = array<i32>} : memref<3x8x2048xf32, #tpu.memory_space<vmem>>, vector<1x1x16xf32>,
        %parallel_loop3A_725 = arith.constant 16 : i32
        %parallel_loop3A_726 = arith.muli %parallel_loop3A_570, %parallel_loop3A_725 : i32
        %parallel_loop3A_727 = arith.constant 1 : i32
        %parallel_loop3A_728 = arith.constant 7 : i32
        %parallel_loop3A_729 = arith.index_cast %parallel_loop3A_727 : i32 to index
        %parallel_loop3A_730 = arith.index_cast %parallel_loop3A_728 : i32 to index
        %parallel_loop3A_731 = arith.index_cast %parallel_loop3A_726 : i32 to index
        %parallel_loop3A_732 = tpu.vector_load %arg6[%parallel_loop3A_729, %parallel_loop3A_730, %parallel_loop3A_731] {strides = array<i32>} : memref<3x8x2048xf32, #tpu.memory_space<vmem>>, vector<1x1x16xf32>,
        %parallel_loop3A_733 = vector.shape_cast %parallel_loop3A_732 : vector<1x1x16xf32> to vector<16xf32>
        %parallel_loop3A_734 = arith.constant 45.2548332 : f32
        %parallel_loop3A_735 = vector.broadcast %parallel_loop3A_734 : f32 to vector<16xf32>
        %parallel_loop3A_736 = arith.mulf %parallel_loop3A_733, %parallel_loop3A_735 : vector<16xf32>
        %parallel_loop3A_737 = arith.constant 16 : i32
        %parallel_loop3A_738 = arith.muli %parallel_loop3A_570, %parallel_loop3A_737 : i32
        %parallel_loop3A_739 = arith.constant 1 : i32
        %parallel_loop3A_740 = arith.constant 7 : i32
        %parallel_loop3A_741 = arith.index_cast %parallel_loop3A_739 : i32 to index
        %parallel_loop3A_742 = arith.index_cast %parallel_loop3A_740 : i32 to index
        %parallel_loop3A_743 = arith.index_cast %parallel_loop3A_738 : i32 to index
        %parallel_loop3A_744 = tpu.vector_load %arg7[%parallel_loop3A_741, %parallel_loop3A_742, %parallel_loop3A_743] {strides = array<i32>} : memref<3x8x2048xf32, #tpu.memory_space<vmem>>, vector<1x1x16xf32>,
        %parallel_loop3A_745 = vector.shape_cast %parallel_loop3A_744 : vector<1x1x16xf32> to vector<16xf32>
        %parallel_loop3A_746 = vector.shape_cast %parallel_loop3A_736 : vector<16xf32> to vector<1x1x16xf32>
        tpu.vector_store %arg7[%parallel_loop3A_741, %parallel_loop3A_742, %parallel_loop3A_743], %parallel_loop3A_746 {strides = array<i32>} : memref<3x8x2048xf32, #tpu.memory_space<vmem>>, vector<1x1x16xf32>,
      } {sc.loop_unroll_factor = 8 : i64, sc.parallel_access}
      %add3A_482 = arith.constant 3 : i32
      %add3A_483 = arith.addi %add3A_453, %add3A_482 : i32
      %dma_start3A_484 = arith.constant 1 : i32
      %dma_start3A_485 = arith.constant 0 : i32
      %dma_start3A_486 = arith.constant 0 : i32
      %dma_start3A_487 = tpu.memref_slice %arg6[%dma_start3A_484, %dma_start3A_485, %dma_start3A_486] : memref<3x8x2048xf32, #tpu.memory_space<vmem>> -> memref<1x8x2048xf32, #tpu.memory_space<vmem>>
      %dma_start3A_488 = tpu.memref_squeeze %dma_start3A_487 : memref<1x8x2048xf32, #tpu.memory_space<vmem>> -> memref<8x2048xf32, #tpu.memory_space<vmem>>
      %dma_start3A_489 = arith.constant 0 : i32
      %dma_start3A_490 = tpu.memref_slice %arg5[%add3A_483, %dma_start3A_489] : memref<64x8xi32, #tpu.memory_space<vmem>> -> memref<1x8xi32, #tpu.memory_space<vmem>>
      %dma_start3A_491 = tpu.memref_squeeze %dma_start3A_490 : memref<1x8xi32, #tpu.memory_space<vmem>> -> memref<8xi32, #tpu.memory_space<vmem>>
      %dma_start3A_492 = arith.constant 0 : i32
      %dma_start3A_493 = arith.constant 0 : i32
      %dma_start3A_494 = tpu.memref_slice %arg3[%dma_start3A_492, %dma_start3A_493] : memref<100000x2048xf32, #tpu.memory_space<hbm>> -> memref<100000x2048xf32, #tpu.memory_space<hbm>>
      tpu.enqueue_indirect_dma source(%dma_start3A_494 : memref<100000x2048xf32, #tpu.memory_space<hbm>>) target(%dma_start3A_488 : memref<8x2048xf32, #tpu.memory_space<vmem>>) offsets(%dma_start3A_491 : memref<8xi32, #tpu.memory_space<vmem>>) semaphore(%arg9 : memref<!tpu.dma_semaphore, #tpu.memory_space<semaphore_mem>>)
      %mul3A_495 = arith.constant 8 : i32
      %mul3A_496 = arith.muli %add3A_453, %mul3A_495 : i32
      %add3A_497 = arith.addi %mul3A_2, %mul3A_496 : i32
      %dma_start3A_498 = arith.constant 1 : i32
      %dma_start3A_499 = arith.constant 0 : i32
      %dma_start3A_500 = arith.constant 0 : i32
      %dma_start3A_501 = tpu.memref_slice %arg7[%dma_start3A_498, %dma_start3A_499, %dma_start3A_500] : memref<3x8x2048xf32, #tpu.memory_space<vmem>> -> memref<1x8x2048xf32, #tpu.memory_space<vmem>>
      %dma_start3A_502 = tpu.memref_squeeze %dma_start3A_501 : memref<1x8x2048xf32, #tpu.memory_space<vmem>> -> memref<8x2048xf32, #tpu.memory_space<vmem>>
      %dma_start3A_503 = arith.constant 0 : i32
      %dma_start3A_504 = tpu.memref_slice %arg4[%add3A_497, %dma_start3A_503] : memref<16384x2048xf32, #tpu.memory_space<hbm>> -> memref<8x2048xf32, #tpu.memory_space<hbm>>
      %dma_start3A_505 = arith.constant 0 : i32
      %dma_start3A_506 = tpu.memref_slice %arg4[%add3A_497, %dma_start3A_505] : memref<16384x2048xf32, #tpu.memory_space<hbm>> -> memref<8x2048xf32, #tpu.memory_space<hbm>>
      %dma_start3A_507 = arith.constant 0 : i32
      %dma_start3A_508 = arith.constant 0 : i32
      %dma_start3A_509 = tpu.memref_slice %arg7[%dma_start3A_498, %dma_start3A_507, %dma_start3A_508] : memref<3x8x2048xf32, #tpu.memory_space<vmem>> -> memref<1x8x2048xf32, #tpu.memory_space<vmem>>
      %dma_start3A_510 = tpu.memref_squeeze %dma_start3A_509 : memref<1x8x2048xf32, #tpu.memory_space<vmem>> -> memref<8x2048xf32, #tpu.memory_space<vmem>>
      tpu.enqueue_dma source(%dma_start3A_510 : memref<8x2048xf32, #tpu.memory_space<vmem>>) target(%dma_start3A_506 : memref<8x2048xf32, #tpu.memory_space<hbm>>) target_semaphore(%arg12 : memref<!tpu.dma_semaphore, #tpu.memory_space<semaphore_mem>>)
      %add3A_511 = arith.constant 2 : i32
      %add3A_512 = arith.addi %mul3A_392, %add3A_511 : i32
      %dma_wait3A_513 = arith.constant 0 : i32
      %dma_wait3A_514 = arith.constant 2 : i32
      %dma_wait3A_515 = arith.constant 0 : i32
      %dma_wait3A_516 = arith.constant 0 : i32
      %dma_wait3A_517 = tpu.memref_slice %arg6[%dma_wait3A_514, %dma_wait3A_515, %dma_wait3A_516] : memref<3x8x2048xf32, #tpu.memory_space<vmem>> -> memref<1x8x2048xf32, #tpu.memory_space<vmem>>
      %dma_wait3A_518 = tpu.memref_squeeze %dma_wait3A_517 : memref<1x8x2048xf32, #tpu.memory_space<vmem>> -> memref<8x2048xf32, #tpu.memory_space<vmem>>
      %dma_wait3A_519 = arith.constant 0 : i32
      %dma_wait3A_520 = tpu.memref_slice %arg5[%dma_wait3A_513, %dma_wait3A_519] : memref<64x8xi32, #tpu.memory_space<vmem>> -> memref<1x8xi32, #tpu.memory_space<vmem>>
      %dma_wait3A_521 = tpu.memref_squeeze %dma_wait3A_520 : memref<1x8xi32, #tpu.memory_space<vmem>> -> memref<8xi32, #tpu.memory_space<vmem>>
      %dma_wait3A_522 = arith.constant 0 : i32
      %dma_wait3A_523 = arith.constant 0 : i32
      %dma_wait3A_524 = tpu.memref_slice %arg3[%dma_wait3A_522, %dma_wait3A_523] : memref<100000x2048xf32, #tpu.memory_space<hbm>> -> memref<100000x2048xf32, #tpu.memory_space<hbm>>
      tpu.wait_indirect_dma semaphore(%arg10 : memref<!tpu.dma_semaphore, #tpu.memory_space<semaphore_mem>>) src(%dma_wait3A_524 : memref<100000x2048xf32, #tpu.memory_space<hbm>>) dst(%dma_wait3A_518 : memref<8x2048xf32, #tpu.memory_space<vmem>>)
      %dma_wait3A_525 = arith.constant 2 : i32
      %dma_wait3A_526 = arith.constant 0 : i32
      %dma_wait3A_527 = arith.constant 0 : i32
      %dma_wait3A_528 = tpu.memref_slice %arg7[%dma_wait3A_525, %dma_wait3A_526, %dma_wait3A_527] : memref<3x8x2048xf32, #tpu.memory_space<vmem>> -> memref<1x8x2048xf32, #tpu.memory_space<vmem>>
      %dma_wait3A_529 = tpu.memref_squeeze %dma_wait3A_528 : memref<1x8x2048xf32, #tpu.memory_space<vmem>> -> memref<8x2048xf32, #tpu.memory_space<vmem>>
      %dma_wait3A_530 = arith.constant 0 : i32
      %dma_wait3A_531 = tpu.memref_slice %arg4[%mul3A_2, %dma_wait3A_530] : memref<16384x2048xf32, #tpu.memory_space<hbm>> -> memref<8x2048xf32, #tpu.memory_space<hbm>>
      %dma_wait3A_532 = arith.constant 0 : i32
      %dma_wait3A_533 = tpu.memref_slice %arg4[%mul3A_2, %dma_wait3A_532] : memref<16384x2048xf32, #tpu.memory_space<hbm>> -> memref<8x2048xf32, #tpu.memory_space<hbm>>
      %dma_wait3A_534 = arith.constant 0 : i32
      %dma_wait3A_535 = arith.constant 0 : i32
      %dma_wait3A_536 = tpu.memref_slice %arg7[%dma_wait3A_525, %dma_wait3A_534, %dma_wait3A_535] : memref<3x8x2048xf32, #tpu.memory_space<vmem>> -> memref<1x8x2048xf32, #tpu.memory_space<vmem>>
      %dma_wait3A_537 = tpu.memref_squeeze %dma_wait3A_536 : memref<1x8x2048xf32, #tpu.memory_space<vmem>> -> memref<8x2048xf32, #tpu.memory_space<vmem>>
      tpu.wait_dma2 semaphore(%arg13 : memref<!tpu.dma_semaphore, #tpu.memory_space<semaphore_mem>>) src(%dma_wait3A_537 : memref<8x2048xf32, #tpu.memory_space<vmem>>) dst(%dma_wait3A_533 : memref<8x2048xf32, #tpu.memory_space<hbm>>)
      %parallel_loop3A_538 = arith.constant 0 : i32
      %parallel_loop3A_539 = arith.constant 128 : i32
      %parallel_loop3A_540 = arith.constant 1 : i32
      scf.for %parallel_loop3A_570 = %parallel_loop3A_538 to %parallel_loop3A_539 step %parallel_loop3A_540  : i32 {
        %parallel_loop3A_571 = arith.constant 16 : i32
        %parallel_loop3A_572 = arith.muli %parallel_loop3A_570, %parallel_loop3A_571 : i32
        %parallel_loop3A_573 = arith.constant 2 : i32
        %parallel_loop3A_574 = arith.constant 0 : i32
        %parallel_loop3A_575 = arith.index_cast %parallel_loop3A_573 : i32 to index
        %parallel_loop3A_576 = arith.index_cast %parallel_loop3A_574 : i32 to index
        %parallel_loop3A_577 = arith.index_cast %parallel_loop3A_572 : i32 to index
        %parallel_loop3A_578 = tpu.vector_load %arg6[%parallel_loop3A_575, %parallel_loop3A_576, %parallel_loop3A_577] {strides = array<i32>} : memref<3x8x2048xf32, #tpu.memory_space<vmem>>, vector<1x1x16xf32>,
        %parallel_loop3A_579 = vector.shape_cast %parallel_loop3A_578 : vector<1x1x16xf32> to vector<16xf32>
        %parallel_loop3A_580 = arith.constant 45.2548332 : f32
        %parallel_loop3A_581 = vector.broadcast %parallel_loop3A_580 : f32 to vector<16xf32>
        %parallel_loop3A_582 = arith.mulf %parallel_loop3A_579, %parallel_loop3A_581 : vector<16xf32>
        %parallel_loop3A_583 = arith.constant 16 : i32
        %parallel_loop3A_584 = arith.muli %parallel_loop3A_570, %parallel_loop3A_583 : i32
        %parallel_loop3A_585 = arith.constant 2 : i32
        %parallel_loop3A_586 = arith.constant 0 : i32
        %parallel_loop3A_587 = arith.index_cast %parallel_loop3A_585 : i32 to index
        %parallel_loop3A_588 = arith.index_cast %parallel_loop3A_586 : i32 to index
        %parallel_loop3A_589 = arith.index_cast %parallel_loop3A_584 : i32 to index
        %parallel_loop3A_590 = tpu.vector_load %arg7[%parallel_loop3A_587, %parallel_loop3A_588, %parallel_loop3A_589] {strides = array<i32>} : memref<3x8x2048xf32, #tpu.memory_space<vmem>>, vector<1x1x16xf32>,
        %parallel_loop3A_591 = vector.shape_cast %parallel_loop3A_590 : vector<1x1x16xf32> to vector<16xf32>
        %parallel_loop3A_592 = vector.shape_cast %parallel_loop3A_582 : vector<16xf32> to vector<1x1x16xf32>
        tpu.vector_store %arg7[%parallel_loop3A_587, %parallel_loop3A_588, %parallel_loop3A_589], %parallel_loop3A_592 {strides = array<i32>} : memref<3x8x2048xf32, #tpu.memory_space<vmem>>, vector<1x1x16xf32>,
        %parallel_loop3A_593 = arith.constant 16 : i32
        %parallel_loop3A_594 = arith.muli %parallel_loop3A_570, %parallel_loop3A_593 : i32
        %parallel_loop3A_595 = arith.constant 2 : i32
        %parallel_loop3A_596 = arith.constant 1 : i32
        %parallel_loop3A_597 = arith.index_cast %parallel_loop3A_595 : i32 to index
        %parallel_loop3A_598 = arith.index_cast %parallel_loop3A_596 : i32 to index
        %parallel_loop3A_599 = arith.index_cast %parallel_loop3A_594 : i32 to index
        %parallel_loop3A_600 = tpu.vector_load %arg6[%parallel_loop3A_597, %parallel_loop3A_598, %parallel_loop3A_599] {strides = array<i32>} : memref<3x8x2048xf32, #tpu.memory_space<vmem>>, vector<1x1x16xf32>,
        %parallel_loop3A_601 = vector.shape_cast %parallel_loop3A_600 : vector<1x1x16xf32> to vector<16xf32>
        %parallel_loop3A_602 = arith.constant 45.2548332 : f32
        %parallel_loop3A_603 = vector.broadcast %parallel_loop3A_602 : f32 to vector<16xf32>
        %parallel_loop3A_604 = arith.mulf %parallel_loop3A_601, %parallel_loop3A_603 : vector<16xf32>
        %parallel_loop3A_605 = arith.constant 16 : i32
        %parallel_loop3A_606 = arith.muli %parallel_loop3A_570, %parallel_loop3A_605 : i32
        %parallel_loop3A_607 = arith.constant 2 : i32
        %parallel_loop3A_608 = arith.constant 1 : i32
        %parallel_loop3A_609 = arith.index_cast %parallel_loop3A_607 : i32 to index
        %parallel_loop3A_610 = arith.index_cast %parallel_loop3A_608 : i32 to index
        %parallel_loop3A_611 = arith.index_cast %parallel_loop3A_606 : i32 to index
        %parallel_loop3A_612 = tpu.vector_load %arg7[%parallel_loop3A_609, %parallel_loop3A_610, %parallel_loop3A_611] {strides = array<i32>} : memref<3x8x2048xf32, #tpu.memory_space<vmem>>, vector<1x1x16xf32>,
        %parallel_loop3A_613 = vector.shape_cast %parallel_loop3A_612 : vector<1x1x16xf32> to vector<16xf32>
        %parallel_loop3A_614 = vector.shape_cast %parallel_loop3A_604 : vector<16xf32> to vector<1x1x16xf32>
        tpu.vector_store %arg7[%parallel_loop3A_609, %parallel_loop3A_610, %parallel_loop3A_611], %parallel_loop3A_614 {strides = array<i32>} : memref<3x8x2048xf32, #tpu.memory_space<vmem>>, vector<1x1x16xf32>,
        %parallel_loop3A_615 = arith.constant 16 : i32
        %parallel_loop3A_616 = arith.muli %parallel_loop3A_570, %parallel_loop3A_615 : i32
        %parallel_loop3A_617 = arith.constant 2 : i32
        %parallel_loop3A_618 = arith.constant 2 : i32
        %parallel_loop3A_619 = arith.index_cast %parallel_loop3A_617 : i32 to index
        %parallel_loop3A_620 = arith.index_cast %parallel_loop3A_618 : i32 to index
        %parallel_loop3A_621 = arith.index_cast %parallel_loop3A_616 : i32 to index
        %parallel_loop3A_622 = tpu.vector_load %arg6[%parallel_loop3A_619, %parallel_loop3A_620, %parallel_loop3A_621] {strides = array<i32>} : memref<3x8x2048xf32, #tpu.memory_space<vmem>>, vector<1x1x16xf32>,
        %parallel_loop3A_623 = vector.shape_cast %parallel_loop3A_622 : vector<1x1x16xf32> to vector<16xf32>
        %parallel_loop3A_624 = arith.constant 45.2548332 : f32
        %parallel_loop3A_625 = vector.broadcast %parallel_loop3A_624 : f32 to vector<16xf32>
        %parallel_loop3A_626 = arith.mulf %parallel_loop3A_623, %parallel_loop3A_625 : vector<16xf32>
        %parallel_loop3A_627 = arith.constant 16 : i32
        %parallel_loop3A_628 = arith.muli %parallel_loop3A_570, %parallel_loop3A_627 : i32
        %parallel_loop3A_629 = arith.constant 2 : i32
        %parallel_loop3A_630 = arith.constant 2 : i32
        %parallel_loop3A_631 = arith.index_cast %parallel_loop3A_629 : i32 to index
        %parallel_loop3A_632 = arith.index_cast %parallel_loop3A_630 : i32 to index
        %parallel_loop3A_633 = arith.index_cast %parallel_loop3A_628 : i32 to index
        %parallel_loop3A_634 = tpu.vector_load %arg7[%parallel_loop3A_631, %parallel_loop3A_632, %parallel_loop3A_633] {strides = array<i32>} : memref<3x8x2048xf32, #tpu.memory_space<vmem>>, vector<1x1x16xf32>,
        %parallel_loop3A_635 = vector.shape_cast %parallel_loop3A_634 : vector<1x1x16xf32> to vector<16xf32>
        %parallel_loop3A_636 = vector.shape_cast %parallel_loop3A_626 : vector<16xf32> to vector<1x1x16xf32>
        tpu.vector_store %arg7[%parallel_loop3A_631, %parallel_loop3A_632, %parallel_loop3A_633], %parallel_loop3A_636 {strides = array<i32>} : memref<3x8x2048xf32, #tpu.memory_space<vmem>>, vector<1x1x16xf32>,
        %parallel_loop3A_637 = arith.constant 16 : i32
        %parallel_loop3A_638 = arith.muli %parallel_loop3A_570, %parallel_loop3A_637 : i32
        %parallel_loop3A_639 = arith.constant 2 : i32
        %parallel_loop3A_640 = arith.constant 3 : i32
        %parallel_loop3A_641 = arith.index_cast %parallel_loop3A_639 : i32 to index
        %parallel_loop3A_642 = arith.index_cast %parallel_loop3A_640 : i32 to index
        %parallel_loop3A_643 = arith.index_cast %parallel_loop3A_638 : i32 to index
        %parallel_loop3A_644 = tpu.vector_load %arg6[%parallel_loop3A_641, %parallel_loop3A_642, %parallel_loop3A_643] {strides = array<i32>} : memref<3x8x2048xf32, #tpu.memory_space<vmem>>, vector<1x1x16xf32>,
        %parallel_loop3A_645 = vector.shape_cast %parallel_loop3A_644 : vector<1x1x16xf32> to vector<16xf32>
        %parallel_loop3A_646 = arith.constant 45.2548332 : f32
        %parallel_loop3A_647 = vector.broadcast %parallel_loop3A_646 : f32 to vector<16xf32>
        %parallel_loop3A_648 = arith.mulf %parallel_loop3A_645, %parallel_loop3A_647 : vector<16xf32>
        %parallel_loop3A_649 = arith.constant 16 : i32
        %parallel_loop3A_650 = arith.muli %parallel_loop3A_570, %parallel_loop3A_649 : i32
        %parallel_loop3A_651 = arith.constant 2 : i32
        %parallel_loop3A_652 = arith.constant 3 : i32
        %parallel_loop3A_653 = arith.index_cast %parallel_loop3A_651 : i32 to index
        %parallel_loop3A_654 = arith.index_cast %parallel_loop3A_652 : i32 to index
        %parallel_loop3A_655 = arith.index_cast %parallel_loop3A_650 : i32 to index
        %parallel_loop3A_656 = tpu.vector_load %arg7[%parallel_loop3A_653, %parallel_loop3A_654, %parallel_loop3A_655] {strides = array<i32>} : memref<3x8x2048xf32, #tpu.memory_space<vmem>>, vector<1x1x16xf32>,
        %parallel_loop3A_657 = vector.shape_cast %parallel_loop3A_656 : vector<1x1x16xf32> to vector<16xf32>
        %parallel_loop3A_658 = vector.shape_cast %parallel_loop3A_648 : vector<16xf32> to vector<1x1x16xf32>
        tpu.vector_store %arg7[%parallel_loop3A_653, %parallel_loop3A_654, %parallel_loop3A_655], %parallel_loop3A_658 {strides = array<i32>} : memref<3x8x2048xf32, #tpu.memory_space<vmem>>, vector<1x1x16xf32>,
        %parallel_loop3A_659 = arith.constant 16 : i32
        %parallel_loop3A_660 = arith.muli %parallel_loop3A_570, %parallel_loop3A_659 : i32
        %parallel_loop3A_661 = arith.constant 2 : i32
        %parallel_loop3A_662 = arith.constant 4 : i32
        %parallel_loop3A_663 = arith.index_cast %parallel_loop3A_661 : i32 to index
        %parallel_loop3A_664 = arith.index_cast %parallel_loop3A_662 : i32 to index
        %parallel_loop3A_665 = arith.index_cast %parallel_loop3A_660 : i32 to index
        %parallel_loop3A_666 = tpu.vector_load %arg6[%parallel_loop3A_663, %parallel_loop3A_664, %parallel_loop3A_665] {strides = array<i32>} : memref<3x8x2048xf32, #tpu.memory_space<vmem>>, vector<1x1x16xf32>,
        %parallel_loop3A_667 = vector.shape_cast %parallel_loop3A_666 : vector<1x1x16xf32> to vector<16xf32>
        %parallel_loop3A_668 = arith.constant 45.2548332 : f32
        %parallel_loop3A_669 = vector.broadcast %parallel_loop3A_668 : f32 to vector<16xf32>
        %parallel_loop3A_670 = arith.mulf %parallel_loop3A_667, %parallel_loop3A_669 : vector<16xf32>
        %parallel_loop3A_671 = arith.constant 16 : i32
        %parallel_loop3A_672 = arith.muli %parallel_loop3A_570, %parallel_loop3A_671 : i32
        %parallel_loop3A_673 = arith.constant 2 : i32
        %parallel_loop3A_674 = arith.constant 4 : i32
        %parallel_loop3A_675 = arith.index_cast %parallel_loop3A_673 : i32 to index
        %parallel_loop3A_676 = arith.index_cast %parallel_loop3A_674 : i32 to index
        %parallel_loop3A_677 = arith.index_cast %parallel_loop3A_672 : i32 to index
        %parallel_loop3A_678 = tpu.vector_load %arg7[%parallel_loop3A_675, %parallel_loop3A_676, %parallel_loop3A_677] {strides = array<i32>} : memref<3x8x2048xf32, #tpu.memory_space<vmem>>, vector<1x1x16xf32>,
        %parallel_loop3A_679 = vector.shape_cast %parallel_loop3A_678 : vector<1x1x16xf32> to vector<16xf32>
        %parallel_loop3A_680 = vector.shape_cast %parallel_loop3A_670 : vector<16xf32> to vector<1x1x16xf32>
        tpu.vector_store %arg7[%parallel_loop3A_675, %parallel_loop3A_676, %parallel_loop3A_677], %parallel_loop3A_680 {strides = array<i32>} : memref<3x8x2048xf32, #tpu.memory_space<vmem>>, vector<1x1x16xf32>,
        %parallel_loop3A_681 = arith.constant 16 : i32
        %parallel_loop3A_682 = arith.muli %parallel_loop3A_570, %parallel_loop3A_681 : i32
        %parallel_loop3A_683 = arith.constant 2 : i32
        %parallel_loop3A_684 = arith.constant 5 : i32
        %parallel_loop3A_685 = arith.index_cast %parallel_loop3A_683 : i32 to index
        %parallel_loop3A_686 = arith.index_cast %parallel_loop3A_684 : i32 to index
        %parallel_loop3A_687 = arith.index_cast %parallel_loop3A_682 : i32 to index
        %parallel_loop3A_688 = tpu.vector_load %arg6[%parallel_loop3A_685, %parallel_loop3A_686, %parallel_loop3A_687] {strides = array<i32>} : memref<3x8x2048xf32, #tpu.memory_space<vmem>>, vector<1x1x16xf32>,
        %parallel_loop3A_689 = vector.shape_cast %parallel_loop3A_688 : vector<1x1x16xf32> to vector<16xf32>
        %parallel_loop3A_690 = arith.constant 45.2548332 : f32
        %parallel_loop3A_691 = vector.broadcast %parallel_loop3A_690 : f32 to vector<16xf32>
        %parallel_loop3A_692 = arith.mulf %parallel_loop3A_689, %parallel_loop3A_691 : vector<16xf32>
        %parallel_loop3A_693 = arith.constant 16 : i32
        %parallel_loop3A_694 = arith.muli %parallel_loop3A_570, %parallel_loop3A_693 : i32
        %parallel_loop3A_695 = arith.constant 2 : i32
        %parallel_loop3A_696 = arith.constant 5 : i32
        %parallel_loop3A_697 = arith.index_cast %parallel_loop3A_695 : i32 to index
        %parallel_loop3A_698 = arith.index_cast %parallel_loop3A_696 : i32 to index
        %parallel_loop3A_699 = arith.index_cast %parallel_loop3A_694 : i32 to index
        %parallel_loop3A_700 = tpu.vector_load %arg7[%parallel_loop3A_697, %parallel_loop3A_698, %parallel_loop3A_699] {strides = array<i32>} : memref<3x8x2048xf32, #tpu.memory_space<vmem>>, vector<1x1x16xf32>,
        %parallel_loop3A_701 = vector.shape_cast %parallel_loop3A_700 : vector<1x1x16xf32> to vector<16xf32>
        %parallel_loop3A_702 = vector.shape_cast %parallel_loop3A_692 : vector<16xf32> to vector<1x1x16xf32>
        tpu.vector_store %arg7[%parallel_loop3A_697, %parallel_loop3A_698, %parallel_loop3A_699], %parallel_loop3A_702 {strides = array<i32>} : memref<3x8x2048xf32, #tpu.memory_space<vmem>>, vector<1x1x16xf32>,
        %parallel_loop3A_703 = arith.constant 16 : i32
        %parallel_loop3A_704 = arith.muli %parallel_loop3A_570, %parallel_loop3A_703 : i32
        %parallel_loop3A_705 = arith.constant 2 : i32
        %parallel_loop3A_706 = arith.constant 6 : i32
        %parallel_loop3A_707 = arith.index_cast %parallel_loop3A_705 : i32 to index
        %parallel_loop3A_708 = arith.index_cast %parallel_loop3A_706 : i32 to index
        %parallel_loop3A_709 = arith.index_cast %parallel_loop3A_704 : i32 to index
        %parallel_loop3A_710 = tpu.vector_load %arg6[%parallel_loop3A_707, %parallel_loop3A_708, %parallel_loop3A_709] {strides = array<i32>} : memref<3x8x2048xf32, #tpu.memory_space<vmem>>, vector<1x1x16xf32>,
        %parallel_loop3A_711 = vector.shape_cast %parallel_loop3A_710 : vector<1x1x16xf32> to vector<16xf32>
        %parallel_loop3A_712 = arith.constant 45.2548332 : f32
        %parallel_loop3A_713 = vector.broadcast %parallel_loop3A_712 : f32 to vector<16xf32>
        %parallel_loop3A_714 = arith.mulf %parallel_loop3A_711, %parallel_loop3A_713 : vector<16xf32>
        %parallel_loop3A_715 = arith.constant 16 : i32
        %parallel_loop3A_716 = arith.muli %parallel_loop3A_570, %parallel_loop3A_715 : i32
        %parallel_loop3A_717 = arith.constant 2 : i32
        %parallel_loop3A_718 = arith.constant 6 : i32
        %parallel_loop3A_719 = arith.index_cast %parallel_loop3A_717 : i32 to index
        %parallel_loop3A_720 = arith.index_cast %parallel_loop3A_718 : i32 to index
        %parallel_loop3A_721 = arith.index_cast %parallel_loop3A_716 : i32 to index
        %parallel_loop3A_722 = tpu.vector_load %arg7[%parallel_loop3A_719, %parallel_loop3A_720, %parallel_loop3A_721] {strides = array<i32>} : memref<3x8x2048xf32, #tpu.memory_space<vmem>>, vector<1x1x16xf32>,
        %parallel_loop3A_723 = vector.shape_cast %parallel_loop3A_722 : vector<1x1x16xf32> to vector<16xf32>
        %parallel_loop3A_724 = vector.shape_cast %parallel_loop3A_714 : vector<16xf32> to vector<1x1x16xf32>
        tpu.vector_store %arg7[%parallel_loop3A_719, %parallel_loop3A_720, %parallel_loop3A_721], %parallel_loop3A_724 {strides = array<i32>} : memref<3x8x2048xf32, #tpu.memory_space<vmem>>, vector<1x1x16xf32>,
        %parallel_loop3A_725 = arith.constant 16 : i32
        %parallel_loop3A_726 = arith.muli %parallel_loop3A_570, %parallel_loop3A_725 : i32
        %parallel_loop3A_727 = arith.constant 2 : i32
        %parallel_loop3A_728 = arith.constant 7 : i32
        %parallel_loop3A_729 = arith.index_cast %parallel_loop3A_727 : i32 to index
        %parallel_loop3A_730 = arith.index_cast %parallel_loop3A_728 : i32 to index
        %parallel_loop3A_731 = arith.index_cast %parallel_loop3A_726 : i32 to index
        %parallel_loop3A_732 = tpu.vector_load %arg6[%parallel_loop3A_729, %parallel_loop3A_730, %parallel_loop3A_731] {strides = array<i32>} : memref<3x8x2048xf32, #tpu.memory_space<vmem>>, vector<1x1x16xf32>,
        %parallel_loop3A_733 = vector.shape_cast %parallel_loop3A_732 : vector<1x1x16xf32> to vector<16xf32>
        %parallel_loop3A_734 = arith.constant 45.2548332 : f32
        %parallel_loop3A_735 = vector.broadcast %parallel_loop3A_734 : f32 to vector<16xf32>
        %parallel_loop3A_736 = arith.mulf %parallel_loop3A_733, %parallel_loop3A_735 : vector<16xf32>
        %parallel_loop3A_737 = arith.constant 16 : i32
        %parallel_loop3A_738 = arith.muli %parallel_loop3A_570, %parallel_loop3A_737 : i32
        %parallel_loop3A_739 = arith.constant 2 : i32
        %parallel_loop3A_740 = arith.constant 7 : i32
        %parallel_loop3A_741 = arith.index_cast %parallel_loop3A_739 : i32 to index
        %parallel_loop3A_742 = arith.index_cast %parallel_loop3A_740 : i32 to index
        %parallel_loop3A_743 = arith.index_cast %parallel_loop3A_738 : i32 to index
        %parallel_loop3A_744 = tpu.vector_load %arg7[%parallel_loop3A_741, %parallel_loop3A_742, %parallel_loop3A_743] {strides = array<i32>} : memref<3x8x2048xf32, #tpu.memory_space<vmem>>, vector<1x1x16xf32>,
        %parallel_loop3A_745 = vector.shape_cast %parallel_loop3A_744 : vector<1x1x16xf32> to vector<16xf32>
        %parallel_loop3A_746 = vector.shape_cast %parallel_loop3A_736 : vector<16xf32> to vector<1x1x16xf32>
        tpu.vector_store %arg7[%parallel_loop3A_741, %parallel_loop3A_742, %parallel_loop3A_743], %parallel_loop3A_746 {strides = array<i32>} : memref<3x8x2048xf32, #tpu.memory_space<vmem>>, vector<1x1x16xf32>,
      } {sc.loop_unroll_factor = 8 : i64, sc.parallel_access}
      %add3A_541 = arith.constant 3 : i32
      %add3A_542 = arith.addi %add3A_512, %add3A_541 : i32
      %dma_start3A_543 = arith.constant 2 : i32
      %dma_start3A_544 = arith.constant 0 : i32
      %dma_start3A_545 = arith.constant 0 : i32
      %dma_start3A_546 = tpu.memref_slice %arg6[%dma_start3A_543, %dma_start3A_544, %dma_start3A_545] : memref<3x8x2048xf32, #tpu.memory_space<vmem>> -> memref<1x8x2048xf32, #tpu.memory_space<vmem>>
      %dma_start3A_547 = tpu.memref_squeeze %dma_start3A_546 : memref<1x8x2048xf32, #tpu.memory_space<vmem>> -> memref<8x2048xf32, #tpu.memory_space<vmem>>
      %dma_start3A_548 = arith.constant 0 : i32
      %dma_start3A_549 = tpu.memref_slice %arg5[%add3A_542, %dma_start3A_548] : memref<64x8xi32, #tpu.memory_space<vmem>> -> memref<1x8xi32, #tpu.memory_space<vmem>>
      %dma_start3A_550 = tpu.memref_squeeze %dma_start3A_549 : memref<1x8xi32, #tpu.memory_space<vmem>> -> memref<8xi32, #tpu.memory_space<vmem>>
      %dma_start3A_551 = arith.constant 0 : i32
      %dma_start3A_552 = arith.constant 0 : i32
      %dma_start3A_553 = tpu.memref_slice %arg3[%dma_start3A_551, %dma_start3A_552] : memref<100000x2048xf32, #tpu.memory_space<hbm>> -> memref<100000x2048xf32, #tpu.memory_space<hbm>>
      tpu.enqueue_indirect_dma source(%dma_start3A_553 : memref<100000x2048xf32, #tpu.memory_space<hbm>>) target(%dma_start3A_547 : memref<8x2048xf32, #tpu.memory_space<vmem>>) offsets(%dma_start3A_550 : memref<8xi32, #tpu.memory_space<vmem>>) semaphore(%arg10 : memref<!tpu.dma_semaphore, #tpu.memory_space<semaphore_mem>>)
      %mul3A_554 = arith.constant 8 : i32
      %mul3A_555 = arith.muli %add3A_512, %mul3A_554 : i32
      %add3A_556 = arith.addi %mul3A_2, %mul3A_555 : i32
      %dma_start3A_557 = arith.constant 2 : i32
      %dma_start3A_558 = arith.constant 0 : i32
      %dma_start3A_559 = arith.constant 0 : i32
      %dma_start3A_560 = tpu.memref_slice %arg7[%dma_start3A_557, %dma_start3A_558, %dma_start3A_559] : memref<3x8x2048xf32, #tpu.memory_space<vmem>> -> memref<1x8x2048xf32, #tpu.memory_space<vmem>>
      %dma_start3A_561 = tpu.memref_squeeze %dma_start3A_560 : memref<1x8x2048xf32, #tpu.memory_space<vmem>> -> memref<8x2048xf32, #tpu.memory_space<vmem>>
      %dma_start3A_562 = arith.constant 0 : i32
      %dma_start3A_563 = tpu.memref_slice %arg4[%add3A_556, %dma_start3A_562] : memref<16384x2048xf32, #tpu.memory_space<hbm>> -> memref<8x2048xf32, #tpu.memory_space<hbm>>
      %dma_start3A_564 = arith.constant 0 : i32
      %dma_start3A_565 = tpu.memref_slice %arg4[%add3A_556, %dma_start3A_564] : memref<16384x2048xf32, #tpu.memory_space<hbm>> -> memref<8x2048xf32, #tpu.memory_space<hbm>>
      %dma_start3A_566 = arith.constant 0 : i32
      %dma_start3A_567 = arith.constant 0 : i32
      %dma_start3A_568 = tpu.memref_slice %arg7[%dma_start3A_557, %dma_start3A_566, %dma_start3A_567] : memref<3x8x2048xf32, #tpu.memory_space<vmem>> -> memref<1x8x2048xf32, #tpu.memory_space<vmem>>
      %dma_start3A_569 = tpu.memref_squeeze %dma_start3A_568 : memref<1x8x2048xf32, #tpu.memory_space<vmem>> -> memref<8x2048xf32, #tpu.memory_space<vmem>>
      tpu.enqueue_dma source(%dma_start3A_569 : memref<8x2048xf32, #tpu.memory_space<vmem>>) target(%dma_start3A_565 : memref<8x2048xf32, #tpu.memory_space<hbm>>) target_semaphore(%arg13 : memref<!tpu.dma_semaphore, #tpu.memory_space<semaphore_mem>>)
    }
    %scan3A_166 = arith.constant 19 : i32
    %dma_wait3A_167 = arith.constant 0 : i32
    %dma_wait3A_168 = arith.constant 0 : i32
    %dma_wait3A_169 = arith.constant 0 : i32
    %dma_wait3A_170 = arith.constant 0 : i32
    %dma_wait3A_171 = tpu.memref_slice %arg6[%dma_wait3A_168, %dma_wait3A_169, %dma_wait3A_170] : memref<3x8x2048xf32, #tpu.memory_space<vmem>> -> memref<1x8x2048xf32, #tpu.memory_space<vmem>>
    %dma_wait3A_172 = tpu.memref_squeeze %dma_wait3A_171 : memref<1x8x2048xf32, #tpu.memory_space<vmem>> -> memref<8x2048xf32, #tpu.memory_space<vmem>>
    %dma_wait3A_173 = arith.constant 0 : i32
    %dma_wait3A_174 = tpu.memref_slice %arg5[%dma_wait3A_167, %dma_wait3A_173] : memref<64x8xi32, #tpu.memory_space<vmem>> -> memref<1x8xi32, #tpu.memory_space<vmem>>
    %dma_wait3A_175 = tpu.memref_squeeze %dma_wait3A_174 : memref<1x8xi32, #tpu.memory_space<vmem>> -> memref<8xi32, #tpu.memory_space<vmem>>
    %dma_wait3A_176 = arith.constant 0 : i32
    %dma_wait3A_177 = arith.constant 0 : i32
    %dma_wait3A_178 = tpu.memref_slice %arg3[%dma_wait3A_176, %dma_wait3A_177] : memref<100000x2048xf32, #tpu.memory_space<hbm>> -> memref<100000x2048xf32, #tpu.memory_space<hbm>>
    tpu.wait_indirect_dma semaphore(%arg8 : memref<!tpu.dma_semaphore, #tpu.memory_space<semaphore_mem>>) src(%dma_wait3A_178 : memref<100000x2048xf32, #tpu.memory_space<hbm>>) dst(%dma_wait3A_172 : memref<8x2048xf32, #tpu.memory_space<vmem>>)
    %dma_wait3A_179 = arith.constant 0 : i32
    %dma_wait3A_180 = arith.constant 0 : i32
    %dma_wait3A_181 = arith.constant 0 : i32
    %dma_wait3A_182 = tpu.memref_slice %arg7[%dma_wait3A_179, %dma_wait3A_180, %dma_wait3A_181] : memref<3x8x2048xf32, #tpu.memory_space<vmem>> -> memref<1x8x2048xf32, #tpu.memory_space<vmem>>
    %dma_wait3A_183 = tpu.memref_squeeze %dma_wait3A_182 : memref<1x8x2048xf32, #tpu.memory_space<vmem>> -> memref<8x2048xf32, #tpu.memory_space<vmem>>
    %dma_wait3A_184 = arith.constant 0 : i32
    %dma_wait3A_185 = tpu.memref_slice %arg4[%mul3A_2, %dma_wait3A_184] : memref<16384x2048xf32, #tpu.memory_space<hbm>> -> memref<8x2048xf32, #tpu.memory_space<hbm>>
    %dma_wait3A_186 = arith.constant 0 : i32
    %dma_wait3A_187 = tpu.memref_slice %arg4[%mul3A_2, %dma_wait3A_186] : memref<16384x2048xf32, #tpu.memory_space<hbm>> -> memref<8x2048xf32, #tpu.memory_space<hbm>>
    %dma_wait3A_188 = arith.constant 0 : i32
    %dma_wait3A_189 = arith.constant 0 : i32
    %dma_wait3A_190 = tpu.memref_slice %arg7[%dma_wait3A_179, %dma_wait3A_188, %dma_wait3A_189] : memref<3x8x2048xf32, #tpu.memory_space<vmem>> -> memref<1x8x2048xf32, #tpu.memory_space<vmem>>
    %dma_wait3A_191 = tpu.memref_squeeze %dma_wait3A_190 : memref<1x8x2048xf32, #tpu.memory_space<vmem>> -> memref<8x2048xf32, #tpu.memory_space<vmem>>
    tpu.wait_dma2 semaphore(%arg11 : memref<!tpu.dma_semaphore, #tpu.memory_space<semaphore_mem>>) src(%dma_wait3A_191 : memref<8x2048xf32, #tpu.memory_space<vmem>>) dst(%dma_wait3A_187 : memref<8x2048xf32, #tpu.memory_space<hbm>>)
    %parallel_loop3A_192 = arith.constant 0 : i32
    %parallel_loop3A_193 = arith.constant 128 : i32
    %parallel_loop3A_194 = arith.constant 1 : i32
    scf.for %parallel_loop3A_390 = %parallel_loop3A_192 to %parallel_loop3A_193 step %parallel_loop3A_194  : i32 {
      %parallel_loop3A_391 = arith.constant 16 : i32
      %parallel_loop3A_392 = arith.muli %parallel_loop3A_390, %parallel_loop3A_391 : i32
      %parallel_loop3A_393 = arith.constant 0 : i32
      %parallel_loop3A_394 = arith.constant 0 : i32
      %parallel_loop3A_395 = arith.index_cast %parallel_loop3A_393 : i32 to index
      %parallel_loop3A_396 = arith.index_cast %parallel_loop3A_394 : i32 to index
      %parallel_loop3A_397 = arith.index_cast %parallel_loop3A_392 : i32 to index
      %parallel_loop3A_398 = tpu.vector_load %arg6[%parallel_loop3A_395, %parallel_loop3A_396, %parallel_loop3A_397] {strides = array<i32>} : memref<3x8x2048xf32, #tpu.memory_space<vmem>>, vector<1x1x16xf32>,
      %parallel_loop3A_399 = vector.shape_cast %parallel_loop3A_398 : vector<1x1x16xf32> to vector<16xf32>
      %parallel_loop3A_400 = arith.constant 45.2548332 : f32
      %parallel_loop3A_401 = vector.broadcast %parallel_loop3A_400 : f32 to vector<16xf32>
      %parallel_loop3A_402 = arith.mulf %parallel_loop3A_399, %parallel_loop3A_401 : vector<16xf32>
      %parallel_loop3A_403 = arith.constant 16 : i32
      %parallel_loop3A_404 = arith.muli %parallel_loop3A_390, %parallel_loop3A_403 : i32
      %parallel_loop3A_405 = arith.constant 0 : i32
      %parallel_loop3A_406 = arith.constant 0 : i32
      %parallel_loop3A_407 = arith.index_cast %parallel_loop3A_405 : i32 to index
      %parallel_loop3A_408 = arith.index_cast %parallel_loop3A_406 : i32 to index
      %parallel_loop3A_409 = arith.index_cast %parallel_loop3A_404 : i32 to index
      %parallel_loop3A_410 = tpu.vector_load %arg7[%parallel_loop3A_407, %parallel_loop3A_408, %parallel_loop3A_409] {strides = array<i32>} : memref<3x8x2048xf32, #tpu.memory_space<vmem>>, vector<1x1x16xf32>,
      %parallel_loop3A_411 = vector.shape_cast %parallel_loop3A_410 : vector<1x1x16xf32> to vector<16xf32>
      %parallel_loop3A_412 = vector.shape_cast %parallel_loop3A_402 : vector<16xf32> to vector<1x1x16xf32>
      tpu.vector_store %arg7[%parallel_loop3A_407, %parallel_loop3A_408, %parallel_loop3A_409], %parallel_loop3A_412 {strides = array<i32>} : memref<3x8x2048xf32, #tpu.memory_space<vmem>>, vector<1x1x16xf32>,
      %parallel_loop3A_413 = arith.constant 16 : i32
      %parallel_loop3A_414 = arith.muli %parallel_loop3A_390, %parallel_loop3A_413 : i32
      %parallel_loop3A_415 = arith.constant 0 : i32
      %parallel_loop3A_416 = arith.constant 1 : i32
      %parallel_loop3A_417 = arith.index_cast %parallel_loop3A_415 : i32 to index
      %parallel_loop3A_418 = arith.index_cast %parallel_loop3A_416 : i32 to index
      %parallel_loop3A_419 = arith.index_cast %parallel_loop3A_414 : i32 to index
      %parallel_loop3A_420 = tpu.vector_load %arg6[%parallel_loop3A_417, %parallel_loop3A_418, %parallel_loop3A_419] {strides = array<i32>} : memref<3x8x2048xf32, #tpu.memory_space<vmem>>, vector<1x1x16xf32>,
      %parallel_loop3A_421 = vector.shape_cast %parallel_loop3A_420 : vector<1x1x16xf32> to vector<16xf32>
      %parallel_loop3A_422 = arith.constant 45.2548332 : f32
      %parallel_loop3A_423 = vector.broadcast %parallel_loop3A_422 : f32 to vector<16xf32>
      %parallel_loop3A_424 = arith.mulf %parallel_loop3A_421, %parallel_loop3A_423 : vector<16xf32>
      %parallel_loop3A_425 = arith.constant 16 : i32
      %parallel_loop3A_426 = arith.muli %parallel_loop3A_390, %parallel_loop3A_425 : i32
      %parallel_loop3A_427 = arith.constant 0 : i32
      %parallel_loop3A_428 = arith.constant 1 : i32
      %parallel_loop3A_429 = arith.index_cast %parallel_loop3A_427 : i32 to index
      %parallel_loop3A_430 = arith.index_cast %parallel_loop3A_428 : i32 to index
      %parallel_loop3A_431 = arith.index_cast %parallel_loop3A_426 : i32 to index
      %parallel_loop3A_432 = tpu.vector_load %arg7[%parallel_loop3A_429, %parallel_loop3A_430, %parallel_loop3A_431] {strides = array<i32>} : memref<3x8x2048xf32, #tpu.memory_space<vmem>>, vector<1x1x16xf32>,
      %parallel_loop3A_433 = vector.shape_cast %parallel_loop3A_432 : vector<1x1x16xf32> to vector<16xf32>
      %parallel_loop3A_434 = vector.shape_cast %parallel_loop3A_424 : vector<16xf32> to vector<1x1x16xf32>
      tpu.vector_store %arg7[%parallel_loop3A_429, %parallel_loop3A_430, %parallel_loop3A_431], %parallel_loop3A_434 {strides = array<i32>} : memref<3x8x2048xf32, #tpu.memory_space<vmem>>, vector<1x1x16xf32>,
      %parallel_loop3A_435 = arith.constant 16 : i32
      %parallel_loop3A_436 = arith.muli %parallel_loop3A_390, %parallel_loop3A_435 : i32
      %parallel_loop3A_437 = arith.constant 0 : i32
      %parallel_loop3A_438 = arith.constant 2 : i32
      %parallel_loop3A_439 = arith.index_cast %parallel_loop3A_437 : i32 to index
      %parallel_loop3A_440 = arith.index_cast %parallel_loop3A_438 : i32 to index
      %parallel_loop3A_441 = arith.index_cast %parallel_loop3A_436 : i32 to index
      %parallel_loop3A_442 = tpu.vector_load %arg6[%parallel_loop3A_439, %parallel_loop3A_440, %parallel_loop3A_441] {strides = array<i32>} : memref<3x8x2048xf32, #tpu.memory_space<vmem>>, vector<1x1x16xf32>,
      %parallel_loop3A_443 = vector.shape_cast %parallel_loop3A_442 : vector<1x1x16xf32> to vector<16xf32>
      %parallel_loop3A_444 = arith.constant 45.2548332 : f32
      %parallel_loop3A_445 = vector.broadcast %parallel_loop3A_444 : f32 to vector<16xf32>
      %parallel_loop3A_446 = arith.mulf %parallel_loop3A_443, %parallel_loop3A_445 : vector<16xf32>
      %parallel_loop3A_447 = arith.constant 16 : i32
      %parallel_loop3A_448 = arith.muli %parallel_loop3A_390, %parallel_loop3A_447 : i32
      %parallel_loop3A_449 = arith.constant 0 : i32
      %parallel_loop3A_450 = arith.constant 2 : i32
      %parallel_loop3A_451 = arith.index_cast %parallel_loop3A_449 : i32 to index
      %parallel_loop3A_452 = arith.index_cast %parallel_loop3A_450 : i32 to index
      %parallel_loop3A_453 = arith.index_cast %parallel_loop3A_448 : i32 to index
      %parallel_loop3A_454 = tpu.vector_load %arg7[%parallel_loop3A_451, %parallel_loop3A_452, %parallel_loop3A_453] {strides = array<i32>} : memref<3x8x2048xf32, #tpu.memory_space<vmem>>, vector<1x1x16xf32>,
      %parallel_loop3A_455 = vector.shape_cast %parallel_loop3A_454 : vector<1x1x16xf32> to vector<16xf32>
      %parallel_loop3A_456 = vector.shape_cast %parallel_loop3A_446 : vector<16xf32> to vector<1x1x16xf32>
      tpu.vector_store %arg7[%parallel_loop3A_451, %parallel_loop3A_452, %parallel_loop3A_453], %parallel_loop3A_456 {strides = array<i32>} : memref<3x8x2048xf32, #tpu.memory_space<vmem>>, vector<1x1x16xf32>,
      %parallel_loop3A_457 = arith.constant 16 : i32
      %parallel_loop3A_458 = arith.muli %parallel_loop3A_390, %parallel_loop3A_457 : i32
      %parallel_loop3A_459 = arith.constant 0 : i32
      %parallel_loop3A_460 = arith.constant 3 : i32
      %parallel_loop3A_461 = arith.index_cast %parallel_loop3A_459 : i32 to index
      %parallel_loop3A_462 = arith.index_cast %parallel_loop3A_460 : i32 to index
      %parallel_loop3A_463 = arith.index_cast %parallel_loop3A_458 : i32 to index
      %parallel_loop3A_464 = tpu.vector_load %arg6[%parallel_loop3A_461, %parallel_loop3A_462, %parallel_loop3A_463] {strides = array<i32>} : memref<3x8x2048xf32, #tpu.memory_space<vmem>>, vector<1x1x16xf32>,
      %parallel_loop3A_465 = vector.shape_cast %parallel_loop3A_464 : vector<1x1x16xf32> to vector<16xf32>
      %parallel_loop3A_466 = arith.constant 45.2548332 : f32
      %parallel_loop3A_467 = vector.broadcast %parallel_loop3A_466 : f32 to vector<16xf32>
      %parallel_loop3A_468 = arith.mulf %parallel_loop3A_465, %parallel_loop3A_467 : vector<16xf32>
      %parallel_loop3A_469 = arith.constant 16 : i32
      %parallel_loop3A_470 = arith.muli %parallel_loop3A_390, %parallel_loop3A_469 : i32
      %parallel_loop3A_471 = arith.constant 0 : i32
      %parallel_loop3A_472 = arith.constant 3 : i32
      %parallel_loop3A_473 = arith.index_cast %parallel_loop3A_471 : i32 to index
      %parallel_loop3A_474 = arith.index_cast %parallel_loop3A_472 : i32 to index
      %parallel_loop3A_475 = arith.index_cast %parallel_loop3A_470 : i32 to index
      %parallel_loop3A_476 = tpu.vector_load %arg7[%parallel_loop3A_473, %parallel_loop3A_474, %parallel_loop3A_475] {strides = array<i32>} : memref<3x8x2048xf32, #tpu.memory_space<vmem>>, vector<1x1x16xf32>,
      %parallel_loop3A_477 = vector.shape_cast %parallel_loop3A_476 : vector<1x1x16xf32> to vector<16xf32>
      %parallel_loop3A_478 = vector.shape_cast %parallel_loop3A_468 : vector<16xf32> to vector<1x1x16xf32>
      tpu.vector_store %arg7[%parallel_loop3A_473, %parallel_loop3A_474, %parallel_loop3A_475], %parallel_loop3A_478 {strides = array<i32>} : memref<3x8x2048xf32, #tpu.memory_space<vmem>>, vector<1x1x16xf32>,
      %parallel_loop3A_479 = arith.constant 16 : i32
      %parallel_loop3A_480 = arith.muli %parallel_loop3A_390, %parallel_loop3A_479 : i32
      %parallel_loop3A_481 = arith.constant 0 : i32
      %parallel_loop3A_482 = arith.constant 4 : i32
      %parallel_loop3A_483 = arith.index_cast %parallel_loop3A_481 : i32 to index
      %parallel_loop3A_484 = arith.index_cast %parallel_loop3A_482 : i32 to index
      %parallel_loop3A_485 = arith.index_cast %parallel_loop3A_480 : i32 to index
      %parallel_loop3A_486 = tpu.vector_load %arg6[%parallel_loop3A_483, %parallel_loop3A_484, %parallel_loop3A_485] {strides = array<i32>} : memref<3x8x2048xf32, #tpu.memory_space<vmem>>, vector<1x1x16xf32>,
      %parallel_loop3A_487 = vector.shape_cast %parallel_loop3A_486 : vector<1x1x16xf32> to vector<16xf32>
      %parallel_loop3A_488 = arith.constant 45.2548332 : f32
      %parallel_loop3A_489 = vector.broadcast %parallel_loop3A_488 : f32 to vector<16xf32>
      %parallel_loop3A_490 = arith.mulf %parallel_loop3A_487, %parallel_loop3A_489 : vector<16xf32>
      %parallel_loop3A_491 = arith.constant 16 : i32
      %parallel_loop3A_492 = arith.muli %parallel_loop3A_390, %parallel_loop3A_491 : i32
      %parallel_loop3A_493 = arith.constant 0 : i32
      %parallel_loop3A_494 = arith.constant 4 : i32
      %parallel_loop3A_495 = arith.index_cast %parallel_loop3A_493 : i32 to index
      %parallel_loop3A_496 = arith.index_cast %parallel_loop3A_494 : i32 to index
      %parallel_loop3A_497 = arith.index_cast %parallel_loop3A_492 : i32 to index
      %parallel_loop3A_498 = tpu.vector_load %arg7[%parallel_loop3A_495, %parallel_loop3A_496, %parallel_loop3A_497] {strides = array<i32>} : memref<3x8x2048xf32, #tpu.memory_space<vmem>>, vector<1x1x16xf32>,
      %parallel_loop3A_499 = vector.shape_cast %parallel_loop3A_498 : vector<1x1x16xf32> to vector<16xf32>
      %parallel_loop3A_500 = vector.shape_cast %parallel_loop3A_490 : vector<16xf32> to vector<1x1x16xf32>
      tpu.vector_store %arg7[%parallel_loop3A_495, %parallel_loop3A_496, %parallel_loop3A_497], %parallel_loop3A_500 {strides = array<i32>} : memref<3x8x2048xf32, #tpu.memory_space<vmem>>, vector<1x1x16xf32>,
      %parallel_loop3A_501 = arith.constant 16 : i32
      %parallel_loop3A_502 = arith.muli %parallel_loop3A_390, %parallel_loop3A_501 : i32
      %parallel_loop3A_503 = arith.constant 0 : i32
      %parallel_loop3A_504 = arith.constant 5 : i32
      %parallel_loop3A_505 = arith.index_cast %parallel_loop3A_503 : i32 to index
      %parallel_loop3A_506 = arith.index_cast %parallel_loop3A_504 : i32 to index
      %parallel_loop3A_507 = arith.index_cast %parallel_loop3A_502 : i32 to index
      %parallel_loop3A_508 = tpu.vector_load %arg6[%parallel_loop3A_505, %parallel_loop3A_506, %parallel_loop3A_507] {strides = array<i32>} : memref<3x8x2048xf32, #tpu.memory_space<vmem>>, vector<1x1x16xf32>,
      %parallel_loop3A_509 = vector.shape_cast %parallel_loop3A_508 : vector<1x1x16xf32> to vector<16xf32>
      %parallel_loop3A_510 = arith.constant 45.2548332 : f32
      %parallel_loop3A_511 = vector.broadcast %parallel_loop3A_510 : f32 to vector<16xf32>
      %parallel_loop3A_512 = arith.mulf %parallel_loop3A_509, %parallel_loop3A_511 : vector<16xf32>
      %parallel_loop3A_513 = arith.constant 16 : i32
      %parallel_loop3A_514 = arith.muli %parallel_loop3A_390, %parallel_loop3A_513 : i32
      %parallel_loop3A_515 = arith.constant 0 : i32
      %parallel_loop3A_516 = arith.constant 5 : i32
      %parallel_loop3A_517 = arith.index_cast %parallel_loop3A_515 : i32 to index
      %parallel_loop3A_518 = arith.index_cast %parallel_loop3A_516 : i32 to index
      %parallel_loop3A_519 = arith.index_cast %parallel_loop3A_514 : i32 to index
      %parallel_loop3A_520 = tpu.vector_load %arg7[%parallel_loop3A_517, %parallel_loop3A_518, %parallel_loop3A_519] {strides = array<i32>} : memref<3x8x2048xf32, #tpu.memory_space<vmem>>, vector<1x1x16xf32>,
      %parallel_loop3A_521 = vector.shape_cast %parallel_loop3A_520 : vector<1x1x16xf32> to vector<16xf32>
      %parallel_loop3A_522 = vector.shape_cast %parallel_loop3A_512 : vector<16xf32> to vector<1x1x16xf32>
      tpu.vector_store %arg7[%parallel_loop3A_517, %parallel_loop3A_518, %parallel_loop3A_519], %parallel_loop3A_522 {strides = array<i32>} : memref<3x8x2048xf32, #tpu.memory_space<vmem>>, vector<1x1x16xf32>,
      %parallel_loop3A_523 = arith.constant 16 : i32
      %parallel_loop3A_524 = arith.muli %parallel_loop3A_390, %parallel_loop3A_523 : i32
      %parallel_loop3A_525 = arith.constant 0 : i32
      %parallel_loop3A_526 = arith.constant 6 : i32
      %parallel_loop3A_527 = arith.index_cast %parallel_loop3A_525 : i32 to index
      %parallel_loop3A_528 = arith.index_cast %parallel_loop3A_526 : i32 to index
      %parallel_loop3A_529 = arith.index_cast %parallel_loop3A_524 : i32 to index
      %parallel_loop3A_530 = tpu.vector_load %arg6[%parallel_loop3A_527, %parallel_loop3A_528, %parallel_loop3A_529] {strides = array<i32>} : memref<3x8x2048xf32, #tpu.memory_space<vmem>>, vector<1x1x16xf32>,
      %parallel_loop3A_531 = vector.shape_cast %parallel_loop3A_530 : vector<1x1x16xf32> to vector<16xf32>
      %parallel_loop3A_532 = arith.constant 45.2548332 : f32
      %parallel_loop3A_533 = vector.broadcast %parallel_loop3A_532 : f32 to vector<16xf32>
      %parallel_loop3A_534 = arith.mulf %parallel_loop3A_531, %parallel_loop3A_533 : vector<16xf32>
      %parallel_loop3A_535 = arith.constant 16 : i32
      %parallel_loop3A_536 = arith.muli %parallel_loop3A_390, %parallel_loop3A_535 : i32
      %parallel_loop3A_537 = arith.constant 0 : i32
      %parallel_loop3A_538 = arith.constant 6 : i32
      %parallel_loop3A_539 = arith.index_cast %parallel_loop3A_537 : i32 to index
      %parallel_loop3A_540 = arith.index_cast %parallel_loop3A_538 : i32 to index
      %parallel_loop3A_541 = arith.index_cast %parallel_loop3A_536 : i32 to index
      %parallel_loop3A_542 = tpu.vector_load %arg7[%parallel_loop3A_539, %parallel_loop3A_540, %parallel_loop3A_541] {strides = array<i32>} : memref<3x8x2048xf32, #tpu.memory_space<vmem>>, vector<1x1x16xf32>,
      %parallel_loop3A_543 = vector.shape_cast %parallel_loop3A_542 : vector<1x1x16xf32> to vector<16xf32>
      %parallel_loop3A_544 = vector.shape_cast %parallel_loop3A_534 : vector<16xf32> to vector<1x1x16xf32>
      tpu.vector_store %arg7[%parallel_loop3A_539, %parallel_loop3A_540, %parallel_loop3A_541], %parallel_loop3A_544 {strides = array<i32>} : memref<3x8x2048xf32, #tpu.memory_space<vmem>>, vector<1x1x16xf32>,
      %parallel_loop3A_545 = arith.constant 16 : i32
      %parallel_loop3A_546 = arith.muli %parallel_loop3A_390, %parallel_loop3A_545 : i32
      %parallel_loop3A_547 = arith.constant 0 : i32
      %parallel_loop3A_548 = arith.constant 7 : i32
      %parallel_loop3A_549 = arith.index_cast %parallel_loop3A_547 : i32 to index
      %parallel_loop3A_550 = arith.index_cast %parallel_loop3A_548 : i32 to index
      %parallel_loop3A_551 = arith.index_cast %parallel_loop3A_546 : i32 to index
      %parallel_loop3A_552 = tpu.vector_load %arg6[%parallel_loop3A_549, %parallel_loop3A_550, %parallel_loop3A_551] {strides = array<i32>} : memref<3x8x2048xf32, #tpu.memory_space<vmem>>, vector<1x1x16xf32>,
      %parallel_loop3A_553 = vector.shape_cast %parallel_loop3A_552 : vector<1x1x16xf32> to vector<16xf32>
      %parallel_loop3A_554 = arith.constant 45.2548332 : f32
      %parallel_loop3A_555 = vector.broadcast %parallel_loop3A_554 : f32 to vector<16xf32>
      %parallel_loop3A_556 = arith.mulf %parallel_loop3A_553, %parallel_loop3A_555 : vector<16xf32>
      %parallel_loop3A_557 = arith.constant 16 : i32
      %parallel_loop3A_558 = arith.muli %parallel_loop3A_390, %parallel_loop3A_557 : i32
      %parallel_loop3A_559 = arith.constant 0 : i32
      %parallel_loop3A_560 = arith.constant 7 : i32
      %parallel_loop3A_561 = arith.index_cast %parallel_loop3A_559 : i32 to index
      %parallel_loop3A_562 = arith.index_cast %parallel_loop3A_560 : i32 to index
      %parallel_loop3A_563 = arith.index_cast %parallel_loop3A_558 : i32 to index
      %parallel_loop3A_564 = tpu.vector_load %arg7[%parallel_loop3A_561, %parallel_loop3A_562, %parallel_loop3A_563] {strides = array<i32>} : memref<3x8x2048xf32, #tpu.memory_space<vmem>>, vector<1x1x16xf32>,
      %parallel_loop3A_565 = vector.shape_cast %parallel_loop3A_564 : vector<1x1x16xf32> to vector<16xf32>
      %parallel_loop3A_566 = vector.shape_cast %parallel_loop3A_556 : vector<16xf32> to vector<1x1x16xf32>
      tpu.vector_store %arg7[%parallel_loop3A_561, %parallel_loop3A_562, %parallel_loop3A_563], %parallel_loop3A_566 {strides = array<i32>} : memref<3x8x2048xf32, #tpu.memory_space<vmem>>, vector<1x1x16xf32>,
    } {sc.loop_unroll_factor = 8 : i64, sc.parallel_access}
    %dma_start3A_195 = arith.constant 63 : i32
    %dma_start3A_196 = arith.constant 0 : i32
    %dma_start3A_197 = arith.constant 0 : i32
    %dma_start3A_198 = arith.constant 0 : i32
    %dma_start3A_199 = tpu.memref_slice %arg6[%dma_start3A_196, %dma_start3A_197, %dma_start3A_198] : memref<3x8x2048xf32, #tpu.memory_space<vmem>> -> memref<1x8x2048xf32, #tpu.memory_space<vmem>>
    %dma_start3A_200 = tpu.memref_squeeze %dma_start3A_199 : memref<1x8x2048xf32, #tpu.memory_space<vmem>> -> memref<8x2048xf32, #tpu.memory_space<vmem>>
    %dma_start3A_201 = arith.constant 0 : i32
    %dma_start3A_202 = tpu.memref_slice %arg5[%dma_start3A_195, %dma_start3A_201] : memref<64x8xi32, #tpu.memory_space<vmem>> -> memref<1x8xi32, #tpu.memory_space<vmem>>
    %dma_start3A_203 = tpu.memref_squeeze %dma_start3A_202 : memref<1x8xi32, #tpu.memory_space<vmem>> -> memref<8xi32, #tpu.memory_space<vmem>>
    %dma_start3A_204 = arith.constant 0 : i32
    %dma_start3A_205 = arith.constant 0 : i32
    %dma_start3A_206 = tpu.memref_slice %arg3[%dma_start3A_204, %dma_start3A_205] : memref<100000x2048xf32, #tpu.memory_space<hbm>> -> memref<100000x2048xf32, #tpu.memory_space<hbm>>
    tpu.enqueue_indirect_dma source(%dma_start3A_206 : memref<100000x2048xf32, #tpu.memory_space<hbm>>) target(%dma_start3A_200 : memref<8x2048xf32, #tpu.memory_space<vmem>>) offsets(%dma_start3A_203 : memref<8xi32, #tpu.memory_space<vmem>>) semaphore(%arg8 : memref<!tpu.dma_semaphore, #tpu.memory_space<semaphore_mem>>)
    %add3A_207 = arith.constant 480 : i32
    %add3A_208 = arith.addi %mul3A_2, %add3A_207 : i32
    %dma_start3A_209 = arith.constant 0 : i32
    %dma_start3A_210 = arith.constant 0 : i32
    %dma_start3A_211 = arith.constant 0 : i32
    %dma_start3A_212 = tpu.memref_slice %arg7[%dma_start3A_209, %dma_start3A_210, %dma_start3A_211] : memref<3x8x2048xf32, #tpu.memory_space<vmem>> -> memref<1x8x2048xf32, #tpu.memory_space<vmem>>
    %dma_start3A_213 = tpu.memref_squeeze %dma_start3A_212 : memref<1x8x2048xf32, #tpu.memory_space<vmem>> -> memref<8x2048xf32, #tpu.memory_space<vmem>>
    %dma_start3A_214 = arith.constant 0 : i32
    %dma_start3A_215 = tpu.memref_slice %arg4[%add3A_208, %dma_start3A_214] : memref<16384x2048xf32, #tpu.memory_space<hbm>> -> memref<8x2048xf32, #tpu.memory_space<hbm>>
    %dma_start3A_216 = arith.constant 0 : i32
    %dma_start3A_217 = tpu.memref_slice %arg4[%add3A_208, %dma_start3A_216] : memref<16384x2048xf32, #tpu.memory_space<hbm>> -> memref<8x2048xf32, #tpu.memory_space<hbm>>
    %dma_start3A_218 = arith.constant 0 : i32
    %dma_start3A_219 = arith.constant 0 : i32
    %dma_start3A_220 = tpu.memref_slice %arg7[%dma_start3A_209, %dma_start3A_218, %dma_start3A_219] : memref<3x8x2048xf32, #tpu.memory_space<vmem>> -> memref<1x8x2048xf32, #tpu.memory_space<vmem>>
    %dma_start3A_221 = tpu.memref_squeeze %dma_start3A_220 : memref<1x8x2048xf32, #tpu.memory_space<vmem>> -> memref<8x2048xf32, #tpu.memory_space<vmem>>
    tpu.enqueue_dma source(%dma_start3A_221 : memref<8x2048xf32, #tpu.memory_space<vmem>>) target(%dma_start3A_217 : memref<8x2048xf32, #tpu.memory_space<hbm>>) target_semaphore(%arg11 : memref<!tpu.dma_semaphore, #tpu.memory_space<semaphore_mem>>)
    %dma_wait3A_222 = arith.constant 0 : i32
    %dma_wait3A_223 = arith.constant 1 : i32
    %dma_wait3A_224 = arith.constant 0 : i32
    %dma_wait3A_225 = arith.constant 0 : i32
    %dma_wait3A_226 = tpu.memref_slice %arg6[%dma_wait3A_223, %dma_wait3A_224, %dma_wait3A_225] : memref<3x8x2048xf32, #tpu.memory_space<vmem>> -> memref<1x8x2048xf32, #tpu.memory_space<vmem>>
    %dma_wait3A_227 = tpu.memref_squeeze %dma_wait3A_226 : memref<1x8x2048xf32, #tpu.memory_space<vmem>> -> memref<8x2048xf32, #tpu.memory_space<vmem>>
    %dma_wait3A_228 = arith.constant 0 : i32
    %dma_wait3A_229 = tpu.memref_slice %arg5[%dma_wait3A_222, %dma_wait3A_228] : memref<64x8xi32, #tpu.memory_space<vmem>> -> memref<1x8xi32, #tpu.memory_space<vmem>>
    %dma_wait3A_230 = tpu.memref_squeeze %dma_wait3A_229 : memref<1x8xi32, #tpu.memory_space<vmem>> -> memref<8xi32, #tpu.memory_space<vmem>>
    %dma_wait3A_231 = arith.constant 0 : i32
    %dma_wait3A_232 = arith.constant 0 : i32
    %dma_wait3A_233 = tpu.memref_slice %arg3[%dma_wait3A_231, %dma_wait3A_232] : memref<100000x2048xf32, #tpu.memory_space<hbm>> -> memref<100000x2048xf32, #tpu.memory_space<hbm>>
    tpu.wait_indirect_dma semaphore(%arg9 : memref<!tpu.dma_semaphore, #tpu.memory_space<semaphore_mem>>) src(%dma_wait3A_233 : memref<100000x2048xf32, #tpu.memory_space<hbm>>) dst(%dma_wait3A_227 : memref<8x2048xf32, #tpu.memory_space<vmem>>)
    %dma_wait3A_234 = arith.constant 1 : i32
    %dma_wait3A_235 = arith.constant 0 : i32
    %dma_wait3A_236 = arith.constant 0 : i32
    %dma_wait3A_237 = tpu.memref_slice %arg7[%dma_wait3A_234, %dma_wait3A_235, %dma_wait3A_236] : memref<3x8x2048xf32, #tpu.memory_space<vmem>> -> memref<1x8x2048xf32, #tpu.memory_space<vmem>>
    %dma_wait3A_238 = tpu.memref_squeeze %dma_wait3A_237 : memref<1x8x2048xf32, #tpu.memory_space<vmem>> -> memref<8x2048xf32, #tpu.memory_space<vmem>>
    %dma_wait3A_239 = arith.constant 0 : i32
    %dma_wait3A_240 = tpu.memref_slice %arg4[%mul3A_2, %dma_wait3A_239] : memref<16384x2048xf32, #tpu.memory_space<hbm>> -> memref<8x2048xf32, #tpu.memory_space<hbm>>
    %dma_wait3A_241 = arith.constant 0 : i32
    %dma_wait3A_242 = tpu.memref_slice %arg4[%mul3A_2, %dma_wait3A_241] : memref<16384x2048xf32, #tpu.memory_space<hbm>> -> memref<8x2048xf32, #tpu.memory_space<hbm>>
    %dma_wait3A_243 = arith.constant 0 : i32
    %dma_wait3A_244 = arith.constant 0 : i32
    %dma_wait3A_245 = tpu.memref_slice %arg7[%dma_wait3A_234, %dma_wait3A_243, %dma_wait3A_244] : memref<3x8x2048xf32, #tpu.memory_space<vmem>> -> memref<1x8x2048xf32, #tpu.memory_space<vmem>>
    %dma_wait3A_246 = tpu.memref_squeeze %dma_wait3A_245 : memref<1x8x2048xf32, #tpu.memory_space<vmem>> -> memref<8x2048xf32, #tpu.memory_space<vmem>>
    tpu.wait_dma2 semaphore(%arg12 : memref<!tpu.dma_semaphore, #tpu.memory_space<semaphore_mem>>) src(%dma_wait3A_246 : memref<8x2048xf32, #tpu.memory_space<vmem>>) dst(%dma_wait3A_242 : memref<8x2048xf32, #tpu.memory_space<hbm>>)
    %parallel_loop3A_247 = arith.constant 0 : i32
    %parallel_loop3A_248 = arith.constant 128 : i32
    %parallel_loop3A_249 = arith.constant 1 : i32
    scf.for %parallel_loop3A_390 = %parallel_loop3A_247 to %parallel_loop3A_248 step %parallel_loop3A_249  : i32 {
      %parallel_loop3A_391 = arith.constant 16 : i32
      %parallel_loop3A_392 = arith.muli %parallel_loop3A_390, %parallel_loop3A_391 : i32
      %parallel_loop3A_393 = arith.constant 1 : i32
      %parallel_loop3A_394 = arith.constant 0 : i32
      %parallel_loop3A_395 = arith.index_cast %parallel_loop3A_393 : i32 to index
      %parallel_loop3A_396 = arith.index_cast %parallel_loop3A_394 : i32 to index
      %parallel_loop3A_397 = arith.index_cast %parallel_loop3A_392 : i32 to index
      %parallel_loop3A_398 = tpu.vector_load %arg6[%parallel_loop3A_395, %parallel_loop3A_396, %parallel_loop3A_397] {strides = array<i32>} : memref<3x8x2048xf32, #tpu.memory_space<vmem>>, vector<1x1x16xf32>,
      %parallel_loop3A_399 = vector.shape_cast %parallel_loop3A_398 : vector<1x1x16xf32> to vector<16xf32>
      %parallel_loop3A_400 = arith.constant 45.2548332 : f32
      %parallel_loop3A_401 = vector.broadcast %parallel_loop3A_400 : f32 to vector<16xf32>
      %parallel_loop3A_402 = arith.mulf %parallel_loop3A_399, %parallel_loop3A_401 : vector<16xf32>
      %parallel_loop3A_403 = arith.constant 16 : i32
      %parallel_loop3A_404 = arith.muli %parallel_loop3A_390, %parallel_loop3A_403 : i32
      %parallel_loop3A_405 = arith.constant 1 : i32
      %parallel_loop3A_406 = arith.constant 0 : i32
      %parallel_loop3A_407 = arith.index_cast %parallel_loop3A_405 : i32 to index
      %parallel_loop3A_408 = arith.index_cast %parallel_loop3A_406 : i32 to index
      %parallel_loop3A_409 = arith.index_cast %parallel_loop3A_404 : i32 to index
      %parallel_loop3A_410 = tpu.vector_load %arg7[%parallel_loop3A_407, %parallel_loop3A_408, %parallel_loop3A_409] {strides = array<i32>} : memref<3x8x2048xf32, #tpu.memory_space<vmem>>, vector<1x1x16xf32>,
      %parallel_loop3A_411 = vector.shape_cast %parallel_loop3A_410 : vector<1x1x16xf32> to vector<16xf32>
      %parallel_loop3A_412 = vector.shape_cast %parallel_loop3A_402 : vector<16xf32> to vector<1x1x16xf32>
      tpu.vector_store %arg7[%parallel_loop3A_407, %parallel_loop3A_408, %parallel_loop3A_409], %parallel_loop3A_412 {strides = array<i32>} : memref<3x8x2048xf32, #tpu.memory_space<vmem>>, vector<1x1x16xf32>,
      %parallel_loop3A_413 = arith.constant 16 : i32
      %parallel_loop3A_414 = arith.muli %parallel_loop3A_390, %parallel_loop3A_413 : i32
      %parallel_loop3A_415 = arith.constant 1 : i32
      %parallel_loop3A_416 = arith.constant 1 : i32
      %parallel_loop3A_417 = arith.index_cast %parallel_loop3A_415 : i32 to index
      %parallel_loop3A_418 = arith.index_cast %parallel_loop3A_416 : i32 to index
      %parallel_loop3A_419 = arith.index_cast %parallel_loop3A_414 : i32 to index
      %parallel_loop3A_420 = tpu.vector_load %arg6[%parallel_loop3A_417, %parallel_loop3A_418, %parallel_loop3A_419] {strides = array<i32>} : memref<3x8x2048xf32, #tpu.memory_space<vmem>>, vector<1x1x16xf32>,
      %parallel_loop3A_421 = vector.shape_cast %parallel_loop3A_420 : vector<1x1x16xf32> to vector<16xf32>
      %parallel_loop3A_422 = arith.constant 45.2548332 : f32
      %parallel_loop3A_423 = vector.broadcast %parallel_loop3A_422 : f32 to vector<16xf32>
      %parallel_loop3A_424 = arith.mulf %parallel_loop3A_421, %parallel_loop3A_423 : vector<16xf32>
      %parallel_loop3A_425 = arith.constant 16 : i32
      %parallel_loop3A_426 = arith.muli %parallel_loop3A_390, %parallel_loop3A_425 : i32
      %parallel_loop3A_427 = arith.constant 1 : i32
      %parallel_loop3A_428 = arith.constant 1 : i32
      %parallel_loop3A_429 = arith.index_cast %parallel_loop3A_427 : i32 to index
      %parallel_loop3A_430 = arith.index_cast %parallel_loop3A_428 : i32 to index
      %parallel_loop3A_431 = arith.index_cast %parallel_loop3A_426 : i32 to index
      %parallel_loop3A_432 = tpu.vector_load %arg7[%parallel_loop3A_429, %parallel_loop3A_430, %parallel_loop3A_431] {strides = array<i32>} : memref<3x8x2048xf32, #tpu.memory_space<vmem>>, vector<1x1x16xf32>,
      %parallel_loop3A_433 = vector.shape_cast %parallel_loop3A_432 : vector<1x1x16xf32> to vector<16xf32>
      %parallel_loop3A_434 = vector.shape_cast %parallel_loop3A_424 : vector<16xf32> to vector<1x1x16xf32>
      tpu.vector_store %arg7[%parallel_loop3A_429, %parallel_loop3A_430, %parallel_loop3A_431], %parallel_loop3A_434 {strides = array<i32>} : memref<3x8x2048xf32, #tpu.memory_space<vmem>>, vector<1x1x16xf32>,
      %parallel_loop3A_435 = arith.constant 16 : i32
      %parallel_loop3A_436 = arith.muli %parallel_loop3A_390, %parallel_loop3A_435 : i32
      %parallel_loop3A_437 = arith.constant 1 : i32
      %parallel_loop3A_438 = arith.constant 2 : i32
      %parallel_loop3A_439 = arith.index_cast %parallel_loop3A_437 : i32 to index
      %parallel_loop3A_440 = arith.index_cast %parallel_loop3A_438 : i32 to index
      %parallel_loop3A_441 = arith.index_cast %parallel_loop3A_436 : i32 to index
      %parallel_loop3A_442 = tpu.vector_load %arg6[%parallel_loop3A_439, %parallel_loop3A_440, %parallel_loop3A_441] {strides = array<i32>} : memref<3x8x2048xf32, #tpu.memory_space<vmem>>, vector<1x1x16xf32>,
      %parallel_loop3A_443 = vector.shape_cast %parallel_loop3A_442 : vector<1x1x16xf32> to vector<16xf32>
      %parallel_loop3A_444 = arith.constant 45.2548332 : f32
      %parallel_loop3A_445 = vector.broadcast %parallel_loop3A_444 : f32 to vector<16xf32>
      %parallel_loop3A_446 = arith.mulf %parallel_loop3A_443, %parallel_loop3A_445 : vector<16xf32>
      %parallel_loop3A_447 = arith.constant 16 : i32
      %parallel_loop3A_448 = arith.muli %parallel_loop3A_390, %parallel_loop3A_447 : i32
      %parallel_loop3A_449 = arith.constant 1 : i32
      %parallel_loop3A_450 = arith.constant 2 : i32
      %parallel_loop3A_451 = arith.index_cast %parallel_loop3A_449 : i32 to index
      %parallel_loop3A_452 = arith.index_cast %parallel_loop3A_450 : i32 to index
      %parallel_loop3A_453 = arith.index_cast %parallel_loop3A_448 : i32 to index
      %parallel_loop3A_454 = tpu.vector_load %arg7[%parallel_loop3A_451, %parallel_loop3A_452, %parallel_loop3A_453] {strides = array<i32>} : memref<3x8x2048xf32, #tpu.memory_space<vmem>>, vector<1x1x16xf32>,
      %parallel_loop3A_455 = vector.shape_cast %parallel_loop3A_454 : vector<1x1x16xf32> to vector<16xf32>
      %parallel_loop3A_456 = vector.shape_cast %parallel_loop3A_446 : vector<16xf32> to vector<1x1x16xf32>
      tpu.vector_store %arg7[%parallel_loop3A_451, %parallel_loop3A_452, %parallel_loop3A_453], %parallel_loop3A_456 {strides = array<i32>} : memref<3x8x2048xf32, #tpu.memory_space<vmem>>, vector<1x1x16xf32>,
      %parallel_loop3A_457 = arith.constant 16 : i32
      %parallel_loop3A_458 = arith.muli %parallel_loop3A_390, %parallel_loop3A_457 : i32
      %parallel_loop3A_459 = arith.constant 1 : i32
      %parallel_loop3A_460 = arith.constant 3 : i32
      %parallel_loop3A_461 = arith.index_cast %parallel_loop3A_459 : i32 to index
      %parallel_loop3A_462 = arith.index_cast %parallel_loop3A_460 : i32 to index
      %parallel_loop3A_463 = arith.index_cast %parallel_loop3A_458 : i32 to index
      %parallel_loop3A_464 = tpu.vector_load %arg6[%parallel_loop3A_461, %parallel_loop3A_462, %parallel_loop3A_463] {strides = array<i32>} : memref<3x8x2048xf32, #tpu.memory_space<vmem>>, vector<1x1x16xf32>,
      %parallel_loop3A_465 = vector.shape_cast %parallel_loop3A_464 : vector<1x1x16xf32> to vector<16xf32>
      %parallel_loop3A_466 = arith.constant 45.2548332 : f32
      %parallel_loop3A_467 = vector.broadcast %parallel_loop3A_466 : f32 to vector<16xf32>
      %parallel_loop3A_468 = arith.mulf %parallel_loop3A_465, %parallel_loop3A_467 : vector<16xf32>
      %parallel_loop3A_469 = arith.constant 16 : i32
      %parallel_loop3A_470 = arith.muli %parallel_loop3A_390, %parallel_loop3A_469 : i32
      %parallel_loop3A_471 = arith.constant 1 : i32
      %parallel_loop3A_472 = arith.constant 3 : i32
      %parallel_loop3A_473 = arith.index_cast %parallel_loop3A_471 : i32 to index
      %parallel_loop3A_474 = arith.index_cast %parallel_loop3A_472 : i32 to index
      %parallel_loop3A_475 = arith.index_cast %parallel_loop3A_470 : i32 to index
      %parallel_loop3A_476 = tpu.vector_load %arg7[%parallel_loop3A_473, %parallel_loop3A_474, %parallel_loop3A_475] {strides = array<i32>} : memref<3x8x2048xf32, #tpu.memory_space<vmem>>, vector<1x1x16xf32>,
      %parallel_loop3A_477 = vector.shape_cast %parallel_loop3A_476 : vector<1x1x16xf32> to vector<16xf32>
      %parallel_loop3A_478 = vector.shape_cast %parallel_loop3A_468 : vector<16xf32> to vector<1x1x16xf32>
      tpu.vector_store %arg7[%parallel_loop3A_473, %parallel_loop3A_474, %parallel_loop3A_475], %parallel_loop3A_478 {strides = array<i32>} : memref<3x8x2048xf32, #tpu.memory_space<vmem>>, vector<1x1x16xf32>,
      %parallel_loop3A_479 = arith.constant 16 : i32
      %parallel_loop3A_480 = arith.muli %parallel_loop3A_390, %parallel_loop3A_479 : i32
      %parallel_loop3A_481 = arith.constant 1 : i32
      %parallel_loop3A_482 = arith.constant 4 : i32
      %parallel_loop3A_483 = arith.index_cast %parallel_loop3A_481 : i32 to index
      %parallel_loop3A_484 = arith.index_cast %parallel_loop3A_482 : i32 to index
      %parallel_loop3A_485 = arith.index_cast %parallel_loop3A_480 : i32 to index
      %parallel_loop3A_486 = tpu.vector_load %arg6[%parallel_loop3A_483, %parallel_loop3A_484, %parallel_loop3A_485] {strides = array<i32>} : memref<3x8x2048xf32, #tpu.memory_space<vmem>>, vector<1x1x16xf32>,
      %parallel_loop3A_487 = vector.shape_cast %parallel_loop3A_486 : vector<1x1x16xf32> to vector<16xf32>
      %parallel_loop3A_488 = arith.constant 45.2548332 : f32
      %parallel_loop3A_489 = vector.broadcast %parallel_loop3A_488 : f32 to vector<16xf32>
      %parallel_loop3A_490 = arith.mulf %parallel_loop3A_487, %parallel_loop3A_489 : vector<16xf32>
      %parallel_loop3A_491 = arith.constant 16 : i32
      %parallel_loop3A_492 = arith.muli %parallel_loop3A_390, %parallel_loop3A_491 : i32
      %parallel_loop3A_493 = arith.constant 1 : i32
      %parallel_loop3A_494 = arith.constant 4 : i32
      %parallel_loop3A_495 = arith.index_cast %parallel_loop3A_493 : i32 to index
      %parallel_loop3A_496 = arith.index_cast %parallel_loop3A_494 : i32 to index
      %parallel_loop3A_497 = arith.index_cast %parallel_loop3A_492 : i32 to index
      %parallel_loop3A_498 = tpu.vector_load %arg7[%parallel_loop3A_495, %parallel_loop3A_496, %parallel_loop3A_497] {strides = array<i32>} : memref<3x8x2048xf32, #tpu.memory_space<vmem>>, vector<1x1x16xf32>,
      %parallel_loop3A_499 = vector.shape_cast %parallel_loop3A_498 : vector<1x1x16xf32> to vector<16xf32>
      %parallel_loop3A_500 = vector.shape_cast %parallel_loop3A_490 : vector<16xf32> to vector<1x1x16xf32>
      tpu.vector_store %arg7[%parallel_loop3A_495, %parallel_loop3A_496, %parallel_loop3A_497], %parallel_loop3A_500 {strides = array<i32>} : memref<3x8x2048xf32, #tpu.memory_space<vmem>>, vector<1x1x16xf32>,
      %parallel_loop3A_501 = arith.constant 16 : i32
      %parallel_loop3A_502 = arith.muli %parallel_loop3A_390, %parallel_loop3A_501 : i32
      %parallel_loop3A_503 = arith.constant 1 : i32
      %parallel_loop3A_504 = arith.constant 5 : i32
      %parallel_loop3A_505 = arith.index_cast %parallel_loop3A_503 : i32 to index
      %parallel_loop3A_506 = arith.index_cast %parallel_loop3A_504 : i32 to index
      %parallel_loop3A_507 = arith.index_cast %parallel_loop3A_502 : i32 to index
      %parallel_loop3A_508 = tpu.vector_load %arg6[%parallel_loop3A_505, %parallel_loop3A_506, %parallel_loop3A_507] {strides = array<i32>} : memref<3x8x2048xf32, #tpu.memory_space<vmem>>, vector<1x1x16xf32>,
      %parallel_loop3A_509 = vector.shape_cast %parallel_loop3A_508 : vector<1x1x16xf32> to vector<16xf32>
      %parallel_loop3A_510 = arith.constant 45.2548332 : f32
      %parallel_loop3A_511 = vector.broadcast %parallel_loop3A_510 : f32 to vector<16xf32>
      %parallel_loop3A_512 = arith.mulf %parallel_loop3A_509, %parallel_loop3A_511 : vector<16xf32>
      %parallel_loop3A_513 = arith.constant 16 : i32
      %parallel_loop3A_514 = arith.muli %parallel_loop3A_390, %parallel_loop3A_513 : i32
      %parallel_loop3A_515 = arith.constant 1 : i32
      %parallel_loop3A_516 = arith.constant 5 : i32
      %parallel_loop3A_517 = arith.index_cast %parallel_loop3A_515 : i32 to index
      %parallel_loop3A_518 = arith.index_cast %parallel_loop3A_516 : i32 to index
      %parallel_loop3A_519 = arith.index_cast %parallel_loop3A_514 : i32 to index
      %parallel_loop3A_520 = tpu.vector_load %arg7[%parallel_loop3A_517, %parallel_loop3A_518, %parallel_loop3A_519] {strides = array<i32>} : memref<3x8x2048xf32, #tpu.memory_space<vmem>>, vector<1x1x16xf32>,
      %parallel_loop3A_521 = vector.shape_cast %parallel_loop3A_520 : vector<1x1x16xf32> to vector<16xf32>
      %parallel_loop3A_522 = vector.shape_cast %parallel_loop3A_512 : vector<16xf32> to vector<1x1x16xf32>
      tpu.vector_store %arg7[%parallel_loop3A_517, %parallel_loop3A_518, %parallel_loop3A_519], %parallel_loop3A_522 {strides = array<i32>} : memref<3x8x2048xf32, #tpu.memory_space<vmem>>, vector<1x1x16xf32>,
      %parallel_loop3A_523 = arith.constant 16 : i32
      %parallel_loop3A_524 = arith.muli %parallel_loop3A_390, %parallel_loop3A_523 : i32
      %parallel_loop3A_525 = arith.constant 1 : i32
      %parallel_loop3A_526 = arith.constant 6 : i32
      %parallel_loop3A_527 = arith.index_cast %parallel_loop3A_525 : i32 to index
      %parallel_loop3A_528 = arith.index_cast %parallel_loop3A_526 : i32 to index
      %parallel_loop3A_529 = arith.index_cast %parallel_loop3A_524 : i32 to index
      %parallel_loop3A_530 = tpu.vector_load %arg6[%parallel_loop3A_527, %parallel_loop3A_528, %parallel_loop3A_529] {strides = array<i32>} : memref<3x8x2048xf32, #tpu.memory_space<vmem>>, vector<1x1x16xf32>,
      %parallel_loop3A_531 = vector.shape_cast %parallel_loop3A_530 : vector<1x1x16xf32> to vector<16xf32>
      %parallel_loop3A_532 = arith.constant 45.2548332 : f32
      %parallel_loop3A_533 = vector.broadcast %parallel_loop3A_532 : f32 to vector<16xf32>
      %parallel_loop3A_534 = arith.mulf %parallel_loop3A_531, %parallel_loop3A_533 : vector<16xf32>
      %parallel_loop3A_535 = arith.constant 16 : i32
      %parallel_loop3A_536 = arith.muli %parallel_loop3A_390, %parallel_loop3A_535 : i32
      %parallel_loop3A_537 = arith.constant 1 : i32
      %parallel_loop3A_538 = arith.constant 6 : i32
      %parallel_loop3A_539 = arith.index_cast %parallel_loop3A_537 : i32 to index
      %parallel_loop3A_540 = arith.index_cast %parallel_loop3A_538 : i32 to index
      %parallel_loop3A_541 = arith.index_cast %parallel_loop3A_536 : i32 to index
      %parallel_loop3A_542 = tpu.vector_load %arg7[%parallel_loop3A_539, %parallel_loop3A_540, %parallel_loop3A_541] {strides = array<i32>} : memref<3x8x2048xf32, #tpu.memory_space<vmem>>, vector<1x1x16xf32>,
      %parallel_loop3A_543 = vector.shape_cast %parallel_loop3A_542 : vector<1x1x16xf32> to vector<16xf32>
      %parallel_loop3A_544 = vector.shape_cast %parallel_loop3A_534 : vector<16xf32> to vector<1x1x16xf32>
      tpu.vector_store %arg7[%parallel_loop3A_539, %parallel_loop3A_540, %parallel_loop3A_541], %parallel_loop3A_544 {strides = array<i32>} : memref<3x8x2048xf32, #tpu.memory_space<vmem>>, vector<1x1x16xf32>,
      %parallel_loop3A_545 = arith.constant 16 : i32
      %parallel_loop3A_546 = arith.muli %parallel_loop3A_390, %parallel_loop3A_545 : i32
      %parallel_loop3A_547 = arith.constant 1 : i32
      %parallel_loop3A_548 = arith.constant 7 : i32
      %parallel_loop3A_549 = arith.index_cast %parallel_loop3A_547 : i32 to index
      %parallel_loop3A_550 = arith.index_cast %parallel_loop3A_548 : i32 to index
      %parallel_loop3A_551 = arith.index_cast %parallel_loop3A_546 : i32 to index
      %parallel_loop3A_552 = tpu.vector_load %arg6[%parallel_loop3A_549, %parallel_loop3A_550, %parallel_loop3A_551] {strides = array<i32>} : memref<3x8x2048xf32, #tpu.memory_space<vmem>>, vector<1x1x16xf32>,
      %parallel_loop3A_553 = vector.shape_cast %parallel_loop3A_552 : vector<1x1x16xf32> to vector<16xf32>
      %parallel_loop3A_554 = arith.constant 45.2548332 : f32
      %parallel_loop3A_555 = vector.broadcast %parallel_loop3A_554 : f32 to vector<16xf32>
      %parallel_loop3A_556 = arith.mulf %parallel_loop3A_553, %parallel_loop3A_555 : vector<16xf32>
      %parallel_loop3A_557 = arith.constant 16 : i32
      %parallel_loop3A_558 = arith.muli %parallel_loop3A_390, %parallel_loop3A_557 : i32
      %parallel_loop3A_559 = arith.constant 1 : i32
      %parallel_loop3A_560 = arith.constant 7 : i32
      %parallel_loop3A_561 = arith.index_cast %parallel_loop3A_559 : i32 to index
      %parallel_loop3A_562 = arith.index_cast %parallel_loop3A_560 : i32 to index
      %parallel_loop3A_563 = arith.index_cast %parallel_loop3A_558 : i32 to index
      %parallel_loop3A_564 = tpu.vector_load %arg7[%parallel_loop3A_561, %parallel_loop3A_562, %parallel_loop3A_563] {strides = array<i32>} : memref<3x8x2048xf32, #tpu.memory_space<vmem>>, vector<1x1x16xf32>,
      %parallel_loop3A_565 = vector.shape_cast %parallel_loop3A_564 : vector<1x1x16xf32> to vector<16xf32>
      %parallel_loop3A_566 = vector.shape_cast %parallel_loop3A_556 : vector<16xf32> to vector<1x1x16xf32>
      tpu.vector_store %arg7[%parallel_loop3A_561, %parallel_loop3A_562, %parallel_loop3A_563], %parallel_loop3A_566 {strides = array<i32>} : memref<3x8x2048xf32, #tpu.memory_space<vmem>>, vector<1x1x16xf32>,
    } {sc.loop_unroll_factor = 8 : i64, sc.parallel_access}
    %add3A_250 = arith.constant 488 : i32
    %add3A_251 = arith.addi %mul3A_2, %add3A_250 : i32
    %dma_start3A_252 = arith.constant 1 : i32
    %dma_start3A_253 = arith.constant 0 : i32
    %dma_start3A_254 = arith.constant 0 : i32
    %dma_start3A_255 = tpu.memref_slice %arg7[%dma_start3A_252, %dma_start3A_253, %dma_start3A_254] : memref<3x8x2048xf32, #tpu.memory_space<vmem>> -> memref<1x8x2048xf32, #tpu.memory_space<vmem>>
    %dma_start3A_256 = tpu.memref_squeeze %dma_start3A_255 : memref<1x8x2048xf32, #tpu.memory_space<vmem>> -> memref<8x2048xf32, #tpu.memory_space<vmem>>
    %dma_start3A_257 = arith.constant 0 : i32
    %dma_start3A_258 = tpu.memref_slice %arg4[%add3A_251, %dma_start3A_257] : memref<16384x2048xf32, #tpu.memory_space<hbm>> -> memref<8x2048xf32, #tpu.memory_space<hbm>>
    %dma_start3A_259 = arith.constant 0 : i32
    %dma_start3A_260 = tpu.memref_slice %arg4[%add3A_251, %dma_start3A_259] : memref<16384x2048xf32, #tpu.memory_space<hbm>> -> memref<8x2048xf32, #tpu.memory_space<hbm>>
    %dma_start3A_261 = arith.constant 0 : i32
    %dma_start3A_262 = arith.constant 0 : i32
    %dma_start3A_263 = tpu.memref_slice %arg7[%dma_start3A_252, %dma_start3A_261, %dma_start3A_262] : memref<3x8x2048xf32, #tpu.memory_space<vmem>> -> memref<1x8x2048xf32, #tpu.memory_space<vmem>>
    %dma_start3A_264 = tpu.memref_squeeze %dma_start3A_263 : memref<1x8x2048xf32, #tpu.memory_space<vmem>> -> memref<8x2048xf32, #tpu.memory_space<vmem>>
    tpu.enqueue_dma source(%dma_start3A_264 : memref<8x2048xf32, #tpu.memory_space<vmem>>) target(%dma_start3A_260 : memref<8x2048xf32, #tpu.memory_space<hbm>>) target_semaphore(%arg12 : memref<!tpu.dma_semaphore, #tpu.memory_space<semaphore_mem>>)
    %dma_wait3A_265 = arith.constant 0 : i32
    %dma_wait3A_266 = arith.constant 2 : i32
    %dma_wait3A_267 = arith.constant 0 : i32
    %dma_wait3A_268 = arith.constant 0 : i32
    %dma_wait3A_269 = tpu.memref_slice %arg6[%dma_wait3A_266, %dma_wait3A_267, %dma_wait3A_268] : memref<3x8x2048xf32, #tpu.memory_space<vmem>> -> memref<1x8x2048xf32, #tpu.memory_space<vmem>>
    %dma_wait3A_270 = tpu.memref_squeeze %dma_wait3A_269 : memref<1x8x2048xf32, #tpu.memory_space<vmem>> -> memref<8x2048xf32, #tpu.memory_space<vmem>>
    %dma_wait3A_271 = arith.constant 0 : i32
    %dma_wait3A_272 = tpu.memref_slice %arg5[%dma_wait3A_265, %dma_wait3A_271] : memref<64x8xi32, #tpu.memory_space<vmem>> -> memref<1x8xi32, #tpu.memory_space<vmem>>
    %dma_wait3A_273 = tpu.memref_squeeze %dma_wait3A_272 : memref<1x8xi32, #tpu.memory_space<vmem>> -> memref<8xi32, #tpu.memory_space<vmem>>
    %dma_wait3A_274 = arith.constant 0 : i32
    %dma_wait3A_275 = arith.constant 0 : i32
    %dma_wait3A_276 = tpu.memref_slice %arg3[%dma_wait3A_274, %dma_wait3A_275] : memref<100000x2048xf32, #tpu.memory_space<hbm>> -> memref<100000x2048xf32, #tpu.memory_space<hbm>>
    tpu.wait_indirect_dma semaphore(%arg10 : memref<!tpu.dma_semaphore, #tpu.memory_space<semaphore_mem>>) src(%dma_wait3A_276 : memref<100000x2048xf32, #tpu.memory_space<hbm>>) dst(%dma_wait3A_270 : memref<8x2048xf32, #tpu.memory_space<vmem>>)
    %dma_wait3A_277 = arith.constant 2 : i32
    %dma_wait3A_278 = arith.constant 0 : i32
    %dma_wait3A_279 = arith.constant 0 : i32
    %dma_wait3A_280 = tpu.memref_slice %arg7[%dma_wait3A_277, %dma_wait3A_278, %dma_wait3A_279] : memref<3x8x2048xf32, #tpu.memory_space<vmem>> -> memref<1x8x2048xf32, #tpu.memory_space<vmem>>
    %dma_wait3A_281 = tpu.memref_squeeze %dma_wait3A_280 : memref<1x8x2048xf32, #tpu.memory_space<vmem>> -> memref<8x2048xf32, #tpu.memory_space<vmem>>
    %dma_wait3A_282 = arith.constant 0 : i32
    %dma_wait3A_283 = tpu.memref_slice %arg4[%mul3A_2, %dma_wait3A_282] : memref<16384x2048xf32, #tpu.memory_space<hbm>> -> memref<8x2048xf32, #tpu.memory_space<hbm>>
    %dma_wait3A_284 = arith.constant 0 : i32
    %dma_wait3A_285 = tpu.memref_slice %arg4[%mul3A_2, %dma_wait3A_284] : memref<16384x2048xf32, #tpu.memory_space<hbm>> -> memref<8x2048xf32, #tpu.memory_space<hbm>>
    %dma_wait3A_286 = arith.constant 0 : i32
    %dma_wait3A_287 = arith.constant 0 : i32
    %dma_wait3A_288 = tpu.memref_slice %arg7[%dma_wait3A_277, %dma_wait3A_286, %dma_wait3A_287] : memref<3x8x2048xf32, #tpu.memory_space<vmem>> -> memref<1x8x2048xf32, #tpu.memory_space<vmem>>
    %dma_wait3A_289 = tpu.memref_squeeze %dma_wait3A_288 : memref<1x8x2048xf32, #tpu.memory_space<vmem>> -> memref<8x2048xf32, #tpu.memory_space<vmem>>
    tpu.wait_dma2 semaphore(%arg13 : memref<!tpu.dma_semaphore, #tpu.memory_space<semaphore_mem>>) src(%dma_wait3A_289 : memref<8x2048xf32, #tpu.memory_space<vmem>>) dst(%dma_wait3A_285 : memref<8x2048xf32, #tpu.memory_space<hbm>>)
    %parallel_loop3A_290 = arith.constant 0 : i32
    %parallel_loop3A_291 = arith.constant 128 : i32
    %parallel_loop3A_292 = arith.constant 1 : i32
    scf.for %parallel_loop3A_390 = %parallel_loop3A_290 to %parallel_loop3A_291 step %parallel_loop3A_292  : i32 {
      %parallel_loop3A_391 = arith.constant 16 : i32
      %parallel_loop3A_392 = arith.muli %parallel_loop3A_390, %parallel_loop3A_391 : i32
      %parallel_loop3A_393 = arith.constant 2 : i32
      %parallel_loop3A_394 = arith.constant 0 : i32
      %parallel_loop3A_395 = arith.index_cast %parallel_loop3A_393 : i32 to index
      %parallel_loop3A_396 = arith.index_cast %parallel_loop3A_394 : i32 to index
      %parallel_loop3A_397 = arith.index_cast %parallel_loop3A_392 : i32 to index
      %parallel_loop3A_398 = tpu.vector_load %arg6[%parallel_loop3A_395, %parallel_loop3A_396, %parallel_loop3A_397] {strides = array<i32>} : memref<3x8x2048xf32, #tpu.memory_space<vmem>>, vector<1x1x16xf32>,
      %parallel_loop3A_399 = vector.shape_cast %parallel_loop3A_398 : vector<1x1x16xf32> to vector<16xf32>
      %parallel_loop3A_400 = arith.constant 45.2548332 : f32
      %parallel_loop3A_401 = vector.broadcast %parallel_loop3A_400 : f32 to vector<16xf32>
      %parallel_loop3A_402 = arith.mulf %parallel_loop3A_399, %parallel_loop3A_401 : vector<16xf32>
      %parallel_loop3A_403 = arith.constant 16 : i32
      %parallel_loop3A_404 = arith.muli %parallel_loop3A_390, %parallel_loop3A_403 : i32
      %parallel_loop3A_405 = arith.constant 2 : i32
      %parallel_loop3A_406 = arith.constant 0 : i32
      %parallel_loop3A_407 = arith.index_cast %parallel_loop3A_405 : i32 to index
      %parallel_loop3A_408 = arith.index_cast %parallel_loop3A_406 : i32 to index
      %parallel_loop3A_409 = arith.index_cast %parallel_loop3A_404 : i32 to index
      %parallel_loop3A_410 = tpu.vector_load %arg7[%parallel_loop3A_407, %parallel_loop3A_408, %parallel_loop3A_409] {strides = array<i32>} : memref<3x8x2048xf32, #tpu.memory_space<vmem>>, vector<1x1x16xf32>,
      %parallel_loop3A_411 = vector.shape_cast %parallel_loop3A_410 : vector<1x1x16xf32> to vector<16xf32>
      %parallel_loop3A_412 = vector.shape_cast %parallel_loop3A_402 : vector<16xf32> to vector<1x1x16xf32>
      tpu.vector_store %arg7[%parallel_loop3A_407, %parallel_loop3A_408, %parallel_loop3A_409], %parallel_loop3A_412 {strides = array<i32>} : memref<3x8x2048xf32, #tpu.memory_space<vmem>>, vector<1x1x16xf32>,
      %parallel_loop3A_413 = arith.constant 16 : i32
      %parallel_loop3A_414 = arith.muli %parallel_loop3A_390, %parallel_loop3A_413 : i32
      %parallel_loop3A_415 = arith.constant 2 : i32
      %parallel_loop3A_416 = arith.constant 1 : i32
      %parallel_loop3A_417 = arith.index_cast %parallel_loop3A_415 : i32 to index
      %parallel_loop3A_418 = arith.index_cast %parallel_loop3A_416 : i32 to index
      %parallel_loop3A_419 = arith.index_cast %parallel_loop3A_414 : i32 to index
      %parallel_loop3A_420 = tpu.vector_load %arg6[%parallel_loop3A_417, %parallel_loop3A_418, %parallel_loop3A_419] {strides = array<i32>} : memref<3x8x2048xf32, #tpu.memory_space<vmem>>, vector<1x1x16xf32>,
      %parallel_loop3A_421 = vector.shape_cast %parallel_loop3A_420 : vector<1x1x16xf32> to vector<16xf32>
      %parallel_loop3A_422 = arith.constant 45.2548332 : f32
      %parallel_loop3A_423 = vector.broadcast %parallel_loop3A_422 : f32 to vector<16xf32>
      %parallel_loop3A_424 = arith.mulf %parallel_loop3A_421, %parallel_loop3A_423 : vector<16xf32>
      %parallel_loop3A_425 = arith.constant 16 : i32
      %parallel_loop3A_426 = arith.muli %parallel_loop3A_390, %parallel_loop3A_425 : i32
      %parallel_loop3A_427 = arith.constant 2 : i32
      %parallel_loop3A_428 = arith.constant 1 : i32
      %parallel_loop3A_429 = arith.index_cast %parallel_loop3A_427 : i32 to index
      %parallel_loop3A_430 = arith.index_cast %parallel_loop3A_428 : i32 to index
      %parallel_loop3A_431 = arith.index_cast %parallel_loop3A_426 : i32 to index
      %parallel_loop3A_432 = tpu.vector_load %arg7[%parallel_loop3A_429, %parallel_loop3A_430, %parallel_loop3A_431] {strides = array<i32>} : memref<3x8x2048xf32, #tpu.memory_space<vmem>>, vector<1x1x16xf32>,
      %parallel_loop3A_433 = vector.shape_cast %parallel_loop3A_432 : vector<1x1x16xf32> to vector<16xf32>
      %parallel_loop3A_434 = vector.shape_cast %parallel_loop3A_424 : vector<16xf32> to vector<1x1x16xf32>
      tpu.vector_store %arg7[%parallel_loop3A_429, %parallel_loop3A_430, %parallel_loop3A_431], %parallel_loop3A_434 {strides = array<i32>} : memref<3x8x2048xf32, #tpu.memory_space<vmem>>, vector<1x1x16xf32>,
      %parallel_loop3A_435 = arith.constant 16 : i32
      %parallel_loop3A_436 = arith.muli %parallel_loop3A_390, %parallel_loop3A_435 : i32
      %parallel_loop3A_437 = arith.constant 2 : i32
      %parallel_loop3A_438 = arith.constant 2 : i32
      %parallel_loop3A_439 = arith.index_cast %parallel_loop3A_437 : i32 to index
      %parallel_loop3A_440 = arith.index_cast %parallel_loop3A_438 : i32 to index
      %parallel_loop3A_441 = arith.index_cast %parallel_loop3A_436 : i32 to index
      %parallel_loop3A_442 = tpu.vector_load %arg6[%parallel_loop3A_439, %parallel_loop3A_440, %parallel_loop3A_441] {strides = array<i32>} : memref<3x8x2048xf32, #tpu.memory_space<vmem>>, vector<1x1x16xf32>,
      %parallel_loop3A_443 = vector.shape_cast %parallel_loop3A_442 : vector<1x1x16xf32> to vector<16xf32>
      %parallel_loop3A_444 = arith.constant 45.2548332 : f32
      %parallel_loop3A_445 = vector.broadcast %parallel_loop3A_444 : f32 to vector<16xf32>
      %parallel_loop3A_446 = arith.mulf %parallel_loop3A_443, %parallel_loop3A_445 : vector<16xf32>
      %parallel_loop3A_447 = arith.constant 16 : i32
      %parallel_loop3A_448 = arith.muli %parallel_loop3A_390, %parallel_loop3A_447 : i32
      %parallel_loop3A_449 = arith.constant 2 : i32
      %parallel_loop3A_450 = arith.constant 2 : i32
      %parallel_loop3A_451 = arith.index_cast %parallel_loop3A_449 : i32 to index
      %parallel_loop3A_452 = arith.index_cast %parallel_loop3A_450 : i32 to index
      %parallel_loop3A_453 = arith.index_cast %parallel_loop3A_448 : i32 to index
      %parallel_loop3A_454 = tpu.vector_load %arg7[%parallel_loop3A_451, %parallel_loop3A_452, %parallel_loop3A_453] {strides = array<i32>} : memref<3x8x2048xf32, #tpu.memory_space<vmem>>, vector<1x1x16xf32>,
      %parallel_loop3A_455 = vector.shape_cast %parallel_loop3A_454 : vector<1x1x16xf32> to vector<16xf32>
      %parallel_loop3A_456 = vector.shape_cast %parallel_loop3A_446 : vector<16xf32> to vector<1x1x16xf32>
      tpu.vector_store %arg7[%parallel_loop3A_451, %parallel_loop3A_452, %parallel_loop3A_453], %parallel_loop3A_456 {strides = array<i32>} : memref<3x8x2048xf32, #tpu.memory_space<vmem>>, vector<1x1x16xf32>,
      %parallel_loop3A_457 = arith.constant 16 : i32
      %parallel_loop3A_458 = arith.muli %parallel_loop3A_390, %parallel_loop3A_457 : i32
      %parallel_loop3A_459 = arith.constant 2 : i32
      %parallel_loop3A_460 = arith.constant 3 : i32
      %parallel_loop3A_461 = arith.index_cast %parallel_loop3A_459 : i32 to index
      %parallel_loop3A_462 = arith.index_cast %parallel_loop3A_460 : i32 to index
      %parallel_loop3A_463 = arith.index_cast %parallel_loop3A_458 : i32 to index
      %parallel_loop3A_464 = tpu.vector_load %arg6[%parallel_loop3A_461, %parallel_loop3A_462, %parallel_loop3A_463] {strides = array<i32>} : memref<3x8x2048xf32, #tpu.memory_space<vmem>>, vector<1x1x16xf32>,
      %parallel_loop3A_465 = vector.shape_cast %parallel_loop3A_464 : vector<1x1x16xf32> to vector<16xf32>
      %parallel_loop3A_466 = arith.constant 45.2548332 : f32
      %parallel_loop3A_467 = vector.broadcast %parallel_loop3A_466 : f32 to vector<16xf32>
      %parallel_loop3A_468 = arith.mulf %parallel_loop3A_465, %parallel_loop3A_467 : vector<16xf32>
      %parallel_loop3A_469 = arith.constant 16 : i32
      %parallel_loop3A_470 = arith.muli %parallel_loop3A_390, %parallel_loop3A_469 : i32
      %parallel_loop3A_471 = arith.constant 2 : i32
      %parallel_loop3A_472 = arith.constant 3 : i32
      %parallel_loop3A_473 = arith.index_cast %parallel_loop3A_471 : i32 to index
      %parallel_loop3A_474 = arith.index_cast %parallel_loop3A_472 : i32 to index
      %parallel_loop3A_475 = arith.index_cast %parallel_loop3A_470 : i32 to index
      %parallel_loop3A_476 = tpu.vector_load %arg7[%parallel_loop3A_473, %parallel_loop3A_474, %parallel_loop3A_475] {strides = array<i32>} : memref<3x8x2048xf32, #tpu.memory_space<vmem>>, vector<1x1x16xf32>,
      %parallel_loop3A_477 = vector.shape_cast %parallel_loop3A_476 : vector<1x1x16xf32> to vector<16xf32>
      %parallel_loop3A_478 = vector.shape_cast %parallel_loop3A_468 : vector<16xf32> to vector<1x1x16xf32>
      tpu.vector_store %arg7[%parallel_loop3A_473, %parallel_loop3A_474, %parallel_loop3A_475], %parallel_loop3A_478 {strides = array<i32>} : memref<3x8x2048xf32, #tpu.memory_space<vmem>>, vector<1x1x16xf32>,
      %parallel_loop3A_479 = arith.constant 16 : i32
      %parallel_loop3A_480 = arith.muli %parallel_loop3A_390, %parallel_loop3A_479 : i32
      %parallel_loop3A_481 = arith.constant 2 : i32
      %parallel_loop3A_482 = arith.constant 4 : i32
      %parallel_loop3A_483 = arith.index_cast %parallel_loop3A_481 : i32 to index
      %parallel_loop3A_484 = arith.index_cast %parallel_loop3A_482 : i32 to index
      %parallel_loop3A_485 = arith.index_cast %parallel_loop3A_480 : i32 to index
      %parallel_loop3A_486 = tpu.vector_load %arg6[%parallel_loop3A_483, %parallel_loop3A_484, %parallel_loop3A_485] {strides = array<i32>} : memref<3x8x2048xf32, #tpu.memory_space<vmem>>, vector<1x1x16xf32>,
      %parallel_loop3A_487 = vector.shape_cast %parallel_loop3A_486 : vector<1x1x16xf32> to vector<16xf32>
      %parallel_loop3A_488 = arith.constant 45.2548332 : f32
      %parallel_loop3A_489 = vector.broadcast %parallel_loop3A_488 : f32 to vector<16xf32>
      %parallel_loop3A_490 = arith.mulf %parallel_loop3A_487, %parallel_loop3A_489 : vector<16xf32>
      %parallel_loop3A_491 = arith.constant 16 : i32
      %parallel_loop3A_492 = arith.muli %parallel_loop3A_390, %parallel_loop3A_491 : i32
      %parallel_loop3A_493 = arith.constant 2 : i32
      %parallel_loop3A_494 = arith.constant 4 : i32
      %parallel_loop3A_495 = arith.index_cast %parallel_loop3A_493 : i32 to index
      %parallel_loop3A_496 = arith.index_cast %parallel_loop3A_494 : i32 to index
      %parallel_loop3A_497 = arith.index_cast %parallel_loop3A_492 : i32 to index
      %parallel_loop3A_498 = tpu.vector_load %arg7[%parallel_loop3A_495, %parallel_loop3A_496, %parallel_loop3A_497] {strides = array<i32>} : memref<3x8x2048xf32, #tpu.memory_space<vmem>>, vector<1x1x16xf32>,
      %parallel_loop3A_499 = vector.shape_cast %parallel_loop3A_498 : vector<1x1x16xf32> to vector<16xf32>
      %parallel_loop3A_500 = vector.shape_cast %parallel_loop3A_490 : vector<16xf32> to vector<1x1x16xf32>
      tpu.vector_store %arg7[%parallel_loop3A_495, %parallel_loop3A_496, %parallel_loop3A_497], %parallel_loop3A_500 {strides = array<i32>} : memref<3x8x2048xf32, #tpu.memory_space<vmem>>, vector<1x1x16xf32>,
      %parallel_loop3A_501 = arith.constant 16 : i32
      %parallel_loop3A_502 = arith.muli %parallel_loop3A_390, %parallel_loop3A_501 : i32
      %parallel_loop3A_503 = arith.constant 2 : i32
      %parallel_loop3A_504 = arith.constant 5 : i32
      %parallel_loop3A_505 = arith.index_cast %parallel_loop3A_503 : i32 to index
      %parallel_loop3A_506 = arith.index_cast %parallel_loop3A_504 : i32 to index
      %parallel_loop3A_507 = arith.index_cast %parallel_loop3A_502 : i32 to index
      %parallel_loop3A_508 = tpu.vector_load %arg6[%parallel_loop3A_505, %parallel_loop3A_506, %parallel_loop3A_507] {strides = array<i32>} : memref<3x8x2048xf32, #tpu.memory_space<vmem>>, vector<1x1x16xf32>,
      %parallel_loop3A_509 = vector.shape_cast %parallel_loop3A_508 : vector<1x1x16xf32> to vector<16xf32>
      %parallel_loop3A_510 = arith.constant 45.2548332 : f32
      %parallel_loop3A_511 = vector.broadcast %parallel_loop3A_510 : f32 to vector<16xf32>
      %parallel_loop3A_512 = arith.mulf %parallel_loop3A_509, %parallel_loop3A_511 : vector<16xf32>
      %parallel_loop3A_513 = arith.constant 16 : i32
      %parallel_loop3A_514 = arith.muli %parallel_loop3A_390, %parallel_loop3A_513 : i32
      %parallel_loop3A_515 = arith.constant 2 : i32
      %parallel_loop3A_516 = arith.constant 5 : i32
      %parallel_loop3A_517 = arith.index_cast %parallel_loop3A_515 : i32 to index
      %parallel_loop3A_518 = arith.index_cast %parallel_loop3A_516 : i32 to index
      %parallel_loop3A_519 = arith.index_cast %parallel_loop3A_514 : i32 to index
      %parallel_loop3A_520 = tpu.vector_load %arg7[%parallel_loop3A_517, %parallel_loop3A_518, %parallel_loop3A_519] {strides = array<i32>} : memref<3x8x2048xf32, #tpu.memory_space<vmem>>, vector<1x1x16xf32>,
      %parallel_loop3A_521 = vector.shape_cast %parallel_loop3A_520 : vector<1x1x16xf32> to vector<16xf32>
      %parallel_loop3A_522 = vector.shape_cast %parallel_loop3A_512 : vector<16xf32> to vector<1x1x16xf32>
      tpu.vector_store %arg7[%parallel_loop3A_517, %parallel_loop3A_518, %parallel_loop3A_519], %parallel_loop3A_522 {strides = array<i32>} : memref<3x8x2048xf32, #tpu.memory_space<vmem>>, vector<1x1x16xf32>,
      %parallel_loop3A_523 = arith.constant 16 : i32
      %parallel_loop3A_524 = arith.muli %parallel_loop3A_390, %parallel_loop3A_523 : i32
      %parallel_loop3A_525 = arith.constant 2 : i32
      %parallel_loop3A_526 = arith.constant 6 : i32
      %parallel_loop3A_527 = arith.index_cast %parallel_loop3A_525 : i32 to index
      %parallel_loop3A_528 = arith.index_cast %parallel_loop3A_526 : i32 to index
      %parallel_loop3A_529 = arith.index_cast %parallel_loop3A_524 : i32 to index
      %parallel_loop3A_530 = tpu.vector_load %arg6[%parallel_loop3A_527, %parallel_loop3A_528, %parallel_loop3A_529] {strides = array<i32>} : memref<3x8x2048xf32, #tpu.memory_space<vmem>>, vector<1x1x16xf32>,
      %parallel_loop3A_531 = vector.shape_cast %parallel_loop3A_530 : vector<1x1x16xf32> to vector<16xf32>
      %parallel_loop3A_532 = arith.constant 45.2548332 : f32
      %parallel_loop3A_533 = vector.broadcast %parallel_loop3A_532 : f32 to vector<16xf32>
      %parallel_loop3A_534 = arith.mulf %parallel_loop3A_531, %parallel_loop3A_533 : vector<16xf32>
      %parallel_loop3A_535 = arith.constant 16 : i32
      %parallel_loop3A_536 = arith.muli %parallel_loop3A_390, %parallel_loop3A_535 : i32
      %parallel_loop3A_537 = arith.constant 2 : i32
      %parallel_loop3A_538 = arith.constant 6 : i32
      %parallel_loop3A_539 = arith.index_cast %parallel_loop3A_537 : i32 to index
      %parallel_loop3A_540 = arith.index_cast %parallel_loop3A_538 : i32 to index
      %parallel_loop3A_541 = arith.index_cast %parallel_loop3A_536 : i32 to index
      %parallel_loop3A_542 = tpu.vector_load %arg7[%parallel_loop3A_539, %parallel_loop3A_540, %parallel_loop3A_541] {strides = array<i32>} : memref<3x8x2048xf32, #tpu.memory_space<vmem>>, vector<1x1x16xf32>,
      %parallel_loop3A_543 = vector.shape_cast %parallel_loop3A_542 : vector<1x1x16xf32> to vector<16xf32>
      %parallel_loop3A_544 = vector.shape_cast %parallel_loop3A_534 : vector<16xf32> to vector<1x1x16xf32>
      tpu.vector_store %arg7[%parallel_loop3A_539, %parallel_loop3A_540, %parallel_loop3A_541], %parallel_loop3A_544 {strides = array<i32>} : memref<3x8x2048xf32, #tpu.memory_space<vmem>>, vector<1x1x16xf32>,
      %parallel_loop3A_545 = arith.constant 16 : i32
      %parallel_loop3A_546 = arith.muli %parallel_loop3A_390, %parallel_loop3A_545 : i32
      %parallel_loop3A_547 = arith.constant 2 : i32
      %parallel_loop3A_548 = arith.constant 7 : i32
      %parallel_loop3A_549 = arith.index_cast %parallel_loop3A_547 : i32 to index
      %parallel_loop3A_550 = arith.index_cast %parallel_loop3A_548 : i32 to index
      %parallel_loop3A_551 = arith.index_cast %parallel_loop3A_546 : i32 to index
      %parallel_loop3A_552 = tpu.vector_load %arg6[%parallel_loop3A_549, %parallel_loop3A_550, %parallel_loop3A_551] {strides = array<i32>} : memref<3x8x2048xf32, #tpu.memory_space<vmem>>, vector<1x1x16xf32>,
      %parallel_loop3A_553 = vector.shape_cast %parallel_loop3A_552 : vector<1x1x16xf32> to vector<16xf32>
      %parallel_loop3A_554 = arith.constant 45.2548332 : f32
      %parallel_loop3A_555 = vector.broadcast %parallel_loop3A_554 : f32 to vector<16xf32>
      %parallel_loop3A_556 = arith.mulf %parallel_loop3A_553, %parallel_loop3A_555 : vector<16xf32>
      %parallel_loop3A_557 = arith.constant 16 : i32
      %parallel_loop3A_558 = arith.muli %parallel_loop3A_390, %parallel_loop3A_557 : i32
      %parallel_loop3A_559 = arith.constant 2 : i32
      %parallel_loop3A_560 = arith.constant 7 : i32
      %parallel_loop3A_561 = arith.index_cast %parallel_loop3A_559 : i32 to index
      %parallel_loop3A_562 = arith.index_cast %parallel_loop3A_560 : i32 to index
      %parallel_loop3A_563 = arith.index_cast %parallel_loop3A_558 : i32 to index
      %parallel_loop3A_564 = tpu.vector_load %arg7[%parallel_loop3A_561, %parallel_loop3A_562, %parallel_loop3A_563] {strides = array<i32>} : memref<3x8x2048xf32, #tpu.memory_space<vmem>>, vector<1x1x16xf32>,
      %parallel_loop3A_565 = vector.shape_cast %parallel_loop3A_564 : vector<1x1x16xf32> to vector<16xf32>
      %parallel_loop3A_566 = vector.shape_cast %parallel_loop3A_556 : vector<16xf32> to vector<1x1x16xf32>
      tpu.vector_store %arg7[%parallel_loop3A_561, %parallel_loop3A_562, %parallel_loop3A_563], %parallel_loop3A_566 {strides = array<i32>} : memref<3x8x2048xf32, #tpu.memory_space<vmem>>, vector<1x1x16xf32>,
    } {sc.loop_unroll_factor = 8 : i64, sc.parallel_access}
    %add3A_293 = arith.constant 496 : i32
    %add3A_294 = arith.addi %mul3A_2, %add3A_293 : i32
    %dma_start3A_295 = arith.constant 2 : i32
    %dma_start3A_296 = arith.constant 0 : i32
    %dma_start3A_297 = arith.constant 0 : i32
    %dma_start3A_298 = tpu.memref_slice %arg7[%dma_start3A_295, %dma_start3A_296, %dma_start3A_297] : memref<3x8x2048xf32, #tpu.memory_space<vmem>> -> memref<1x8x2048xf32, #tpu.memory_space<vmem>>
    %dma_start3A_299 = tpu.memref_squeeze %dma_start3A_298 : memref<1x8x2048xf32, #tpu.memory_space<vmem>> -> memref<8x2048xf32, #tpu.memory_space<vmem>>
    %dma_start3A_300 = arith.constant 0 : i32
    %dma_start3A_301 = tpu.memref_slice %arg4[%add3A_294, %dma_start3A_300] : memref<16384x2048xf32, #tpu.memory_space<hbm>> -> memref<8x2048xf32, #tpu.memory_space<hbm>>
    %dma_start3A_302 = arith.constant 0 : i32
    %dma_start3A_303 = tpu.memref_slice %arg4[%add3A_294, %dma_start3A_302] : memref<16384x2048xf32, #tpu.memory_space<hbm>> -> memref<8x2048xf32, #tpu.memory_space<hbm>>
    %dma_start3A_304 = arith.constant 0 : i32
    %dma_start3A_305 = arith.constant 0 : i32
    %dma_start3A_306 = tpu.memref_slice %arg7[%dma_start3A_295, %dma_start3A_304, %dma_start3A_305] : memref<3x8x2048xf32, #tpu.memory_space<vmem>> -> memref<1x8x2048xf32, #tpu.memory_space<vmem>>
    %dma_start3A_307 = tpu.memref_squeeze %dma_start3A_306 : memref<1x8x2048xf32, #tpu.memory_space<vmem>> -> memref<8x2048xf32, #tpu.memory_space<vmem>>
    tpu.enqueue_dma source(%dma_start3A_307 : memref<8x2048xf32, #tpu.memory_space<vmem>>) target(%dma_start3A_303 : memref<8x2048xf32, #tpu.memory_space<hbm>>) target_semaphore(%arg13 : memref<!tpu.dma_semaphore, #tpu.memory_space<semaphore_mem>>)
    %dma_wait3A_308 = arith.constant 0 : i32
    %dma_wait3A_309 = arith.constant 0 : i32
    %dma_wait3A_310 = arith.constant 0 : i32
    %dma_wait3A_311 = arith.constant 0 : i32
    %dma_wait3A_312 = tpu.memref_slice %arg6[%dma_wait3A_309, %dma_wait3A_310, %dma_wait3A_311] : memref<3x8x2048xf32, #tpu.memory_space<vmem>> -> memref<1x8x2048xf32, #tpu.memory_space<vmem>>
    %dma_wait3A_313 = tpu.memref_squeeze %dma_wait3A_312 : memref<1x8x2048xf32, #tpu.memory_space<vmem>> -> memref<8x2048xf32, #tpu.memory_space<vmem>>
    %dma_wait3A_314 = arith.constant 0 : i32
    %dma_wait3A_315 = tpu.memref_slice %arg5[%dma_wait3A_308, %dma_wait3A_314] : memref<64x8xi32, #tpu.memory_space<vmem>> -> memref<1x8xi32, #tpu.memory_space<vmem>>
    %dma_wait3A_316 = tpu.memref_squeeze %dma_wait3A_315 : memref<1x8xi32, #tpu.memory_space<vmem>> -> memref<8xi32, #tpu.memory_space<vmem>>
    %dma_wait3A_317 = arith.constant 0 : i32
    %dma_wait3A_318 = arith.constant 0 : i32
    %dma_wait3A_319 = tpu.memref_slice %arg3[%dma_wait3A_317, %dma_wait3A_318] : memref<100000x2048xf32, #tpu.memory_space<hbm>> -> memref<100000x2048xf32, #tpu.memory_space<hbm>>
    tpu.wait_indirect_dma semaphore(%arg8 : memref<!tpu.dma_semaphore, #tpu.memory_space<semaphore_mem>>) src(%dma_wait3A_319 : memref<100000x2048xf32, #tpu.memory_space<hbm>>) dst(%dma_wait3A_313 : memref<8x2048xf32, #tpu.memory_space<vmem>>)
    %dma_wait3A_320 = arith.constant 0 : i32
    %dma_wait3A_321 = arith.constant 0 : i32
    %dma_wait3A_322 = arith.constant 0 : i32
    %dma_wait3A_323 = tpu.memref_slice %arg7[%dma_wait3A_320, %dma_wait3A_321, %dma_wait3A_322] : memref<3x8x2048xf32, #tpu.memory_space<vmem>> -> memref<1x8x2048xf32, #tpu.memory_space<vmem>>
    %dma_wait3A_324 = tpu.memref_squeeze %dma_wait3A_323 : memref<1x8x2048xf32, #tpu.memory_space<vmem>> -> memref<8x2048xf32, #tpu.memory_space<vmem>>
    %dma_wait3A_325 = arith.constant 0 : i32
    %dma_wait3A_326 = tpu.memref_slice %arg4[%mul3A_2, %dma_wait3A_325] : memref<16384x2048xf32, #tpu.memory_space<hbm>> -> memref<8x2048xf32, #tpu.memory_space<hbm>>
    %dma_wait3A_327 = arith.constant 0 : i32
    %dma_wait3A_328 = tpu.memref_slice %arg4[%mul3A_2, %dma_wait3A_327] : memref<16384x2048xf32, #tpu.memory_space<hbm>> -> memref<8x2048xf32, #tpu.memory_space<hbm>>
    %dma_wait3A_329 = arith.constant 0 : i32
    %dma_wait3A_330 = arith.constant 0 : i32
    %dma_wait3A_331 = tpu.memref_slice %arg7[%dma_wait3A_320, %dma_wait3A_329, %dma_wait3A_330] : memref<3x8x2048xf32, #tpu.memory_space<vmem>> -> memref<1x8x2048xf32, #tpu.memory_space<vmem>>
    %dma_wait3A_332 = tpu.memref_squeeze %dma_wait3A_331 : memref<1x8x2048xf32, #tpu.memory_space<vmem>> -> memref<8x2048xf32, #tpu.memory_space<vmem>>
    tpu.wait_dma2 semaphore(%arg11 : memref<!tpu.dma_semaphore, #tpu.memory_space<semaphore_mem>>) src(%dma_wait3A_332 : memref<8x2048xf32, #tpu.memory_space<vmem>>) dst(%dma_wait3A_328 : memref<8x2048xf32, #tpu.memory_space<hbm>>)
    %parallel_loop3A_333 = arith.constant 0 : i32
    %parallel_loop3A_334 = arith.constant 128 : i32
    %parallel_loop3A_335 = arith.constant 1 : i32
    scf.for %parallel_loop3A_390 = %parallel_loop3A_333 to %parallel_loop3A_334 step %parallel_loop3A_335  : i32 {
      %parallel_loop3A_391 = arith.constant 16 : i32
      %parallel_loop3A_392 = arith.muli %parallel_loop3A_390, %parallel_loop3A_391 : i32
      %parallel_loop3A_393 = arith.constant 0 : i32
      %parallel_loop3A_394 = arith.constant 0 : i32
      %parallel_loop3A_395 = arith.index_cast %parallel_loop3A_393 : i32 to index
      %parallel_loop3A_396 = arith.index_cast %parallel_loop3A_394 : i32 to index
      %parallel_loop3A_397 = arith.index_cast %parallel_loop3A_392 : i32 to index
      %parallel_loop3A_398 = tpu.vector_load %arg6[%parallel_loop3A_395, %parallel_loop3A_396, %parallel_loop3A_397] {strides = array<i32>} : memref<3x8x2048xf32, #tpu.memory_space<vmem>>, vector<1x1x16xf32>,
      %parallel_loop3A_399 = vector.shape_cast %parallel_loop3A_398 : vector<1x1x16xf32> to vector<16xf32>
      %parallel_loop3A_400 = arith.constant 45.2548332 : f32
      %parallel_loop3A_401 = vector.broadcast %parallel_loop3A_400 : f32 to vector<16xf32>
      %parallel_loop3A_402 = arith.mulf %parallel_loop3A_399, %parallel_loop3A_401 : vector<16xf32>
      %parallel_loop3A_403 = arith.constant 16 : i32
      %parallel_loop3A_404 = arith.muli %parallel_loop3A_390, %parallel_loop3A_403 : i32
      %parallel_loop3A_405 = arith.constant 0 : i32
      %parallel_loop3A_406 = arith.constant 0 : i32
      %parallel_loop3A_407 = arith.index_cast %parallel_loop3A_405 : i32 to index
      %parallel_loop3A_408 = arith.index_cast %parallel_loop3A_406 : i32 to index
      %parallel_loop3A_409 = arith.index_cast %parallel_loop3A_404 : i32 to index
      %parallel_loop3A_410 = tpu.vector_load %arg7[%parallel_loop3A_407, %parallel_loop3A_408, %parallel_loop3A_409] {strides = array<i32>} : memref<3x8x2048xf32, #tpu.memory_space<vmem>>, vector<1x1x16xf32>,
      %parallel_loop3A_411 = vector.shape_cast %parallel_loop3A_410 : vector<1x1x16xf32> to vector<16xf32>
      %parallel_loop3A_412 = vector.shape_cast %parallel_loop3A_402 : vector<16xf32> to vector<1x1x16xf32>
      tpu.vector_store %arg7[%parallel_loop3A_407, %parallel_loop3A_408, %parallel_loop3A_409], %parallel_loop3A_412 {strides = array<i32>} : memref<3x8x2048xf32, #tpu.memory_space<vmem>>, vector<1x1x16xf32>,
      %parallel_loop3A_413 = arith.constant 16 : i32
      %parallel_loop3A_414 = arith.muli %parallel_loop3A_390, %parallel_loop3A_413 : i32
      %parallel_loop3A_415 = arith.constant 0 : i32
      %parallel_loop3A_416 = arith.constant 1 : i32
      %parallel_loop3A_417 = arith.index_cast %parallel_loop3A_415 : i32 to index
      %parallel_loop3A_418 = arith.index_cast %parallel_loop3A_416 : i32 to index
      %parallel_loop3A_419 = arith.index_cast %parallel_loop3A_414 : i32 to index
      %parallel_loop3A_420 = tpu.vector_load %arg6[%parallel_loop3A_417, %parallel_loop3A_418, %parallel_loop3A_419] {strides = array<i32>} : memref<3x8x2048xf32, #tpu.memory_space<vmem>>, vector<1x1x16xf32>,
      %parallel_loop3A_421 = vector.shape_cast %parallel_loop3A_420 : vector<1x1x16xf32> to vector<16xf32>
      %parallel_loop3A_422 = arith.constant 45.2548332 : f32
      %parallel_loop3A_423 = vector.broadcast %parallel_loop3A_422 : f32 to vector<16xf32>
      %parallel_loop3A_424 = arith.mulf %parallel_loop3A_421, %parallel_loop3A_423 : vector<16xf32>
      %parallel_loop3A_425 = arith.constant 16 : i32
      %parallel_loop3A_426 = arith.muli %parallel_loop3A_390, %parallel_loop3A_425 : i32
      %parallel_loop3A_427 = arith.constant 0 : i32
      %parallel_loop3A_428 = arith.constant 1 : i32
      %parallel_loop3A_429 = arith.index_cast %parallel_loop3A_427 : i32 to index
      %parallel_loop3A_430 = arith.index_cast %parallel_loop3A_428 : i32 to index
      %parallel_loop3A_431 = arith.index_cast %parallel_loop3A_426 : i32 to index
      %parallel_loop3A_432 = tpu.vector_load %arg7[%parallel_loop3A_429, %parallel_loop3A_430, %parallel_loop3A_431] {strides = array<i32>} : memref<3x8x2048xf32, #tpu.memory_space<vmem>>, vector<1x1x16xf32>,
      %parallel_loop3A_433 = vector.shape_cast %parallel_loop3A_432 : vector<1x1x16xf32> to vector<16xf32>
      %parallel_loop3A_434 = vector.shape_cast %parallel_loop3A_424 : vector<16xf32> to vector<1x1x16xf32>
      tpu.vector_store %arg7[%parallel_loop3A_429, %parallel_loop3A_430, %parallel_loop3A_431], %parallel_loop3A_434 {strides = array<i32>} : memref<3x8x2048xf32, #tpu.memory_space<vmem>>, vector<1x1x16xf32>,
      %parallel_loop3A_435 = arith.constant 16 : i32
      %parallel_loop3A_436 = arith.muli %parallel_loop3A_390, %parallel_loop3A_435 : i32
      %parallel_loop3A_437 = arith.constant 0 : i32
      %parallel_loop3A_438 = arith.constant 2 : i32
      %parallel_loop3A_439 = arith.index_cast %parallel_loop3A_437 : i32 to index
      %parallel_loop3A_440 = arith.index_cast %parallel_loop3A_438 : i32 to index
      %parallel_loop3A_441 = arith.index_cast %parallel_loop3A_436 : i32 to index
      %parallel_loop3A_442 = tpu.vector_load %arg6[%parallel_loop3A_439, %parallel_loop3A_440, %parallel_loop3A_441] {strides = array<i32>} : memref<3x8x2048xf32, #tpu.memory_space<vmem>>, vector<1x1x16xf32>,
      %parallel_loop3A_443 = vector.shape_cast %parallel_loop3A_442 : vector<1x1x16xf32> to vector<16xf32>
      %parallel_loop3A_444 = arith.constant 45.2548332 : f32
      %parallel_loop3A_445 = vector.broadcast %parallel_loop3A_444 : f32 to vector<16xf32>
      %parallel_loop3A_446 = arith.mulf %parallel_loop3A_443, %parallel_loop3A_445 : vector<16xf32>
      %parallel_loop3A_447 = arith.constant 16 : i32
      %parallel_loop3A_448 = arith.muli %parallel_loop3A_390, %parallel_loop3A_447 : i32
      %parallel_loop3A_449 = arith.constant 0 : i32
      %parallel_loop3A_450 = arith.constant 2 : i32
      %parallel_loop3A_451 = arith.index_cast %parallel_loop3A_449 : i32 to index
      %parallel_loop3A_452 = arith.index_cast %parallel_loop3A_450 : i32 to index
      %parallel_loop3A_453 = arith.index_cast %parallel_loop3A_448 : i32 to index
      %parallel_loop3A_454 = tpu.vector_load %arg7[%parallel_loop3A_451, %parallel_loop3A_452, %parallel_loop3A_453] {strides = array<i32>} : memref<3x8x2048xf32, #tpu.memory_space<vmem>>, vector<1x1x16xf32>,
      %parallel_loop3A_455 = vector.shape_cast %parallel_loop3A_454 : vector<1x1x16xf32> to vector<16xf32>
      %parallel_loop3A_456 = vector.shape_cast %parallel_loop3A_446 : vector<16xf32> to vector<1x1x16xf32>
      tpu.vector_store %arg7[%parallel_loop3A_451, %parallel_loop3A_452, %parallel_loop3A_453], %parallel_loop3A_456 {strides = array<i32>} : memref<3x8x2048xf32, #tpu.memory_space<vmem>>, vector<1x1x16xf32>,
      %parallel_loop3A_457 = arith.constant 16 : i32
      %parallel_loop3A_458 = arith.muli %parallel_loop3A_390, %parallel_loop3A_457 : i32
      %parallel_loop3A_459 = arith.constant 0 : i32
      %parallel_loop3A_460 = arith.constant 3 : i32
      %parallel_loop3A_461 = arith.index_cast %parallel_loop3A_459 : i32 to index
      %parallel_loop3A_462 = arith.index_cast %parallel_loop3A_460 : i32 to index
      %parallel_loop3A_463 = arith.index_cast %parallel_loop3A_458 : i32 to index
      %parallel_loop3A_464 = tpu.vector_load %arg6[%parallel_loop3A_461, %parallel_loop3A_462, %parallel_loop3A_463] {strides = array<i32>} : memref<3x8x2048xf32, #tpu.memory_space<vmem>>, vector<1x1x16xf32>,
      %parallel_loop3A_465 = vector.shape_cast %parallel_loop3A_464 : vector<1x1x16xf32> to vector<16xf32>
      %parallel_loop3A_466 = arith.constant 45.2548332 : f32
      %parallel_loop3A_467 = vector.broadcast %parallel_loop3A_466 : f32 to vector<16xf32>
      %parallel_loop3A_468 = arith.mulf %parallel_loop3A_465, %parallel_loop3A_467 : vector<16xf32>
      %parallel_loop3A_469 = arith.constant 16 : i32
      %parallel_loop3A_470 = arith.muli %parallel_loop3A_390, %parallel_loop3A_469 : i32
      %parallel_loop3A_471 = arith.constant 0 : i32
      %parallel_loop3A_472 = arith.constant 3 : i32
      %parallel_loop3A_473 = arith.index_cast %parallel_loop3A_471 : i32 to index
      %parallel_loop3A_474 = arith.index_cast %parallel_loop3A_472 : i32 to index
      %parallel_loop3A_475 = arith.index_cast %parallel_loop3A_470 : i32 to index
      %parallel_loop3A_476 = tpu.vector_load %arg7[%parallel_loop3A_473, %parallel_loop3A_474, %parallel_loop3A_475] {strides = array<i32>} : memref<3x8x2048xf32, #tpu.memory_space<vmem>>, vector<1x1x16xf32>,
      %parallel_loop3A_477 = vector.shape_cast %parallel_loop3A_476 : vector<1x1x16xf32> to vector<16xf32>
      %parallel_loop3A_478 = vector.shape_cast %parallel_loop3A_468 : vector<16xf32> to vector<1x1x16xf32>
      tpu.vector_store %arg7[%parallel_loop3A_473, %parallel_loop3A_474, %parallel_loop3A_475], %parallel_loop3A_478 {strides = array<i32>} : memref<3x8x2048xf32, #tpu.memory_space<vmem>>, vector<1x1x16xf32>,
      %parallel_loop3A_479 = arith.constant 16 : i32
      %parallel_loop3A_480 = arith.muli %parallel_loop3A_390, %parallel_loop3A_479 : i32
      %parallel_loop3A_481 = arith.constant 0 : i32
      %parallel_loop3A_482 = arith.constant 4 : i32
      %parallel_loop3A_483 = arith.index_cast %parallel_loop3A_481 : i32 to index
      %parallel_loop3A_484 = arith.index_cast %parallel_loop3A_482 : i32 to index
      %parallel_loop3A_485 = arith.index_cast %parallel_loop3A_480 : i32 to index
      %parallel_loop3A_486 = tpu.vector_load %arg6[%parallel_loop3A_483, %parallel_loop3A_484, %parallel_loop3A_485] {strides = array<i32>} : memref<3x8x2048xf32, #tpu.memory_space<vmem>>, vector<1x1x16xf32>,
      %parallel_loop3A_487 = vector.shape_cast %parallel_loop3A_486 : vector<1x1x16xf32> to vector<16xf32>
      %parallel_loop3A_488 = arith.constant 45.2548332 : f32
      %parallel_loop3A_489 = vector.broadcast %parallel_loop3A_488 : f32 to vector<16xf32>
      %parallel_loop3A_490 = arith.mulf %parallel_loop3A_487, %parallel_loop3A_489 : vector<16xf32>
      %parallel_loop3A_491 = arith.constant 16 : i32
      %parallel_loop3A_492 = arith.muli %parallel_loop3A_390, %parallel_loop3A_491 : i32
      %parallel_loop3A_493 = arith.constant 0 : i32
      %parallel_loop3A_494 = arith.constant 4 : i32
      %parallel_loop3A_495 = arith.index_cast %parallel_loop3A_493 : i32 to index
      %parallel_loop3A_496 = arith.index_cast %parallel_loop3A_494 : i32 to index
      %parallel_loop3A_497 = arith.index_cast %parallel_loop3A_492 : i32 to index
      %parallel_loop3A_498 = tpu.vector_load %arg7[%parallel_loop3A_495, %parallel_loop3A_496, %parallel_loop3A_497] {strides = array<i32>} : memref<3x8x2048xf32, #tpu.memory_space<vmem>>, vector<1x1x16xf32>,
      %parallel_loop3A_499 = vector.shape_cast %parallel_loop3A_498 : vector<1x1x16xf32> to vector<16xf32>
      %parallel_loop3A_500 = vector.shape_cast %parallel_loop3A_490 : vector<16xf32> to vector<1x1x16xf32>
      tpu.vector_store %arg7[%parallel_loop3A_495, %parallel_loop3A_496, %parallel_loop3A_497], %parallel_loop3A_500 {strides = array<i32>} : memref<3x8x2048xf32, #tpu.memory_space<vmem>>, vector<1x1x16xf32>,
      %parallel_loop3A_501 = arith.constant 16 : i32
      %parallel_loop3A_502 = arith.muli %parallel_loop3A_390, %parallel_loop3A_501 : i32
      %parallel_loop3A_503 = arith.constant 0 : i32
      %parallel_loop3A_504 = arith.constant 5 : i32
      %parallel_loop3A_505 = arith.index_cast %parallel_loop3A_503 : i32 to index
      %parallel_loop3A_506 = arith.index_cast %parallel_loop3A_504 : i32 to index
      %parallel_loop3A_507 = arith.index_cast %parallel_loop3A_502 : i32 to index
      %parallel_loop3A_508 = tpu.vector_load %arg6[%parallel_loop3A_505, %parallel_loop3A_506, %parallel_loop3A_507] {strides = array<i32>} : memref<3x8x2048xf32, #tpu.memory_space<vmem>>, vector<1x1x16xf32>,
      %parallel_loop3A_509 = vector.shape_cast %parallel_loop3A_508 : vector<1x1x16xf32> to vector<16xf32>
      %parallel_loop3A_510 = arith.constant 45.2548332 : f32
      %parallel_loop3A_511 = vector.broadcast %parallel_loop3A_510 : f32 to vector<16xf32>
      %parallel_loop3A_512 = arith.mulf %parallel_loop3A_509, %parallel_loop3A_511 : vector<16xf32>
      %parallel_loop3A_513 = arith.constant 16 : i32
      %parallel_loop3A_514 = arith.muli %parallel_loop3A_390, %parallel_loop3A_513 : i32
      %parallel_loop3A_515 = arith.constant 0 : i32
      %parallel_loop3A_516 = arith.constant 5 : i32
      %parallel_loop3A_517 = arith.index_cast %parallel_loop3A_515 : i32 to index
      %parallel_loop3A_518 = arith.index_cast %parallel_loop3A_516 : i32 to index
      %parallel_loop3A_519 = arith.index_cast %parallel_loop3A_514 : i32 to index
      %parallel_loop3A_520 = tpu.vector_load %arg7[%parallel_loop3A_517, %parallel_loop3A_518, %parallel_loop3A_519] {strides = array<i32>} : memref<3x8x2048xf32, #tpu.memory_space<vmem>>, vector<1x1x16xf32>,
      %parallel_loop3A_521 = vector.shape_cast %parallel_loop3A_520 : vector<1x1x16xf32> to vector<16xf32>
      %parallel_loop3A_522 = vector.shape_cast %parallel_loop3A_512 : vector<16xf32> to vector<1x1x16xf32>
      tpu.vector_store %arg7[%parallel_loop3A_517, %parallel_loop3A_518, %parallel_loop3A_519], %parallel_loop3A_522 {strides = array<i32>} : memref<3x8x2048xf32, #tpu.memory_space<vmem>>, vector<1x1x16xf32>,
      %parallel_loop3A_523 = arith.constant 16 : i32
      %parallel_loop3A_524 = arith.muli %parallel_loop3A_390, %parallel_loop3A_523 : i32
      %parallel_loop3A_525 = arith.constant 0 : i32
      %parallel_loop3A_526 = arith.constant 6 : i32
      %parallel_loop3A_527 = arith.index_cast %parallel_loop3A_525 : i32 to index
      %parallel_loop3A_528 = arith.index_cast %parallel_loop3A_526 : i32 to index
      %parallel_loop3A_529 = arith.index_cast %parallel_loop3A_524 : i32 to index
      %parallel_loop3A_530 = tpu.vector_load %arg6[%parallel_loop3A_527, %parallel_loop3A_528, %parallel_loop3A_529] {strides = array<i32>} : memref<3x8x2048xf32, #tpu.memory_space<vmem>>, vector<1x1x16xf32>,
      %parallel_loop3A_531 = vector.shape_cast %parallel_loop3A_530 : vector<1x1x16xf32> to vector<16xf32>
      %parallel_loop3A_532 = arith.constant 45.2548332 : f32
      %parallel_loop3A_533 = vector.broadcast %parallel_loop3A_532 : f32 to vector<16xf32>
      %parallel_loop3A_534 = arith.mulf %parallel_loop3A_531, %parallel_loop3A_533 : vector<16xf32>
      %parallel_loop3A_535 = arith.constant 16 : i32
      %parallel_loop3A_536 = arith.muli %parallel_loop3A_390, %parallel_loop3A_535 : i32
      %parallel_loop3A_537 = arith.constant 0 : i32
      %parallel_loop3A_538 = arith.constant 6 : i32
      %parallel_loop3A_539 = arith.index_cast %parallel_loop3A_537 : i32 to index
      %parallel_loop3A_540 = arith.index_cast %parallel_loop3A_538 : i32 to index
      %parallel_loop3A_541 = arith.index_cast %parallel_loop3A_536 : i32 to index
      %parallel_loop3A_542 = tpu.vector_load %arg7[%parallel_loop3A_539, %parallel_loop3A_540, %parallel_loop3A_541] {strides = array<i32>} : memref<3x8x2048xf32, #tpu.memory_space<vmem>>, vector<1x1x16xf32>,
      %parallel_loop3A_543 = vector.shape_cast %parallel_loop3A_542 : vector<1x1x16xf32> to vector<16xf32>
      %parallel_loop3A_544 = vector.shape_cast %parallel_loop3A_534 : vector<16xf32> to vector<1x1x16xf32>
      tpu.vector_store %arg7[%parallel_loop3A_539, %parallel_loop3A_540, %parallel_loop3A_541], %parallel_loop3A_544 {strides = array<i32>} : memref<3x8x2048xf32, #tpu.memory_space<vmem>>, vector<1x1x16xf32>,
      %parallel_loop3A_545 = arith.constant 16 : i32
      %parallel_loop3A_546 = arith.muli %parallel_loop3A_390, %parallel_loop3A_545 : i32
      %parallel_loop3A_547 = arith.constant 0 : i32
      %parallel_loop3A_548 = arith.constant 7 : i32
      %parallel_loop3A_549 = arith.index_cast %parallel_loop3A_547 : i32 to index
      %parallel_loop3A_550 = arith.index_cast %parallel_loop3A_548 : i32 to index
      %parallel_loop3A_551 = arith.index_cast %parallel_loop3A_546 : i32 to index
      %parallel_loop3A_552 = tpu.vector_load %arg6[%parallel_loop3A_549, %parallel_loop3A_550, %parallel_loop3A_551] {strides = array<i32>} : memref<3x8x2048xf32, #tpu.memory_space<vmem>>, vector<1x1x16xf32>,
      %parallel_loop3A_553 = vector.shape_cast %parallel_loop3A_552 : vector<1x1x16xf32> to vector<16xf32>
      %parallel_loop3A_554 = arith.constant 45.2548332 : f32
      %parallel_loop3A_555 = vector.broadcast %parallel_loop3A_554 : f32 to vector<16xf32>
      %parallel_loop3A_556 = arith.mulf %parallel_loop3A_553, %parallel_loop3A_555 : vector<16xf32>
      %parallel_loop3A_557 = arith.constant 16 : i32
      %parallel_loop3A_558 = arith.muli %parallel_loop3A_390, %parallel_loop3A_557 : i32
      %parallel_loop3A_559 = arith.constant 0 : i32
      %parallel_loop3A_560 = arith.constant 7 : i32
      %parallel_loop3A_561 = arith.index_cast %parallel_loop3A_559 : i32 to index
      %parallel_loop3A_562 = arith.index_cast %parallel_loop3A_560 : i32 to index
      %parallel_loop3A_563 = arith.index_cast %parallel_loop3A_558 : i32 to index
      %parallel_loop3A_564 = tpu.vector_load %arg7[%parallel_loop3A_561, %parallel_loop3A_562, %parallel_loop3A_563] {strides = array<i32>} : memref<3x8x2048xf32, #tpu.memory_space<vmem>>, vector<1x1x16xf32>,
      %parallel_loop3A_565 = vector.shape_cast %parallel_loop3A_564 : vector<1x1x16xf32> to vector<16xf32>
      %parallel_loop3A_566 = vector.shape_cast %parallel_loop3A_556 : vector<16xf32> to vector<1x1x16xf32>
      tpu.vector_store %arg7[%parallel_loop3A_561, %parallel_loop3A_562, %parallel_loop3A_563], %parallel_loop3A_566 {strides = array<i32>} : memref<3x8x2048xf32, #tpu.memory_space<vmem>>, vector<1x1x16xf32>,
    } {sc.loop_unroll_factor = 8 : i64, sc.parallel_access}
    %add3A_336 = arith.constant 504 : i32
    %add3A_337 = arith.addi %mul3A_2, %add3A_336 : i32
    %dma_start3A_338 = arith.constant 0 : i32
    %dma_start3A_339 = arith.constant 0 : i32
    %dma_start3A_340 = arith.constant 0 : i32
    %dma_start3A_341 = tpu.memref_slice %arg7[%dma_start3A_338, %dma_start3A_339, %dma_start3A_340] : memref<3x8x2048xf32, #tpu.memory_space<vmem>> -> memref<1x8x2048xf32, #tpu.memory_space<vmem>>
    %dma_start3A_342 = tpu.memref_squeeze %dma_start3A_341 : memref<1x8x2048xf32, #tpu.memory_space<vmem>> -> memref<8x2048xf32, #tpu.memory_space<vmem>>
    %dma_start3A_343 = arith.constant 0 : i32
    %dma_start3A_344 = tpu.memref_slice %arg4[%add3A_337, %dma_start3A_343] : memref<16384x2048xf32, #tpu.memory_space<hbm>> -> memref<8x2048xf32, #tpu.memory_space<hbm>>
    %dma_start3A_345 = arith.constant 0 : i32
    %dma_start3A_346 = tpu.memref_slice %arg4[%add3A_337, %dma_start3A_345] : memref<16384x2048xf32, #tpu.memory_space<hbm>> -> memref<8x2048xf32, #tpu.memory_space<hbm>>
    %dma_start3A_347 = arith.constant 0 : i32
    %dma_start3A_348 = arith.constant 0 : i32
    %dma_start3A_349 = tpu.memref_slice %arg7[%dma_start3A_338, %dma_start3A_347, %dma_start3A_348] : memref<3x8x2048xf32, #tpu.memory_space<vmem>> -> memref<1x8x2048xf32, #tpu.memory_space<vmem>>
    %dma_start3A_350 = tpu.memref_squeeze %dma_start3A_349 : memref<1x8x2048xf32, #tpu.memory_space<vmem>> -> memref<8x2048xf32, #tpu.memory_space<vmem>>
    tpu.enqueue_dma source(%dma_start3A_350 : memref<8x2048xf32, #tpu.memory_space<vmem>>) target(%dma_start3A_346 : memref<8x2048xf32, #tpu.memory_space<hbm>>) target_semaphore(%arg11 : memref<!tpu.dma_semaphore, #tpu.memory_space<semaphore_mem>>)
    %dma_wait3A_351 = arith.constant 0 : i32
    %dma_wait3A_352 = arith.constant 0 : i32
    %dma_wait3A_353 = arith.constant 0 : i32
    %dma_wait3A_354 = tpu.memref_slice %arg7[%dma_wait3A_351, %dma_wait3A_352, %dma_wait3A_353] : memref<3x8x2048xf32, #tpu.memory_space<vmem>> -> memref<1x8x2048xf32, #tpu.memory_space<vmem>>
    %dma_wait3A_355 = tpu.memref_squeeze %dma_wait3A_354 : memref<1x8x2048xf32, #tpu.memory_space<vmem>> -> memref<8x2048xf32, #tpu.memory_space<vmem>>
    %dma_wait3A_356 = arith.constant 0 : i32
    %dma_wait3A_357 = tpu.memref_slice %arg4[%mul3A_2, %dma_wait3A_356] : memref<16384x2048xf32, #tpu.memory_space<hbm>> -> memref<8x2048xf32, #tpu.memory_space<hbm>>
    %dma_wait3A_358 = arith.constant 0 : i32
    %dma_wait3A_359 = tpu.memref_slice %arg4[%mul3A_2, %dma_wait3A_358] : memref<16384x2048xf32, #tpu.memory_space<hbm>> -> memref<8x2048xf32, #tpu.memory_space<hbm>>
    %dma_wait3A_360 = arith.constant 0 : i32
    %dma_wait3A_361 = arith.constant 0 : i32
    %dma_wait3A_362 = tpu.memref_slice %arg7[%dma_wait3A_351, %dma_wait3A_360, %dma_wait3A_361] : memref<3x8x2048xf32, #tpu.memory_space<vmem>> -> memref<1x8x2048xf32, #tpu.memory_space<vmem>>
    %dma_wait3A_363 = tpu.memref_squeeze %dma_wait3A_362 : memref<1x8x2048xf32, #tpu.memory_space<vmem>> -> memref<8x2048xf32, #tpu.memory_space<vmem>>
    tpu.wait_dma2 semaphore(%arg11 : memref<!tpu.dma_semaphore, #tpu.memory_space<semaphore_mem>>) src(%dma_wait3A_363 : memref<8x2048xf32, #tpu.memory_space<vmem>>) dst(%dma_wait3A_359 : memref<8x2048xf32, #tpu.memory_space<hbm>>)
    %dma_wait3A_364 = arith.constant 1 : i32
    %dma_wait3A_365 = arith.constant 0 : i32
    %dma_wait3A_366 = arith.constant 0 : i32
    %dma_wait3A_367 = tpu.memref_slice %arg7[%dma_wait3A_364, %dma_wait3A_365, %dma_wait3A_366] : memref<3x8x2048xf32, #tpu.memory_space<vmem>> -> memref<1x8x2048xf32, #tpu.memory_space<vmem>>
    %dma_wait3A_368 = tpu.memref_squeeze %dma_wait3A_367 : memref<1x8x2048xf32, #tpu.memory_space<vmem>> -> memref<8x2048xf32, #tpu.memory_space<vmem>>
    %dma_wait3A_369 = arith.constant 0 : i32
    %dma_wait3A_370 = tpu.memref_slice %arg4[%mul3A_2, %dma_wait3A_369] : memref<16384x2048xf32, #tpu.memory_space<hbm>> -> memref<8x2048xf32, #tpu.memory_space<hbm>>
    %dma_wait3A_371 = arith.constant 0 : i32
    %dma_wait3A_372 = tpu.memref_slice %arg4[%mul3A_2, %dma_wait3A_371] : memref<16384x2048xf32, #tpu.memory_space<hbm>> -> memref<8x2048xf32, #tpu.memory_space<hbm>>
    %dma_wait3A_373 = arith.constant 0 : i32
    %dma_wait3A_374 = arith.constant 0 : i32
    %dma_wait3A_375 = tpu.memref_slice %arg7[%dma_wait3A_364, %dma_wait3A_373, %dma_wait3A_374] : memref<3x8x2048xf32, #tpu.memory_space<vmem>> -> memref<1x8x2048xf32, #tpu.memory_space<vmem>>
    %dma_wait3A_376 = tpu.memref_squeeze %dma_wait3A_375 : memref<1x8x2048xf32, #tpu.memory_space<vmem>> -> memref<8x2048xf32, #tpu.memory_space<vmem>>
    tpu.wait_dma2 semaphore(%arg12 : memref<!tpu.dma_semaphore, #tpu.memory_space<semaphore_mem>>) src(%dma_wait3A_376 : memref<8x2048xf32, #tpu.memory_space<vmem>>) dst(%dma_wait3A_372 : memref<8x2048xf32, #tpu.memory_space<hbm>>)
    %dma_wait3A_377 = arith.constant 2 : i32
    %dma_wait3A_378 = arith.constant 0 : i32
    %dma_wait3A_379 = arith.constant 0 : i32
    %dma_wait3A_380 = tpu.memref_slice %arg7[%dma_wait3A_377, %dma_wait3A_378, %dma_wait3A_379] : memref<3x8x2048xf32, #tpu.memory_space<vmem>> -> memref<1x8x2048xf32, #tpu.memory_space<vmem>>
    %dma_wait3A_381 = tpu.memref_squeeze %dma_wait3A_380 : memref<1x8x2048xf32, #tpu.memory_space<vmem>> -> memref<8x2048xf32, #tpu.memory_space<vmem>>
    %dma_wait3A_382 = arith.constant 0 : i32
    %dma_wait3A_383 = tpu.memref_slice %arg4[%mul3A_2, %dma_wait3A_382] : memref<16384x2048xf32, #tpu.memory_space<hbm>> -> memref<8x2048xf32, #tpu.memory_space<hbm>>
    %dma_wait3A_384 = arith.constant 0 : i32
    %dma_wait3A_385 = tpu.memref_slice %arg4[%mul3A_2, %dma_wait3A_384] : memref<16384x2048xf32, #tpu.memory_space<hbm>> -> memref<8x2048xf32, #tpu.memory_space<hbm>>
    %dma_wait3A_386 = arith.constant 0 : i32
    %dma_wait3A_387 = arith.constant 0 : i32
    %dma_wait3A_388 = tpu.memref_slice %arg7[%dma_wait3A_377, %dma_wait3A_386, %dma_wait3A_387] : memref<3x8x2048xf32, #tpu.memory_space<vmem>> -> memref<1x8x2048xf32, #tpu.memory_space<vmem>>
    %dma_wait3A_389 = tpu.memref_squeeze %dma_wait3A_388 : memref<1x8x2048xf32, #tpu.memory_space<vmem>> -> memref<8x2048xf32, #tpu.memory_space<vmem>>
    tpu.wait_dma2 semaphore(%arg13 : memref<!tpu.dma_semaphore, #tpu.memory_space<semaphore_mem>>) src(%dma_wait3A_389 : memref<8x2048xf32, #tpu.memory_space<vmem>>) dst(%dma_wait3A_385 : memref<8x2048xf32, #tpu.memory_space<hbm>>)
    return
  }
}

</mosaic_0001>

<sc_bundles>
// kernel: kernel.3.cloned.1.call-start
scs
__scs_entry_jumppad:
0x0: {  	(pc) =	sbr.rel $0x88, $3  }
0x1: {  	(tag) =	ssettag $0x0;
	lr =	simm.s32 $0x1  }
0x2: {  	[smem:$0x3F9F] =	sst lr;
	_ =	strace $0xD0000000  }
0x3: {  	_ = 	snop  }
0x4: {  	_ = 	snop  }
0x5: {  	_ = 	snop  }
0x6: {  	_ = 	snop  }
0x7: {  	_ = 	snop  }
__scs_overlays_trampoline_lowered:
0x8: {  	[smem:$0x3FAE] =	sst s0  }
0x9: {  	[smem:$0x3FAF] =	sst s1  }
0xa: {  	[smem:$0x3FB0] =	sst s2  }
0xb: {  	[smem:$0x3FB1] =	sst s3  }
0xc: {  	[smem:$0x3FB2] =	sst s4  }
0xd: {  	[smem:$0x3FB3] =	sst s5  }
0xe: {  	[smem:$0x3FB4] =	sst s6  }
0xf: {  	[smem:$0x3FB5] =	sst s7  }
0x10: {  	[smem:$0x3FB6] =	sst s8  }
0x11: {  	[smem:$0x3FB7] =	sst s9;
	s0 =	simm.s32 @!p0 $0x0  }
0x12: {  	s1 =	sld [smem:$0x3F9D];
	s0 =	simm.s32 @p0 $0x1  }
0x13: {  	[smem:$0x3FB8] =	sst s0;
	s0 =	simm.s32 @!p1 $0x0  }
0x14: {  	s2 =	sld [smem:$0x3F9C];
	s0 =	simm.s32 @p1 $0x1  }
0x15: {  	[smem:$0x3FB9] =	sst s0;
	s0 =	simm.s32 @!p2 $0x0  }
0x16: {  	s3 =	sld [smem:$0x3FDB];
	s0 =	simm.s32 @p2 $0x1  }
0x17: {  	s4 =	simm.s32 $0x1BF5;
	[smem:$0x3FBB] =	sst s0  }
0x18: {  	s0 =	sld [smem:$0x3F9E];
	_ =	swait.ge [sflag:s4], $0x0  }
0x19: {  	s7 =	sld [smem:$0x3F9F]  }
0x1a: {  	s8 =	sadd.s32 $0xFFFFE003, lr  }
0x1b: {  	s9 =	sadd.s32 $0xFFFFFEF7, lr;
	s5 =	simm.s32 $0xFFFFFFFF;
	p2 =	slt.u32 s8, $0xFFFFF086  }
0x1c: {  	p1 =	slt.u32 s9, $0xF7A;
	s5 =	simm.s32 @!p2 $0x0  }
0x1d: {  	s5 =	simm.s32 @p1 $0x1;
	p0 =	seq.s32 s7, s2  }
0x1e: {  	s7 =	smul.u32 @!p0 $0xF7A, s2;
	p2 =	seq.s32 @!p0 s5, $0x0  }
0x1f: {  	s9 =	smul.u32 $0xF7A, s1;
	s8 =	simm.s32 @!p0 $0x1BF5;
	p2 =	por !p2, p0  }
0x20: {  	[sflag:s8] =	ssyncset.s32 @!p0 $0xFFFFF086;
	s6 =	sadd.s32 @!p0 s3, s7;
	s7 =	simm.s32 @!p0 $0x108  }
0x21: {  	s3 =	sadd.s32 s3, s9;
	s6 =	sadd.s32 @!p0 $0x88, s6;
	s7 =	simm.s32 @p2 $0x1082  }
0x22: {  	[simem:s7], [sflag:s8] =	dma.local @!p0 [hbm:s6], $0xF7A  }
0x23: {  	s9 =	sor.u32 $0xD0000000, s2;
	s6 =	simm.s32 $0x108;
	_ =	swait.ge @!p0 [sflag:s8], $0x0  }
0x24: {  	s3 =	sadd.s32 $0x88, s3;
	s6 =	simm.s32 @!p1 $0x1082;
	[sflag:s4] =	ssyncset.s32 $0xFFFFF086  }
0x25: {  	[simem:s6], [sflag:s4] =	dma.local [hbm:s3], $0xF7A  }
0x26: {  	[smem:$0x3F9F] =	sst s1;
	(tag) =	ssettag s2;
	_ =	strace s9  }
0x27: {  	s1 =	sld [smem:$0x3FAF]  }
0x28: {  	s2 =	sld [smem:$0x3FB0]  }
0x29: {  	s4 =	sld [smem:$0x3FB2]  }
0x2a: {  	p0 =	seq.s32 s5, $0x0;
	s5 =	sld [smem:$0x3FB3]  }
0x2b: {  	s6 =	sld [smem:$0x3FB4]  }
0x2c: {  	s7 =	sld [smem:$0x3FB5]  }
0x2d: {  	s3 =	simm.s32 $0x108;
	s8 =	sld [smem:$0x3FB6]  }
0x2e: {  	s3 =	simm.s32 @!p0 $0x1082;
	s9 =	sld [smem:$0x3FB7]  }
0x2f: {  	lr =	sadd.s32 s0, s3;
	s0 =	sld [smem:$0x3FAE]  }
0x30: {  	s3 =	sld [smem:$0x3FB1]  }
0x31: {  	[smem:$0x3FBA] =	sst s10  }
0x32: {  	s10 =	sld [smem:$0x3FB8];
	_ =	sdelay $0x3  }
0x33: {  	p0 =	seq.s32 s10, $0x1;
	s10 =	sld [smem:$0x3FBA];
	_ =	sdelay $0x3  }
0x34: {  	[smem:$0x3FBA] =	sst s10  }
0x35: {  	s10 =	sld [smem:$0x3FB9];
	_ =	sdelay $0x3  }
0x36: {  	p1 =	seq.s32 s10, $0x1;
	s10 =	sld [smem:$0x3FBA];
	_ =	sdelay $0x3  }
0x37: {  	[smem:$0x3FBA] =	sst s10  }
0x38: {  	s10 =	sld [smem:$0x3FBB]  }
0x39: {  	_ = 	snop;
	(pc) =	sbr.ind lr, $3  }
0x3a: {  	_ = 	snop  }
0x3b: {  	_ = 	snop  }
0x3c: {  	p2 =	seq.s32 s10, $0x1;
	s10 =	sld [smem:$0x3FBA]  }
0x3d: {  	_ =	shalt  }
0x3e: {  	_ =	shalt  }
0x3f: {  	_ =	shalt  }
0x40: {  	_ =	shalt  }
0x41: {  	_ =	shalt  }
0x42: {  	_ =	shalt  }
0x43: {  	_ =	shalt  }
0x44: {  	_ =	shalt  }
0x45: {  	_ =	shalt  }
0x46: {  	_ =	shalt  }
0x47: {  	_ =	shalt  }
0x48: {  	_ =	shalt  }
0x49: {  	_ =	shalt  }
0x4a: {  	_ =	shalt  }
0x4b: {  	_ =	shalt  }
0x4c: {  	_ =	shalt  }
0x4d: {  	_ =	shalt  }
0x4e: {  	_ =	shalt  }
0x4f: {  	_ =	shalt  }
0x50: {  	_ =	shalt  }
0x51: {  	_ =	shalt  }
0x52: {  	_ =	shalt  }
0x53: {  	_ =	shalt  }
0x54: {  	_ =	shalt  }
0x55: {  	_ =	shalt  }
0x56: {  	_ =	shalt  }
0x57: {  	_ =	shalt  }
0x58: {  	_ =	shalt  }
0x59: {  	_ =	shalt  }
0x5a: {  	_ =	shalt  }
0x5b: {  	_ =	shalt  }
0x5c: {  	_ =	shalt  }
0x5d: {  	_ =	shalt  }
0x5e: {  	_ =	shalt  }
0x5f: {  	_ =	shalt  }
0x60: {  	_ =	shalt  }
0x61: {  	_ =	shalt  }
0x62: {  	_ =	shalt  }
0x63: {  	_ =	shalt  }
0x64: {  	_ =	shalt  }
0x65: {  	_ =	shalt  }
0x66: {  	_ =	shalt  }
0x67: {  	_ =	shalt  }
0x68: {  	_ =	shalt  }
0x69: {  	_ =	shalt  }
0x6a: {  	_ =	shalt  }
0x6b: {  	_ =	shalt  }
0x6c: {  	_ =	shalt  }
0x6d: {  	_ =	shalt  }
0x6e: {  	_ =	shalt  }
0x6f: {  	_ =	shalt  }
0x70: {  	_ =	shalt  }
0x71: {  	_ =	shalt  }
0x72: {  	_ =	shalt  }
0x73: {  	_ =	shalt  }
0x74: {  	_ =	shalt  }
0x75: {  	_ =	shalt  }
0x76: {  	_ =	shalt  }
0x77: {  	_ =	shalt  }
0x78: {  	_ =	shalt  }
0x79: {  	_ =	shalt  }
0x7a: {  	_ =	shalt  }
0x7b: {  	_ =	shalt  }
0x7c: {  	_ =	shalt  }
0x7d: {  	_ =	shalt  }
0x7e: {  	_ =	shalt  }
0x7f: {  	_ =	shalt  }
0x80: {  	_ =	shalt  }
0x81: {  	_ =	shalt  }
0x82: {  	_ =	shalt  }
0x83: {  	_ =	shalt  }
0x84: {  	_ =	shalt  }
0x85: {  	_ =	shalt  }
0x86: {  	_ =	shalt  }
0x87: {  	_ =	shalt  }
.Lfunc_end0:
.L_simem_size_0:
called_computation_lowered:
.L_overlay_start_0:
0x88: {  	s2 =	sld [smem:$0x3FD9]  }
0x89: {  	s3 =	sld [smem:$0x3FFE];
	_ =	sdelay $0x1  }
0x8a: {  	s1 =	srdreg.scid  }
0x8b: {  	s0 =	sand.u32 $0x1, s1  }
0x8c: {  	s17 =	sshll.u32 s0, $0xA;
	s2 =	sadd.s32 s3, s2  }
0x8d: {  	s2 =	sadd.s32 s2, s17  }
0x8e: {  	[smem:$0x3FC6] =	sst s2  }
0x8f: {  	_ = 	snop  }
0x90: {  	s2 =	sld [smem:$0x3FC8]  }
0x91: {  	s18 =	sld [smem:$0x3FD0];
	(tm) =	ssettm $0x1  }
0x92: {  	s4 =	sld [smem:$0x3FFB];
	_ =	sdelay $0x3  }
0x93: {  	_ =	strace s4  }
0x94: {  	s4 =	sld [smem:$0x3FFC];
	_ =	sdelay $0x3  }
0x95: {  	_ =	strace s4  }
0x96: {  	s4 =	sld [smem:$0x3FFD];
	_ =	sdelay $0x3  }
0x97: {  	_ =	strace s4  }
0x98: {  	_ =	strace $0x8FFFFFFF  }
0x99: {  	s19 =	sld [smem:$0x3FDB];
	_ =	sdelay $0x1  }
0x9a: {  	s5 =	simm.s32 $_scs_section_size  }
0x9b: {  	s6 =	simm.s32 $_size__tile_overlayer_lowered;
	s7 =	simm.s32 $_tile_overlayer_lowered  }
0x9c: {  	s22 =	simm.s32 $0x1BFF;
	s21 =	sshll.u32 s7, $0x1;
	s4 =	sadd.s32 s5, s19  }
0x9d: {  	s8 =	simm.s32 $0x0;
	s20 =	sshll.u32 s6, $0x1;
	s6 =	sadd.s32 s21, s4  }
0x9e: {  	[timem:s8], [sflag:s22] =	dma.local [hbm:s6], s20  }
0x9f: {  	_ =	swait.ge [sflag:s22], s20  }
0xa0: {  	s5 =	ssub.s32 $0x0, s20;
	[sflag:s22] =	ssyncset.done $0x0  }
0xa1: {  	[sflag:s22] =	ssyncadd.s32 s5;
	_ =	sdelay $0x1  }
0xa2: {  	s23 =	simm.s32 $0x1B8B  }
0xa3: {  	_ =	swait.ge [sflag:s23], $0x1  }
0xa4: {  	[sflag:s23] =	ssyncset.done $0x0  }
0xa5: {  	s25 =	simm.s32 $0x1B8E;
	s24 =	sld [smem:$0x3FFE];
	[sflag:s23] =	ssyncadd.s32 $0xFFFFFFFF  }
0xa6: {  	s26 =	simm.s32 $execute0_lowered;
	[smem:$0x3FD2] =	sst s25  }
0xa7: {  	s6 =	sshll.u32 s26, $0x1;
	_ =	strace $0x80000046;
	[dreg:$0x1] =	wrdreg $0xFFFFFFFF  }
0xa8: {  	s28 =	simm.s32 $_size_execute0_lowered;
	s4 =	sadd.s32 s4, s6;
	[dreg:$0x0] =	wrdreg $0x0  }
0xa9: {  	s6 =	sshll.u32 s28, $0x1;
	[dreg:$0x2] =	wrdreg s4  }
0xaa: {  	[dreg:$0x3] =	wrdreg s6  }
0xab: {  	[dreg:$0x4] =	wrdreg $0xC0  }
0xac: {  	_ =	task [dreg:s8], $0x5FFFF  }
0xad: {  	[dreg:$0x1] =	wrdreg $0xFFFFFFFF  }
0xae: {  	[dreg:$0x0] =	wrdreg $0x60  }
0xaf: {  	[dreg:$0x2] =	wrdreg s24  }
0xb0: {  	[dreg:$0x3] =	wrdreg s2  }
0xb1: {  	[dreg:$0x4] =	wrdreg s18  }
0xb2: {  	[dreg:$0x5] =	wrdreg $0x9  }
0xb3: {  	_ =	task.clear_ibuf [dreg:s8], $0x6FFFF;
	_ =	strace $0x90000046  }
0xb4: {  	s29 =	simm.s32 $0x9;
	_ =	strace $0x80000048  }
0xb5: {  	_ =	swait.ge [sflag:s29], $0x1  }
0xb6: {  	[sflag:s29] =	ssyncadd.s32 $0xFFFFFFFF  }
0xb7: {  	_ =	strace $0x90000048  }
0xb8: {  	_ =	sfence  }
0xb9: {  	s30 =	sld [smem:$0x0];
	_ =	sdelay $0x2  }
0xba: {  	s31 =	sshll.u32 s1, $0xD;
	s1 =	sshrl.u32 s1, $0x2  }
0xbb: {  	s3 =	sand.u32 $0x4000, s31;
	s1 =	sadd.s32 s1, s30  }
0xbc: {  	s0 =	sor.u32 s3, s0;
	s1 =	sshll.u32 s1, $0x11  }
0xbd: {  	s0 =	sor.u32 s1, s0  }
0xbe: {  	s0 =	sadd.s32 $0x8F2B, s0  }
0xbf: {  	[sflag:s0] =	ssyncadd.remote.s32 $0x1  }
0xc0: {  	_ =	sfence.sel $0xFFFF  }
0xc1: {  	[dreg:$0x0] =	wrdreg $0xFFFFFFFF;
	(pc) =	sbr.abs _section_cstart, $3  }
0xc2: {  	[dreg:$0x1] =	wrdreg $0xFFFFFFFF  }
0xc3: {  	_ =	task.clear_ibuf [dreg:s8], $0x2FFFF;
	_ =	strace $0x9FFFFFFF  }
0xc4: {  	(tm) =	ssettm $0x7FFFFFFF  }
0xc5: {  	_ =	shalt  }
tec
execute0_lowered:
.L_overlay_start_1:
0x0: {  	(tag) =	ssettag $0x1  }
0x1: {  	s0 =	rddreg [dreg:$0x0]  }
0x2: {  	s2 =	rddreg [dreg:$0x1]  }
0x3: {  	s3 =	rddreg [dreg:$0x2]  }
0x4: {  	s1 =	srdreg.scid;
	s5 =	stileid.u32;
	s4 =	simm.s32 $0x0  }
0x5: {  	s30 =	simm.s32 $0x4000;
	s31 =	simm.s32 $0x4800;
	s13 =	simm.s32 $0x2  }
0x6: {  	s16 =	simm.s32 $0x4;
	s19 =	simm.s32 $0x5;
	s20 =	simm.s32 $0x6  }
0x7: {  	s21 =	simm.s32 $0x0;
	s1 =	sand.u32 $0x1, s1;
	s5 =	sshll.u32 s5, $0x1  }
0x8: {  	[smem:$0x7FF] =	sst s4;
	s8 =	sadd.s32 $0x200, s2;
	s9 =	sadd.s32 $0x300, s2  }
0x9: {  	s10 =	sadd.s32 $0x400, s2;
	s11 =	sadd.s32 $0x500, s2;
	s6 =	sor.u32 s1, s5  }
0xa: {  	s12 =	sadd.s32 $0x600, s2;
	s1 =	ssub.s32 $0x2, s1;
	s5 =	sshll.u32 s6, $0xA  }
0xb: {  	s14 =	sadd.s32 $0x700, s2;
	s7 =	sshrl.u32 s1, $0x1;
	s0 =	sadd.s32 s5, s0  }
0xc: {  	_ =	strace $0x80000047;
	s1 =	ssub.s32 s1, s7;
	s0 =	sadd.s32 $0x400, s0  }
0xd: {  	s22 =	sshll.u32 s6, $0x11;
	s29 =	smax.u32 s1, $0x1;
	[dreg:$0x4] =	wrdreg s0  }
0xe: {  	s5 =	sshll.u32 s6, $0x9;
	s0 =	sadd.s32 s3, s22;
	[dreg:$0xc] =	wrdreg s29  }
0xf: {  	s7 =	sadd.s32 $0x100, s2;
	s23 =	sadd.s32 $0x800, s0;
	[dreg:$0x5] =	wrdreg s0  }
0x10: {  	s6 =	simm.s32 $0x3;
	s24 =	sadd.s32 $0x1000, s0;
	[dreg:$0x6] =	wrdreg s23  }
0x11: {  	s17 =	sor.u32 $0x8, s5;
	s25 =	sadd.s32 $0x1E000, s0;
	[dreg:$0x7] =	wrdreg s24  }
0x12: {  	s18 =	sor.u32 $0x10, s5;
	s26 =	sadd.s32 $0x1E800, s0;
	[dreg:$0x8] =	wrdreg s25  }
0x13: {  	v0 =	vlaneseq.u32;
	s1 =	simm.s32 $0x5800;
	s28 =	sadd.s32 $0x1F000, s0;
	[dreg:$0x9] =	wrdreg s26  }
0x14: {  	v1 =	vshrl.u32 v0, $0x3;
	s22 =	simm.s32 $0x1;
	s0 =	sadd.s32 $0x1F800, s0;
	[dreg:$0xa] =	wrdreg s28  }
0x15: {  	vm0 =	vmmov $0xffff;
	v0 =	vand.u32 $0x7, v0;
	v1 =	vmul.u32 $0x8, v1;
	[dreg:$0xb] =	wrdreg s0;
	s0 =	simm.s32 $0x5000;
	s23 =	simm.s32 $0xE000  }
.LBB2_1:
0x16: {  	[dreg:$0xd] =	wrdreg s21  }
0x17: {  	s15 =	rddreg [dreg:$0x4];
	s26 =	simm.s32 $0x7  }
0x18: {  	[tilespmem:s4], [sflag:$0x7] =	stream.linear.gather [hbm4b:s15+s4], $0x2000, $0x38;
	[tilespmem:$0x1A000] =	vst v63  }
0x19: {  	_ =	swait.ge [sflag:s26], $0x2000  }
0x1a: {  	[sflag:s26] =	ssyncset.done $0x0  }
0x1b: {  	[sflag:s26] =	ssyncadd.s32 $0xFFFFE000  }
0x1c: {  	v2 =	vld.msk [tilespmem:$0x0], $0xff;
	_ =	sdelay $0x4  }
0x1d: {  	v3 =	vshll.u32 v2, $0x4  }
0x1e: {  	v2 =	vand.u32 $0x7, v2;
	v3 =	vand.u32 $0xFFFFFF80, v3  }
0x1f: {  	v2 =	vor.u32 v2, v3  }
0x20: {  	v2 =	vperm.xlane v2, v0;
	_ =	sdelay $0x1  }
0x21: {  	v2 =	vadd.s32 v1, v2;
	_ =	sdelay $0x3  }
0x22: {  	s28 =	simm.s32 $0x2000  }
0x23: {  	[tilespmem:s28], [sflag:$0x1] =	stream.indirect_vreg.gather [hbm4b:s2+s4], $0x80, v2, vm0, $0xb8;
	[tilespmem:$0x1A000] =	vst v63  }
0x24: {  	s29 =	simm.s32 $0x2800  }
0x25: {  	[tilespmem:s29], [sflag:$0x1] =	stream.indirect_vreg.gather [hbm4b:s7+s4], $0x80, v2, vm0, $0xb8;
	[tilespmem:$0x1A000] =	vst v63  }
0x26: {  	s21 =	simm.s32 $0x3000  }
0x27: {  	[tilespmem:s21], [sflag:$0x1] =	stream.indirect_vreg.gather [hbm4b:s8+s4], $0x80, v2, vm0, $0xb8;
	[tilespmem:$0x1A000] =	vst v63  }
0x28: {  	s24 =	simm.s32 $0x3800  }
0x29: {  	[tilespmem:s24], [sflag:$0x1] =	stream.indirect_vreg.gather [hbm4b:s9+s4], $0x80, v2, vm0, $0xb8;
	[tilespmem:$0x1A000] =	vst v63  }
0x2a: {  	_ = 	snop  }
0x2b: {  	[tilespmem:s30], [sflag:$0x1] =	stream.indirect_vreg.gather [hbm4b:s10+s4], $0x80, v2, vm0, $0xb8;
	[tilespmem:$0x1A000] =	vst v63  }
0x2c: {  	_ = 	snop  }
0x2d: {  	[tilespmem:s31], [sflag:$0x1] =	stream.indirect_vreg.gather [hbm4b:s11+s4], $0x80, v2, vm0, $0xb8;
	[tilespmem:$0x1A000] =	vst v63  }
0x2e: {  	_ = 	snop  }
0x2f: {  	[tilespmem:s0], [sflag:$0x1] =	stream.indirect_vreg.gather [hbm4b:s12+s4], $0x80, v2, vm0, $0xb8;
	[tilespmem:$0x1A000] =	vst v63  }
0x30: {  	_ = 	snop  }
0x31: {  	[tilespmem:s1], [sflag:$0x1] =	stream.indirect_vreg.gather [hbm4b:s14+s4], $0x80, v2, vm0, $0xb8;
	[tilespmem:$0x1A000] =	vst v63  }
0x32: {  	v2 =	vld.msk [tilespmem:$0x80], $0xff;
	_ =	sdelay $0x4  }
0x33: {  	v3 =	vshll.u32 v2, $0x4  }
0x34: {  	v2 =	vand.u32 $0x7, v2;
	v3 =	vand.u32 $0xFFFFFF80, v3  }
0x35: {  	v2 =	vor.u32 v2, v3  }
0x36: {  	v2 =	vperm.xlane v2, v0;
	_ =	sdelay $0x1  }
0x37: {  	v2 =	vadd.s32 v1, v2;
	_ =	sdelay $0x3  }
0x38: {  	s25 =	simm.s32 $0x6000  }
0x39: {  	[tilespmem:s25], [sflag:$0x2] =	stream.indirect_vreg.gather [hbm4b:s2+s4], $0x80, v2, vm0, $0xb8;
	[tilespmem:$0x1A000] =	vst v63  }
0x3a: {  	s26 =	simm.s32 $0x6800  }
0x3b: {  	[tilespmem:s26], [sflag:$0x2] =	stream.indirect_vreg.gather [hbm4b:s7+s4], $0x80, v2, vm0, $0xb8;
	[tilespmem:$0x1A000] =	vst v63  }
0x3c: {  	s28 =	simm.s32 $0x7000  }
0x3d: {  	[tilespmem:s28], [sflag:$0x2] =	stream.indirect_vreg.gather [hbm4b:s8+s4], $0x80, v2, vm0, $0xb8;
	[tilespmem:$0x1A000] =	vst v63  }
0x3e: {  	s29 =	simm.s32 $0x7800  }
0x3f: {  	[tilespmem:s29], [sflag:$0x2] =	stream.indirect_vreg.gather [hbm4b:s9+s4], $0x80, v2, vm0, $0xb8;
	[tilespmem:$0x1A000] =	vst v63  }
0x40: {  	s21 =	simm.s32 $0x8000  }
0x41: {  	[tilespmem:s21], [sflag:$0x2] =	stream.indirect_vreg.gather [hbm4b:s10+s4], $0x80, v2, vm0, $0xb8;
	[tilespmem:$0x1A000] =	vst v63  }
0x42: {  	s24 =	simm.s32 $0x8800  }
0x43: {  	[tilespmem:s24], [sflag:$0x2] =	stream.indirect_vreg.gather [hbm4b:s11+s4], $0x80, v2, vm0, $0xb8;
	[tilespmem:$0x1A000] =	vst v63  }
0x44: {  	s25 =	simm.s32 $0x9000  }
0x45: {  	[tilespmem:s25], [sflag:$0x2] =	stream.indirect_vreg.gather [hbm4b:s12+s4], $0x80, v2, vm0, $0xb8;
	[tilespmem:$0x1A000] =	vst v63  }
0x46: {  	s26 =	simm.s32 $0x9800  }
0x47: {  	[tilespmem:s26], [sflag:$0x2] =	stream.indirect_vreg.gather [hbm4b:s14+s4], $0x80, v2, vm0, $0xb8;
	[tilespmem:$0x1A000] =	vst v63  }
0x48: {  	v2 =	vld.msk [tilespmem:$0x100], $0xff;
	_ =	sdelay $0x4  }
0x49: {  	v3 =	vshll.u32 v2, $0x4  }
0x4a: {  	v2 =	vand.u32 $0x7, v2;
	v3 =	vand.u32 $0xFFFFFF80, v3  }
0x4b: {  	v2 =	vor.u32 v2, v3  }
0x4c: {  	v2 =	vperm.xlane v2, v0;
	_ =	sdelay $0x1  }
0x4d: {  	v2 =	vadd.s32 v1, v2;
	_ =	sdelay $0x3  }
0x4e: {  	s28 =	simm.s32 $0xA000  }
0x4f: {  	[tilespmem:s28], [sflag:$0x3] =	stream.indirect_vreg.gather [hbm4b:s2+s4], $0x80, v2, vm0, $0xb8;
	[tilespmem:$0x1A000] =	vst v63  }
0x50: {  	s29 =	simm.s32 $0xA800  }
0x51: {  	[tilespmem:s29], [sflag:$0x3] =	stream.indirect_vreg.gather [hbm4b:s7+s4], $0x80, v2, vm0, $0xb8;
	[tilespmem:$0x1A000] =	vst v63  }
0x52: {  	s21 =	simm.s32 $0xB000  }
0x53: {  	[tilespmem:s21], [sflag:$0x3] =	stream.indirect_vreg.gather [hbm4b:s8+s4], $0x80, v2, vm0, $0xb8;
	[tilespmem:$0x1A000] =	vst v63  }
0x54: {  	s24 =	simm.s32 $0xB800  }
0x55: {  	[tilespmem:s24], [sflag:$0x3] =	stream.indirect_vreg.gather [hbm4b:s9+s4], $0x80, v2, vm0, $0xb8;
	[tilespmem:$0x1A000] =	vst v63  }
0x56: {  	s25 =	simm.s32 $0xC000  }
0x57: {  	[tilespmem:s25], [sflag:$0x3] =	stream.indirect_vreg.gather [hbm4b:s10+s4], $0x80, v2, vm0, $0xb8;
	[tilespmem:$0x1A000] =	vst v63  }
0x58: {  	s26 =	simm.s32 $0xC800  }
0x59: {  	[tilespmem:s26], [sflag:$0x3] =	stream.indirect_vreg.gather [hbm4b:s11+s4], $0x80, v2, vm0, $0xb8;
	[tilespmem:$0x1A000] =	vst v63  }
0x5a: {  	s28 =	simm.s32 $0xD000  }
0x5b: {  	[tilespmem:s28], [sflag:$0x3] =	stream.indirect_vreg.gather [hbm4b:s12+s4], $0x80, v2, vm0, $0xb8;
	[tilespmem:$0x1A000] =	vst v63  }
0x5c: {  	s29 =	simm.s32 $0xD800  }
0x5d: {  	[tilespmem:s29], [sflag:$0x3] =	stream.indirect_vreg.gather [hbm4b:s14+s4], $0x80, v2, vm0, $0xb8;
	[tilespmem:$0x1A000] =	vst v63  }
0x5e: {  	_ =	swait.ge [sflag:s22], $0x4000  }
0x5f: {  	[sflag:s22] =	ssyncset.done $0x0  }
0x60: {  	s24 =	simm.s32 $0x2200;
	[sflag:s22] =	ssyncadd.s32 $0xFFFFC000  }
0x61: {  	v2 =	vld [tilespmem:s24+$0xFFFFFE70]  }
0x62: {  	v3 =	vld [tilespmem:s24+$0xFFFFFE10]  }
0x63: {  	v4 =	vld [tilespmem:s24+$0xFFFFFE20]  }
0x64: {  	v5 =	vld [tilespmem:s24+$0xFFFFFE30]  }
0x65: {  	v6 =	vld [tilespmem:s24+$0xFFFFFE40]  }
0x66: {  	v7 =	vld [tilespmem:s24+$0xFFFFFE50];
	v2 =	vmul.f32 $4.525483320e+01, v2  }
0x67: {  	s15 =	simm.s32 $0xE200;
	v8 =	vld [tilespmem:s24+$0xFFFFFE60];
	v3 =	vmul.f32 $4.525483320e+01, v3  }
0x68: {  	v9 =	vld [tilespmem:s24+$0xFFFFFE00];
	v4 =	vmul.f32 $4.525483320e+01, v4;
	[tilespmem:s15+$0xFFFFFE70] =	vst v2  }
0x69: {  	[tilespmem:s15+$0xFFFFFE10] =	vst v3;
	v2 =	vmul.f32 $4.525483320e+01, v5;
	v3 =	vld [tilespmem:s24+$0xFFFFFEF0]  }
0x6a: {  	[tilespmem:s15+$0xFFFFFE20] =	vst v4;
	v4 =	vmul.f32 $4.525483320e+01, v6;
	v5 =	vld [tilespmem:s24+$0xFFFFFE90]  }
0x6b: {  	v6 =	vld [tilespmem:s24+$0xFFFFFEA0];
	[tilespmem:s15+$0xFFFFFE30] =	vst v2;
	v2 =	vmul.f32 $4.525483320e+01, v7  }
0x6c: {  	[tilespmem:s15+$0xFFFFFE40] =	vst v4;
	v4 =	vmul.f32 $4.525483320e+01, v8;
	v7 =	vld [tilespmem:s24+$0xFFFFFEB0]  }
0x6d: {  	v8 =	vmul.f32 $4.525483320e+01, v9;
	v9 =	vld [tilespmem:s24+$0xFFFFFEC0];
	[tilespmem:s15+$0xFFFFFE50] =	vst v2  }
0x6e: {  	[tilespmem:s15+$0xFFFFFE60] =	vst v4;
	v2 =	vld [tilespmem:s24+$0xFFFFFED0];
	v3 =	vmul.f32 $4.525483320e+01, v3  }
0x6f: {  	[tilespmem:s15+$0xFFFFFE00] =	vst v8;
	v4 =	vmul.f32 $4.525483320e+01, v5;
	v5 =	vld [tilespmem:s24+$0xFFFFFEE0]  }
0x70: {  	v8 =	vld [tilespmem:s24+$0xFFFFFE80];
	v6 =	vmul.f32 $4.525483320e+01, v6;
	[tilespmem:s15+$0xFFFFFEF0] =	vst v3  }
0x71: {  	[tilespmem:s15+$0xFFFFFE90] =	vst v4;
	v3 =	vmul.f32 $4.525483320e+01, v7;
	v4 =	vld [tilespmem:s24+$0xFFFFFF70]  }
0x72: {  	[tilespmem:s15+$0xFFFFFEA0] =	vst v6;
	v6 =	vmul.f32 $4.525483320e+01, v9;
	v7 =	vld [tilespmem:s24+$0xFFFFFF10]  }
0x73: {  	v9 =	vld [tilespmem:s24+$0xFFFFFF20];
	[tilespmem:s15+$0xFFFFFEB0] =	vst v3;
	v2 =	vmul.f32 $4.525483320e+01, v2  }
0x74: {  	[tilespmem:s15+$0xFFFFFEC0] =	vst v6;
	v3 =	vld [tilespmem:s24+$0xFFFFFF30];
	v5 =	vmul.f32 $4.525483320e+01, v5  }
0x75: {  	v6 =	vmul.f32 $4.525483320e+01, v8;
	v8 =	vld [tilespmem:s24+$0xFFFFFF40];
	[tilespmem:s15+$0xFFFFFED0] =	vst v2  }
0x76: {  	v2 =	vld [tilespmem:s24+$0xFFFFFF50];
	[tilespmem:s15+$0xFFFFFEE0] =	vst v5;
	v4 =	vmul.f32 $4.525483320e+01, v4  }
0x77: {  	[tilespmem:s15+$0xFFFFFE80] =	vst v6;
	v5 =	vmul.f32 $4.525483320e+01, v7;
	v6 =	vld [tilespmem:s24+$0xFFFFFF60]  }
0x78: {  	v7 =	vld [tilespmem:s24+$0xFFFFFF00];
	v9 =	vmul.f32 $4.525483320e+01, v9;
	[tilespmem:s15+$0xFFFFFF70] =	vst v4  }
0x79: {  	[tilespmem:s15+$0xFFFFFF10] =	vst v5;
	v3 =	vmul.f32 $4.525483320e+01, v3;
	v4 =	vld [tilespmem:s24+$0xFFFFFFF0]  }
0x7a: {  	[tilespmem:s15+$0xFFFFFF20] =	vst v9;
	v8 =	vmul.f32 $4.525483320e+01, v8;
	v5 =	vld [tilespmem:s24+$0xFFFFFF90]  }
0x7b: {  	v9 =	vld [tilespmem:s24+$0xFFFFFFA0];
	[tilespmem:s15+$0xFFFFFF30] =	vst v3;
	v2 =	vmul.f32 $4.525483320e+01, v2  }
0x7c: {  	[tilespmem:s15+$0xFFFFFF40] =	vst v8;
	v3 =	vld [tilespmem:s24+$0xFFFFFFB0];
	v6 =	vmul.f32 $4.525483320e+01, v6  }
0x7d: {  	v7 =	vmul.f32 $4.525483320e+01, v7;
	v8 =	vld [tilespmem:s24+$0xFFFFFFC0];
	[tilespmem:s15+$0xFFFFFF50] =	vst v2  }
0x7e: {  	v2 =	vld [tilespmem:s24+$0xFFFFFFD0];
	[tilespmem:s15+$0xFFFFFF60] =	vst v6;
	v4 =	vmul.f32 $4.525483320e+01, v4  }
0x7f: {  	[tilespmem:s15+$0xFFFFFF00] =	vst v7;
	v5 =	vmul.f32 $4.525483320e+01, v5;
	v6 =	vld [tilespmem:s24+$0xFFFFFFE0]  }
0x80: {  	v7 =	vld [tilespmem:s24+$0xFFFFFF80];
	v9 =	vmul.f32 $4.525483320e+01, v9;
	[tilespmem:s15+$0xFFFFFFF0] =	vst v4  }
0x81: {  	[tilespmem:s15+$0xFFFFFF90] =	vst v5;
	v3 =	vmul.f32 $4.525483320e+01, v3;
	v4 =	vld [tilespmem:s24+$0x70]  }
0x82: {  	[tilespmem:s15+$0xFFFFFFA0] =	vst v9;
	v8 =	vmul.f32 $4.525483320e+01, v8;
	v5 =	vld [tilespmem:s24+$0x10]  }
0x83: {  	v9 =	vld [tilespmem:s24+$0x20];
	[tilespmem:s15+$0xFFFFFFB0] =	vst v3;
	v2 =	vmul.f32 $4.525483320e+01, v2  }
0x84: {  	[tilespmem:s15+$0xFFFFFFC0] =	vst v8;
	v3 =	vld [tilespmem:s24+$0x30];
	v6 =	vmul.f32 $4.525483320e+01, v6  }
0x85: {  	v7 =	vmul.f32 $4.525483320e+01, v7;
	v8 =	vld [tilespmem:s24+$0x40];
	[tilespmem:s15+$0xFFFFFFD0] =	vst v2  }
0x86: {  	v2 =	vld [tilespmem:s24+$0x50];
	[tilespmem:s15+$0xFFFFFFE0] =	vst v6;
	v4 =	vmul.f32 $4.525483320e+01, v4  }
0x87: {  	[tilespmem:s15+$0xFFFFFF80] =	vst v7;
	v5 =	vmul.f32 $4.525483320e+01, v5;
	v6 =	vld [tilespmem:s24+$0x60]  }
0x88: {  	v7 =	vld [tilespmem:s24+$0x0];
	v9 =	vmul.f32 $4.525483320e+01, v9;
	[tilespmem:s15+$0x70] =	vst v4  }
0x89: {  	[tilespmem:s15+$0x10] =	vst v5;
	v3 =	vmul.f32 $4.525483320e+01, v3;
	v4 =	vld [tilespmem:s24+$0xF0]  }
0x8a: {  	[tilespmem:s15+$0x20] =	vst v9;
	v8 =	vmul.f32 $4.525483320e+01, v8;
	v5 =	vld [tilespmem:s24+$0x90]  }
0x8b: {  	v9 =	vld [tilespmem:s24+$0xA0];
	[tilespmem:s15+$0x30] =	vst v3;
	v2 =	vmul.f32 $4.525483320e+01, v2  }
0x8c: {  	[tilespmem:s15+$0x40] =	vst v8;
	v3 =	vld [tilespmem:s24+$0xB0];
	v6 =	vmul.f32 $4.525483320e+01, v6  }
0x8d: {  	v7 =	vmul.f32 $4.525483320e+01, v7;
	v8 =	vld [tilespmem:s24+$0xC0];
	[tilespmem:s15+$0x50] =	vst v2  }
0x8e: {  	v2 =	vld [tilespmem:s24+$0xD0];
	[tilespmem:s15+$0x60] =	vst v6;
	v4 =	vmul.f32 $4.525483320e+01, v4  }
0x8f: {  	[tilespmem:s15+$0x0] =	vst v7;
	v5 =	vmul.f32 $4.525483320e+01, v5;
	v6 =	vld [tilespmem:s24+$0xE0]  }
0x90: {  	v7 =	vld [tilespmem:s24+$0x80];
	v9 =	vmul.f32 $4.525483320e+01, v9;
	[tilespmem:s15+$0xF0] =	vst v4  }
0x91: {  	[tilespmem:s15+$0x90] =	vst v5;
	v3 =	vmul.f32 $4.525483320e+01, v3;
	v4 =	vld [tilespmem:s24+$0x170]  }
0x92: {  	[tilespmem:s15+$0xA0] =	vst v9;
	v8 =	vmul.f32 $4.525483320e+01, v8;
	v5 =	vld [tilespmem:s24+$0x110]  }
0x93: {  	v9 =	vld [tilespmem:s24+$0x120];
	[tilespmem:s15+$0xB0] =	vst v3;
	v2 =	vmul.f32 $4.525483320e+01, v2  }
0x94: {  	[tilespmem:s15+$0xC0] =	vst v8;
	v3 =	vld [tilespmem:s24+$0x130];
	v6 =	vmul.f32 $4.525483320e+01, v6  }
0x95: {  	v7 =	vmul.f32 $4.525483320e+01, v7;
	v8 =	vld [tilespmem:s24+$0x140];
	[tilespmem:s15+$0xD0] =	vst v2  }
0x96: {  	v2 =	vld [tilespmem:s24+$0x150];
	[tilespmem:s15+$0xE0] =	vst v6;
	v4 =	vmul.f32 $4.525483320e+01, v4  }
0x97: {  	[tilespmem:s15+$0x80] =	vst v7;
	v5 =	vmul.f32 $4.525483320e+01, v5;
	v6 =	vld [tilespmem:s24+$0x160]  }
0x98: {  	v7 =	vld [tilespmem:s24+$0x100];
	v9 =	vmul.f32 $4.525483320e+01, v9;
	[tilespmem:s15+$0x170] =	vst v4  }
0x99: {  	[tilespmem:s15+$0x110] =	vst v5;
	v3 =	vmul.f32 $4.525483320e+01, v3;
	v5 =	vld [tilespmem:s24+$0x1F0]  }
0x9a: {  	[tilespmem:s15+$0x120] =	vst v9;
	v4 =	vmul.f32 $4.525483320e+01, v8;
	v10 =	vld [tilespmem:s24+$0x190]  }
0x9b: {  	v9 =	vld [tilespmem:s24+$0x1A0];
	[tilespmem:s15+$0x130] =	vst v3;
	v3 =	vmul.f32 $4.525483320e+01, v2  }
0x9c: {  	[tilespmem:s15+$0x140] =	vst v4;
	v2 =	vld [tilespmem:s24+$0x1B0];
	v6 =	vmul.f32 $4.525483320e+01, v6  }
0x9d: {  	v7 =	vmul.f32 $4.525483320e+01, v7;
	v4 =	vld [tilespmem:s24+$0x1C0];
	[tilespmem:s15+$0x150] =	vst v3  }
0x9e: {  	v3 =	vld [tilespmem:s24+$0x1D0];
	[tilespmem:s15+$0x160] =	vst v6;
	v11 =	vmul.f32 $4.525483320e+01, v5  }
0x9f: {  	[tilespmem:s15+$0x100] =	vst v7;
	v5 =	vld [tilespmem:s24+$0x1E0];
	v8 =	vmul.f32 $4.525483320e+01, v10  }
0xa0: {  	s21 =	simm.s32 $0x0;
	v6 =	vld [tilespmem:s24+$0x180];
	v7 =	vmul.f32 $4.525483320e+01, v9;
	s24 =	simm.s32 $0x2600;
	[tilespmem:s15+$0x1F0] =	vst v11  }
.LBB2_2:
0xa1: {  	v9 =	vld [tilespmem:s24+$0xFFFFFE70];
	s21 =	sadd.s32 $0x8, s21;
	[tilespmem:s15+$0x190] =	vst v8;
	v2 =	vmul.f32 $4.525483320e+01, v2  }
0xa2: {  	v8 =	vld [tilespmem:s24+$0xFFFFFE10];
	p0 =	slt.u32 s21, $0x78;
	[tilespmem:s15+$0x1A0] =	vst v7;
	v4 =	vmul.f32 $4.525483320e+01, v4  }
0xa3: {  	v7 =	vld [tilespmem:s24+$0xFFFFFE20];
	[tilespmem:s15+$0x1B0] =	vst v2;
	v2 =	vmul.f32 $4.525483320e+01, v3  }
0xa4: {  	v3 =	vld [tilespmem:s24+$0xFFFFFE30];
	[tilespmem:s15+$0x1C0] =	vst v4;
	v4 =	vmul.f32 $4.525483320e+01, v5  }
0xa5: {  	v5 =	vld [tilespmem:s24+$0xFFFFFE40];
	v6 =	vmul.f32 $4.525483320e+01, v6;
	[tilespmem:s15+$0x1D0] =	vst v2  }
0xa6: {  	v2 =	vld [tilespmem:s24+$0xFFFFFE50];
	v9 =	vmul.f32 $4.525483320e+01, v9;
	[tilespmem:s15+$0x1E0] =	vst v4  }
0xa7: {  	v4 =	vmul.f32 $4.525483320e+01, v8;
	v8 =	vld [tilespmem:s24+$0xFFFFFE60];
	[tilespmem:s15+$0x180] =	vst v6;
	s15 =	sadd.s32 $0x400, s15  }
0xa8: {  	v6 =	vld [tilespmem:s24+$0xFFFFFE00];
	v7 =	vmul.f32 $4.525483320e+01, v7;
	[tilespmem:s15+$0xFFFFFE70] =	vst v9  }
0xa9: {  	[tilespmem:s15+$0xFFFFFE10] =	vst v4;
	v3 =	vmul.f32 $4.525483320e+01, v3;
	v4 =	vld [tilespmem:s24+$0xFFFFFEF0]  }
0xaa: {  	v9 =	vld [tilespmem:s24+$0xFFFFFE90];
	[tilespmem:s15+$0xFFFFFE20] =	vst v7;
	v5 =	vmul.f32 $4.525483320e+01, v5  }
0xab: {  	v7 =	vld [tilespmem:s24+$0xFFFFFEA0];
	[tilespmem:s15+$0xFFFFFE30] =	vst v3;
	v2 =	vmul.f32 $4.525483320e+01, v2  }
0xac: {  	v3 =	vld [tilespmem:s24+$0xFFFFFEB0];
	[tilespmem:s15+$0xFFFFFE40] =	vst v5;
	v5 =	vmul.f32 $4.525483320e+01, v8  }
0xad: {  	v6 =	vmul.f32 $4.525483320e+01, v6;
	v8 =	vld [tilespmem:s24+$0xFFFFFEC0];
	[tilespmem:s15+$0xFFFFFE50] =	vst v2  }
0xae: {  	v2 =	vld [tilespmem:s24+$0xFFFFFED0];
	[tilespmem:s15+$0xFFFFFE60] =	vst v5;
	v4 =	vmul.f32 $4.525483320e+01, v4  }
0xaf: {  	[tilespmem:s15+$0xFFFFFE00] =	vst v6;
	v5 =	vmul.f32 $4.525483320e+01, v9;
	v6 =	vld [tilespmem:s24+$0xFFFFFEE0]  }
0xb0: {  	v9 =	vld [tilespmem:s24+$0xFFFFFE80];
	v7 =	vmul.f32 $4.525483320e+01, v7;
	[tilespmem:s15+$0xFFFFFEF0] =	vst v4  }
0xb1: {  	[tilespmem:s15+$0xFFFFFE90] =	vst v5;
	v3 =	vmul.f32 $4.525483320e+01, v3;
	v4 =	vld [tilespmem:s24+$0xFFFFFF70]  }
0xb2: {  	v5 =	vld [tilespmem:s24+$0xFFFFFF10];
	[tilespmem:s15+$0xFFFFFEA0] =	vst v7;
	v7 =	vmul.f32 $4.525483320e+01, v8  }
0xb3: {  	v8 =	vld [tilespmem:s24+$0xFFFFFF20];
	[tilespmem:s15+$0xFFFFFEB0] =	vst v3;
	v2 =	vmul.f32 $4.525483320e+01, v2  }
0xb4: {  	v3 =	vld [tilespmem:s24+$0xFFFFFF30];
	[tilespmem:s15+$0xFFFFFEC0] =	vst v7;
	v6 =	vmul.f32 $4.525483320e+01, v6  }
0xb5: {  	v7 =	vmul.f32 $4.525483320e+01, v9;
	v9 =	vld [tilespmem:s24+$0xFFFFFF40];
	[tilespmem:s15+$0xFFFFFED0] =	vst v2  }
0xb6: {  	v2 =	vld [tilespmem:s24+$0xFFFFFF50];
	[tilespmem:s15+$0xFFFFFEE0] =	vst v6;
	v4 =	vmul.f32 $4.525483320e+01, v4  }
0xb7: {  	[tilespmem:s15+$0xFFFFFE80] =	vst v7;
	v5 =	vmul.f32 $4.525483320e+01, v5;
	v6 =	vld [tilespmem:s24+$0xFFFFFF60]  }
0xb8: {  	v7 =	vld [tilespmem:s24+$0xFFFFFF00];
	v8 =	vmul.f32 $4.525483320e+01, v8;
	[tilespmem:s15+$0xFFFFFF70] =	vst v4  }
0xb9: {  	[tilespmem:s15+$0xFFFFFF10] =	vst v5;
	v3 =	vmul.f32 $4.525483320e+01, v3;
	v4 =	vld [tilespmem:s24+$0xFFFFFFF0]  }
0xba: {  	v5 =	vld [tilespmem:s24+$0xFFFFFF90];
	[tilespmem:s15+$0xFFFFFF20] =	vst v8;
	v8 =	vmul.f32 $4.525483320e+01, v9  }
0xbb: {  	v9 =	vld [tilespmem:s24+$0xFFFFFFA0];
	[tilespmem:s15+$0xFFFFFF30] =	vst v3;
	v2 =	vmul.f32 $4.525483320e+01, v2  }
0xbc: {  	v3 =	vld [tilespmem:s24+$0xFFFFFFB0];
	[tilespmem:s15+$0xFFFFFF40] =	vst v8;
	v6 =	vmul.f32 $4.525483320e+01, v6  }
0xbd: {  	v7 =	vmul.f32 $4.525483320e+01, v7;
	v8 =	vld [tilespmem:s24+$0xFFFFFFC0];
	[tilespmem:s15+$0xFFFFFF50] =	vst v2  }
0xbe: {  	v2 =	vld [tilespmem:s24+$0xFFFFFFD0];
	[tilespmem:s15+$0xFFFFFF60] =	vst v6;
	v4 =	vmul.f32 $4.525483320e+01, v4  }
0xbf: {  	[tilespmem:s15+$0xFFFFFF00] =	vst v7;
	v5 =	vmul.f32 $4.525483320e+01, v5;
	v6 =	vld [tilespmem:s24+$0xFFFFFFE0]  }
0xc0: {  	v7 =	vld [tilespmem:s24+$0xFFFFFF80];
	v9 =	vmul.f32 $4.525483320e+01, v9;
	[tilespmem:s15+$0xFFFFFFF0] =	vst v4  }
0xc1: {  	[tilespmem:s15+$0xFFFFFF90] =	vst v5;
	v3 =	vmul.f32 $4.525483320e+01, v3;
	v4 =	vld [tilespmem:s24+$0x70]  }
0xc2: {  	v5 =	vld [tilespmem:s24+$0x10];
	[tilespmem:s15+$0xFFFFFFA0] =	vst v9;
	v8 =	vmul.f32 $4.525483320e+01, v8  }
0xc3: {  	v9 =	vld [tilespmem:s24+$0x20];
	[tilespmem:s15+$0xFFFFFFB0] =	vst v3;
	v2 =	vmul.f32 $4.525483320e+01, v2  }
0xc4: {  	v3 =	vld [tilespmem:s24+$0x30];
	[tilespmem:s15+$0xFFFFFFC0] =	vst v8;
	v6 =	vmul.f32 $4.525483320e+01, v6  }
0xc5: {  	v7 =	vmul.f32 $4.525483320e+01, v7;
	v8 =	vld [tilespmem:s24+$0x40];
	[tilespmem:s15+$0xFFFFFFD0] =	vst v2  }
0xc6: {  	v2 =	vld [tilespmem:s24+$0x50];
	[tilespmem:s15+$0xFFFFFFE0] =	vst v6;
	v4 =	vmul.f32 $4.525483320e+01, v4  }
0xc7: {  	[tilespmem:s15+$0xFFFFFF80] =	vst v7;
	v5 =	vmul.f32 $4.525483320e+01, v5;
	v6 =	vld [tilespmem:s24+$0x60]  }
0xc8: {  	v7 =	vld [tilespmem:s24+$0x0];
	v9 =	vmul.f32 $4.525483320e+01, v9;
	[tilespmem:s15+$0x70] =	vst v4  }
0xc9: {  	[tilespmem:s15+$0x10] =	vst v5;
	v3 =	vmul.f32 $4.525483320e+01, v3;
	v4 =	vld [tilespmem:s24+$0xF0]  }
0xca: {  	v5 =	vld [tilespmem:s24+$0x90];
	[tilespmem:s15+$0x20] =	vst v9;
	v8 =	vmul.f32 $4.525483320e+01, v8  }
0xcb: {  	v9 =	vld [tilespmem:s24+$0xA0];
	[tilespmem:s15+$0x30] =	vst v3;
	v2 =	vmul.f32 $4.525483320e+01, v2  }
0xcc: {  	v3 =	vld [tilespmem:s24+$0xB0];
	[tilespmem:s15+$0x40] =	vst v8;
	v6 =	vmul.f32 $4.525483320e+01, v6  }
0xcd: {  	v7 =	vmul.f32 $4.525483320e+01, v7;
	v8 =	vld [tilespmem:s24+$0xC0];
	[tilespmem:s15+$0x50] =	vst v2  }
0xce: {  	v2 =	vld [tilespmem:s24+$0xD0];
	[tilespmem:s15+$0x60] =	vst v6;
	v4 =	vmul.f32 $4.525483320e+01, v4  }
0xcf: {  	[tilespmem:s15+$0x0] =	vst v7;
	v5 =	vmul.f32 $4.525483320e+01, v5;
	v6 =	vld [tilespmem:s24+$0xE0]  }
0xd0: {  	v7 =	vld [tilespmem:s24+$0x80];
	v9 =	vmul.f32 $4.525483320e+01, v9;
	[tilespmem:s15+$0xF0] =	vst v4  }
0xd1: {  	[tilespmem:s15+$0x90] =	vst v5;
	v3 =	vmul.f32 $4.525483320e+01, v3;
	v4 =	vld [tilespmem:s24+$0x170]  }
0xd2: {  	v5 =	vld [tilespmem:s24+$0x110];
	[tilespmem:s15+$0xA0] =	vst v9;
	v8 =	vmul.f32 $4.525483320e+01, v8  }
0xd3: {  	v9 =	vld [tilespmem:s24+$0x120];
	[tilespmem:s15+$0xB0] =	vst v3;
	v2 =	vmul.f32 $4.525483320e+01, v2  }
0xd4: {  	v3 =	vld [tilespmem:s24+$0x130];
	[tilespmem:s15+$0xC0] =	vst v8;
	v6 =	vmul.f32 $4.525483320e+01, v6  }
0xd5: {  	v7 =	vmul.f32 $4.525483320e+01, v7;
	v8 =	vld [tilespmem:s24+$0x140];
	[tilespmem:s15+$0xD0] =	vst v2  }
0xd6: {  	v2 =	vld [tilespmem:s24+$0x150];
	[tilespmem:s15+$0xE0] =	vst v6;
	v4 =	vmul.f32 $4.525483320e+01, v4  }
0xd7: {  	[tilespmem:s15+$0x80] =	vst v7;
	v5 =	vmul.f32 $4.525483320e+01, v5;
	v6 =	vld [tilespmem:s24+$0x160]  }
0xd8: {  	v7 =	vld [tilespmem:s24+$0x100];
	v9 =	vmul.f32 $4.525483320e+01, v9;
	[tilespmem:s15+$0x170] =	vst v4  }
0xd9: {  	[tilespmem:s15+$0x110] =	vst v5;
	v3 =	vmul.f32 $4.525483320e+01, v3;
	v5 =	vld [tilespmem:s24+$0x1F0]  }
0xda: {  	v10 =	vld [tilespmem:s24+$0x190];
	[tilespmem:s15+$0x120] =	vst v9;
	v4 =	vmul.f32 $4.525483320e+01, v8  }
0xdb: {  	v9 =	vld [tilespmem:s24+$0x1A0];
	[tilespmem:s15+$0x130] =	vst v3;
	v3 =	vmul.f32 $4.525483320e+01, v2  }
.Ltmp0:
0xdc: {  	v2 =	vld [tilespmem:s24+$0x1B0];
	[tilespmem:s15+$0x140] =	vst v4;
	v6 =	vmul.f32 $4.525483320e+01, v6;
	(pc) =	sbr.rel @p0 .LBB2_2-.Ltmp0, $4  }
0xdd: {  	v7 =	vmul.f32 $4.525483320e+01, v7;
	v4 =	vld [tilespmem:s24+$0x1C0];
	[tilespmem:s15+$0x150] =	vst v3  }
0xde: {  	v3 =	vld [tilespmem:s24+$0x1D0];
	[tilespmem:s15+$0x160] =	vst v6;
	v11 =	vmul.f32 $4.525483320e+01, v5  }
0xdf: {  	[tilespmem:s15+$0x100] =	vst v7;
	v8 =	vmul.f32 $4.525483320e+01, v10;
	v5 =	vld [tilespmem:s24+$0x1E0]  }
0xe0: {  	v6 =	vld [tilespmem:s24+$0x180];
	v7 =	vmul.f32 $4.525483320e+01, v9;
	[tilespmem:s15+$0x1F0] =	vst v11;
	s24 =	sadd.s32 $0x400, s24  }
0xe1: {  	[tilespmem:s15+$0x190] =	vst v8;
	v2 =	vmul.f32 $4.525483320e+01, v2  }
0xe2: {  	[tilespmem:s15+$0x1A0] =	vst v7;
	v4 =	vmul.f32 $4.525483320e+01, v4  }
0xe3: {  	[tilespmem:s15+$0x1B0] =	vst v2;
	v2 =	vmul.f32 $4.525483320e+01, v3  }
0xe4: {  	[tilespmem:s15+$0x1C0] =	vst v4;
	v3 =	vmul.f32 $4.525483320e+01, v5  }
0xe5: {  	v4 =	vmul.f32 $4.525483320e+01, v6;
	[tilespmem:s15+$0x1D0] =	vst v2  }
0xe6: {  	[tilespmem:s15+$0x1E0] =	vst v3  }
0xe7: {  	[tilespmem:s15+$0x180] =	vst v4  }
0xe8: {  	v2 =	vld.msk [tilespmem:$0x180], $0xff;
	_ =	sdelay $0x4  }
0xe9: {  	v3 =	vshll.u32 v2, $0x4  }
0xea: {  	v2 =	vand.u32 $0x7, v2;
	v3 =	vand.u32 $0xFFFFFF80, v3  }
0xeb: {  	v2 =	vor.u32 v2, v3  }
0xec: {  	v2 =	vperm.xlane v2, v0;
	_ =	sdelay $0x1  }
0xed: {  	v2 =	vadd.s32 v1, v2;
	_ =	sdelay $0x3  }
0xee: {  	s24 =	simm.s32 $0x0;
	s21 =	simm.s32 $0x2000  }
0xef: {  	[tilespmem:s21], [sflag:$0x1] =	stream.indirect_vreg.gather [hbm4b:s2+s24], $0x80, v2, vm0, $0xb8;
	[tilespmem:$0x1A000] =	vst v63  }
0xf0: {  	s25 =	simm.s32 $0x2800  }
0xf1: {  	[tilespmem:s25], [sflag:$0x1] =	stream.indirect_vreg.gather [hbm4b:s7+s24], $0x80, v2, vm0, $0xb8;
	[tilespmem:$0x1A000] =	vst v63  }
0xf2: {  	s26 =	simm.s32 $0x3000  }
0xf3: {  	[tilespmem:s26], [sflag:$0x1] =	stream.indirect_vreg.gather [hbm4b:s8+s24], $0x80, v2, vm0, $0xb8;
	[tilespmem:$0x1A000] =	vst v63  }
0xf4: {  	s28 =	simm.s32 $0x3800  }
0xf5: {  	[tilespmem:s28], [sflag:$0x1] =	stream.indirect_vreg.gather [hbm4b:s9+s24], $0x80, v2, vm0, $0xb8;
	[tilespmem:$0x1A000] =	vst v63  }
0xf6: {  	_ = 	snop  }
0xf7: {  	[tilespmem:s30], [sflag:$0x1] =	stream.indirect_vreg.gather [hbm4b:s10+s24], $0x80, v2, vm0, $0xb8;
	[tilespmem:$0x1A000] =	vst v63  }
0xf8: {  	_ = 	snop  }
0xf9: {  	[tilespmem:s31], [sflag:$0x1] =	stream.indirect_vreg.gather [hbm4b:s11+s24], $0x80, v2, vm0, $0xb8;
	[tilespmem:$0x1A000] =	vst v63  }
0xfa: {  	_ = 	snop  }
0xfb: {  	[tilespmem:s0], [sflag:$0x1] =	stream.indirect_vreg.gather [hbm4b:s12+s24], $0x80, v2, vm0, $0xb8;
	[tilespmem:$0x1A000] =	vst v63  }
0xfc: {  	_ = 	snop  }
0xfd: {  	[tilespmem:s1], [sflag:$0x1] =	stream.indirect_vreg.gather [hbm4b:s14+s24], $0x80, v2, vm0, $0xb8;
	[tilespmem:$0x1A000] =	vst v63  }
0xfe: {  	s29 =	rddreg [dreg:$0x5]  }
0xff: {  	[hbm4b:s29+s24] =	stream.linear.scatter [tilespmem:s23], [sflag:$0x4], $0x4000, $0x38;
	[tilespmem:$0x1A000] =	vst v63  }
0x100: {  	_ =	swait.ge [sflag:s13], $0x4000  }
0x101: {  	[sflag:s13] =	ssyncset.done $0x0  }
0x102: {  	s15 =	simm.s32 $0x0;
	[sflag:s13] =	ssyncadd.s32 $0xFFFFC000  }
0x103: {  	v2 =	vld [tilespmem:s15+$0x6000]  }
0x104: {  	v3 =	vld [tilespmem:s15+$0x6080]  }
0x105: {  	v9 =	vld [tilespmem:s15+$0x63F0]  }
0x106: {  	v4 =	vld [tilespmem:s15+$0x6100]  }
0x107: {  	v5 =	vld [tilespmem:s15+$0x6180]  }
0x108: {  	v6 =	vld [tilespmem:s15+$0x6200]  }
0x109: {  	v13 =	vld [tilespmem:s15+$0x6190];
	v2 =	vmul.f32 $4.525483320e+01, v2  }
0x10a: {  	v7 =	vld [tilespmem:s15+$0x6280];
	v9 =	vmul.f32 $4.525483320e+01, v9  }
0x10b: {  	v10 =	vld [tilespmem:s15+$0x6010];
	v3 =	vmul.f32 $4.525483320e+01, v3;
	[tilespmem:s15+$0x12000] =	vst v2  }
0x10c: {  	v8 =	vld [tilespmem:s15+$0x6300];
	v4 =	vmul.f32 $4.525483320e+01, v4;
	[tilespmem:s15+$0x123F0] =	vst v9  }
0x10d: {  	v11 =	vld [tilespmem:s15+$0x6090];
	v5 =	vmul.f32 $4.525483320e+01, v5;
	[tilespmem:s15+$0x12080] =	vst v3  }
0x10e: {  	v12 =	vld [tilespmem:s15+$0x6110];
	v62 =	vmul.f32 $4.525483320e+01, v13;
	[tilespmem:s15+$0x12100] =	vst v4  }
0x10f: {  	v2 =	vld [tilespmem:s15+$0x6380];
	v4 =	vmul.f32 $4.525483320e+01, v6;
	[tilespmem:s15+$0x12180] =	vst v5  }
0x110: {  	v9 =	vmul.f32 $4.525483320e+01, v10;
	v10 =	vld [tilespmem:s15+$0x6290];
	[tilespmem:s15+$0x12190] =	vst v62  }
0x111: {  	v3 =	vld [tilespmem:s15+$0x6310];
	[tilespmem:s15+$0x12200] =	vst v4;
	v4 =	vmul.f32 $4.525483320e+01, v8  }
0x112: {  	v5 =	vmul.f32 $4.525483320e+01, v7;
	v7 =	vld [tilespmem:s15+$0x6020];
	[tilespmem:s15+$0x12010] =	vst v9  }
0x113: {  	v14 =	vld [tilespmem:s15+$0x6210];
	[tilespmem:s15+$0x12300] =	vst v4;
	v4 =	vmul.f32 $4.525483320e+01, v11  }
0x114: {  	[tilespmem:s15+$0x12280] =	vst v5;
	v5 =	vld [tilespmem:s15+$0x6120];
	v2 =	vmul.f32 $4.525483320e+01, v2  }
0x115: {  	v63 =	vld [tilespmem:s15+$0x63A0];
	v10 =	vmul.f32 $4.525483320e+01, v10;
	[tilespmem:s15+$0x12090] =	vst v4  }
0x116: {  	v8 =	vld [tilespmem:s15+$0x60A0];
	v3 =	vmul.f32 $4.525483320e+01, v3;
	[tilespmem:s15+$0x12380] =	vst v2  }
0x117: {  	v6 =	vld [tilespmem:s15+$0x6390];
	v4 =	vmul.f32 $4.525483320e+01, v7;
	[tilespmem:s15+$0x12290] =	vst v10  }
0x118: {  	v9 =	vld [tilespmem:s15+$0x61A0];
	v2 =	vmul.f32 $4.525483320e+01, v12;
	[tilespmem:s15+$0x12310] =	vst v3  }
0x119: {  	v11 =	vld [tilespmem:s15+$0x6220];
	v5 =	vmul.f32 $4.525483320e+01, v5;
	[tilespmem:s15+$0x12020] =	vst v4  }
0x11a: {  	v4 =	vmul.f32 $4.525483320e+01, v14;
	[tilespmem:s15+$0x12110] =	vst v2;
	v2 =	vld [tilespmem:s15+$0x6320]  }
0x11b: {  	v3 =	vmul.f32 $4.525483320e+01, v8;
	[tilespmem:s15+$0x12120] =	vst v5;
	v5 =	vld [tilespmem:s15+$0x62B0]  }
0x11c: {  	v6 =	vmul.f32 $4.525483320e+01, v6;
	[tilespmem:s15+$0x12210] =	vst v4;
	v4 =	vld [tilespmem:s15+$0x6030]  }
0x11d: {  	v10 =	vld [tilespmem:s15+$0x60B0];
	[tilespmem:s15+$0x120A0] =	vst v3;
	v3 =	vmul.f32 $4.525483320e+01, v9  }
0x11e: {  	v7 =	vld [tilespmem:s15+$0x62A0];
	[tilespmem:s15+$0x12390] =	vst v6;
	v11 =	vmul.f32 $4.525483320e+01, v11  }
0x11f: {  	v6 =	vld [tilespmem:s15+$0x61B0];
	[tilespmem:s15+$0x121A0] =	vst v3;
	v2 =	vmul.f32 $4.525483320e+01, v2  }
0x120: {  	v8 =	vld [tilespmem:s15+$0x6130];
	[tilespmem:s15+$0x12220] =	vst v11;
	v5 =	vmul.f32 $4.525483320e+01, v5  }
0x121: {  	v11 =	vld [tilespmem:s15+$0x6040];
	v4 =	vmul.f32 $4.525483320e+01, v4;
	[tilespmem:s15+$0x12320] =	vst v2  }
0x122: {  	v9 =	vld [tilespmem:s15+$0x6230];
	v2 =	vmul.f32 $4.525483320e+01, v10;
	[tilespmem:s15+$0x122B0] =	vst v5  }
0x123: {  	v3 =	vld [tilespmem:s15+$0x6330];
	[tilespmem:s15+$0x12030] =	vst v4;
	v4 =	vmul.f32 $4.525483320e+01, v7  }
0x124: {  	v7 =	vld [tilespmem:s15+$0x63B0];
	[tilespmem:s15+$0x120B0] =	vst v2;
	v2 =	vmul.f32 $4.525483320e+01, v6  }
0x125: {  	[tilespmem:s15+$0x122A0] =	vst v4;
	v4 =	vmul.f32 $4.525483320e+01, v63  }
0x126: {  	v10 =	vld [tilespmem:s15+$0x60C0];
	[tilespmem:s15+$0x121B0] =	vst v2;
	v2 =	vmul.f32 $4.525483320e+01, v11  }
0x127: {  	[tilespmem:s15+$0x123A0] =	vst v4;
	v4 =	vmul.f32 $4.525483320e+01, v8;
	v8 =	vld [tilespmem:s15+$0x6140]  }
0x128: {  	v6 =	vld [tilespmem:s15+$0x61C0];
	[tilespmem:s15+$0x12040] =	vst v2;
	v2 =	vmul.f32 $4.525483320e+01, v3  }
0x129: {  	v3 =	vmul.f32 $4.525483320e+01, v7;
	[tilespmem:s15+$0x12130] =	vst v4;
	v4 =	vmul.f32 $4.525483320e+01, v9;
	v9 =	vld [tilespmem:s15+$0x6240]  }
0x12a: {  	v11 =	vld [tilespmem:s15+$0x62C0];
	[tilespmem:s15+$0x12330] =	vst v2  }
0x12b: {  	v7 =	vld [tilespmem:s15+$0x6050];
	v2 =	vmul.f32 $4.525483320e+01, v10;
	[tilespmem:s15+$0x123B0] =	vst v3  }
0x12c: {  	[tilespmem:s15+$0x12230] =	vst v4;
	v4 =	vld [tilespmem:s15+$0x6340];
	v3 =	vmul.f32 $4.525483320e+01, v8  }
0x12d: {  	v5 =	vld [tilespmem:s15+$0x63C0];
	[tilespmem:s15+$0x120C0] =	vst v2;
	v2 =	vmul.f32 $4.525483320e+01, v6  }
0x12e: {  	v8 =	vld [tilespmem:s15+$0x60D0];
	[tilespmem:s15+$0x12140] =	vst v3;
	v3 =	vmul.f32 $4.525483320e+01, v9  }
0x12f: {  	v6 =	vld [tilespmem:s15+$0x6150];
	[tilespmem:s15+$0x121C0] =	vst v2;
	v2 =	vmul.f32 $4.525483320e+01, v11  }
0x130: {  	v9 =	vld [tilespmem:s15+$0x61D0];
	[tilespmem:s15+$0x12240] =	vst v3;
	v3 =	vmul.f32 $4.525483320e+01, v7  }
0x131: {  	v4 =	vmul.f32 $4.525483320e+01, v4;
	[tilespmem:s15+$0x122C0] =	vst v2;
	v2 =	vld [tilespmem:s15+$0x6350]  }
0x132: {  	v10 =	vld [tilespmem:s15+$0x6250];
	[tilespmem:s15+$0x12050] =	vst v3;
	v3 =	vmul.f32 $4.525483320e+01, v5  }
0x133: {  	v7 =	vld [tilespmem:s15+$0x62D0];
	[tilespmem:s15+$0x12340] =	vst v4;
	v4 =	vmul.f32 $4.525483320e+01, v8  }
0x134: {  	v5 =	vld [tilespmem:s15+$0x63D0];
	[tilespmem:s15+$0x123C0] =	vst v3;
	v3 =	vmul.f32 $4.525483320e+01, v6  }
0x135: {  	v6 =	vld [tilespmem:s15+$0x6060];
	[tilespmem:s15+$0x120D0] =	vst v4;
	v4 =	vmul.f32 $4.525483320e+01, v9  }
0x136: {  	v8 =	vld [tilespmem:s15+$0x60E0];
	v2 =	vmul.f32 $4.525483320e+01, v2;
	[tilespmem:s15+$0x12150] =	vst v3  }
0x137: {  	v9 =	vld [tilespmem:s15+$0x6160];
	v3 =	vmul.f32 $4.525483320e+01, v10;
	[tilespmem:s15+$0x121D0] =	vst v4  }
0x138: {  	v4 =	vmul.f32 $4.525483320e+01, v7;
	v7 =	vld [tilespmem:s15+$0x61E0];
	[tilespmem:s15+$0x12350] =	vst v2  }
0x139: {  	v5 =	vmul.f32 $4.525483320e+01, v5;
	[tilespmem:s15+$0x12250] =	vst v3;
	v3 =	vld [tilespmem:s15+$0x6260]  }
0x13a: {  	[tilespmem:s15+$0x122D0] =	vst v4;
	v4 =	vmul.f32 $4.525483320e+01, v6;
	v6 =	vld [tilespmem:s15+$0x62E0]  }
0x13b: {  	v10 =	vld [tilespmem:s15+$0x6360];
	v2 =	vmul.f32 $4.525483320e+01, v8;
	[tilespmem:s15+$0x123D0] =	vst v5  }
0x13c: {  	v8 =	vld [tilespmem:s15+$0x63E0];
	[tilespmem:s15+$0x12060] =	vst v4;
	v4 =	vmul.f32 $4.525483320e+01, v9  }
0x13d: {  	[tilespmem:s15+$0x120E0] =	vst v2;
	v2 =	vmul.f32 $4.525483320e+01, v7;
	v7 =	vld [tilespmem:s15+$0x6070]  }
0x13e: {  	v5 =	vld [tilespmem:s15+$0x60F0];
	[tilespmem:s15+$0x12160] =	vst v4;
	v3 =	vmul.f32 $4.525483320e+01, v3  }
0x13f: {  	[tilespmem:s15+$0x121E0] =	vst v2;
	v2 =	vld [tilespmem:s15+$0x6170];
	v4 =	vmul.f32 $4.525483320e+01, v6  }
0x140: {  	v6 =	vmul.f32 $4.525483320e+01, v10;
	[tilespmem:s15+$0x12260] =	vst v3;
	v3 =	vld [tilespmem:s15+$0x61F0]  }
0x141: {  	v8 =	vmul.f32 $4.525483320e+01, v8;
	[tilespmem:s15+$0x122E0] =	vst v4;
	v4 =	vld [tilespmem:s15+$0x6270]  }
0x142: {  	s21 =	simm.s32 $0x0;
	s24 =	simm.s32 $0x1000;
	[tilespmem:s15+$0x12360] =	vst v6;
	v7 =	vmul.f32 $4.525483320e+01, v7;
	v6 =	vld [tilespmem:s15+$0x62F0]  }
.LBB2_4:
0x143: {  	s25 =	sshra.s32 s24, $0x2;
	s21 =	sadd.s32 $0x8, s21;
	[tilespmem:s15+$0x123E0] =	vst v8;
	v5 =	vmul.f32 $4.525483320e+01, v5;
	v8 =	vld [tilespmem:s15+$0x6370]  }
0x144: {  	v9 =	vld [tilespmem:s25+$0x63F0];
	p0 =	slt.u32 s21, $0x78;
	[tilespmem:s15+$0x12070] =	vst v7;
	v2 =	vmul.f32 $4.525483320e+01, v2  }
0x145: {  	v7 =	vld [tilespmem:s25+$0x6000];
	[tilespmem:s15+$0x120F0] =	vst v5;
	v3 =	vmul.f32 $4.525483320e+01, v3  }
0x146: {  	v5 =	vld [tilespmem:s25+$0x6080];
	[tilespmem:s15+$0x12170] =	vst v2;
	v2 =	vmul.f32 $4.525483320e+01, v4  }
0x147: {  	v4 =	vld [tilespmem:s25+$0x6100];
	[tilespmem:s15+$0x121F0] =	vst v3;
	v3 =	vmul.f32 $4.525483320e+01, v6  }
0x148: {  	v6 =	vld [tilespmem:s25+$0x6180];
	[tilespmem:s15+$0x12270] =	vst v2;
	v2 =	vmul.f32 $4.525483320e+01, v8  }
0x149: {  	v8 =	vld [tilespmem:s25+$0x6200];
	v9 =	vmul.f32 $4.525483320e+01, v9;
	[tilespmem:s15+$0x122F0] =	vst v3  }
0x14a: {  	v3 =	vmul.f32 $4.525483320e+01, v7;
	v7 =	vld [tilespmem:s25+$0x6280];
	[tilespmem:s15+$0x12370] =	vst v2;
	s15 =	smov.u32 s25  }
0x14b: {  	v2 =	vmul.f32 $4.525483320e+01, v5;
	v5 =	vld [tilespmem:s15+$0x6300];
	[tilespmem:s15+$0x123F0] =	vst v9  }
0x14c: {  	[tilespmem:s15+$0x12000] =	vst v3;
	v3 =	vmul.f32 $4.525483320e+01, v4;
	v4 =	vld [tilespmem:s15+$0x6380]  }
0x14d: {  	[tilespmem:s15+$0x12080] =	vst v2;
	v2 =	vmul.f32 $4.525483320e+01, v6;
	v6 =	vld [tilespmem:s15+$0x6010]  }
0x14e: {  	[tilespmem:s15+$0x12100] =	vst v3;
	v3 =	vmul.f32 $4.525483320e+01, v8;
	v8 =	vld [tilespmem:s15+$0x6090]  }
0x14f: {  	[tilespmem:s15+$0x12180] =	vst v2;
	v2 =	vmul.f32 $4.525483320e+01, v7;
	v7 =	vld [tilespmem:s15+$0x6110]  }
0x150: {  	[tilespmem:s15+$0x12200] =	vst v3;
	v3 =	vmul.f32 $4.525483320e+01, v5;
	v5 =	vld [tilespmem:s15+$0x6190]  }
0x151: {  	[tilespmem:s15+$0x12280] =	vst v2;
	v2 =	vmul.f32 $4.525483320e+01, v4;
	v4 =	vld [tilespmem:s15+$0x6210]  }
0x152: {  	[tilespmem:s15+$0x12300] =	vst v3;
	v3 =	vmul.f32 $4.525483320e+01, v6;
	v6 =	vld [tilespmem:s15+$0x6290]  }
0x153: {  	[tilespmem:s15+$0x12380] =	vst v2;
	v2 =	vmul.f32 $4.525483320e+01, v8;
	v8 =	vld [tilespmem:s15+$0x6310]  }
0x154: {  	[tilespmem:s15+$0x12010] =	vst v3;
	v3 =	vmul.f32 $4.525483320e+01, v7;
	v7 =	vld [tilespmem:s15+$0x6390]  }
0x155: {  	[tilespmem:s15+$0x12090] =	vst v2;
	v2 =	vmul.f32 $4.525483320e+01, v5;
	v5 =	vld [tilespmem:s15+$0x6020]  }
0x156: {  	[tilespmem:s15+$0x12110] =	vst v3;
	v3 =	vmul.f32 $4.525483320e+01, v4;
	v4 =	vld [tilespmem:s15+$0x60A0]  }
0x157: {  	[tilespmem:s15+$0x12190] =	vst v2;
	v2 =	vmul.f32 $4.525483320e+01, v6;
	v6 =	vld [tilespmem:s15+$0x6120]  }
0x158: {  	[tilespmem:s15+$0x12210] =	vst v3;
	v3 =	vmul.f32 $4.525483320e+01, v8;
	v8 =	vld [tilespmem:s15+$0x61A0]  }
0x159: {  	[tilespmem:s15+$0x12290] =	vst v2;
	v2 =	vmul.f32 $4.525483320e+01, v7;
	v7 =	vld [tilespmem:s15+$0x6220]  }
0x15a: {  	[tilespmem:s15+$0x12310] =	vst v3;
	v3 =	vmul.f32 $4.525483320e+01, v5;
	v5 =	vld [tilespmem:s15+$0x62A0]  }
0x15b: {  	[tilespmem:s15+$0x12390] =	vst v2;
	v2 =	vmul.f32 $4.525483320e+01, v4;
	v4 =	vld [tilespmem:s15+$0x6320]  }
0x15c: {  	[tilespmem:s15+$0x12020] =	vst v3;
	v3 =	vmul.f32 $4.525483320e+01, v6;
	v6 =	vld [tilespmem:s15+$0x63A0]  }
0x15d: {  	[tilespmem:s15+$0x120A0] =	vst v2;
	v2 =	vmul.f32 $4.525483320e+01, v8;
	v8 =	vld [tilespmem:s15+$0x6030]  }
0x15e: {  	[tilespmem:s15+$0x12120] =	vst v3;
	v3 =	vmul.f32 $4.525483320e+01, v7;
	v7 =	vld [tilespmem:s15+$0x60B0]  }
0x15f: {  	[tilespmem:s15+$0x121A0] =	vst v2;
	v2 =	vmul.f32 $4.525483320e+01, v5;
	v5 =	vld [tilespmem:s15+$0x6130]  }
0x160: {  	[tilespmem:s15+$0x12220] =	vst v3;
	v3 =	vmul.f32 $4.525483320e+01, v4;
	v4 =	vld [tilespmem:s15+$0x61B0]  }
0x161: {  	[tilespmem:s15+$0x122A0] =	vst v2;
	v2 =	vmul.f32 $4.525483320e+01, v6;
	v6 =	vld [tilespmem:s15+$0x6230]  }
0x162: {  	[tilespmem:s15+$0x12320] =	vst v3;
	v3 =	vmul.f32 $4.525483320e+01, v8;
	v8 =	vld [tilespmem:s15+$0x62B0]  }
0x163: {  	[tilespmem:s15+$0x123A0] =	vst v2;
	v2 =	vmul.f32 $4.525483320e+01, v7;
	v7 =	vld [tilespmem:s15+$0x6330]  }
0x164: {  	[tilespmem:s15+$0x12030] =	vst v3;
	v3 =	vmul.f32 $4.525483320e+01, v5;
	v5 =	vld [tilespmem:s15+$0x63B0]  }
0x165: {  	[tilespmem:s15+$0x120B0] =	vst v2;
	v2 =	vmul.f32 $4.525483320e+01, v4;
	v4 =	vld [tilespmem:s15+$0x6040]  }
0x166: {  	[tilespmem:s15+$0x12130] =	vst v3;
	v3 =	vmul.f32 $4.525483320e+01, v6;
	v6 =	vld [tilespmem:s15+$0x60C0]  }
0x167: {  	[tilespmem:s15+$0x121B0] =	vst v2;
	v2 =	vmul.f32 $4.525483320e+01, v8;
	v8 =	vld [tilespmem:s15+$0x6140]  }
0x168: {  	[tilespmem:s15+$0x12230] =	vst v3;
	v3 =	vmul.f32 $4.525483320e+01, v7;
	v7 =	vld [tilespmem:s15+$0x61C0]  }
0x169: {  	[tilespmem:s15+$0x122B0] =	vst v2;
	v2 =	vmul.f32 $4.525483320e+01, v5;
	v5 =	vld [tilespmem:s15+$0x6240]  }
0x16a: {  	[tilespmem:s15+$0x12330] =	vst v3;
	v3 =	vmul.f32 $4.525483320e+01, v4;
	v4 =	vld [tilespmem:s15+$0x62C0]  }
0x16b: {  	[tilespmem:s15+$0x123B0] =	vst v2;
	v2 =	vmul.f32 $4.525483320e+01, v6;
	v6 =	vld [tilespmem:s15+$0x6340]  }
0x16c: {  	[tilespmem:s15+$0x12040] =	vst v3;
	v3 =	vmul.f32 $4.525483320e+01, v8;
	v8 =	vld [tilespmem:s15+$0x63C0]  }
0x16d: {  	[tilespmem:s15+$0x120C0] =	vst v2;
	v2 =	vmul.f32 $4.525483320e+01, v7;
	v7 =	vld [tilespmem:s15+$0x6050]  }
0x16e: {  	[tilespmem:s15+$0x12140] =	vst v3;
	v3 =	vmul.f32 $4.525483320e+01, v5;
	v5 =	vld [tilespmem:s15+$0x60D0]  }
0x16f: {  	[tilespmem:s15+$0x121C0] =	vst v2;
	v2 =	vmul.f32 $4.525483320e+01, v4;
	v4 =	vld [tilespmem:s15+$0x6150]  }
0x170: {  	[tilespmem:s15+$0x12240] =	vst v3;
	v3 =	vmul.f32 $4.525483320e+01, v6;
	v6 =	vld [tilespmem:s15+$0x61D0]  }
0x171: {  	[tilespmem:s15+$0x122C0] =	vst v2;
	v2 =	vmul.f32 $4.525483320e+01, v8;
	v8 =	vld [tilespmem:s15+$0x6250]  }
0x172: {  	[tilespmem:s15+$0x12340] =	vst v3;
	v3 =	vmul.f32 $4.525483320e+01, v7;
	v7 =	vld [tilespmem:s15+$0x62D0]  }
0x173: {  	[tilespmem:s15+$0x123C0] =	vst v2;
	v2 =	vmul.f32 $4.525483320e+01, v5;
	v5 =	vld [tilespmem:s15+$0x6350]  }
0x174: {  	[tilespmem:s15+$0x12050] =	vst v3;
	v3 =	vmul.f32 $4.525483320e+01, v4;
	v4 =	vld [tilespmem:s15+$0x63D0]  }
0x175: {  	[tilespmem:s15+$0x120D0] =	vst v2;
	v2 =	vmul.f32 $4.525483320e+01, v6;
	v6 =	vld [tilespmem:s15+$0x6060]  }
0x176: {  	[tilespmem:s15+$0x12150] =	vst v3;
	v3 =	vmul.f32 $4.525483320e+01, v8;
	v8 =	vld [tilespmem:s15+$0x60E0]  }
0x177: {  	[tilespmem:s15+$0x121D0] =	vst v2;
	v2 =	vmul.f32 $4.525483320e+01, v7;
	v7 =	vld [tilespmem:s15+$0x6160]  }
0x178: {  	[tilespmem:s15+$0x12250] =	vst v3;
	v3 =	vmul.f32 $4.525483320e+01, v5;
	v5 =	vld [tilespmem:s15+$0x61E0]  }
0x179: {  	[tilespmem:s15+$0x122D0] =	vst v2;
	v2 =	vmul.f32 $4.525483320e+01, v4;
	v4 =	vld [tilespmem:s15+$0x6260]  }
0x17a: {  	[tilespmem:s15+$0x12350] =	vst v3;
	v3 =	vmul.f32 $4.525483320e+01, v6;
	v6 =	vld [tilespmem:s15+$0x62E0]  }
0x17b: {  	[tilespmem:s15+$0x123D0] =	vst v2;
	v2 =	vmul.f32 $4.525483320e+01, v8;
	v8 =	vld [tilespmem:s15+$0x6360]  }
0x17c: {  	[tilespmem:s15+$0x12060] =	vst v3;
	v3 =	vmul.f32 $4.525483320e+01, v7;
	v7 =	vld [tilespmem:s15+$0x63E0]  }
0x17d: {  	[tilespmem:s15+$0x120E0] =	vst v2;
	v2 =	vmul.f32 $4.525483320e+01, v5;
	v9 =	vld [tilespmem:s15+$0x6070]  }
.Ltmp1:
0x17e: {  	[tilespmem:s15+$0x12160] =	vst v3;
	v3 =	vmul.f32 $4.525483320e+01, v4;
	v5 =	vld [tilespmem:s15+$0x60F0];
	(pc) =	sbr.rel @p0 .LBB2_4-.Ltmp1, $4  }
0x17f: {  	[tilespmem:s15+$0x121E0] =	vst v2;
	v4 =	vmul.f32 $4.525483320e+01, v6;
	v2 =	vld [tilespmem:s15+$0x6170]  }
0x180: {  	[tilespmem:s15+$0x12260] =	vst v3;
	v6 =	vmul.f32 $4.525483320e+01, v8;
	v3 =	vld [tilespmem:s15+$0x61F0]  }
0x181: {  	[tilespmem:s15+$0x122E0] =	vst v4;
	v8 =	vmul.f32 $4.525483320e+01, v7;
	v4 =	vld [tilespmem:s15+$0x6270]  }
0x182: {  	s24 =	sadd.s32 $0x1000, s24;
	[tilespmem:s15+$0x12360] =	vst v6;
	v7 =	vmul.f32 $4.525483320e+01, v9;
	v6 =	vld [tilespmem:s15+$0x62F0]  }
0x183: {  	[tilespmem:s15+$0x123E0] =	vst v8;
	v5 =	vmul.f32 $4.525483320e+01, v5;
	v8 =	vld [tilespmem:s15+$0x6370]  }
0x184: {  	[tilespmem:s15+$0x12070] =	vst v7;
	v2 =	vmul.f32 $4.525483320e+01, v2  }
0x185: {  	[tilespmem:s15+$0x120F0] =	vst v5;
	v3 =	vmul.f32 $4.525483320e+01, v3  }
0x186: {  	[tilespmem:s15+$0x12170] =	vst v2;
	v2 =	vmul.f32 $4.525483320e+01, v4  }
0x187: {  	[tilespmem:s15+$0x121F0] =	vst v3;
	v3 =	vmul.f32 $4.525483320e+01, v6  }
0x188: {  	[tilespmem:s15+$0x12270] =	vst v2;
	v2 =	vmul.f32 $4.525483320e+01, v8  }
0x189: {  	[tilespmem:s15+$0x122F0] =	vst v3  }
0x18a: {  	[tilespmem:s15+$0x12370] =	vst v2  }
0x18b: {  	v2 =	vld.msk [tilespmem:$0x200], $0xff;
	_ =	sdelay $0x4  }
0x18c: {  	v3 =	vshll.u32 v2, $0x4  }
0x18d: {  	v2 =	vand.u32 $0x7, v2;
	v3 =	vand.u32 $0xFFFFFF80, v3  }
0x18e: {  	v2 =	vor.u32 v2, v3  }
0x18f: {  	v2 =	vperm.xlane v2, v0;
	_ =	sdelay $0x1  }
0x190: {  	v2 =	vadd.s32 v1, v2;
	_ =	sdelay $0x3  }
0x191: {  	s21 =	simm.s32 $0x6000;
	s15 =	simm.s32 $0x0  }
0x192: {  	[tilespmem:s21], [sflag:$0x2] =	stream.indirect_vreg.gather [hbm4b:s2+s15], $0x80, v2, vm0, $0xb8;
	[tilespmem:$0x1A000] =	vst v63  }
0x193: {  	s26 =	simm.s32 $0x6800  }
0x194: {  	[tilespmem:s26], [sflag:$0x2] =	stream.indirect_vreg.gather [hbm4b:s7+s15], $0x80, v2, vm0, $0xb8;
	[tilespmem:$0x1A000] =	vst v63  }
0x195: {  	s28 =	simm.s32 $0x7000  }
0x196: {  	[tilespmem:s28], [sflag:$0x2] =	stream.indirect_vreg.gather [hbm4b:s8+s15], $0x80, v2, vm0, $0xb8;
	[tilespmem:$0x1A000] =	vst v63  }
0x197: {  	s29 =	simm.s32 $0x7800  }
0x198: {  	[tilespmem:s29], [sflag:$0x2] =	stream.indirect_vreg.gather [hbm4b:s9+s15], $0x80, v2, vm0, $0xb8;
	[tilespmem:$0x1A000] =	vst v63  }
0x199: {  	s24 =	simm.s32 $0x8000  }
0x19a: {  	[tilespmem:s24], [sflag:$0x2] =	stream.indirect_vreg.gather [hbm4b:s10+s15], $0x80, v2, vm0, $0xb8;
	[tilespmem:$0x1A000] =	vst v63  }
0x19b: {  	s25 =	simm.s32 $0x8800  }
0x19c: {  	[tilespmem:s25], [sflag:$0x2] =	stream.indirect_vreg.gather [hbm4b:s11+s15], $0x80, v2, vm0, $0xb8;
	[tilespmem:$0x1A000] =	vst v63  }
0x19d: {  	s26 =	simm.s32 $0x9000  }
0x19e: {  	[tilespmem:s26], [sflag:$0x2] =	stream.indirect_vreg.gather [hbm4b:s12+s15], $0x80, v2, vm0, $0xb8;
	[tilespmem:$0x1A000] =	vst v63  }
0x19f: {  	s28 =	simm.s32 $0x9800  }
0x1a0: {  	[tilespmem:s28], [sflag:$0x2] =	stream.indirect_vreg.gather [hbm4b:s14+s15], $0x80, v2, vm0, $0xb8;
	[tilespmem:$0x1A000] =	vst v63  }
0x1a1: {  	s29 =	rddreg [dreg:$0x6];
	s24 =	simm.s32 $0x12000  }
0x1a2: {  	[hbm4b:s29+s15] =	stream.linear.scatter [tilespmem:s24], [sflag:$0x5], $0x4000, $0x38;
	[tilespmem:$0x1A000] =	vst v63  }
0x1a3: {  	_ =	swait.ge [sflag:s6], $0x4000  }
0x1a4: {  	[sflag:s6] =	ssyncset.done $0x0  }
0x1a5: {  	s15 =	simm.s32 $0x0;
	[sflag:s6] =	ssyncadd.s32 $0xFFFFC000  }
0x1a6: {  	v2 =	vld [tilespmem:s15+$0xA000]  }
0x1a7: {  	v3 =	vld [tilespmem:s15+$0xA080]  }
0x1a8: {  	v9 =	vld [tilespmem:s15+$0xA3F0]  }
0x1a9: {  	v4 =	vld [tilespmem:s15+$0xA100]  }
0x1aa: {  	v5 =	vld [tilespmem:s15+$0xA180]  }
0x1ab: {  	v6 =	vld [tilespmem:s15+$0xA200]  }
0x1ac: {  	v13 =	vld [tilespmem:s15+$0xA190];
	v2 =	vmul.f32 $4.525483320e+01, v2  }
0x1ad: {  	v7 =	vld [tilespmem:s15+$0xA280];
	v9 =	vmul.f32 $4.525483320e+01, v9  }
0x1ae: {  	v10 =	vld [tilespmem:s15+$0xA010];
	v3 =	vmul.f32 $4.525483320e+01, v3;
	[tilespmem:s15+$0x16000] =	vst v2  }
0x1af: {  	v8 =	vld [tilespmem:s15+$0xA300];
	v4 =	vmul.f32 $4.525483320e+01, v4;
	[tilespmem:s15+$0x163F0] =	vst v9  }
0x1b0: {  	v11 =	vld [tilespmem:s15+$0xA090];
	v5 =	vmul.f32 $4.525483320e+01, v5;
	[tilespmem:s15+$0x16080] =	vst v3  }
0x1b1: {  	v12 =	vld [tilespmem:s15+$0xA110];
	v62 =	vmul.f32 $4.525483320e+01, v13;
	[tilespmem:s15+$0x16100] =	vst v4  }
0x1b2: {  	v2 =	vld [tilespmem:s15+$0xA380];
	v4 =	vmul.f32 $4.525483320e+01, v6;
	[tilespmem:s15+$0x16180] =	vst v5  }
0x1b3: {  	v9 =	vmul.f32 $4.525483320e+01, v10;
	v10 =	vld [tilespmem:s15+$0xA290];
	[tilespmem:s15+$0x16190] =	vst v62  }
0x1b4: {  	v3 =	vld [tilespmem:s15+$0xA310];
	[tilespmem:s15+$0x16200] =	vst v4;
	v4 =	vmul.f32 $4.525483320e+01, v8  }
0x1b5: {  	v5 =	vmul.f32 $4.525483320e+01, v7;
	v7 =	vld [tilespmem:s15+$0xA020];
	[tilespmem:s15+$0x16010] =	vst v9  }
0x1b6: {  	v14 =	vld [tilespmem:s15+$0xA210];
	[tilespmem:s15+$0x16300] =	vst v4;
	v4 =	vmul.f32 $4.525483320e+01, v11  }
0x1b7: {  	[tilespmem:s15+$0x16280] =	vst v5;
	v5 =	vld [tilespmem:s15+$0xA120];
	v2 =	vmul.f32 $4.525483320e+01, v2  }
0x1b8: {  	v63 =	vld [tilespmem:s15+$0xA3A0];
	v10 =	vmul.f32 $4.525483320e+01, v10;
	[tilespmem:s15+$0x16090] =	vst v4  }
0x1b9: {  	v8 =	vld [tilespmem:s15+$0xA0A0];
	v3 =	vmul.f32 $4.525483320e+01, v3;
	[tilespmem:s15+$0x16380] =	vst v2  }
0x1ba: {  	v6 =	vld [tilespmem:s15+$0xA390];
	v4 =	vmul.f32 $4.525483320e+01, v7;
	[tilespmem:s15+$0x16290] =	vst v10  }
0x1bb: {  	v9 =	vld [tilespmem:s15+$0xA1A0];
	v2 =	vmul.f32 $4.525483320e+01, v12;
	[tilespmem:s15+$0x16310] =	vst v3  }
0x1bc: {  	v11 =	vld [tilespmem:s15+$0xA220];
	v5 =	vmul.f32 $4.525483320e+01, v5;
	[tilespmem:s15+$0x16020] =	vst v4  }
0x1bd: {  	v4 =	vmul.f32 $4.525483320e+01, v14;
	[tilespmem:s15+$0x16110] =	vst v2;
	v2 =	vld [tilespmem:s15+$0xA320]  }
0x1be: {  	v3 =	vmul.f32 $4.525483320e+01, v8;
	[tilespmem:s15+$0x16120] =	vst v5;
	v5 =	vld [tilespmem:s15+$0xA2B0]  }
0x1bf: {  	v6 =	vmul.f32 $4.525483320e+01, v6;
	[tilespmem:s15+$0x16210] =	vst v4;
	v4 =	vld [tilespmem:s15+$0xA030]  }
0x1c0: {  	v10 =	vld [tilespmem:s15+$0xA0B0];
	[tilespmem:s15+$0x160A0] =	vst v3;
	v3 =	vmul.f32 $4.525483320e+01, v9  }
0x1c1: {  	v7 =	vld [tilespmem:s15+$0xA2A0];
	[tilespmem:s15+$0x16390] =	vst v6;
	v11 =	vmul.f32 $4.525483320e+01, v11  }
0x1c2: {  	v6 =	vld [tilespmem:s15+$0xA1B0];
	[tilespmem:s15+$0x161A0] =	vst v3;
	v2 =	vmul.f32 $4.525483320e+01, v2  }
0x1c3: {  	v8 =	vld [tilespmem:s15+$0xA130];
	[tilespmem:s15+$0x16220] =	vst v11;
	v5 =	vmul.f32 $4.525483320e+01, v5  }
0x1c4: {  	v11 =	vld [tilespmem:s15+$0xA040];
	v4 =	vmul.f32 $4.525483320e+01, v4;
	[tilespmem:s15+$0x16320] =	vst v2  }
0x1c5: {  	v9 =	vld [tilespmem:s15+$0xA230];
	v2 =	vmul.f32 $4.525483320e+01, v10;
	[tilespmem:s15+$0x162B0] =	vst v5  }
0x1c6: {  	v3 =	vld [tilespmem:s15+$0xA330];
	[tilespmem:s15+$0x16030] =	vst v4;
	v4 =	vmul.f32 $4.525483320e+01, v7  }
0x1c7: {  	v7 =	vld [tilespmem:s15+$0xA3B0];
	[tilespmem:s15+$0x160B0] =	vst v2;
	v2 =	vmul.f32 $4.525483320e+01, v6  }
0x1c8: {  	[tilespmem:s15+$0x162A0] =	vst v4;
	v4 =	vmul.f32 $4.525483320e+01, v63  }
0x1c9: {  	v10 =	vld [tilespmem:s15+$0xA0C0];
	[tilespmem:s15+$0x161B0] =	vst v2;
	v2 =	vmul.f32 $4.525483320e+01, v11  }
0x1ca: {  	[tilespmem:s15+$0x163A0] =	vst v4;
	v4 =	vmul.f32 $4.525483320e+01, v8;
	v8 =	vld [tilespmem:s15+$0xA140]  }
0x1cb: {  	v6 =	vld [tilespmem:s15+$0xA1C0];
	[tilespmem:s15+$0x16040] =	vst v2;
	v2 =	vmul.f32 $4.525483320e+01, v3  }
0x1cc: {  	v3 =	vmul.f32 $4.525483320e+01, v7;
	[tilespmem:s15+$0x16130] =	vst v4;
	v4 =	vmul.f32 $4.525483320e+01, v9;
	v9 =	vld [tilespmem:s15+$0xA240]  }
0x1cd: {  	v11 =	vld [tilespmem:s15+$0xA2C0];
	[tilespmem:s15+$0x16330] =	vst v2  }
0x1ce: {  	v7 =	vld [tilespmem:s15+$0xA050];
	v2 =	vmul.f32 $4.525483320e+01, v10;
	[tilespmem:s15+$0x163B0] =	vst v3  }
0x1cf: {  	[tilespmem:s15+$0x16230] =	vst v4;
	v4 =	vld [tilespmem:s15+$0xA340];
	v3 =	vmul.f32 $4.525483320e+01, v8  }
0x1d0: {  	v5 =	vld [tilespmem:s15+$0xA3C0];
	[tilespmem:s15+$0x160C0] =	vst v2;
	v2 =	vmul.f32 $4.525483320e+01, v6  }
0x1d1: {  	v8 =	vld [tilespmem:s15+$0xA0D0];
	[tilespmem:s15+$0x16140] =	vst v3;
	v3 =	vmul.f32 $4.525483320e+01, v9  }
0x1d2: {  	v6 =	vld [tilespmem:s15+$0xA150];
	[tilespmem:s15+$0x161C0] =	vst v2;
	v2 =	vmul.f32 $4.525483320e+01, v11  }
0x1d3: {  	v9 =	vld [tilespmem:s15+$0xA1D0];
	[tilespmem:s15+$0x16240] =	vst v3;
	v3 =	vmul.f32 $4.525483320e+01, v7  }
0x1d4: {  	v4 =	vmul.f32 $4.525483320e+01, v4;
	[tilespmem:s15+$0x162C0] =	vst v2;
	v2 =	vld [tilespmem:s15+$0xA350]  }
0x1d5: {  	v10 =	vld [tilespmem:s15+$0xA250];
	[tilespmem:s15+$0x16050] =	vst v3;
	v3 =	vmul.f32 $4.525483320e+01, v5  }
0x1d6: {  	v7 =	vld [tilespmem:s15+$0xA2D0];
	[tilespmem:s15+$0x16340] =	vst v4;
	v4 =	vmul.f32 $4.525483320e+01, v8  }
0x1d7: {  	v5 =	vld [tilespmem:s15+$0xA3D0];
	[tilespmem:s15+$0x163C0] =	vst v3;
	v3 =	vmul.f32 $4.525483320e+01, v6  }
0x1d8: {  	v6 =	vld [tilespmem:s15+$0xA060];
	[tilespmem:s15+$0x160D0] =	vst v4;
	v4 =	vmul.f32 $4.525483320e+01, v9  }
0x1d9: {  	v8 =	vld [tilespmem:s15+$0xA0E0];
	v2 =	vmul.f32 $4.525483320e+01, v2;
	[tilespmem:s15+$0x16150] =	vst v3  }
0x1da: {  	v9 =	vld [tilespmem:s15+$0xA160];
	v3 =	vmul.f32 $4.525483320e+01, v10;
	[tilespmem:s15+$0x161D0] =	vst v4  }
0x1db: {  	v4 =	vmul.f32 $4.525483320e+01, v7;
	v7 =	vld [tilespmem:s15+$0xA1E0];
	[tilespmem:s15+$0x16350] =	vst v2  }
0x1dc: {  	v5 =	vmul.f32 $4.525483320e+01, v5;
	[tilespmem:s15+$0x16250] =	vst v3;
	v3 =	vld [tilespmem:s15+$0xA260]  }
0x1dd: {  	[tilespmem:s15+$0x162D0] =	vst v4;
	v4 =	vmul.f32 $4.525483320e+01, v6;
	v6 =	vld [tilespmem:s15+$0xA2E0]  }
0x1de: {  	v10 =	vld [tilespmem:s15+$0xA360];
	v2 =	vmul.f32 $4.525483320e+01, v8;
	[tilespmem:s15+$0x163D0] =	vst v5  }
0x1df: {  	v8 =	vld [tilespmem:s15+$0xA3E0];
	[tilespmem:s15+$0x16060] =	vst v4;
	v4 =	vmul.f32 $4.525483320e+01, v9  }
0x1e0: {  	[tilespmem:s15+$0x160E0] =	vst v2;
	v2 =	vmul.f32 $4.525483320e+01, v7;
	v7 =	vld [tilespmem:s15+$0xA070]  }
0x1e1: {  	v5 =	vld [tilespmem:s15+$0xA0F0];
	[tilespmem:s15+$0x16160] =	vst v4;
	v3 =	vmul.f32 $4.525483320e+01, v3  }
0x1e2: {  	[tilespmem:s15+$0x161E0] =	vst v2;
	v2 =	vld [tilespmem:s15+$0xA170];
	v4 =	vmul.f32 $4.525483320e+01, v6  }
0x1e3: {  	v6 =	vmul.f32 $4.525483320e+01, v10;
	[tilespmem:s15+$0x16260] =	vst v3;
	v3 =	vld [tilespmem:s15+$0xA1F0]  }
0x1e4: {  	v8 =	vmul.f32 $4.525483320e+01, v8;
	[tilespmem:s15+$0x162E0] =	vst v4;
	v4 =	vld [tilespmem:s15+$0xA270]  }
0x1e5: {  	s21 =	simm.s32 $0x0;
	s24 =	simm.s32 $0x1000;
	[tilespmem:s15+$0x16360] =	vst v6;
	v7 =	vmul.f32 $4.525483320e+01, v7;
	v6 =	vld [tilespmem:s15+$0xA2F0]  }
.LBB2_6:
0x1e6: {  	s25 =	sshra.s32 s24, $0x2;
	s21 =	sadd.s32 $0x8, s21;
	[tilespmem:s15+$0x163E0] =	vst v8;
	v5 =	vmul.f32 $4.525483320e+01, v5;
	v8 =	vld [tilespmem:s15+$0xA370]  }
0x1e7: {  	v9 =	vld [tilespmem:s25+$0xA3F0];
	p0 =	slt.u32 s21, $0x78;
	[tilespmem:s15+$0x16070] =	vst v7;
	v2 =	vmul.f32 $4.525483320e+01, v2  }
0x1e8: {  	v7 =	vld [tilespmem:s25+$0xA000];
	[tilespmem:s15+$0x160F0] =	vst v5;
	v3 =	vmul.f32 $4.525483320e+01, v3  }
0x1e9: {  	v5 =	vld [tilespmem:s25+$0xA080];
	[tilespmem:s15+$0x16170] =	vst v2;
	v2 =	vmul.f32 $4.525483320e+01, v4  }
0x1ea: {  	v4 =	vld [tilespmem:s25+$0xA100];
	[tilespmem:s15+$0x161F0] =	vst v3;
	v3 =	vmul.f32 $4.525483320e+01, v6  }
0x1eb: {  	v6 =	vld [tilespmem:s25+$0xA180];
	[tilespmem:s15+$0x16270] =	vst v2;
	v2 =	vmul.f32 $4.525483320e+01, v8  }
0x1ec: {  	v8 =	vld [tilespmem:s25+$0xA200];
	v9 =	vmul.f32 $4.525483320e+01, v9;
	[tilespmem:s15+$0x162F0] =	vst v3  }
0x1ed: {  	v3 =	vmul.f32 $4.525483320e+01, v7;
	v7 =	vld [tilespmem:s25+$0xA280];
	[tilespmem:s15+$0x16370] =	vst v2;
	s15 =	smov.u32 s25  }
0x1ee: {  	v2 =	vmul.f32 $4.525483320e+01, v5;
	v5 =	vld [tilespmem:s15+$0xA300];
	[tilespmem:s15+$0x163F0] =	vst v9  }
0x1ef: {  	[tilespmem:s15+$0x16000] =	vst v3;
	v3 =	vmul.f32 $4.525483320e+01, v4;
	v4 =	vld [tilespmem:s15+$0xA380]  }
0x1f0: {  	[tilespmem:s15+$0x16080] =	vst v2;
	v2 =	vmul.f32 $4.525483320e+01, v6;
	v6 =	vld [tilespmem:s15+$0xA010]  }
0x1f1: {  	[tilespmem:s15+$0x16100] =	vst v3;
	v3 =	vmul.f32 $4.525483320e+01, v8;
	v8 =	vld [tilespmem:s15+$0xA090]  }
0x1f2: {  	[tilespmem:s15+$0x16180] =	vst v2;
	v2 =	vmul.f32 $4.525483320e+01, v7;
	v7 =	vld [tilespmem:s15+$0xA110]  }
0x1f3: {  	[tilespmem:s15+$0x16200] =	vst v3;
	v3 =	vmul.f32 $4.525483320e+01, v5;
	v5 =	vld [tilespmem:s15+$0xA190]  }
0x1f4: {  	[tilespmem:s15+$0x16280] =	vst v2;
	v2 =	vmul.f32 $4.525483320e+01, v4;
	v4 =	vld [tilespmem:s15+$0xA210]  }
0x1f5: {  	[tilespmem:s15+$0x16300] =	vst v3;
	v3 =	vmul.f32 $4.525483320e+01, v6;
	v6 =	vld [tilespmem:s15+$0xA290]  }
0x1f6: {  	[tilespmem:s15+$0x16380] =	vst v2;
	v2 =	vmul.f32 $4.525483320e+01, v8;
	v8 =	vld [tilespmem:s15+$0xA310]  }
0x1f7: {  	[tilespmem:s15+$0x16010] =	vst v3;
	v3 =	vmul.f32 $4.525483320e+01, v7;
	v7 =	vld [tilespmem:s15+$0xA390]  }
0x1f8: {  	[tilespmem:s15+$0x16090] =	vst v2;
	v2 =	vmul.f32 $4.525483320e+01, v5;
	v5 =	vld [tilespmem:s15+$0xA020]  }
0x1f9: {  	[tilespmem:s15+$0x16110] =	vst v3;
	v3 =	vmul.f32 $4.525483320e+01, v4;
	v4 =	vld [tilespmem:s15+$0xA0A0]  }
0x1fa: {  	[tilespmem:s15+$0x16190] =	vst v2;
	v2 =	vmul.f32 $4.525483320e+01, v6;
	v6 =	vld [tilespmem:s15+$0xA120]  }
0x1fb: {  	[tilespmem:s15+$0x16210] =	vst v3;
	v3 =	vmul.f32 $4.525483320e+01, v8;
	v8 =	vld [tilespmem:s15+$0xA1A0]  }
0x1fc: {  	[tilespmem:s15+$0x16290] =	vst v2;
	v2 =	vmul.f32 $4.525483320e+01, v7;
	v7 =	vld [tilespmem:s15+$0xA220]  }
0x1fd: {  	[tilespmem:s15+$0x16310] =	vst v3;
	v3 =	vmul.f32 $4.525483320e+01, v5;
	v5 =	vld [tilespmem:s15+$0xA2A0]  }
0x1fe: {  	[tilespmem:s15+$0x16390] =	vst v2;
	v2 =	vmul.f32 $4.525483320e+01, v4;
	v4 =	vld [tilespmem:s15+$0xA320]  }
0x1ff: {  	[tilespmem:s15+$0x16020] =	vst v3;
	v3 =	vmul.f32 $4.525483320e+01, v6;
	v6 =	vld [tilespmem:s15+$0xA3A0]  }
0x200: {  	[tilespmem:s15+$0x160A0] =	vst v2;
	v2 =	vmul.f32 $4.525483320e+01, v8;
	v8 =	vld [tilespmem:s15+$0xA030]  }
0x201: {  	[tilespmem:s15+$0x16120] =	vst v3;
	v3 =	vmul.f32 $4.525483320e+01, v7;
	v7 =	vld [tilespmem:s15+$0xA0B0]  }
0x202: {  	[tilespmem:s15+$0x161A0] =	vst v2;
	v2 =	vmul.f32 $4.525483320e+01, v5;
	v5 =	vld [tilespmem:s15+$0xA130]  }
0x203: {  	[tilespmem:s15+$0x16220] =	vst v3;
	v3 =	vmul.f32 $4.525483320e+01, v4;
	v4 =	vld [tilespmem:s15+$0xA1B0]  }
0x204: {  	[tilespmem:s15+$0x162A0] =	vst v2;
	v2 =	vmul.f32 $4.525483320e+01, v6;
	v6 =	vld [tilespmem:s15+$0xA230]  }
0x205: {  	[tilespmem:s15+$0x16320] =	vst v3;
	v3 =	vmul.f32 $4.525483320e+01, v8;
	v8 =	vld [tilespmem:s15+$0xA2B0]  }
0x206: {  	[tilespmem:s15+$0x163A0] =	vst v2;
	v2 =	vmul.f32 $4.525483320e+01, v7;
	v7 =	vld [tilespmem:s15+$0xA330]  }
0x207: {  	[tilespmem:s15+$0x16030] =	vst v3;
	v3 =	vmul.f32 $4.525483320e+01, v5;
	v5 =	vld [tilespmem:s15+$0xA3B0]  }
0x208: {  	[tilespmem:s15+$0x160B0] =	vst v2;
	v2 =	vmul.f32 $4.525483320e+01, v4;
	v4 =	vld [tilespmem:s15+$0xA040]  }
0x209: {  	[tilespmem:s15+$0x16130] =	vst v3;
	v3 =	vmul.f32 $4.525483320e+01, v6;
	v6 =	vld [tilespmem:s15+$0xA0C0]  }
0x20a: {  	[tilespmem:s15+$0x161B0] =	vst v2;
	v2 =	vmul.f32 $4.525483320e+01, v8;
	v8 =	vld [tilespmem:s15+$0xA140]  }
0x20b: {  	[tilespmem:s15+$0x16230] =	vst v3;
	v3 =	vmul.f32 $4.525483320e+01, v7;
	v7 =	vld [tilespmem:s15+$0xA1C0]  }
0x20c: {  	[tilespmem:s15+$0x162B0] =	vst v2;
	v2 =	vmul.f32 $4.525483320e+01, v5;
	v5 =	vld [tilespmem:s15+$0xA240]  }
0x20d: {  	[tilespmem:s15+$0x16330] =	vst v3;
	v3 =	vmul.f32 $4.525483320e+01, v4;
	v4 =	vld [tilespmem:s15+$0xA2C0]  }
0x20e: {  	[tilespmem:s15+$0x163B0] =	vst v2;
	v2 =	vmul.f32 $4.525483320e+01, v6;
	v6 =	vld [tilespmem:s15+$0xA340]  }
0x20f: {  	[tilespmem:s15+$0x16040] =	vst v3;
	v3 =	vmul.f32 $4.525483320e+01, v8;
	v8 =	vld [tilespmem:s15+$0xA3C0]  }
0x210: {  	[tilespmem:s15+$0x160C0] =	vst v2;
	v2 =	vmul.f32 $4.525483320e+01, v7;
	v7 =	vld [tilespmem:s15+$0xA050]  }
0x211: {  	[tilespmem:s15+$0x16140] =	vst v3;
	v3 =	vmul.f32 $4.525483320e+01, v5;
	v5 =	vld [tilespmem:s15+$0xA0D0]  }
0x212: {  	[tilespmem:s15+$0x161C0] =	vst v2;
	v2 =	vmul.f32 $4.525483320e+01, v4;
	v4 =	vld [tilespmem:s15+$0xA150]  }
0x213: {  	[tilespmem:s15+$0x16240] =	vst v3;
	v3 =	vmul.f32 $4.525483320e+01, v6;
	v6 =	vld [tilespmem:s15+$0xA1D0]  }
0x214: {  	[tilespmem:s15+$0x162C0] =	vst v2;
	v2 =	vmul.f32 $4.525483320e+01, v8;
	v8 =	vld [tilespmem:s15+$0xA250]  }
0x215: {  	[tilespmem:s15+$0x16340] =	vst v3;
	v3 =	vmul.f32 $4.525483320e+01, v7;
	v7 =	vld [tilespmem:s15+$0xA2D0]  }
0x216: {  	[tilespmem:s15+$0x163C0] =	vst v2;
	v2 =	vmul.f32 $4.525483320e+01, v5;
	v5 =	vld [tilespmem:s15+$0xA350]  }
0x217: {  	[tilespmem:s15+$0x16050] =	vst v3;
	v3 =	vmul.f32 $4.525483320e+01, v4;
	v4 =	vld [tilespmem:s15+$0xA3D0]  }
0x218: {  	[tilespmem:s15+$0x160D0] =	vst v2;
	v2 =	vmul.f32 $4.525483320e+01, v6;
	v6 =	vld [tilespmem:s15+$0xA060]  }
0x219: {  	[tilespmem:s15+$0x16150] =	vst v3;
	v3 =	vmul.f32 $4.525483320e+01, v8;
	v8 =	vld [tilespmem:s15+$0xA0E0]  }
0x21a: {  	[tilespmem:s15+$0x161D0] =	vst v2;
	v2 =	vmul.f32 $4.525483320e+01, v7;
	v7 =	vld [tilespmem:s15+$0xA160]  }
0x21b: {  	[tilespmem:s15+$0x16250] =	vst v3;
	v3 =	vmul.f32 $4.525483320e+01, v5;
	v5 =	vld [tilespmem:s15+$0xA1E0]  }
0x21c: {  	[tilespmem:s15+$0x162D0] =	vst v2;
	v2 =	vmul.f32 $4.525483320e+01, v4;
	v4 =	vld [tilespmem:s15+$0xA260]  }
0x21d: {  	[tilespmem:s15+$0x16350] =	vst v3;
	v3 =	vmul.f32 $4.525483320e+01, v6;
	v6 =	vld [tilespmem:s15+$0xA2E0]  }
0x21e: {  	[tilespmem:s15+$0x163D0] =	vst v2;
	v2 =	vmul.f32 $4.525483320e+01, v8;
	v8 =	vld [tilespmem:s15+$0xA360]  }
0x21f: {  	[tilespmem:s15+$0x16060] =	vst v3;
	v3 =	vmul.f32 $4.525483320e+01, v7;
	v7 =	vld [tilespmem:s15+$0xA3E0]  }
0x220: {  	[tilespmem:s15+$0x160E0] =	vst v2;
	v2 =	vmul.f32 $4.525483320e+01, v5;
	v9 =	vld [tilespmem:s15+$0xA070]  }
.Ltmp2:
0x221: {  	[tilespmem:s15+$0x16160] =	vst v3;
	v3 =	vmul.f32 $4.525483320e+01, v4;
	v5 =	vld [tilespmem:s15+$0xA0F0];
	(pc) =	sbr.rel @p0 .LBB2_6-.Ltmp2, $4  }
0x222: {  	[tilespmem:s15+$0x161E0] =	vst v2;
	v4 =	vmul.f32 $4.525483320e+01, v6;
	v2 =	vld [tilespmem:s15+$0xA170]  }
0x223: {  	[tilespmem:s15+$0x16260] =	vst v3;
	v6 =	vmul.f32 $4.525483320e+01, v8;
	v3 =	vld [tilespmem:s15+$0xA1F0]  }
0x224: {  	[tilespmem:s15+$0x162E0] =	vst v4;
	v8 =	vmul.f32 $4.525483320e+01, v7;
	v4 =	vld [tilespmem:s15+$0xA270]  }
0x225: {  	s24 =	sadd.s32 $0x1000, s24;
	[tilespmem:s15+$0x16360] =	vst v6;
	v7 =	vmul.f32 $4.525483320e+01, v9;
	v6 =	vld [tilespmem:s15+$0xA2F0]  }
0x226: {  	[tilespmem:s15+$0x163E0] =	vst v8;
	v5 =	vmul.f32 $4.525483320e+01, v5;
	v63 =	vld [tilespmem:s15+$0xA370]  }
0x227: {  	[tilespmem:s15+$0x16070] =	vst v7;
	v2 =	vmul.f32 $4.525483320e+01, v2  }
0x228: {  	[tilespmem:s15+$0x160F0] =	vst v5;
	v3 =	vmul.f32 $4.525483320e+01, v3  }
0x229: {  	[tilespmem:s15+$0x16170] =	vst v2;
	v2 =	vmul.f32 $4.525483320e+01, v4  }
0x22a: {  	[tilespmem:s15+$0x161F0] =	vst v3;
	v3 =	vmul.f32 $4.525483320e+01, v6  }
0x22b: {  	[tilespmem:s15+$0x16270] =	vst v2;
	v2 =	vmul.f32 $4.525483320e+01, v63  }
0x22c: {  	[tilespmem:s15+$0x162F0] =	vst v3  }
0x22d: {  	[tilespmem:s15+$0x16370] =	vst v2  }
0x22e: {  	v2 =	vld.msk [tilespmem:$0x280], $0xff;
	_ =	sdelay $0x4  }
0x22f: {  	v3 =	vshll.u32 v2, $0x4  }
0x230: {  	v2 =	vand.u32 $0x7, v2;
	v3 =	vand.u32 $0xFFFFFF80, v3  }
0x231: {  	v2 =	vor.u32 v2, v3  }
0x232: {  	v2 =	vperm.xlane v2, v0;
	_ =	sdelay $0x1  }
0x233: {  	v2 =	vadd.s32 v1, v2;
	_ =	sdelay $0x3  }
0x234: {  	s26 =	simm.s32 $0xA000  }
0x235: {  	[tilespmem:s26], [sflag:$0x3] =	stream.indirect_vreg.gather [hbm4b:s2+s4], $0x80, v2, vm0, $0xb8;
	[tilespmem:$0x1A000] =	vst v63  }
0x236: {  	s28 =	simm.s32 $0xA800  }
0x237: {  	[tilespmem:s28], [sflag:$0x3] =	stream.indirect_vreg.gather [hbm4b:s7+s4], $0x80, v2, vm0, $0xb8;
	[tilespmem:$0x1A000] =	vst v63  }
0x238: {  	s29 =	simm.s32 $0xB000  }
0x239: {  	[tilespmem:s29], [sflag:$0x3] =	stream.indirect_vreg.gather [hbm4b:s8+s4], $0x80, v2, vm0, $0xb8;
	[tilespmem:$0x1A000] =	vst v63  }
0x23a: {  	s21 =	simm.s32 $0xB800  }
0x23b: {  	[tilespmem:s21], [sflag:$0x3] =	stream.indirect_vreg.gather [hbm4b:s9+s4], $0x80, v2, vm0, $0xb8;
	[tilespmem:$0x1A000] =	vst v63  }
0x23c: {  	s24 =	simm.s32 $0xC000  }
0x23d: {  	[tilespmem:s24], [sflag:$0x3] =	stream.indirect_vreg.gather [hbm4b:s10+s4], $0x80, v2, vm0, $0xb8;
	[tilespmem:$0x1A000] =	vst v63  }
0x23e: {  	s25 =	simm.s32 $0xC800  }
0x23f: {  	[tilespmem:s25], [sflag:$0x3] =	stream.indirect_vreg.gather [hbm4b:s11+s4], $0x80, v2, vm0, $0xb8;
	[tilespmem:$0x1A000] =	vst v63  }
0x240: {  	s26 =	simm.s32 $0xD000  }
0x241: {  	[tilespmem:s26], [sflag:$0x3] =	stream.indirect_vreg.gather [hbm4b:s12+s4], $0x80, v2, vm0, $0xb8;
	[tilespmem:$0x1A000] =	vst v63  }
0x242: {  	s28 =	simm.s32 $0xD800  }
0x243: {  	[tilespmem:s28], [sflag:$0x3] =	stream.indirect_vreg.gather [hbm4b:s14+s4], $0x80, v2, vm0, $0xb8;
	[tilespmem:$0x1A000] =	vst v63  }
0x244: {  	s29 =	rddreg [dreg:$0x7];
	s21 =	simm.s32 $0x16000  }
0x245: {  	[hbm4b:s29+s4] =	stream.linear.scatter [tilespmem:s21], [sflag:$0x6], $0x4000, $0x38;
	[tilespmem:$0x1A000] =	vst v63  }
0x246: {  	s21 =	simm.s32 $0x1  }
.LBB2_8:
0x247: {  	_ =	swait.ge [sflag:s22], $0x4000  }
0x248: {  	[sflag:s22] =	ssyncset.done $0x0  }
0x249: {  	[sflag:s22] =	ssyncadd.s32 $0xFFFFC000  }
0x24a: {  	_ =	swait.ge [sflag:s16], $0x4000  }
0x24b: {  	[sflag:s16] =	ssyncset.done $0x0  }
0x24c: {  	s25 =	simm.s32 $0x2200;
	[sflag:s16] =	ssyncadd.s32 $0xFFFFC000  }
0x24d: {  	v2 =	vld [tilespmem:s25+$0xFFFFFE70]  }
0x24e: {  	v3 =	vld [tilespmem:s25+$0xFFFFFE10]  }
0x24f: {  	v4 =	vld [tilespmem:s25+$0xFFFFFE20]  }
0x250: {  	v5 =	vld [tilespmem:s25+$0xFFFFFE30]  }
0x251: {  	v6 =	vld [tilespmem:s25+$0xFFFFFE40]  }
0x252: {  	v7 =	vld [tilespmem:s25+$0xFFFFFE50];
	v2 =	vmul.f32 $4.525483320e+01, v2  }
0x253: {  	s15 =	simm.s32 $0xE200;
	v8 =	vld [tilespmem:s25+$0xFFFFFE60];
	v3 =	vmul.f32 $4.525483320e+01, v3  }
0x254: {  	v9 =	vld [tilespmem:s25+$0xFFFFFE00];
	v4 =	vmul.f32 $4.525483320e+01, v4;
	[tilespmem:s15+$0xFFFFFE70] =	vst v2  }
0x255: {  	[tilespmem:s15+$0xFFFFFE10] =	vst v3;
	v2 =	vmul.f32 $4.525483320e+01, v5;
	v3 =	vld [tilespmem:s25+$0xFFFFFEF0]  }
0x256: {  	[tilespmem:s15+$0xFFFFFE20] =	vst v4;
	v4 =	vmul.f32 $4.525483320e+01, v6;
	v5 =	vld [tilespmem:s25+$0xFFFFFE90]  }
0x257: {  	v6 =	vld [tilespmem:s25+$0xFFFFFEA0];
	[tilespmem:s15+$0xFFFFFE30] =	vst v2;
	v2 =	vmul.f32 $4.525483320e+01, v7  }
0x258: {  	[tilespmem:s15+$0xFFFFFE40] =	vst v4;
	v4 =	vmul.f32 $4.525483320e+01, v8;
	v7 =	vld [tilespmem:s25+$0xFFFFFEB0]  }
0x259: {  	v8 =	vmul.f32 $4.525483320e+01, v9;
	v9 =	vld [tilespmem:s25+$0xFFFFFEC0];
	[tilespmem:s15+$0xFFFFFE50] =	vst v2  }
0x25a: {  	[tilespmem:s15+$0xFFFFFE60] =	vst v4;
	v2 =	vld [tilespmem:s25+$0xFFFFFED0];
	v3 =	vmul.f32 $4.525483320e+01, v3  }
0x25b: {  	[tilespmem:s15+$0xFFFFFE00] =	vst v8;
	v4 =	vmul.f32 $4.525483320e+01, v5;
	v5 =	vld [tilespmem:s25+$0xFFFFFEE0]  }
0x25c: {  	v8 =	vld [tilespmem:s25+$0xFFFFFE80];
	v6 =	vmul.f32 $4.525483320e+01, v6;
	[tilespmem:s15+$0xFFFFFEF0] =	vst v3  }
0x25d: {  	[tilespmem:s15+$0xFFFFFE90] =	vst v4;
	v3 =	vmul.f32 $4.525483320e+01, v7;
	v4 =	vld [tilespmem:s25+$0xFFFFFF70]  }
0x25e: {  	[tilespmem:s15+$0xFFFFFEA0] =	vst v6;
	v6 =	vmul.f32 $4.525483320e+01, v9;
	v7 =	vld [tilespmem:s25+$0xFFFFFF10]  }
0x25f: {  	v9 =	vld [tilespmem:s25+$0xFFFFFF20];
	[tilespmem:s15+$0xFFFFFEB0] =	vst v3;
	v2 =	vmul.f32 $4.525483320e+01, v2  }
0x260: {  	[tilespmem:s15+$0xFFFFFEC0] =	vst v6;
	v3 =	vld [tilespmem:s25+$0xFFFFFF30];
	v5 =	vmul.f32 $4.525483320e+01, v5  }
0x261: {  	v6 =	vmul.f32 $4.525483320e+01, v8;
	v8 =	vld [tilespmem:s25+$0xFFFFFF40];
	[tilespmem:s15+$0xFFFFFED0] =	vst v2  }
0x262: {  	v2 =	vld [tilespmem:s25+$0xFFFFFF50];
	[tilespmem:s15+$0xFFFFFEE0] =	vst v5;
	v4 =	vmul.f32 $4.525483320e+01, v4  }
0x263: {  	[tilespmem:s15+$0xFFFFFE80] =	vst v6;
	v5 =	vmul.f32 $4.525483320e+01, v7;
	v6 =	vld [tilespmem:s25+$0xFFFFFF60]  }
0x264: {  	v7 =	vld [tilespmem:s25+$0xFFFFFF00];
	v9 =	vmul.f32 $4.525483320e+01, v9;
	[tilespmem:s15+$0xFFFFFF70] =	vst v4  }
0x265: {  	[tilespmem:s15+$0xFFFFFF10] =	vst v5;
	v3 =	vmul.f32 $4.525483320e+01, v3;
	v4 =	vld [tilespmem:s25+$0xFFFFFFF0]  }
0x266: {  	[tilespmem:s15+$0xFFFFFF20] =	vst v9;
	v8 =	vmul.f32 $4.525483320e+01, v8;
	v5 =	vld [tilespmem:s25+$0xFFFFFF90]  }
0x267: {  	v9 =	vld [tilespmem:s25+$0xFFFFFFA0];
	[tilespmem:s15+$0xFFFFFF30] =	vst v3;
	v2 =	vmul.f32 $4.525483320e+01, v2  }
0x268: {  	[tilespmem:s15+$0xFFFFFF40] =	vst v8;
	v3 =	vld [tilespmem:s25+$0xFFFFFFB0];
	v6 =	vmul.f32 $4.525483320e+01, v6  }
0x269: {  	v7 =	vmul.f32 $4.525483320e+01, v7;
	v8 =	vld [tilespmem:s25+$0xFFFFFFC0];
	[tilespmem:s15+$0xFFFFFF50] =	vst v2  }
0x26a: {  	v2 =	vld [tilespmem:s25+$0xFFFFFFD0];
	[tilespmem:s15+$0xFFFFFF60] =	vst v6;
	v4 =	vmul.f32 $4.525483320e+01, v4  }
0x26b: {  	[tilespmem:s15+$0xFFFFFF00] =	vst v7;
	v5 =	vmul.f32 $4.525483320e+01, v5;
	v6 =	vld [tilespmem:s25+$0xFFFFFFE0]  }
0x26c: {  	v7 =	vld [tilespmem:s25+$0xFFFFFF80];
	v9 =	vmul.f32 $4.525483320e+01, v9;
	[tilespmem:s15+$0xFFFFFFF0] =	vst v4  }
0x26d: {  	[tilespmem:s15+$0xFFFFFF90] =	vst v5;
	v3 =	vmul.f32 $4.525483320e+01, v3;
	v4 =	vld [tilespmem:s25+$0x70]  }
0x26e: {  	[tilespmem:s15+$0xFFFFFFA0] =	vst v9;
	v8 =	vmul.f32 $4.525483320e+01, v8;
	v5 =	vld [tilespmem:s25+$0x10]  }
0x26f: {  	v9 =	vld [tilespmem:s25+$0x20];
	[tilespmem:s15+$0xFFFFFFB0] =	vst v3;
	v2 =	vmul.f32 $4.525483320e+01, v2  }
0x270: {  	[tilespmem:s15+$0xFFFFFFC0] =	vst v8;
	v3 =	vld [tilespmem:s25+$0x30];
	v6 =	vmul.f32 $4.525483320e+01, v6  }
0x271: {  	v7 =	vmul.f32 $4.525483320e+01, v7;
	v8 =	vld [tilespmem:s25+$0x40];
	[tilespmem:s15+$0xFFFFFFD0] =	vst v2  }
0x272: {  	v2 =	vld [tilespmem:s25+$0x50];
	[tilespmem:s15+$0xFFFFFFE0] =	vst v6;
	v4 =	vmul.f32 $4.525483320e+01, v4  }
0x273: {  	[tilespmem:s15+$0xFFFFFF80] =	vst v7;
	v5 =	vmul.f32 $4.525483320e+01, v5;
	v6 =	vld [tilespmem:s25+$0x60]  }
0x274: {  	v7 =	vld [tilespmem:s25+$0x0];
	v9 =	vmul.f32 $4.525483320e+01, v9;
	[tilespmem:s15+$0x70] =	vst v4  }
0x275: {  	[tilespmem:s15+$0x10] =	vst v5;
	v3 =	vmul.f32 $4.525483320e+01, v3;
	v4 =	vld [tilespmem:s25+$0xF0]  }
0x276: {  	[tilespmem:s15+$0x20] =	vst v9;
	v8 =	vmul.f32 $4.525483320e+01, v8;
	v5 =	vld [tilespmem:s25+$0x90]  }
0x277: {  	v9 =	vld [tilespmem:s25+$0xA0];
	[tilespmem:s15+$0x30] =	vst v3;
	v2 =	vmul.f32 $4.525483320e+01, v2  }
0x278: {  	[tilespmem:s15+$0x40] =	vst v8;
	v3 =	vld [tilespmem:s25+$0xB0];
	v6 =	vmul.f32 $4.525483320e+01, v6  }
0x279: {  	v7 =	vmul.f32 $4.525483320e+01, v7;
	v8 =	vld [tilespmem:s25+$0xC0];
	[tilespmem:s15+$0x50] =	vst v2  }
0x27a: {  	v2 =	vld [tilespmem:s25+$0xD0];
	[tilespmem:s15+$0x60] =	vst v6;
	v4 =	vmul.f32 $4.525483320e+01, v4  }
0x27b: {  	[tilespmem:s15+$0x0] =	vst v7;
	v5 =	vmul.f32 $4.525483320e+01, v5;
	v6 =	vld [tilespmem:s25+$0xE0]  }
0x27c: {  	v7 =	vld [tilespmem:s25+$0x80];
	v9 =	vmul.f32 $4.525483320e+01, v9;
	[tilespmem:s15+$0xF0] =	vst v4  }
0x27d: {  	[tilespmem:s15+$0x90] =	vst v5;
	v3 =	vmul.f32 $4.525483320e+01, v3;
	v4 =	vld [tilespmem:s25+$0x170]  }
0x27e: {  	[tilespmem:s15+$0xA0] =	vst v9;
	v8 =	vmul.f32 $4.525483320e+01, v8;
	v5 =	vld [tilespmem:s25+$0x110]  }
0x27f: {  	v9 =	vld [tilespmem:s25+$0x120];
	[tilespmem:s15+$0xB0] =	vst v3;
	v2 =	vmul.f32 $4.525483320e+01, v2  }
0x280: {  	[tilespmem:s15+$0xC0] =	vst v8;
	v3 =	vld [tilespmem:s25+$0x130];
	v6 =	vmul.f32 $4.525483320e+01, v6  }
0x281: {  	v7 =	vmul.f32 $4.525483320e+01, v7;
	v8 =	vld [tilespmem:s25+$0x140];
	[tilespmem:s15+$0xD0] =	vst v2  }
0x282: {  	v2 =	vld [tilespmem:s25+$0x150];
	[tilespmem:s15+$0xE0] =	vst v6;
	v4 =	vmul.f32 $4.525483320e+01, v4  }
0x283: {  	[tilespmem:s15+$0x80] =	vst v7;
	v5 =	vmul.f32 $4.525483320e+01, v5;
	v6 =	vld [tilespmem:s25+$0x160]  }
0x284: {  	v7 =	vld [tilespmem:s25+$0x100];
	v9 =	vmul.f32 $4.525483320e+01, v9;
	[tilespmem:s15+$0x170] =	vst v4  }
0x285: {  	[tilespmem:s15+$0x110] =	vst v5;
	v3 =	vmul.f32 $4.525483320e+01, v3;
	v5 =	vld [tilespmem:s25+$0x1F0]  }
0x286: {  	[tilespmem:s15+$0x120] =	vst v9;
	v4 =	vmul.f32 $4.525483320e+01, v8;
	v10 =	vld [tilespmem:s25+$0x190]  }
0x287: {  	v9 =	vld [tilespmem:s25+$0x1A0];
	[tilespmem:s15+$0x130] =	vst v3;
	v3 =	vmul.f32 $4.525483320e+01, v2  }
0x288: {  	[tilespmem:s15+$0x140] =	vst v4;
	v2 =	vld [tilespmem:s25+$0x1B0];
	v6 =	vmul.f32 $4.525483320e+01, v6  }
0x289: {  	v7 =	vmul.f32 $4.525483320e+01, v7;
	v4 =	vld [tilespmem:s25+$0x1C0];
	[tilespmem:s15+$0x150] =	vst v3  }
0x28a: {  	v3 =	vld [tilespmem:s25+$0x1D0];
	[tilespmem:s15+$0x160] =	vst v6;
	v11 =	vmul.f32 $4.525483320e+01, v5  }
0x28b: {  	[tilespmem:s15+$0x100] =	vst v7;
	v5 =	vld [tilespmem:s25+$0x1E0];
	v8 =	vmul.f32 $4.525483320e+01, v10  }
0x28c: {  	s24 =	simm.s32 $0x0;
	v6 =	vld [tilespmem:s25+$0x180];
	v7 =	vmul.f32 $4.525483320e+01, v9;
	s25 =	simm.s32 $0x2600;
	[tilespmem:s15+$0x1F0] =	vst v11  }
.LBB2_9:
0x28d: {  	v9 =	vld [tilespmem:s25+$0xFFFFFE70];
	s24 =	sadd.s32 $0x8, s24;
	[tilespmem:s15+$0x190] =	vst v8;
	v2 =	vmul.f32 $4.525483320e+01, v2  }
0x28e: {  	v8 =	vld [tilespmem:s25+$0xFFFFFE10];
	p0 =	slt.u32 s24, $0x78;
	[tilespmem:s15+$0x1A0] =	vst v7;
	v4 =	vmul.f32 $4.525483320e+01, v4  }
0x28f: {  	v7 =	vld [tilespmem:s25+$0xFFFFFE20];
	[tilespmem:s15+$0x1B0] =	vst v2;
	v2 =	vmul.f32 $4.525483320e+01, v3  }
0x290: {  	v3 =	vld [tilespmem:s25+$0xFFFFFE30];
	[tilespmem:s15+$0x1C0] =	vst v4;
	v4 =	vmul.f32 $4.525483320e+01, v5  }
0x291: {  	v5 =	vld [tilespmem:s25+$0xFFFFFE40];
	v6 =	vmul.f32 $4.525483320e+01, v6;
	[tilespmem:s15+$0x1D0] =	vst v2  }
0x292: {  	v2 =	vld [tilespmem:s25+$0xFFFFFE50];
	v9 =	vmul.f32 $4.525483320e+01, v9;
	[tilespmem:s15+$0x1E0] =	vst v4  }
0x293: {  	v4 =	vmul.f32 $4.525483320e+01, v8;
	v8 =	vld [tilespmem:s25+$0xFFFFFE60];
	[tilespmem:s15+$0x180] =	vst v6;
	s15 =	sadd.s32 $0x400, s15  }
0x294: {  	v6 =	vld [tilespmem:s25+$0xFFFFFE00];
	v7 =	vmul.f32 $4.525483320e+01, v7;
	[tilespmem:s15+$0xFFFFFE70] =	vst v9  }
0x295: {  	[tilespmem:s15+$0xFFFFFE10] =	vst v4;
	v3 =	vmul.f32 $4.525483320e+01, v3;
	v4 =	vld [tilespmem:s25+$0xFFFFFEF0]  }
0x296: {  	v9 =	vld [tilespmem:s25+$0xFFFFFE90];
	[tilespmem:s15+$0xFFFFFE20] =	vst v7;
	v5 =	vmul.f32 $4.525483320e+01, v5  }
0x297: {  	v7 =	vld [tilespmem:s25+$0xFFFFFEA0];
	[tilespmem:s15+$0xFFFFFE30] =	vst v3;
	v2 =	vmul.f32 $4.525483320e+01, v2  }
0x298: {  	v3 =	vld [tilespmem:s25+$0xFFFFFEB0];
	[tilespmem:s15+$0xFFFFFE40] =	vst v5;
	v5 =	vmul.f32 $4.525483320e+01, v8  }
0x299: {  	v6 =	vmul.f32 $4.525483320e+01, v6;
	v8 =	vld [tilespmem:s25+$0xFFFFFEC0];
	[tilespmem:s15+$0xFFFFFE50] =	vst v2  }
0x29a: {  	v2 =	vld [tilespmem:s25+$0xFFFFFED0];
	[tilespmem:s15+$0xFFFFFE60] =	vst v5;
	v4 =	vmul.f32 $4.525483320e+01, v4  }
0x29b: {  	[tilespmem:s15+$0xFFFFFE00] =	vst v6;
	v5 =	vmul.f32 $4.525483320e+01, v9;
	v6 =	vld [tilespmem:s25+$0xFFFFFEE0]  }
0x29c: {  	v9 =	vld [tilespmem:s25+$0xFFFFFE80];
	v7 =	vmul.f32 $4.525483320e+01, v7;
	[tilespmem:s15+$0xFFFFFEF0] =	vst v4  }
0x29d: {  	[tilespmem:s15+$0xFFFFFE90] =	vst v5;
	v3 =	vmul.f32 $4.525483320e+01, v3;
	v4 =	vld [tilespmem:s25+$0xFFFFFF70]  }
0x29e: {  	v5 =	vld [tilespmem:s25+$0xFFFFFF10];
	[tilespmem:s15+$0xFFFFFEA0] =	vst v7;
	v7 =	vmul.f32 $4.525483320e+01, v8  }
0x29f: {  	v8 =	vld [tilespmem:s25+$0xFFFFFF20];
	[tilespmem:s15+$0xFFFFFEB0] =	vst v3;
	v2 =	vmul.f32 $4.525483320e+01, v2  }
0x2a0: {  	v3 =	vld [tilespmem:s25+$0xFFFFFF30];
	[tilespmem:s15+$0xFFFFFEC0] =	vst v7;
	v6 =	vmul.f32 $4.525483320e+01, v6  }
0x2a1: {  	v7 =	vmul.f32 $4.525483320e+01, v9;
	v9 =	vld [tilespmem:s25+$0xFFFFFF40];
	[tilespmem:s15+$0xFFFFFED0] =	vst v2  }
0x2a2: {  	v2 =	vld [tilespmem:s25+$0xFFFFFF50];
	[tilespmem:s15+$0xFFFFFEE0] =	vst v6;
	v4 =	vmul.f32 $4.525483320e+01, v4  }
0x2a3: {  	[tilespmem:s15+$0xFFFFFE80] =	vst v7;
	v5 =	vmul.f32 $4.525483320e+01, v5;
	v6 =	vld [tilespmem:s25+$0xFFFFFF60]  }
0x2a4: {  	v7 =	vld [tilespmem:s25+$0xFFFFFF00];
	v8 =	vmul.f32 $4.525483320e+01, v8;
	[tilespmem:s15+$0xFFFFFF70] =	vst v4  }
0x2a5: {  	[tilespmem:s15+$0xFFFFFF10] =	vst v5;
	v3 =	vmul.f32 $4.525483320e+01, v3;
	v4 =	vld [tilespmem:s25+$0xFFFFFFF0]  }
0x2a6: {  	v5 =	vld [tilespmem:s25+$0xFFFFFF90];
	[tilespmem:s15+$0xFFFFFF20] =	vst v8;
	v8 =	vmul.f32 $4.525483320e+01, v9  }
0x2a7: {  	v9 =	vld [tilespmem:s25+$0xFFFFFFA0];
	[tilespmem:s15+$0xFFFFFF30] =	vst v3;
	v2 =	vmul.f32 $4.525483320e+01, v2  }
0x2a8: {  	v3 =	vld [tilespmem:s25+$0xFFFFFFB0];
	[tilespmem:s15+$0xFFFFFF40] =	vst v8;
	v6 =	vmul.f32 $4.525483320e+01, v6  }
0x2a9: {  	v7 =	vmul.f32 $4.525483320e+01, v7;
	v8 =	vld [tilespmem:s25+$0xFFFFFFC0];
	[tilespmem:s15+$0xFFFFFF50] =	vst v2  }
0x2aa: {  	v2 =	vld [tilespmem:s25+$0xFFFFFFD0];
	[tilespmem:s15+$0xFFFFFF60] =	vst v6;
	v4 =	vmul.f32 $4.525483320e+01, v4  }
0x2ab: {  	[tilespmem:s15+$0xFFFFFF00] =	vst v7;
	v5 =	vmul.f32 $4.525483320e+01, v5;
	v6 =	vld [tilespmem:s25+$0xFFFFFFE0]  }
0x2ac: {  	v7 =	vld [tilespmem:s25+$0xFFFFFF80];
	v9 =	vmul.f32 $4.525483320e+01, v9;
	[tilespmem:s15+$0xFFFFFFF0] =	vst v4  }
0x2ad: {  	[tilespmem:s15+$0xFFFFFF90] =	vst v5;
	v3 =	vmul.f32 $4.525483320e+01, v3;
	v4 =	vld [tilespmem:s25+$0x70]  }
0x2ae: {  	v5 =	vld [tilespmem:s25+$0x10];
	[tilespmem:s15+$0xFFFFFFA0] =	vst v9;
	v8 =	vmul.f32 $4.525483320e+01, v8  }
0x2af: {  	v9 =	vld [tilespmem:s25+$0x20];
	[tilespmem:s15+$0xFFFFFFB0] =	vst v3;
	v2 =	vmul.f32 $4.525483320e+01, v2  }
0x2b0: {  	v3 =	vld [tilespmem:s25+$0x30];
	[tilespmem:s15+$0xFFFFFFC0] =	vst v8;
	v6 =	vmul.f32 $4.525483320e+01, v6  }
0x2b1: {  	v7 =	vmul.f32 $4.525483320e+01, v7;
	v8 =	vld [tilespmem:s25+$0x40];
	[tilespmem:s15+$0xFFFFFFD0] =	vst v2  }
0x2b2: {  	v2 =	vld [tilespmem:s25+$0x50];
	[tilespmem:s15+$0xFFFFFFE0] =	vst v6;
	v4 =	vmul.f32 $4.525483320e+01, v4  }
0x2b3: {  	[tilespmem:s15+$0xFFFFFF80] =	vst v7;
	v5 =	vmul.f32 $4.525483320e+01, v5;
	v6 =	vld [tilespmem:s25+$0x60]  }
0x2b4: {  	v7 =	vld [tilespmem:s25+$0x0];
	v9 =	vmul.f32 $4.525483320e+01, v9;
	[tilespmem:s15+$0x70] =	vst v4  }
0x2b5: {  	[tilespmem:s15+$0x10] =	vst v5;
	v3 =	vmul.f32 $4.525483320e+01, v3;
	v4 =	vld [tilespmem:s25+$0xF0]  }
0x2b6: {  	v5 =	vld [tilespmem:s25+$0x90];
	[tilespmem:s15+$0x20] =	vst v9;
	v8 =	vmul.f32 $4.525483320e+01, v8  }
0x2b7: {  	v9 =	vld [tilespmem:s25+$0xA0];
	[tilespmem:s15+$0x30] =	vst v3;
	v2 =	vmul.f32 $4.525483320e+01, v2  }
0x2b8: {  	v3 =	vld [tilespmem:s25+$0xB0];
	[tilespmem:s15+$0x40] =	vst v8;
	v6 =	vmul.f32 $4.525483320e+01, v6  }
0x2b9: {  	v7 =	vmul.f32 $4.525483320e+01, v7;
	v8 =	vld [tilespmem:s25+$0xC0];
	[tilespmem:s15+$0x50] =	vst v2  }
0x2ba: {  	v2 =	vld [tilespmem:s25+$0xD0];
	[tilespmem:s15+$0x60] =	vst v6;
	v4 =	vmul.f32 $4.525483320e+01, v4  }
0x2bb: {  	[tilespmem:s15+$0x0] =	vst v7;
	v5 =	vmul.f32 $4.525483320e+01, v5;
	v6 =	vld [tilespmem:s25+$0xE0]  }
0x2bc: {  	v7 =	vld [tilespmem:s25+$0x80];
	v9 =	vmul.f32 $4.525483320e+01, v9;
	[tilespmem:s15+$0xF0] =	vst v4  }
0x2bd: {  	[tilespmem:s15+$0x90] =	vst v5;
	v3 =	vmul.f32 $4.525483320e+01, v3;
	v4 =	vld [tilespmem:s25+$0x170]  }
0x2be: {  	v5 =	vld [tilespmem:s25+$0x110];
	[tilespmem:s15+$0xA0] =	vst v9;
	v8 =	vmul.f32 $4.525483320e+01, v8  }
0x2bf: {  	v9 =	vld [tilespmem:s25+$0x120];
	[tilespmem:s15+$0xB0] =	vst v3;
	v2 =	vmul.f32 $4.525483320e+01, v2  }
0x2c0: {  	v3 =	vld [tilespmem:s25+$0x130];
	[tilespmem:s15+$0xC0] =	vst v8;
	v6 =	vmul.f32 $4.525483320e+01, v6  }
0x2c1: {  	v7 =	vmul.f32 $4.525483320e+01, v7;
	v8 =	vld [tilespmem:s25+$0x140];
	[tilespmem:s15+$0xD0] =	vst v2  }
0x2c2: {  	v2 =	vld [tilespmem:s25+$0x150];
	[tilespmem:s15+$0xE0] =	vst v6;
	v4 =	vmul.f32 $4.525483320e+01, v4  }
0x2c3: {  	[tilespmem:s15+$0x80] =	vst v7;
	v5 =	vmul.f32 $4.525483320e+01, v5;
	v6 =	vld [tilespmem:s25+$0x160]  }
0x2c4: {  	v7 =	vld [tilespmem:s25+$0x100];
	v9 =	vmul.f32 $4.525483320e+01, v9;
	[tilespmem:s15+$0x170] =	vst v4  }
0x2c5: {  	[tilespmem:s15+$0x110] =	vst v5;
	v3 =	vmul.f32 $4.525483320e+01, v3;
	v5 =	vld [tilespmem:s25+$0x1F0]  }
0x2c6: {  	v10 =	vld [tilespmem:s25+$0x190];
	[tilespmem:s15+$0x120] =	vst v9;
	v4 =	vmul.f32 $4.525483320e+01, v8  }
0x2c7: {  	v9 =	vld [tilespmem:s25+$0x1A0];
	[tilespmem:s15+$0x130] =	vst v3;
	v3 =	vmul.f32 $4.525483320e+01, v2  }
.Ltmp3:
0x2c8: {  	v2 =	vld [tilespmem:s25+$0x1B0];
	[tilespmem:s15+$0x140] =	vst v4;
	v6 =	vmul.f32 $4.525483320e+01, v6;
	(pc) =	sbr.rel @p0 .LBB2_9-.Ltmp3, $4  }
0x2c9: {  	v7 =	vmul.f32 $4.525483320e+01, v7;
	v4 =	vld [tilespmem:s25+$0x1C0];
	[tilespmem:s15+$0x150] =	vst v3  }
0x2ca: {  	v3 =	vld [tilespmem:s25+$0x1D0];
	[tilespmem:s15+$0x160] =	vst v6;
	v11 =	vmul.f32 $4.525483320e+01, v5  }
0x2cb: {  	[tilespmem:s15+$0x100] =	vst v7;
	v8 =	vmul.f32 $4.525483320e+01, v10;
	v5 =	vld [tilespmem:s25+$0x1E0]  }
0x2cc: {  	v6 =	vld [tilespmem:s25+$0x180];
	v7 =	vmul.f32 $4.525483320e+01, v9;
	[tilespmem:s15+$0x1F0] =	vst v11;
	s25 =	sadd.s32 $0x400, s25  }
0x2cd: {  	[tilespmem:s15+$0x190] =	vst v8;
	v2 =	vmul.f32 $4.525483320e+01, v2  }
0x2ce: {  	[tilespmem:s15+$0x1A0] =	vst v7;
	v4 =	vmul.f32 $4.525483320e+01, v4  }
0x2cf: {  	[tilespmem:s15+$0x1B0] =	vst v2;
	v2 =	vmul.f32 $4.525483320e+01, v3  }
0x2d0: {  	[tilespmem:s15+$0x1C0] =	vst v4;
	v3 =	vmul.f32 $4.525483320e+01, v5  }
0x2d1: {  	s24 =	smul.u32 $0x600, s21;
	v4 =	vmul.f32 $4.525483320e+01, v6;
	[tilespmem:s15+$0x1D0] =	vst v2  }
0x2d2: {  	[tilespmem:s15+$0x1E0] =	vst v3  }
0x2d3: {  	s24 =	sshra.s32 s24, $0x2;
	[tilespmem:s15+$0x180] =	vst v4  }
0x2d4: {  	v2 =	vld.msk [tilespmem:s24+$0x180], $0xff;
	_ =	sdelay $0x4  }
0x2d5: {  	v3 =	vshll.u32 v2, $0x4  }
0x2d6: {  	v2 =	vand.u32 $0x7, v2;
	v3 =	vand.u32 $0xFFFFFF80, v3  }
0x2d7: {  	v2 =	vor.u32 v2, v3  }
0x2d8: {  	v2 =	vperm.xlane v2, v0;
	_ =	sdelay $0x1  }
0x2d9: {  	v2 =	vadd.s32 v1, v2;
	_ =	sdelay $0x3  }
0x2da: {  	s25 =	simm.s32 $0x0;
	s26 =	simm.s32 $0x2000  }
0x2db: {  	[tilespmem:s26], [sflag:$0x1] =	stream.indirect_vreg.gather [hbm4b:s2+s25], $0x80, v2, vm0, $0xb8;
	[tilespmem:$0x1A000] =	vst v63  }
0x2dc: {  	s29 =	simm.s32 $0x2800  }
0x2dd: {  	[tilespmem:s29], [sflag:$0x1] =	stream.indirect_vreg.gather [hbm4b:s7+s25], $0x80, v2, vm0, $0xb8;
	[tilespmem:$0x1A000] =	vst v63  }
0x2de: {  	s26 =	simm.s32 $0x3000  }
0x2df: {  	[tilespmem:s26], [sflag:$0x1] =	stream.indirect_vreg.gather [hbm4b:s8+s25], $0x80, v2, vm0, $0xb8;
	[tilespmem:$0x1A000] =	vst v63  }
0x2e0: {  	s29 =	simm.s32 $0x3800  }
0x2e1: {  	[tilespmem:s29], [sflag:$0x1] =	stream.indirect_vreg.gather [hbm4b:s9+s25], $0x80, v2, vm0, $0xb8;
	[tilespmem:$0x1A000] =	vst v63  }
0x2e2: {  	_ = 	snop  }
0x2e3: {  	[tilespmem:s30], [sflag:$0x1] =	stream.indirect_vreg.gather [hbm4b:s10+s25], $0x80, v2, vm0, $0xb8;
	[tilespmem:$0x1A000] =	vst v63  }
0x2e4: {  	s15 =	smul.u32 $0x18, s21  }
0x2e5: {  	[tilespmem:s31], [sflag:$0x1] =	stream.indirect_vreg.gather [hbm4b:s11+s25], $0x80, v2, vm0, $0xb8;
	[tilespmem:$0x1A000] =	vst v63  }
0x2e6: {  	s26 =	sadd.s32 s5, s15  }
0x2e7: {  	[tilespmem:s0], [sflag:$0x1] =	stream.indirect_vreg.gather [hbm4b:s12+s25], $0x80, v2, vm0, $0xb8;
	[tilespmem:$0x1A000] =	vst v63  }
0x2e8: {  	s26 =	sshll.u32 s26, $0x8  }
0x2e9: {  	[tilespmem:s1], [sflag:$0x1] =	stream.indirect_vreg.gather [hbm4b:s14+s25], $0x80, v2, vm0, $0xb8;
	[tilespmem:$0x1A000] =	vst v63  }
0x2ea: {  	s26 =	sadd.s32 s3, s26  }
0x2eb: {  	[hbm4b:s26+s25] =	stream.linear.scatter [tilespmem:s23], [sflag:$0x4], $0x4000, $0x38;
	[tilespmem:$0x1A000] =	vst v63  }
0x2ec: {  	_ =	swait.ge [sflag:s13], $0x4000  }
0x2ed: {  	[sflag:s13] =	ssyncset.done $0x0  }
0x2ee: {  	[sflag:s13] =	ssyncadd.s32 $0xFFFFC000  }
0x2ef: {  	_ =	swait.ge [sflag:s19], $0x4000  }
0x2f0: {  	[sflag:s19] =	ssyncset.done $0x0  }
0x2f1: {  	s25 =	simm.s32 $0x0;
	[sflag:s19] =	ssyncadd.s32 $0xFFFFC000  }
0x2f2: {  	v2 =	vld [tilespmem:s25+$0x6000]  }
0x2f3: {  	v3 =	vld [tilespmem:s25+$0x6080]  }
0x2f4: {  	v9 =	vld [tilespmem:s25+$0x63F0]  }
0x2f5: {  	v4 =	vld [tilespmem:s25+$0x6100]  }
0x2f6: {  	v5 =	vld [tilespmem:s25+$0x6180]  }
0x2f7: {  	v6 =	vld [tilespmem:s25+$0x6200]  }
0x2f8: {  	v13 =	vld [tilespmem:s25+$0x6190];
	v2 =	vmul.f32 $4.525483320e+01, v2  }
0x2f9: {  	v7 =	vld [tilespmem:s25+$0x6280];
	v9 =	vmul.f32 $4.525483320e+01, v9  }
0x2fa: {  	v10 =	vld [tilespmem:s25+$0x6010];
	v3 =	vmul.f32 $4.525483320e+01, v3;
	[tilespmem:s25+$0x12000] =	vst v2  }
0x2fb: {  	v8 =	vld [tilespmem:s25+$0x6300];
	v4 =	vmul.f32 $4.525483320e+01, v4;
	[tilespmem:s25+$0x123F0] =	vst v9  }
0x2fc: {  	v11 =	vld [tilespmem:s25+$0x6090];
	v5 =	vmul.f32 $4.525483320e+01, v5;
	[tilespmem:s25+$0x12080] =	vst v3  }
0x2fd: {  	v12 =	vld [tilespmem:s25+$0x6110];
	v62 =	vmul.f32 $4.525483320e+01, v13;
	[tilespmem:s25+$0x12100] =	vst v4  }
0x2fe: {  	v2 =	vld [tilespmem:s25+$0x6380];
	v4 =	vmul.f32 $4.525483320e+01, v6;
	[tilespmem:s25+$0x12180] =	vst v5  }
0x2ff: {  	v9 =	vmul.f32 $4.525483320e+01, v10;
	v10 =	vld [tilespmem:s25+$0x6290];
	[tilespmem:s25+$0x12190] =	vst v62  }
0x300: {  	v3 =	vld [tilespmem:s25+$0x6310];
	[tilespmem:s25+$0x12200] =	vst v4;
	v4 =	vmul.f32 $4.525483320e+01, v8  }
0x301: {  	v5 =	vmul.f32 $4.525483320e+01, v7;
	v7 =	vld [tilespmem:s25+$0x6020];
	[tilespmem:s25+$0x12010] =	vst v9  }
0x302: {  	v14 =	vld [tilespmem:s25+$0x6210];
	[tilespmem:s25+$0x12300] =	vst v4;
	v4 =	vmul.f32 $4.525483320e+01, v11  }
0x303: {  	[tilespmem:s25+$0x12280] =	vst v5;
	v5 =	vld [tilespmem:s25+$0x6120];
	v2 =	vmul.f32 $4.525483320e+01, v2  }
0x304: {  	v63 =	vld [tilespmem:s25+$0x63A0];
	v10 =	vmul.f32 $4.525483320e+01, v10;
	[tilespmem:s25+$0x12090] =	vst v4  }
0x305: {  	v8 =	vld [tilespmem:s25+$0x60A0];
	v3 =	vmul.f32 $4.525483320e+01, v3;
	[tilespmem:s25+$0x12380] =	vst v2  }
0x306: {  	v6 =	vld [tilespmem:s25+$0x6390];
	v4 =	vmul.f32 $4.525483320e+01, v7;
	[tilespmem:s25+$0x12290] =	vst v10  }
0x307: {  	v9 =	vld [tilespmem:s25+$0x61A0];
	v2 =	vmul.f32 $4.525483320e+01, v12;
	[tilespmem:s25+$0x12310] =	vst v3  }
0x308: {  	v11 =	vld [tilespmem:s25+$0x6220];
	v5 =	vmul.f32 $4.525483320e+01, v5;
	[tilespmem:s25+$0x12020] =	vst v4  }
0x309: {  	v4 =	vmul.f32 $4.525483320e+01, v14;
	[tilespmem:s25+$0x12110] =	vst v2;
	v2 =	vld [tilespmem:s25+$0x6320]  }
0x30a: {  	v3 =	vmul.f32 $4.525483320e+01, v8;
	[tilespmem:s25+$0x12120] =	vst v5;
	v5 =	vld [tilespmem:s25+$0x62B0]  }
0x30b: {  	v6 =	vmul.f32 $4.525483320e+01, v6;
	[tilespmem:s25+$0x12210] =	vst v4;
	v4 =	vld [tilespmem:s25+$0x6030]  }
0x30c: {  	v10 =	vld [tilespmem:s25+$0x60B0];
	[tilespmem:s25+$0x120A0] =	vst v3;
	v3 =	vmul.f32 $4.525483320e+01, v9  }
0x30d: {  	v7 =	vld [tilespmem:s25+$0x62A0];
	[tilespmem:s25+$0x12390] =	vst v6;
	v11 =	vmul.f32 $4.525483320e+01, v11  }
0x30e: {  	v6 =	vld [tilespmem:s25+$0x61B0];
	[tilespmem:s25+$0x121A0] =	vst v3;
	v2 =	vmul.f32 $4.525483320e+01, v2  }
0x30f: {  	v8 =	vld [tilespmem:s25+$0x6130];
	[tilespmem:s25+$0x12220] =	vst v11;
	v5 =	vmul.f32 $4.525483320e+01, v5  }
0x310: {  	v11 =	vld [tilespmem:s25+$0x6040];
	v4 =	vmul.f32 $4.525483320e+01, v4;
	[tilespmem:s25+$0x12320] =	vst v2  }
0x311: {  	v9 =	vld [tilespmem:s25+$0x6230];
	v2 =	vmul.f32 $4.525483320e+01, v10;
	[tilespmem:s25+$0x122B0] =	vst v5  }
0x312: {  	v3 =	vld [tilespmem:s25+$0x6330];
	[tilespmem:s25+$0x12030] =	vst v4;
	v4 =	vmul.f32 $4.525483320e+01, v7  }
0x313: {  	v7 =	vld [tilespmem:s25+$0x63B0];
	[tilespmem:s25+$0x120B0] =	vst v2;
	v2 =	vmul.f32 $4.525483320e+01, v6  }
0x314: {  	[tilespmem:s25+$0x122A0] =	vst v4;
	v4 =	vmul.f32 $4.525483320e+01, v63  }
0x315: {  	v10 =	vld [tilespmem:s25+$0x60C0];
	[tilespmem:s25+$0x121B0] =	vst v2;
	v2 =	vmul.f32 $4.525483320e+01, v11  }
0x316: {  	[tilespmem:s25+$0x123A0] =	vst v4;
	v4 =	vmul.f32 $4.525483320e+01, v8;
	v8 =	vld [tilespmem:s25+$0x6140]  }
0x317: {  	v6 =	vld [tilespmem:s25+$0x61C0];
	[tilespmem:s25+$0x12040] =	vst v2;
	v2 =	vmul.f32 $4.525483320e+01, v3  }
0x318: {  	v3 =	vmul.f32 $4.525483320e+01, v7;
	[tilespmem:s25+$0x12130] =	vst v4;
	v4 =	vmul.f32 $4.525483320e+01, v9;
	v9 =	vld [tilespmem:s25+$0x6240]  }
0x319: {  	v11 =	vld [tilespmem:s25+$0x62C0];
	[tilespmem:s25+$0x12330] =	vst v2  }
0x31a: {  	v7 =	vld [tilespmem:s25+$0x6050];
	v2 =	vmul.f32 $4.525483320e+01, v10;
	[tilespmem:s25+$0x123B0] =	vst v3  }
0x31b: {  	[tilespmem:s25+$0x12230] =	vst v4;
	v4 =	vld [tilespmem:s25+$0x6340];
	v3 =	vmul.f32 $4.525483320e+01, v8  }
0x31c: {  	v5 =	vld [tilespmem:s25+$0x63C0];
	[tilespmem:s25+$0x120C0] =	vst v2;
	v2 =	vmul.f32 $4.525483320e+01, v6  }
0x31d: {  	v8 =	vld [tilespmem:s25+$0x60D0];
	[tilespmem:s25+$0x12140] =	vst v3;
	v3 =	vmul.f32 $4.525483320e+01, v9  }
0x31e: {  	v6 =	vld [tilespmem:s25+$0x6150];
	[tilespmem:s25+$0x121C0] =	vst v2;
	v2 =	vmul.f32 $4.525483320e+01, v11  }
0x31f: {  	v9 =	vld [tilespmem:s25+$0x61D0];
	[tilespmem:s25+$0x12240] =	vst v3;
	v3 =	vmul.f32 $4.525483320e+01, v7  }
0x320: {  	v4 =	vmul.f32 $4.525483320e+01, v4;
	[tilespmem:s25+$0x122C0] =	vst v2;
	v2 =	vld [tilespmem:s25+$0x6350]  }
0x321: {  	v10 =	vld [tilespmem:s25+$0x6250];
	[tilespmem:s25+$0x12050] =	vst v3;
	v3 =	vmul.f32 $4.525483320e+01, v5  }
0x322: {  	v7 =	vld [tilespmem:s25+$0x62D0];
	[tilespmem:s25+$0x12340] =	vst v4;
	v4 =	vmul.f32 $4.525483320e+01, v8  }
0x323: {  	v5 =	vld [tilespmem:s25+$0x63D0];
	[tilespmem:s25+$0x123C0] =	vst v3;
	v3 =	vmul.f32 $4.525483320e+01, v6  }
0x324: {  	v6 =	vld [tilespmem:s25+$0x6060];
	[tilespmem:s25+$0x120D0] =	vst v4;
	v4 =	vmul.f32 $4.525483320e+01, v9  }
0x325: {  	v8 =	vld [tilespmem:s25+$0x60E0];
	v2 =	vmul.f32 $4.525483320e+01, v2;
	[tilespmem:s25+$0x12150] =	vst v3  }
0x326: {  	v9 =	vld [tilespmem:s25+$0x6160];
	v3 =	vmul.f32 $4.525483320e+01, v10;
	[tilespmem:s25+$0x121D0] =	vst v4  }
0x327: {  	v4 =	vmul.f32 $4.525483320e+01, v7;
	v7 =	vld [tilespmem:s25+$0x61E0];
	[tilespmem:s25+$0x12350] =	vst v2  }
0x328: {  	v5 =	vmul.f32 $4.525483320e+01, v5;
	[tilespmem:s25+$0x12250] =	vst v3;
	v3 =	vld [tilespmem:s25+$0x6260]  }
0x329: {  	[tilespmem:s25+$0x122D0] =	vst v4;
	v4 =	vmul.f32 $4.525483320e+01, v6;
	v6 =	vld [tilespmem:s25+$0x62E0]  }
0x32a: {  	v10 =	vld [tilespmem:s25+$0x6360];
	v2 =	vmul.f32 $4.525483320e+01, v8;
	[tilespmem:s25+$0x123D0] =	vst v5  }
0x32b: {  	v8 =	vld [tilespmem:s25+$0x63E0];
	[tilespmem:s25+$0x12060] =	vst v4;
	v4 =	vmul.f32 $4.525483320e+01, v9  }
0x32c: {  	[tilespmem:s25+$0x120E0] =	vst v2;
	v2 =	vmul.f32 $4.525483320e+01, v7;
	v7 =	vld [tilespmem:s25+$0x6070]  }
0x32d: {  	v5 =	vld [tilespmem:s25+$0x60F0];
	[tilespmem:s25+$0x12160] =	vst v4;
	v3 =	vmul.f32 $4.525483320e+01, v3  }
0x32e: {  	[tilespmem:s25+$0x121E0] =	vst v2;
	v2 =	vld [tilespmem:s25+$0x6170];
	v4 =	vmul.f32 $4.525483320e+01, v6  }
0x32f: {  	v6 =	vmul.f32 $4.525483320e+01, v10;
	[tilespmem:s25+$0x12260] =	vst v3;
	v3 =	vld [tilespmem:s25+$0x61F0]  }
0x330: {  	v8 =	vmul.f32 $4.525483320e+01, v8;
	[tilespmem:s25+$0x122E0] =	vst v4;
	v4 =	vld [tilespmem:s25+$0x6270]  }
0x331: {  	s28 =	simm.s32 $0x1000;
	s26 =	simm.s32 $0x0;
	[tilespmem:s25+$0x12360] =	vst v6;
	v7 =	vmul.f32 $4.525483320e+01, v7;
	v6 =	vld [tilespmem:s25+$0x62F0]  }
.LBB2_11:
0x332: {  	s29 =	sshra.s32 s28, $0x2;
	s26 =	sadd.s32 $0x8, s26;
	[tilespmem:s25+$0x123E0] =	vst v8;
	v5 =	vmul.f32 $4.525483320e+01, v5;
	v8 =	vld [tilespmem:s25+$0x6370]  }
0x333: {  	v9 =	vld [tilespmem:s29+$0x63F0];
	p0 =	slt.u32 s26, $0x78;
	[tilespmem:s25+$0x12070] =	vst v7;
	v2 =	vmul.f32 $4.525483320e+01, v2  }
0x334: {  	v7 =	vld [tilespmem:s29+$0x6000];
	[tilespmem:s25+$0x120F0] =	vst v5;
	v3 =	vmul.f32 $4.525483320e+01, v3  }
0x335: {  	v5 =	vld [tilespmem:s29+$0x6080];
	[tilespmem:s25+$0x12170] =	vst v2;
	v2 =	vmul.f32 $4.525483320e+01, v4  }
0x336: {  	v4 =	vld [tilespmem:s29+$0x6100];
	[tilespmem:s25+$0x121F0] =	vst v3;
	v3 =	vmul.f32 $4.525483320e+01, v6  }
0x337: {  	v6 =	vld [tilespmem:s29+$0x6180];
	[tilespmem:s25+$0x12270] =	vst v2;
	v2 =	vmul.f32 $4.525483320e+01, v8  }
0x338: {  	v8 =	vld [tilespmem:s29+$0x6200];
	v9 =	vmul.f32 $4.525483320e+01, v9;
	[tilespmem:s25+$0x122F0] =	vst v3  }
0x339: {  	v3 =	vmul.f32 $4.525483320e+01, v7;
	v7 =	vld [tilespmem:s29+$0x6280];
	[tilespmem:s25+$0x12370] =	vst v2;
	s25 =	smov.u32 s29  }
0x33a: {  	v2 =	vmul.f32 $4.525483320e+01, v5;
	v5 =	vld [tilespmem:s25+$0x6300];
	[tilespmem:s25+$0x123F0] =	vst v9  }
0x33b: {  	[tilespmem:s25+$0x12000] =	vst v3;
	v3 =	vmul.f32 $4.525483320e+01, v4;
	v4 =	vld [tilespmem:s25+$0x6380]  }
0x33c: {  	[tilespmem:s25+$0x12080] =	vst v2;
	v2 =	vmul.f32 $4.525483320e+01, v6;
	v6 =	vld [tilespmem:s25+$0x6010]  }
0x33d: {  	[tilespmem:s25+$0x12100] =	vst v3;
	v3 =	vmul.f32 $4.525483320e+01, v8;
	v8 =	vld [tilespmem:s25+$0x6090]  }
0x33e: {  	[tilespmem:s25+$0x12180] =	vst v2;
	v2 =	vmul.f32 $4.525483320e+01, v7;
	v7 =	vld [tilespmem:s25+$0x6110]  }
0x33f: {  	[tilespmem:s25+$0x12200] =	vst v3;
	v3 =	vmul.f32 $4.525483320e+01, v5;
	v5 =	vld [tilespmem:s25+$0x6190]  }
0x340: {  	[tilespmem:s25+$0x12280] =	vst v2;
	v2 =	vmul.f32 $4.525483320e+01, v4;
	v4 =	vld [tilespmem:s25+$0x6210]  }
0x341: {  	[tilespmem:s25+$0x12300] =	vst v3;
	v3 =	vmul.f32 $4.525483320e+01, v6;
	v6 =	vld [tilespmem:s25+$0x6290]  }
0x342: {  	[tilespmem:s25+$0x12380] =	vst v2;
	v2 =	vmul.f32 $4.525483320e+01, v8;
	v8 =	vld [tilespmem:s25+$0x6310]  }
0x343: {  	[tilespmem:s25+$0x12010] =	vst v3;
	v3 =	vmul.f32 $4.525483320e+01, v7;
	v7 =	vld [tilespmem:s25+$0x6390]  }
0x344: {  	[tilespmem:s25+$0x12090] =	vst v2;
	v2 =	vmul.f32 $4.525483320e+01, v5;
	v5 =	vld [tilespmem:s25+$0x6020]  }
0x345: {  	[tilespmem:s25+$0x12110] =	vst v3;
	v3 =	vmul.f32 $4.525483320e+01, v4;
	v4 =	vld [tilespmem:s25+$0x60A0]  }
0x346: {  	[tilespmem:s25+$0x12190] =	vst v2;
	v2 =	vmul.f32 $4.525483320e+01, v6;
	v6 =	vld [tilespmem:s25+$0x6120]  }
0x347: {  	[tilespmem:s25+$0x12210] =	vst v3;
	v3 =	vmul.f32 $4.525483320e+01, v8;
	v8 =	vld [tilespmem:s25+$0x61A0]  }
0x348: {  	[tilespmem:s25+$0x12290] =	vst v2;
	v2 =	vmul.f32 $4.525483320e+01, v7;
	v7 =	vld [tilespmem:s25+$0x6220]  }
0x349: {  	[tilespmem:s25+$0x12310] =	vst v3;
	v3 =	vmul.f32 $4.525483320e+01, v5;
	v5 =	vld [tilespmem:s25+$0x62A0]  }
0x34a: {  	[tilespmem:s25+$0x12390] =	vst v2;
	v2 =	vmul.f32 $4.525483320e+01, v4;
	v4 =	vld [tilespmem:s25+$0x6320]  }
0x34b: {  	[tilespmem:s25+$0x12020] =	vst v3;
	v3 =	vmul.f32 $4.525483320e+01, v6;
	v6 =	vld [tilespmem:s25+$0x63A0]  }
0x34c: {  	[tilespmem:s25+$0x120A0] =	vst v2;
	v2 =	vmul.f32 $4.525483320e+01, v8;
	v8 =	vld [tilespmem:s25+$0x6030]  }
0x34d: {  	[tilespmem:s25+$0x12120] =	vst v3;
	v3 =	vmul.f32 $4.525483320e+01, v7;
	v7 =	vld [tilespmem:s25+$0x60B0]  }
0x34e: {  	[tilespmem:s25+$0x121A0] =	vst v2;
	v2 =	vmul.f32 $4.525483320e+01, v5;
	v5 =	vld [tilespmem:s25+$0x6130]  }
0x34f: {  	[tilespmem:s25+$0x12220] =	vst v3;
	v3 =	vmul.f32 $4.525483320e+01, v4;
	v4 =	vld [tilespmem:s25+$0x61B0]  }
0x350: {  	[tilespmem:s25+$0x122A0] =	vst v2;
	v2 =	vmul.f32 $4.525483320e+01, v6;
	v6 =	vld [tilespmem:s25+$0x6230]  }
0x351: {  	[tilespmem:s25+$0x12320] =	vst v3;
	v3 =	vmul.f32 $4.525483320e+01, v8;
	v8 =	vld [tilespmem:s25+$0x62B0]  }
0x352: {  	[tilespmem:s25+$0x123A0] =	vst v2;
	v2 =	vmul.f32 $4.525483320e+01, v7;
	v7 =	vld [tilespmem:s25+$0x6330]  }
0x353: {  	[tilespmem:s25+$0x12030] =	vst v3;
	v3 =	vmul.f32 $4.525483320e+01, v5;
	v5 =	vld [tilespmem:s25+$0x63B0]  }
0x354: {  	[tilespmem:s25+$0x120B0] =	vst v2;
	v2 =	vmul.f32 $4.525483320e+01, v4;
	v4 =	vld [tilespmem:s25+$0x6040]  }
0x355: {  	[tilespmem:s25+$0x12130] =	vst v3;
	v3 =	vmul.f32 $4.525483320e+01, v6;
	v6 =	vld [tilespmem:s25+$0x60C0]  }
0x356: {  	[tilespmem:s25+$0x121B0] =	vst v2;
	v2 =	vmul.f32 $4.525483320e+01, v8;
	v8 =	vld [tilespmem:s25+$0x6140]  }
0x357: {  	[tilespmem:s25+$0x12230] =	vst v3;
	v3 =	vmul.f32 $4.525483320e+01, v7;
	v7 =	vld [tilespmem:s25+$0x61C0]  }
0x358: {  	[tilespmem:s25+$0x122B0] =	vst v2;
	v2 =	vmul.f32 $4.525483320e+01, v5;
	v5 =	vld [tilespmem:s25+$0x6240]  }
0x359: {  	[tilespmem:s25+$0x12330] =	vst v3;
	v3 =	vmul.f32 $4.525483320e+01, v4;
	v4 =	vld [tilespmem:s25+$0x62C0]  }
0x35a: {  	[tilespmem:s25+$0x123B0] =	vst v2;
	v2 =	vmul.f32 $4.525483320e+01, v6;
	v6 =	vld [tilespmem:s25+$0x6340]  }
0x35b: {  	[tilespmem:s25+$0x12040] =	vst v3;
	v3 =	vmul.f32 $4.525483320e+01, v8;
	v8 =	vld [tilespmem:s25+$0x63C0]  }
0x35c: {  	[tilespmem:s25+$0x120C0] =	vst v2;
	v2 =	vmul.f32 $4.525483320e+01, v7;
	v7 =	vld [tilespmem:s25+$0x6050]  }
0x35d: {  	[tilespmem:s25+$0x12140] =	vst v3;
	v3 =	vmul.f32 $4.525483320e+01, v5;
	v5 =	vld [tilespmem:s25+$0x60D0]  }
0x35e: {  	[tilespmem:s25+$0x121C0] =	vst v2;
	v2 =	vmul.f32 $4.525483320e+01, v4;
	v4 =	vld [tilespmem:s25+$0x6150]  }
0x35f: {  	[tilespmem:s25+$0x12240] =	vst v3;
	v3 =	vmul.f32 $4.525483320e+01, v6;
	v6 =	vld [tilespmem:s25+$0x61D0]  }
0x360: {  	[tilespmem:s25+$0x122C0] =	vst v2;
	v2 =	vmul.f32 $4.525483320e+01, v8;
	v8 =	vld [tilespmem:s25+$0x6250]  }
0x361: {  	[tilespmem:s25+$0x12340] =	vst v3;
	v3 =	vmul.f32 $4.525483320e+01, v7;
	v7 =	vld [tilespmem:s25+$0x62D0]  }
0x362: {  	[tilespmem:s25+$0x123C0] =	vst v2;
	v2 =	vmul.f32 $4.525483320e+01, v5;
	v5 =	vld [tilespmem:s25+$0x6350]  }
0x363: {  	[tilespmem:s25+$0x12050] =	vst v3;
	v3 =	vmul.f32 $4.525483320e+01, v4;
	v4 =	vld [tilespmem:s25+$0x63D0]  }
0x364: {  	[tilespmem:s25+$0x120D0] =	vst v2;
	v2 =	vmul.f32 $4.525483320e+01, v6;
	v6 =	vld [tilespmem:s25+$0x6060]  }
0x365: {  	[tilespmem:s25+$0x12150] =	vst v3;
	v3 =	vmul.f32 $4.525483320e+01, v8;
	v8 =	vld [tilespmem:s25+$0x60E0]  }
0x366: {  	[tilespmem:s25+$0x121D0] =	vst v2;
	v2 =	vmul.f32 $4.525483320e+01, v7;
	v7 =	vld [tilespmem:s25+$0x6160]  }
0x367: {  	[tilespmem:s25+$0x12250] =	vst v3;
	v3 =	vmul.f32 $4.525483320e+01, v5;
	v5 =	vld [tilespmem:s25+$0x61E0]  }
0x368: {  	[tilespmem:s25+$0x122D0] =	vst v2;
	v2 =	vmul.f32 $4.525483320e+01, v4;
	v4 =	vld [tilespmem:s25+$0x6260]  }
0x369: {  	[tilespmem:s25+$0x12350] =	vst v3;
	v3 =	vmul.f32 $4.525483320e+01, v6;
	v6 =	vld [tilespmem:s25+$0x62E0]  }
0x36a: {  	[tilespmem:s25+$0x123D0] =	vst v2;
	v2 =	vmul.f32 $4.525483320e+01, v8;
	v8 =	vld [tilespmem:s25+$0x6360]  }
0x36b: {  	[tilespmem:s25+$0x12060] =	vst v3;
	v3 =	vmul.f32 $4.525483320e+01, v7;
	v7 =	vld [tilespmem:s25+$0x63E0]  }
0x36c: {  	[tilespmem:s25+$0x120E0] =	vst v2;
	v2 =	vmul.f32 $4.525483320e+01, v5;
	v9 =	vld [tilespmem:s25+$0x6070]  }
.Ltmp4:
0x36d: {  	[tilespmem:s25+$0x12160] =	vst v3;
	v3 =	vmul.f32 $4.525483320e+01, v4;
	v5 =	vld [tilespmem:s25+$0x60F0];
	(pc) =	sbr.rel @p0 .LBB2_11-.Ltmp4, $4  }
0x36e: {  	[tilespmem:s25+$0x121E0] =	vst v2;
	v4 =	vmul.f32 $4.525483320e+01, v6;
	v2 =	vld [tilespmem:s25+$0x6170]  }
0x36f: {  	[tilespmem:s25+$0x12260] =	vst v3;
	v6 =	vmul.f32 $4.525483320e+01, v8;
	v3 =	vld [tilespmem:s25+$0x61F0]  }
0x370: {  	[tilespmem:s25+$0x122E0] =	vst v4;
	v8 =	vmul.f32 $4.525483320e+01, v7;
	v4 =	vld [tilespmem:s25+$0x6270]  }
0x371: {  	s28 =	sadd.s32 $0x1000, s28;
	[tilespmem:s25+$0x12360] =	vst v6;
	v7 =	vmul.f32 $4.525483320e+01, v9;
	v6 =	vld [tilespmem:s25+$0x62F0]  }
0x372: {  	[tilespmem:s25+$0x123E0] =	vst v8;
	v5 =	vmul.f32 $4.525483320e+01, v5;
	v8 =	vld [tilespmem:s25+$0x6370]  }
0x373: {  	[tilespmem:s25+$0x12070] =	vst v7;
	v2 =	vmul.f32 $4.525483320e+01, v2  }
0x374: {  	[tilespmem:s25+$0x120F0] =	vst v5;
	v3 =	vmul.f32 $4.525483320e+01, v3  }
0x375: {  	[tilespmem:s25+$0x12170] =	vst v2;
	v2 =	vmul.f32 $4.525483320e+01, v4  }
0x376: {  	[tilespmem:s25+$0x121F0] =	vst v3;
	v3 =	vmul.f32 $4.525483320e+01, v6  }
0x377: {  	[tilespmem:s25+$0x12270] =	vst v2;
	v2 =	vmul.f32 $4.525483320e+01, v8  }
0x378: {  	[tilespmem:s25+$0x122F0] =	vst v3  }
0x379: {  	[tilespmem:s25+$0x12370] =	vst v2  }
0x37a: {  	v2 =	vld.msk [tilespmem:s24+$0x200], $0xff;
	_ =	sdelay $0x4  }
0x37b: {  	v3 =	vshll.u32 v2, $0x4  }
0x37c: {  	v2 =	vand.u32 $0x7, v2;
	v3 =	vand.u32 $0xFFFFFF80, v3  }
0x37d: {  	v2 =	vor.u32 v2, v3  }
0x37e: {  	v2 =	vperm.xlane v2, v0;
	_ =	sdelay $0x1  }
0x37f: {  	v2 =	vadd.s32 v1, v2;
	_ =	sdelay $0x3  }
0x380: {  	s26 =	simm.s32 $0x6000;
	s25 =	simm.s32 $0x0  }
0x381: {  	[tilespmem:s26], [sflag:$0x2] =	stream.indirect_vreg.gather [hbm4b:s2+s25], $0x80, v2, vm0, $0xb8;
	[tilespmem:$0x1A000] =	vst v63  }
0x382: {  	s29 =	simm.s32 $0x6800  }
0x383: {  	[tilespmem:s29], [sflag:$0x2] =	stream.indirect_vreg.gather [hbm4b:s7+s25], $0x80, v2, vm0, $0xb8;
	[tilespmem:$0x1A000] =	vst v63  }
0x384: {  	s29 =	simm.s32 $0x7000  }
0x385: {  	[tilespmem:s29], [sflag:$0x2] =	stream.indirect_vreg.gather [hbm4b:s8+s25], $0x80, v2, vm0, $0xb8;
	[tilespmem:$0x1A000] =	vst v63  }
0x386: {  	s29 =	simm.s32 $0x7800  }
0x387: {  	[tilespmem:s29], [sflag:$0x2] =	stream.indirect_vreg.gather [hbm4b:s9+s25], $0x80, v2, vm0, $0xb8;
	[tilespmem:$0x1A000] =	vst v63  }
0x388: {  	s29 =	simm.s32 $0x8000  }
0x389: {  	[tilespmem:s29], [sflag:$0x2] =	stream.indirect_vreg.gather [hbm4b:s10+s25], $0x80, v2, vm0, $0xb8;
	[tilespmem:$0x1A000] =	vst v63  }
0x38a: {  	s29 =	simm.s32 $0x8800  }
0x38b: {  	[tilespmem:s29], [sflag:$0x2] =	stream.indirect_vreg.gather [hbm4b:s11+s25], $0x80, v2, vm0, $0xb8;
	[tilespmem:$0x1A000] =	vst v63  }
0x38c: {  	s29 =	simm.s32 $0x9000  }
0x38d: {  	[tilespmem:s29], [sflag:$0x2] =	stream.indirect_vreg.gather [hbm4b:s12+s25], $0x80, v2, vm0, $0xb8;
	[tilespmem:$0x1A000] =	vst v63  }
0x38e: {  	s29 =	simm.s32 $0x9800  }
0x38f: {  	[tilespmem:s29], [sflag:$0x2] =	stream.indirect_vreg.gather [hbm4b:s14+s25], $0x80, v2, vm0, $0xb8;
	[tilespmem:$0x1A000] =	vst v63  }
0x390: {  	s29 =	sadd.s32 s15, s17  }
0x391: {  	s26 =	sshll.u32 s29, $0x8  }
0x392: {  	s28 =	simm.s32 $0x12000;
	s26 =	sadd.s32 s3, s26  }
0x393: {  	[hbm4b:s26+s25] =	stream.linear.scatter [tilespmem:s28], [sflag:$0x5], $0x4000, $0x38;
	[tilespmem:$0x1A000] =	vst v63  }
0x394: {  	_ =	swait.ge [sflag:s6], $0x4000  }
0x395: {  	[sflag:s6] =	ssyncset.done $0x0  }
0x396: {  	[sflag:s6] =	ssyncadd.s32 $0xFFFFC000  }
0x397: {  	_ =	swait.ge [sflag:s20], $0x4000  }
0x398: {  	[sflag:s20] =	ssyncset.done $0x0  }
0x399: {  	s25 =	simm.s32 $0x0;
	[sflag:s20] =	ssyncadd.s32 $0xFFFFC000  }
0x39a: {  	v2 =	vld [tilespmem:s25+$0xA000]  }
0x39b: {  	v3 =	vld [tilespmem:s25+$0xA080]  }
0x39c: {  	v9 =	vld [tilespmem:s25+$0xA3F0]  }
0x39d: {  	v4 =	vld [tilespmem:s25+$0xA100]  }
0x39e: {  	v5 =	vld [tilespmem:s25+$0xA180]  }
0x39f: {  	v6 =	vld [tilespmem:s25+$0xA200]  }
0x3a0: {  	v13 =	vld [tilespmem:s25+$0xA190];
	v2 =	vmul.f32 $4.525483320e+01, v2  }
0x3a1: {  	v7 =	vld [tilespmem:s25+$0xA280];
	v9 =	vmul.f32 $4.525483320e+01, v9  }
0x3a2: {  	v10 =	vld [tilespmem:s25+$0xA010];
	v3 =	vmul.f32 $4.525483320e+01, v3;
	[tilespmem:s25+$0x16000] =	vst v2  }
0x3a3: {  	v8 =	vld [tilespmem:s25+$0xA300];
	v4 =	vmul.f32 $4.525483320e+01, v4;
	[tilespmem:s25+$0x163F0] =	vst v9  }
0x3a4: {  	v11 =	vld [tilespmem:s25+$0xA090];
	v5 =	vmul.f32 $4.525483320e+01, v5;
	[tilespmem:s25+$0x16080] =	vst v3  }
0x3a5: {  	v12 =	vld [tilespmem:s25+$0xA110];
	v62 =	vmul.f32 $4.525483320e+01, v13;
	[tilespmem:s25+$0x16100] =	vst v4  }
0x3a6: {  	v2 =	vld [tilespmem:s25+$0xA380];
	v4 =	vmul.f32 $4.525483320e+01, v6;
	[tilespmem:s25+$0x16180] =	vst v5  }
0x3a7: {  	v9 =	vmul.f32 $4.525483320e+01, v10;
	v10 =	vld [tilespmem:s25+$0xA290];
	[tilespmem:s25+$0x16190] =	vst v62  }
0x3a8: {  	v3 =	vld [tilespmem:s25+$0xA310];
	[tilespmem:s25+$0x16200] =	vst v4;
	v4 =	vmul.f32 $4.525483320e+01, v8  }
0x3a9: {  	v5 =	vmul.f32 $4.525483320e+01, v7;
	v7 =	vld [tilespmem:s25+$0xA020];
	[tilespmem:s25+$0x16010] =	vst v9  }
0x3aa: {  	v14 =	vld [tilespmem:s25+$0xA210];
	[tilespmem:s25+$0x16300] =	vst v4;
	v4 =	vmul.f32 $4.525483320e+01, v11  }
0x3ab: {  	[tilespmem:s25+$0x16280] =	vst v5;
	v5 =	vld [tilespmem:s25+$0xA120];
	v2 =	vmul.f32 $4.525483320e+01, v2  }
0x3ac: {  	v63 =	vld [tilespmem:s25+$0xA3A0];
	v10 =	vmul.f32 $4.525483320e+01, v10;
	[tilespmem:s25+$0x16090] =	vst v4  }
0x3ad: {  	v8 =	vld [tilespmem:s25+$0xA0A0];
	v3 =	vmul.f32 $4.525483320e+01, v3;
	[tilespmem:s25+$0x16380] =	vst v2  }
0x3ae: {  	v6 =	vld [tilespmem:s25+$0xA390];
	v4 =	vmul.f32 $4.525483320e+01, v7;
	[tilespmem:s25+$0x16290] =	vst v10  }
0x3af: {  	v9 =	vld [tilespmem:s25+$0xA1A0];
	v2 =	vmul.f32 $4.525483320e+01, v12;
	[tilespmem:s25+$0x16310] =	vst v3  }
0x3b0: {  	v11 =	vld [tilespmem:s25+$0xA220];
	v5 =	vmul.f32 $4.525483320e+01, v5;
	[tilespmem:s25+$0x16020] =	vst v4  }
0x3b1: {  	v4 =	vmul.f32 $4.525483320e+01, v14;
	[tilespmem:s25+$0x16110] =	vst v2;
	v2 =	vld [tilespmem:s25+$0xA320]  }
0x3b2: {  	v3 =	vmul.f32 $4.525483320e+01, v8;
	[tilespmem:s25+$0x16120] =	vst v5;
	v5 =	vld [tilespmem:s25+$0xA2B0]  }
0x3b3: {  	v6 =	vmul.f32 $4.525483320e+01, v6;
	[tilespmem:s25+$0x16210] =	vst v4;
	v4 =	vld [tilespmem:s25+$0xA030]  }
0x3b4: {  	v10 =	vld [tilespmem:s25+$0xA0B0];
	[tilespmem:s25+$0x160A0] =	vst v3;
	v3 =	vmul.f32 $4.525483320e+01, v9  }
0x3b5: {  	v7 =	vld [tilespmem:s25+$0xA2A0];
	[tilespmem:s25+$0x16390] =	vst v6;
	v11 =	vmul.f32 $4.525483320e+01, v11  }
0x3b6: {  	v6 =	vld [tilespmem:s25+$0xA1B0];
	[tilespmem:s25+$0x161A0] =	vst v3;
	v2 =	vmul.f32 $4.525483320e+01, v2  }
0x3b7: {  	v8 =	vld [tilespmem:s25+$0xA130];
	[tilespmem:s25+$0x16220] =	vst v11;
	v5 =	vmul.f32 $4.525483320e+01, v5  }
0x3b8: {  	v11 =	vld [tilespmem:s25+$0xA040];
	v4 =	vmul.f32 $4.525483320e+01, v4;
	[tilespmem:s25+$0x16320] =	vst v2  }
0x3b9: {  	v9 =	vld [tilespmem:s25+$0xA230];
	v2 =	vmul.f32 $4.525483320e+01, v10;
	[tilespmem:s25+$0x162B0] =	vst v5  }
0x3ba: {  	v3 =	vld [tilespmem:s25+$0xA330];
	[tilespmem:s25+$0x16030] =	vst v4;
	v4 =	vmul.f32 $4.525483320e+01, v7  }
0x3bb: {  	v7 =	vld [tilespmem:s25+$0xA3B0];
	[tilespmem:s25+$0x160B0] =	vst v2;
	v2 =	vmul.f32 $4.525483320e+01, v6  }
0x3bc: {  	[tilespmem:s25+$0x162A0] =	vst v4;
	v4 =	vmul.f32 $4.525483320e+01, v63  }
0x3bd: {  	v10 =	vld [tilespmem:s25+$0xA0C0];
	[tilespmem:s25+$0x161B0] =	vst v2;
	v2 =	vmul.f32 $4.525483320e+01, v11  }
0x3be: {  	[tilespmem:s25+$0x163A0] =	vst v4;
	v4 =	vmul.f32 $4.525483320e+01, v8;
	v8 =	vld [tilespmem:s25+$0xA140]  }
0x3bf: {  	v6 =	vld [tilespmem:s25+$0xA1C0];
	[tilespmem:s25+$0x16040] =	vst v2;
	v2 =	vmul.f32 $4.525483320e+01, v3  }
0x3c0: {  	v3 =	vmul.f32 $4.525483320e+01, v7;
	[tilespmem:s25+$0x16130] =	vst v4;
	v4 =	vmul.f32 $4.525483320e+01, v9;
	v9 =	vld [tilespmem:s25+$0xA240]  }
0x3c1: {  	v11 =	vld [tilespmem:s25+$0xA2C0];
	[tilespmem:s25+$0x16330] =	vst v2  }
0x3c2: {  	v7 =	vld [tilespmem:s25+$0xA050];
	v2 =	vmul.f32 $4.525483320e+01, v10;
	[tilespmem:s25+$0x163B0] =	vst v3  }
0x3c3: {  	[tilespmem:s25+$0x16230] =	vst v4;
	v4 =	vld [tilespmem:s25+$0xA340];
	v3 =	vmul.f32 $4.525483320e+01, v8  }
0x3c4: {  	v5 =	vld [tilespmem:s25+$0xA3C0];
	[tilespmem:s25+$0x160C0] =	vst v2;
	v2 =	vmul.f32 $4.525483320e+01, v6  }
0x3c5: {  	v8 =	vld [tilespmem:s25+$0xA0D0];
	[tilespmem:s25+$0x16140] =	vst v3;
	v3 =	vmul.f32 $4.525483320e+01, v9  }
0x3c6: {  	v6 =	vld [tilespmem:s25+$0xA150];
	[tilespmem:s25+$0x161C0] =	vst v2;
	v2 =	vmul.f32 $4.525483320e+01, v11  }
0x3c7: {  	v9 =	vld [tilespmem:s25+$0xA1D0];
	[tilespmem:s25+$0x16240] =	vst v3;
	v3 =	vmul.f32 $4.525483320e+01, v7  }
0x3c8: {  	v4 =	vmul.f32 $4.525483320e+01, v4;
	[tilespmem:s25+$0x162C0] =	vst v2;
	v2 =	vld [tilespmem:s25+$0xA350]  }
0x3c9: {  	v10 =	vld [tilespmem:s25+$0xA250];
	[tilespmem:s25+$0x16050] =	vst v3;
	v3 =	vmul.f32 $4.525483320e+01, v5  }
0x3ca: {  	v7 =	vld [tilespmem:s25+$0xA2D0];
	[tilespmem:s25+$0x16340] =	vst v4;
	v4 =	vmul.f32 $4.525483320e+01, v8  }
0x3cb: {  	v5 =	vld [tilespmem:s25+$0xA3D0];
	[tilespmem:s25+$0x163C0] =	vst v3;
	v3 =	vmul.f32 $4.525483320e+01, v6  }
0x3cc: {  	v6 =	vld [tilespmem:s25+$0xA060];
	[tilespmem:s25+$0x160D0] =	vst v4;
	v4 =	vmul.f32 $4.525483320e+01, v9  }
0x3cd: {  	v8 =	vld [tilespmem:s25+$0xA0E0];
	v2 =	vmul.f32 $4.525483320e+01, v2;
	[tilespmem:s25+$0x16150] =	vst v3  }
0x3ce: {  	v9 =	vld [tilespmem:s25+$0xA160];
	v3 =	vmul.f32 $4.525483320e+01, v10;
	[tilespmem:s25+$0x161D0] =	vst v4  }
0x3cf: {  	v4 =	vmul.f32 $4.525483320e+01, v7;
	v7 =	vld [tilespmem:s25+$0xA1E0];
	[tilespmem:s25+$0x16350] =	vst v2  }
0x3d0: {  	v5 =	vmul.f32 $4.525483320e+01, v5;
	[tilespmem:s25+$0x16250] =	vst v3;
	v3 =	vld [tilespmem:s25+$0xA260]  }
0x3d1: {  	[tilespmem:s25+$0x162D0] =	vst v4;
	v4 =	vmul.f32 $4.525483320e+01, v6;
	v6 =	vld [tilespmem:s25+$0xA2E0]  }
0x3d2: {  	v10 =	vld [tilespmem:s25+$0xA360];
	v2 =	vmul.f32 $4.525483320e+01, v8;
	[tilespmem:s25+$0x163D0] =	vst v5  }
0x3d3: {  	v8 =	vld [tilespmem:s25+$0xA3E0];
	[tilespmem:s25+$0x16060] =	vst v4;
	v4 =	vmul.f32 $4.525483320e+01, v9  }
0x3d4: {  	[tilespmem:s25+$0x160E0] =	vst v2;
	v2 =	vmul.f32 $4.525483320e+01, v7;
	v7 =	vld [tilespmem:s25+$0xA070]  }
0x3d5: {  	v5 =	vld [tilespmem:s25+$0xA0F0];
	[tilespmem:s25+$0x16160] =	vst v4;
	v3 =	vmul.f32 $4.525483320e+01, v3  }
0x3d6: {  	[tilespmem:s25+$0x161E0] =	vst v2;
	v2 =	vld [tilespmem:s25+$0xA170];
	v4 =	vmul.f32 $4.525483320e+01, v6  }
0x3d7: {  	v6 =	vmul.f32 $4.525483320e+01, v10;
	[tilespmem:s25+$0x16260] =	vst v3;
	v3 =	vld [tilespmem:s25+$0xA1F0]  }
0x3d8: {  	v8 =	vmul.f32 $4.525483320e+01, v8;
	[tilespmem:s25+$0x162E0] =	vst v4;
	v4 =	vld [tilespmem:s25+$0xA270]  }
0x3d9: {  	s26 =	simm.s32 $0x0;
	s28 =	simm.s32 $0x1000;
	[tilespmem:s25+$0x16360] =	vst v6;
	v7 =	vmul.f32 $4.525483320e+01, v7;
	v6 =	vld [tilespmem:s25+$0xA2F0]  }
.LBB2_13:
0x3da: {  	s29 =	sshra.s32 s28, $0x2;
	s26 =	sadd.s32 $0x8, s26;
	[tilespmem:s25+$0x163E0] =	vst v8;
	v5 =	vmul.f32 $4.525483320e+01, v5;
	v8 =	vld [tilespmem:s25+$0xA370]  }
0x3db: {  	v9 =	vld [tilespmem:s29+$0xA3F0];
	p0 =	slt.u32 s26, $0x78;
	[tilespmem:s25+$0x16070] =	vst v7;
	v2 =	vmul.f32 $4.525483320e+01, v2  }
0x3dc: {  	v7 =	vld [tilespmem:s29+$0xA000];
	[tilespmem:s25+$0x160F0] =	vst v5;
	v3 =	vmul.f32 $4.525483320e+01, v3  }
0x3dd: {  	v5 =	vld [tilespmem:s29+$0xA080];
	[tilespmem:s25+$0x16170] =	vst v2;
	v2 =	vmul.f32 $4.525483320e+01, v4  }
0x3de: {  	v4 =	vld [tilespmem:s29+$0xA100];
	[tilespmem:s25+$0x161F0] =	vst v3;
	v3 =	vmul.f32 $4.525483320e+01, v6  }
0x3df: {  	v6 =	vld [tilespmem:s29+$0xA180];
	[tilespmem:s25+$0x16270] =	vst v2;
	v2 =	vmul.f32 $4.525483320e+01, v8  }
0x3e0: {  	v8 =	vld [tilespmem:s29+$0xA200];
	v9 =	vmul.f32 $4.525483320e+01, v9;
	[tilespmem:s25+$0x162F0] =	vst v3  }
0x3e1: {  	v3 =	vmul.f32 $4.525483320e+01, v7;
	v7 =	vld [tilespmem:s29+$0xA280];
	[tilespmem:s25+$0x16370] =	vst v2;
	s25 =	smov.u32 s29  }
0x3e2: {  	v2 =	vmul.f32 $4.525483320e+01, v5;
	v5 =	vld [tilespmem:s25+$0xA300];
	[tilespmem:s25+$0x163F0] =	vst v9  }
0x3e3: {  	[tilespmem:s25+$0x16000] =	vst v3;
	v3 =	vmul.f32 $4.525483320e+01, v4;
	v4 =	vld [tilespmem:s25+$0xA380]  }
0x3e4: {  	[tilespmem:s25+$0x16080] =	vst v2;
	v2 =	vmul.f32 $4.525483320e+01, v6;
	v6 =	vld [tilespmem:s25+$0xA010]  }
0x3e5: {  	[tilespmem:s25+$0x16100] =	vst v3;
	v3 =	vmul.f32 $4.525483320e+01, v8;
	v8 =	vld [tilespmem:s25+$0xA090]  }
0x3e6: {  	[tilespmem:s25+$0x16180] =	vst v2;
	v2 =	vmul.f32 $4.525483320e+01, v7;
	v7 =	vld [tilespmem:s25+$0xA110]  }
0x3e7: {  	[tilespmem:s25+$0x16200] =	vst v3;
	v3 =	vmul.f32 $4.525483320e+01, v5;
	v5 =	vld [tilespmem:s25+$0xA190]  }
0x3e8: {  	[tilespmem:s25+$0x16280] =	vst v2;
	v2 =	vmul.f32 $4.525483320e+01, v4;
	v4 =	vld [tilespmem:s25+$0xA210]  }
0x3e9: {  	[tilespmem:s25+$0x16300] =	vst v3;
	v3 =	vmul.f32 $4.525483320e+01, v6;
	v6 =	vld [tilespmem:s25+$0xA290]  }
0x3ea: {  	[tilespmem:s25+$0x16380] =	vst v2;
	v2 =	vmul.f32 $4.525483320e+01, v8;
	v8 =	vld [tilespmem:s25+$0xA310]  }
0x3eb: {  	[tilespmem:s25+$0x16010] =	vst v3;
	v3 =	vmul.f32 $4.525483320e+01, v7;
	v7 =	vld [tilespmem:s25+$0xA390]  }
0x3ec: {  	[tilespmem:s25+$0x16090] =	vst v2;
	v2 =	vmul.f32 $4.525483320e+01, v5;
	v5 =	vld [tilespmem:s25+$0xA020]  }
0x3ed: {  	[tilespmem:s25+$0x16110] =	vst v3;
	v3 =	vmul.f32 $4.525483320e+01, v4;
	v4 =	vld [tilespmem:s25+$0xA0A0]  }
0x3ee: {  	[tilespmem:s25+$0x16190] =	vst v2;
	v2 =	vmul.f32 $4.525483320e+01, v6;
	v6 =	vld [tilespmem:s25+$0xA120]  }
0x3ef: {  	[tilespmem:s25+$0x16210] =	vst v3;
	v3 =	vmul.f32 $4.525483320e+01, v8;
	v8 =	vld [tilespmem:s25+$0xA1A0]  }
0x3f0: {  	[tilespmem:s25+$0x16290] =	vst v2;
	v2 =	vmul.f32 $4.525483320e+01, v7;
	v7 =	vld [tilespmem:s25+$0xA220]  }
0x3f1: {  	[tilespmem:s25+$0x16310] =	vst v3;
	v3 =	vmul.f32 $4.525483320e+01, v5;
	v5 =	vld [tilespmem:s25+$0xA2A0]  }
0x3f2: {  	[tilespmem:s25+$0x16390] =	vst v2;
	v2 =	vmul.f32 $4.525483320e+01, v4;
	v4 =	vld [tilespmem:s25+$0xA320]  }
0x3f3: {  	[tilespmem:s25+$0x16020] =	vst v3;
	v3 =	vmul.f32 $4.525483320e+01, v6;
	v6 =	vld [tilespmem:s25+$0xA3A0]  }
0x3f4: {  	[tilespmem:s25+$0x160A0] =	vst v2;
	v2 =	vmul.f32 $4.525483320e+01, v8;
	v8 =	vld [tilespmem:s25+$0xA030]  }
0x3f5: {  	[tilespmem:s25+$0x16120] =	vst v3;
	v3 =	vmul.f32 $4.525483320e+01, v7;
	v7 =	vld [tilespmem:s25+$0xA0B0]  }
0x3f6: {  	[tilespmem:s25+$0x161A0] =	vst v2;
	v2 =	vmul.f32 $4.525483320e+01, v5;
	v5 =	vld [tilespmem:s25+$0xA130]  }
0x3f7: {  	[tilespmem:s25+$0x16220] =	vst v3;
	v3 =	vmul.f32 $4.525483320e+01, v4;
	v4 =	vld [tilespmem:s25+$0xA1B0]  }
0x3f8: {  	[tilespmem:s25+$0x162A0] =	vst v2;
	v2 =	vmul.f32 $4.525483320e+01, v6;
	v6 =	vld [tilespmem:s25+$0xA230]  }
0x3f9: {  	[tilespmem:s25+$0x16320] =	vst v3;
	v3 =	vmul.f32 $4.525483320e+01, v8;
	v8 =	vld [tilespmem:s25+$0xA2B0]  }
0x3fa: {  	[tilespmem:s25+$0x163A0] =	vst v2;
	v2 =	vmul.f32 $4.525483320e+01, v7;
	v7 =	vld [tilespmem:s25+$0xA330]  }
0x3fb: {  	[tilespmem:s25+$0x16030] =	vst v3;
	v3 =	vmul.f32 $4.525483320e+01, v5;
	v5 =	vld [tilespmem:s25+$0xA3B0]  }
0x3fc: {  	[tilespmem:s25+$0x160B0] =	vst v2;
	v2 =	vmul.f32 $4.525483320e+01, v4;
	v4 =	vld [tilespmem:s25+$0xA040]  }
0x3fd: {  	[tilespmem:s25+$0x16130] =	vst v3;
	v3 =	vmul.f32 $4.525483320e+01, v6;
	v6 =	vld [tilespmem:s25+$0xA0C0]  }
0x3fe: {  	[tilespmem:s25+$0x161B0] =	vst v2;
	v2 =	vmul.f32 $4.525483320e+01, v8;
	v8 =	vld [tilespmem:s25+$0xA140]  }
0x3ff: {  	[tilespmem:s25+$0x16230] =	vst v3;
	v3 =	vmul.f32 $4.525483320e+01, v7;
	v7 =	vld [tilespmem:s25+$0xA1C0]  }
0x400: {  	[tilespmem:s25+$0x162B0] =	vst v2;
	v2 =	vmul.f32 $4.525483320e+01, v5;
	v5 =	vld [tilespmem:s25+$0xA240]  }
0x401: {  	[tilespmem:s25+$0x16330] =	vst v3;
	v3 =	vmul.f32 $4.525483320e+01, v4;
	v4 =	vld [tilespmem:s25+$0xA2C0]  }
0x402: {  	[tilespmem:s25+$0x163B0] =	vst v2;
	v2 =	vmul.f32 $4.525483320e+01, v6;
	v6 =	vld [tilespmem:s25+$0xA340]  }
0x403: {  	[tilespmem:s25+$0x16040] =	vst v3;
	v3 =	vmul.f32 $4.525483320e+01, v8;
	v8 =	vld [tilespmem:s25+$0xA3C0]  }
0x404: {  	[tilespmem:s25+$0x160C0] =	vst v2;
	v2 =	vmul.f32 $4.525483320e+01, v7;
	v7 =	vld [tilespmem:s25+$0xA050]  }
0x405: {  	[tilespmem:s25+$0x16140] =	vst v3;
	v3 =	vmul.f32 $4.525483320e+01, v5;
	v5 =	vld [tilespmem:s25+$0xA0D0]  }
0x406: {  	[tilespmem:s25+$0x161C0] =	vst v2;
	v2 =	vmul.f32 $4.525483320e+01, v4;
	v4 =	vld [tilespmem:s25+$0xA150]  }
0x407: {  	[tilespmem:s25+$0x16240] =	vst v3;
	v3 =	vmul.f32 $4.525483320e+01, v6;
	v6 =	vld [tilespmem:s25+$0xA1D0]  }
0x408: {  	[tilespmem:s25+$0x162C0] =	vst v2;
	v2 =	vmul.f32 $4.525483320e+01, v8;
	v8 =	vld [tilespmem:s25+$0xA250]  }
0x409: {  	[tilespmem:s25+$0x16340] =	vst v3;
	v3 =	vmul.f32 $4.525483320e+01, v7;
	v7 =	vld [tilespmem:s25+$0xA2D0]  }
0x40a: {  	[tilespmem:s25+$0x163C0] =	vst v2;
	v2 =	vmul.f32 $4.525483320e+01, v5;
	v5 =	vld [tilespmem:s25+$0xA350]  }
0x40b: {  	[tilespmem:s25+$0x16050] =	vst v3;
	v3 =	vmul.f32 $4.525483320e+01, v4;
	v4 =	vld [tilespmem:s25+$0xA3D0]  }
0x40c: {  	[tilespmem:s25+$0x160D0] =	vst v2;
	v2 =	vmul.f32 $4.525483320e+01, v6;
	v6 =	vld [tilespmem:s25+$0xA060]  }
0x40d: {  	[tilespmem:s25+$0x16150] =	vst v3;
	v3 =	vmul.f32 $4.525483320e+01, v8;
	v8 =	vld [tilespmem:s25+$0xA0E0]  }
0x40e: {  	[tilespmem:s25+$0x161D0] =	vst v2;
	v2 =	vmul.f32 $4.525483320e+01, v7;
	v7 =	vld [tilespmem:s25+$0xA160]  }
0x40f: {  	[tilespmem:s25+$0x16250] =	vst v3;
	v3 =	vmul.f32 $4.525483320e+01, v5;
	v5 =	vld [tilespmem:s25+$0xA1E0]  }
0x410: {  	[tilespmem:s25+$0x162D0] =	vst v2;
	v2 =	vmul.f32 $4.525483320e+01, v4;
	v4 =	vld [tilespmem:s25+$0xA260]  }
0x411: {  	[tilespmem:s25+$0x16350] =	vst v3;
	v3 =	vmul.f32 $4.525483320e+01, v6;
	v6 =	vld [tilespmem:s25+$0xA2E0]  }
0x412: {  	[tilespmem:s25+$0x163D0] =	vst v2;
	v2 =	vmul.f32 $4.525483320e+01, v8;
	v8 =	vld [tilespmem:s25+$0xA360]  }
0x413: {  	[tilespmem:s25+$0x16060] =	vst v3;
	v3 =	vmul.f32 $4.525483320e+01, v7;
	v7 =	vld [tilespmem:s25+$0xA3E0]  }
0x414: {  	[tilespmem:s25+$0x160E0] =	vst v2;
	v2 =	vmul.f32 $4.525483320e+01, v5;
	v9 =	vld [tilespmem:s25+$0xA070]  }
.Ltmp5:
0x415: {  	[tilespmem:s25+$0x16160] =	vst v3;
	v3 =	vmul.f32 $4.525483320e+01, v4;
	v5 =	vld [tilespmem:s25+$0xA0F0];
	(pc) =	sbr.rel @p0 .LBB2_13-.Ltmp5, $4  }
0x416: {  	[tilespmem:s25+$0x161E0] =	vst v2;
	v4 =	vmul.f32 $4.525483320e+01, v6;
	v2 =	vld [tilespmem:s25+$0xA170]  }
0x417: {  	[tilespmem:s25+$0x16260] =	vst v3;
	v6 =	vmul.f32 $4.525483320e+01, v8;
	v3 =	vld [tilespmem:s25+$0xA1F0]  }
0x418: {  	[tilespmem:s25+$0x162E0] =	vst v4;
	v8 =	vmul.f32 $4.525483320e+01, v7;
	v4 =	vld [tilespmem:s25+$0xA270]  }
0x419: {  	s28 =	sadd.s32 $0x1000, s28;
	[tilespmem:s25+$0x16360] =	vst v6;
	v7 =	vmul.f32 $4.525483320e+01, v9;
	v6 =	vld [tilespmem:s25+$0xA2F0]  }
0x41a: {  	[tilespmem:s25+$0x163E0] =	vst v8;
	v5 =	vmul.f32 $4.525483320e+01, v5;
	v63 =	vld [tilespmem:s25+$0xA370]  }
0x41b: {  	[tilespmem:s25+$0x16070] =	vst v7;
	v2 =	vmul.f32 $4.525483320e+01, v2  }
0x41c: {  	[tilespmem:s25+$0x160F0] =	vst v5;
	v3 =	vmul.f32 $4.525483320e+01, v3  }
0x41d: {  	[tilespmem:s25+$0x16170] =	vst v2;
	v2 =	vmul.f32 $4.525483320e+01, v4  }
0x41e: {  	[tilespmem:s25+$0x161F0] =	vst v3;
	v3 =	vmul.f32 $4.525483320e+01, v6  }
0x41f: {  	[tilespmem:s25+$0x16270] =	vst v2;
	v2 =	vmul.f32 $4.525483320e+01, v63  }
0x420: {  	[tilespmem:s25+$0x162F0] =	vst v3  }
0x421: {  	[tilespmem:s25+$0x16370] =	vst v2  }
0x422: {  	v2 =	vld.msk [tilespmem:s24+$0x280], $0xff;
	_ =	sdelay $0x4  }
0x423: {  	v3 =	vshll.u32 v2, $0x4  }
0x424: {  	v2 =	vand.u32 $0x7, v2;
	v3 =	vand.u32 $0xFFFFFF80, v3  }
0x425: {  	v2 =	vor.u32 v2, v3  }
0x426: {  	v2 =	vperm.xlane v2, v0;
	_ =	sdelay $0x1  }
0x427: {  	v2 =	vadd.s32 v1, v2;
	_ =	sdelay $0x3  }
0x428: {  	s29 =	simm.s32 $0xA000  }
0x429: {  	[tilespmem:s29], [sflag:$0x3] =	stream.indirect_vreg.gather [hbm4b:s2+s4], $0x80, v2, vm0, $0xb8;
	[tilespmem:$0x1A000] =	vst v63  }
0x42a: {  	s25 =	simm.s32 $0xA800  }
0x42b: {  	[tilespmem:s25], [sflag:$0x3] =	stream.indirect_vreg.gather [hbm4b:s7+s4], $0x80, v2, vm0, $0xb8;
	[tilespmem:$0x1A000] =	vst v63  }
0x42c: {  	s26 =	simm.s32 $0xB000  }
0x42d: {  	[tilespmem:s26], [sflag:$0x3] =	stream.indirect_vreg.gather [hbm4b:s8+s4], $0x80, v2, vm0, $0xb8;
	[tilespmem:$0x1A000] =	vst v63  }
0x42e: {  	s28 =	simm.s32 $0xB800  }
0x42f: {  	[tilespmem:s28], [sflag:$0x3] =	stream.indirect_vreg.gather [hbm4b:s9+s4], $0x80, v2, vm0, $0xb8;
	[tilespmem:$0x1A000] =	vst v63  }
0x430: {  	s29 =	simm.s32 $0xC000  }
0x431: {  	[tilespmem:s29], [sflag:$0x3] =	stream.indirect_vreg.gather [hbm4b:s10+s4], $0x80, v2, vm0, $0xb8;
	[tilespmem:$0x1A000] =	vst v63  }
0x432: {  	s21 =	sadd.s32 $0x1, s21;
	s25 =	simm.s32 $0xC800  }
0x433: {  	[tilespmem:s25], [sflag:$0x3] =	stream.indirect_vreg.gather [hbm4b:s11+s4], $0x80, v2, vm0, $0xb8;
	[tilespmem:$0x1A000] =	vst v63  }
0x434: {  	p0 =	sne.s32 s21, $0x14;
	s26 =	simm.s32 $0xD000  }
0x435: {  	[tilespmem:s26], [sflag:$0x3] =	stream.indirect_vreg.gather [hbm4b:s12+s4], $0x80, v2, vm0, $0xb8;
	[tilespmem:$0x1A000] =	vst v63  }
.Ltmp6:
0x436: {  	s15 =	sadd.s32 s15, s18;
	(pc) =	sbr.rel @p0 .LBB2_8-.Ltmp6, $4  }
0x437: {  	s15 =	sshll.u32 s15, $0x8;
	s28 =	simm.s32 $0xD800  }
0x438: {  	[tilespmem:s28], [sflag:$0x3] =	stream.indirect_vreg.gather [hbm4b:s14+s4], $0x80, v2, vm0, $0xb8;
	[tilespmem:$0x1A000] =	vst v63  }
0x439: {  	s15 =	sadd.s32 s3, s15;
	s29 =	simm.s32 $0x16000  }
0x43a: {  	[hbm4b:s15+s4] =	stream.linear.scatter [tilespmem:s29], [sflag:$0x6], $0x4000, $0x38;
	[tilespmem:$0x1A000] =	vst v63  }
0x43b: {  	_ =	swait.ge [sflag:s22], $0x4000  }
0x43c: {  	[sflag:s22] =	ssyncset.done $0x0  }
0x43d: {  	[sflag:s22] =	ssyncadd.s32 $0xFFFFC000  }
0x43e: {  	_ =	swait.ge [sflag:s16], $0x4000  }
0x43f: {  	[sflag:s16] =	ssyncset.done $0x0  }
0x440: {  	s24 =	simm.s32 $0x2200;
	[sflag:s16] =	ssyncadd.s32 $0xFFFFC000  }
0x441: {  	v2 =	vld [tilespmem:s24+$0xFFFFFE70]  }
0x442: {  	v3 =	vld [tilespmem:s24+$0xFFFFFE10]  }
0x443: {  	v4 =	vld [tilespmem:s24+$0xFFFFFE20]  }
0x444: {  	v5 =	vld [tilespmem:s24+$0xFFFFFE30]  }
0x445: {  	v6 =	vld [tilespmem:s24+$0xFFFFFE40]  }
0x446: {  	v7 =	vld [tilespmem:s24+$0xFFFFFE50];
	v2 =	vmul.f32 $4.525483320e+01, v2  }
0x447: {  	s15 =	simm.s32 $0xE200;
	v8 =	vld [tilespmem:s24+$0xFFFFFE60];
	v3 =	vmul.f32 $4.525483320e+01, v3  }
0x448: {  	v9 =	vld [tilespmem:s24+$0xFFFFFE00];
	v4 =	vmul.f32 $4.525483320e+01, v4;
	[tilespmem:s15+$0xFFFFFE70] =	vst v2  }
0x449: {  	[tilespmem:s15+$0xFFFFFE10] =	vst v3;
	v2 =	vmul.f32 $4.525483320e+01, v5;
	v3 =	vld [tilespmem:s24+$0xFFFFFEF0]  }
0x44a: {  	[tilespmem:s15+$0xFFFFFE20] =	vst v4;
	v4 =	vmul.f32 $4.525483320e+01, v6;
	v5 =	vld [tilespmem:s24+$0xFFFFFE90]  }
0x44b: {  	v6 =	vld [tilespmem:s24+$0xFFFFFEA0];
	[tilespmem:s15+$0xFFFFFE30] =	vst v2;
	v2 =	vmul.f32 $4.525483320e+01, v7  }
0x44c: {  	[tilespmem:s15+$0xFFFFFE40] =	vst v4;
	v4 =	vmul.f32 $4.525483320e+01, v8;
	v7 =	vld [tilespmem:s24+$0xFFFFFEB0]  }
0x44d: {  	v8 =	vmul.f32 $4.525483320e+01, v9;
	v9 =	vld [tilespmem:s24+$0xFFFFFEC0];
	[tilespmem:s15+$0xFFFFFE50] =	vst v2  }
0x44e: {  	[tilespmem:s15+$0xFFFFFE60] =	vst v4;
	v2 =	vld [tilespmem:s24+$0xFFFFFED0];
	v3 =	vmul.f32 $4.525483320e+01, v3  }
0x44f: {  	[tilespmem:s15+$0xFFFFFE00] =	vst v8;
	v4 =	vmul.f32 $4.525483320e+01, v5;
	v5 =	vld [tilespmem:s24+$0xFFFFFEE0]  }
0x450: {  	v8 =	vld [tilespmem:s24+$0xFFFFFE80];
	v6 =	vmul.f32 $4.525483320e+01, v6;
	[tilespmem:s15+$0xFFFFFEF0] =	vst v3  }
0x451: {  	[tilespmem:s15+$0xFFFFFE90] =	vst v4;
	v3 =	vmul.f32 $4.525483320e+01, v7;
	v4 =	vld [tilespmem:s24+$0xFFFFFF70]  }
0x452: {  	[tilespmem:s15+$0xFFFFFEA0] =	vst v6;
	v6 =	vmul.f32 $4.525483320e+01, v9;
	v7 =	vld [tilespmem:s24+$0xFFFFFF10]  }
0x453: {  	v9 =	vld [tilespmem:s24+$0xFFFFFF20];
	[tilespmem:s15+$0xFFFFFEB0] =	vst v3;
	v2 =	vmul.f32 $4.525483320e+01, v2  }
0x454: {  	[tilespmem:s15+$0xFFFFFEC0] =	vst v6;
	v3 =	vld [tilespmem:s24+$0xFFFFFF30];
	v5 =	vmul.f32 $4.525483320e+01, v5  }
0x455: {  	v6 =	vmul.f32 $4.525483320e+01, v8;
	v8 =	vld [tilespmem:s24+$0xFFFFFF40];
	[tilespmem:s15+$0xFFFFFED0] =	vst v2  }
0x456: {  	v2 =	vld [tilespmem:s24+$0xFFFFFF50];
	[tilespmem:s15+$0xFFFFFEE0] =	vst v5;
	v4 =	vmul.f32 $4.525483320e+01, v4  }
0x457: {  	[tilespmem:s15+$0xFFFFFE80] =	vst v6;
	v5 =	vmul.f32 $4.525483320e+01, v7;
	v6 =	vld [tilespmem:s24+$0xFFFFFF60]  }
0x458: {  	v7 =	vld [tilespmem:s24+$0xFFFFFF00];
	v9 =	vmul.f32 $4.525483320e+01, v9;
	[tilespmem:s15+$0xFFFFFF70] =	vst v4  }
0x459: {  	[tilespmem:s15+$0xFFFFFF10] =	vst v5;
	v3 =	vmul.f32 $4.525483320e+01, v3;
	v4 =	vld [tilespmem:s24+$0xFFFFFFF0]  }
0x45a: {  	[tilespmem:s15+$0xFFFFFF20] =	vst v9;
	v8 =	vmul.f32 $4.525483320e+01, v8;
	v5 =	vld [tilespmem:s24+$0xFFFFFF90]  }
0x45b: {  	v9 =	vld [tilespmem:s24+$0xFFFFFFA0];
	[tilespmem:s15+$0xFFFFFF30] =	vst v3;
	v2 =	vmul.f32 $4.525483320e+01, v2  }
0x45c: {  	[tilespmem:s15+$0xFFFFFF40] =	vst v8;
	v3 =	vld [tilespmem:s24+$0xFFFFFFB0];
	v6 =	vmul.f32 $4.525483320e+01, v6  }
0x45d: {  	v7 =	vmul.f32 $4.525483320e+01, v7;
	v8 =	vld [tilespmem:s24+$0xFFFFFFC0];
	[tilespmem:s15+$0xFFFFFF50] =	vst v2  }
0x45e: {  	v2 =	vld [tilespmem:s24+$0xFFFFFFD0];
	[tilespmem:s15+$0xFFFFFF60] =	vst v6;
	v4 =	vmul.f32 $4.525483320e+01, v4  }
0x45f: {  	[tilespmem:s15+$0xFFFFFF00] =	vst v7;
	v5 =	vmul.f32 $4.525483320e+01, v5;
	v6 =	vld [tilespmem:s24+$0xFFFFFFE0]  }
0x460: {  	v7 =	vld [tilespmem:s24+$0xFFFFFF80];
	v9 =	vmul.f32 $4.525483320e+01, v9;
	[tilespmem:s15+$0xFFFFFFF0] =	vst v4  }
0x461: {  	[tilespmem:s15+$0xFFFFFF90] =	vst v5;
	v3 =	vmul.f32 $4.525483320e+01, v3;
	v4 =	vld [tilespmem:s24+$0x70]  }
0x462: {  	[tilespmem:s15+$0xFFFFFFA0] =	vst v9;
	v8 =	vmul.f32 $4.525483320e+01, v8;
	v5 =	vld [tilespmem:s24+$0x10]  }
0x463: {  	v9 =	vld [tilespmem:s24+$0x20];
	[tilespmem:s15+$0xFFFFFFB0] =	vst v3;
	v2 =	vmul.f32 $4.525483320e+01, v2  }
0x464: {  	[tilespmem:s15+$0xFFFFFFC0] =	vst v8;
	v3 =	vld [tilespmem:s24+$0x30];
	v6 =	vmul.f32 $4.525483320e+01, v6  }
0x465: {  	v7 =	vmul.f32 $4.525483320e+01, v7;
	v8 =	vld [tilespmem:s24+$0x40];
	[tilespmem:s15+$0xFFFFFFD0] =	vst v2  }
0x466: {  	v2 =	vld [tilespmem:s24+$0x50];
	[tilespmem:s15+$0xFFFFFFE0] =	vst v6;
	v4 =	vmul.f32 $4.525483320e+01, v4  }
0x467: {  	[tilespmem:s15+$0xFFFFFF80] =	vst v7;
	v5 =	vmul.f32 $4.525483320e+01, v5;
	v6 =	vld [tilespmem:s24+$0x60]  }
0x468: {  	v7 =	vld [tilespmem:s24+$0x0];
	v9 =	vmul.f32 $4.525483320e+01, v9;
	[tilespmem:s15+$0x70] =	vst v4  }
0x469: {  	[tilespmem:s15+$0x10] =	vst v5;
	v3 =	vmul.f32 $4.525483320e+01, v3;
	v4 =	vld [tilespmem:s24+$0xF0]  }
0x46a: {  	[tilespmem:s15+$0x20] =	vst v9;
	v8 =	vmul.f32 $4.525483320e+01, v8;
	v5 =	vld [tilespmem:s24+$0x90]  }
0x46b: {  	v9 =	vld [tilespmem:s24+$0xA0];
	[tilespmem:s15+$0x30] =	vst v3;
	v2 =	vmul.f32 $4.525483320e+01, v2  }
0x46c: {  	[tilespmem:s15+$0x40] =	vst v8;
	v3 =	vld [tilespmem:s24+$0xB0];
	v6 =	vmul.f32 $4.525483320e+01, v6  }
0x46d: {  	v7 =	vmul.f32 $4.525483320e+01, v7;
	v8 =	vld [tilespmem:s24+$0xC0];
	[tilespmem:s15+$0x50] =	vst v2  }
0x46e: {  	v2 =	vld [tilespmem:s24+$0xD0];
	[tilespmem:s15+$0x60] =	vst v6;
	v4 =	vmul.f32 $4.525483320e+01, v4  }
0x46f: {  	[tilespmem:s15+$0x0] =	vst v7;
	v5 =	vmul.f32 $4.525483320e+01, v5;
	v6 =	vld [tilespmem:s24+$0xE0]  }
0x470: {  	v7 =	vld [tilespmem:s24+$0x80];
	v9 =	vmul.f32 $4.525483320e+01, v9;
	[tilespmem:s15+$0xF0] =	vst v4  }
0x471: {  	[tilespmem:s15+$0x90] =	vst v5;
	v3 =	vmul.f32 $4.525483320e+01, v3;
	v4 =	vld [tilespmem:s24+$0x170]  }
0x472: {  	[tilespmem:s15+$0xA0] =	vst v9;
	v8 =	vmul.f32 $4.525483320e+01, v8;
	v5 =	vld [tilespmem:s24+$0x110]  }
0x473: {  	v9 =	vld [tilespmem:s24+$0x120];
	[tilespmem:s15+$0xB0] =	vst v3;
	v2 =	vmul.f32 $4.525483320e+01, v2  }
0x474: {  	[tilespmem:s15+$0xC0] =	vst v8;
	v3 =	vld [tilespmem:s24+$0x130];
	v6 =	vmul.f32 $4.525483320e+01, v6  }
0x475: {  	v7 =	vmul.f32 $4.525483320e+01, v7;
	v8 =	vld [tilespmem:s24+$0x140];
	[tilespmem:s15+$0xD0] =	vst v2  }
0x476: {  	v2 =	vld [tilespmem:s24+$0x150];
	[tilespmem:s15+$0xE0] =	vst v6;
	v4 =	vmul.f32 $4.525483320e+01, v4  }
0x477: {  	[tilespmem:s15+$0x80] =	vst v7;
	v5 =	vmul.f32 $4.525483320e+01, v5;
	v6 =	vld [tilespmem:s24+$0x160]  }
0x478: {  	v7 =	vld [tilespmem:s24+$0x100];
	v9 =	vmul.f32 $4.525483320e+01, v9;
	[tilespmem:s15+$0x170] =	vst v4  }
0x479: {  	[tilespmem:s15+$0x110] =	vst v5;
	v3 =	vmul.f32 $4.525483320e+01, v3;
	v5 =	vld [tilespmem:s24+$0x1F0]  }
0x47a: {  	[tilespmem:s15+$0x120] =	vst v9;
	v4 =	vmul.f32 $4.525483320e+01, v8;
	v10 =	vld [tilespmem:s24+$0x190]  }
0x47b: {  	v9 =	vld [tilespmem:s24+$0x1A0];
	[tilespmem:s15+$0x130] =	vst v3;
	v3 =	vmul.f32 $4.525483320e+01, v2  }
0x47c: {  	[tilespmem:s15+$0x140] =	vst v4;
	v2 =	vld [tilespmem:s24+$0x1B0];
	v6 =	vmul.f32 $4.525483320e+01, v6  }
0x47d: {  	v7 =	vmul.f32 $4.525483320e+01, v7;
	v4 =	vld [tilespmem:s24+$0x1C0];
	[tilespmem:s15+$0x150] =	vst v3  }
0x47e: {  	v3 =	vld [tilespmem:s24+$0x1D0];
	[tilespmem:s15+$0x160] =	vst v6;
	v11 =	vmul.f32 $4.525483320e+01, v5  }
0x47f: {  	[tilespmem:s15+$0x100] =	vst v7;
	v5 =	vld [tilespmem:s24+$0x1E0];
	v8 =	vmul.f32 $4.525483320e+01, v10  }
0x480: {  	s21 =	simm.s32 $0x0;
	v6 =	vld [tilespmem:s24+$0x180];
	v7 =	vmul.f32 $4.525483320e+01, v9;
	s24 =	simm.s32 $0x2600;
	[tilespmem:s15+$0x1F0] =	vst v11  }
.LBB2_16:
0x481: {  	v9 =	vld [tilespmem:s24+$0xFFFFFE70];
	s21 =	sadd.s32 $0x8, s21;
	[tilespmem:s15+$0x190] =	vst v8;
	v2 =	vmul.f32 $4.525483320e+01, v2  }
0x482: {  	v8 =	vld [tilespmem:s24+$0xFFFFFE10];
	p0 =	slt.u32 s21, $0x78;
	[tilespmem:s15+$0x1A0] =	vst v7;
	v4 =	vmul.f32 $4.525483320e+01, v4  }
0x483: {  	v7 =	vld [tilespmem:s24+$0xFFFFFE20];
	[tilespmem:s15+$0x1B0] =	vst v2;
	v2 =	vmul.f32 $4.525483320e+01, v3  }
0x484: {  	v3 =	vld [tilespmem:s24+$0xFFFFFE30];
	[tilespmem:s15+$0x1C0] =	vst v4;
	v4 =	vmul.f32 $4.525483320e+01, v5  }
0x485: {  	v5 =	vld [tilespmem:s24+$0xFFFFFE40];
	v6 =	vmul.f32 $4.525483320e+01, v6;
	[tilespmem:s15+$0x1D0] =	vst v2  }
0x486: {  	v2 =	vld [tilespmem:s24+$0xFFFFFE50];
	v9 =	vmul.f32 $4.525483320e+01, v9;
	[tilespmem:s15+$0x1E0] =	vst v4  }
0x487: {  	v4 =	vmul.f32 $4.525483320e+01, v8;
	v8 =	vld [tilespmem:s24+$0xFFFFFE60];
	[tilespmem:s15+$0x180] =	vst v6;
	s15 =	sadd.s32 $0x400, s15  }
0x488: {  	v6 =	vld [tilespmem:s24+$0xFFFFFE00];
	v7 =	vmul.f32 $4.525483320e+01, v7;
	[tilespmem:s15+$0xFFFFFE70] =	vst v9  }
0x489: {  	[tilespmem:s15+$0xFFFFFE10] =	vst v4;
	v3 =	vmul.f32 $4.525483320e+01, v3;
	v4 =	vld [tilespmem:s24+$0xFFFFFEF0]  }
0x48a: {  	v9 =	vld [tilespmem:s24+$0xFFFFFE90];
	[tilespmem:s15+$0xFFFFFE20] =	vst v7;
	v5 =	vmul.f32 $4.525483320e+01, v5  }
0x48b: {  	v7 =	vld [tilespmem:s24+$0xFFFFFEA0];
	[tilespmem:s15+$0xFFFFFE30] =	vst v3;
	v2 =	vmul.f32 $4.525483320e+01, v2  }
0x48c: {  	v3 =	vld [tilespmem:s24+$0xFFFFFEB0];
	[tilespmem:s15+$0xFFFFFE40] =	vst v5;
	v5 =	vmul.f32 $4.525483320e+01, v8  }
0x48d: {  	v6 =	vmul.f32 $4.525483320e+01, v6;
	v8 =	vld [tilespmem:s24+$0xFFFFFEC0];
	[tilespmem:s15+$0xFFFFFE50] =	vst v2  }
0x48e: {  	v2 =	vld [tilespmem:s24+$0xFFFFFED0];
	[tilespmem:s15+$0xFFFFFE60] =	vst v5;
	v4 =	vmul.f32 $4.525483320e+01, v4  }
0x48f: {  	[tilespmem:s15+$0xFFFFFE00] =	vst v6;
	v5 =	vmul.f32 $4.525483320e+01, v9;
	v6 =	vld [tilespmem:s24+$0xFFFFFEE0]  }
0x490: {  	v9 =	vld [tilespmem:s24+$0xFFFFFE80];
	v7 =	vmul.f32 $4.525483320e+01, v7;
	[tilespmem:s15+$0xFFFFFEF0] =	vst v4  }
0x491: {  	[tilespmem:s15+$0xFFFFFE90] =	vst v5;
	v3 =	vmul.f32 $4.525483320e+01, v3;
	v4 =	vld [tilespmem:s24+$0xFFFFFF70]  }
0x492: {  	v5 =	vld [tilespmem:s24+$0xFFFFFF10];
	[tilespmem:s15+$0xFFFFFEA0] =	vst v7;
	v7 =	vmul.f32 $4.525483320e+01, v8  }
0x493: {  	v8 =	vld [tilespmem:s24+$0xFFFFFF20];
	[tilespmem:s15+$0xFFFFFEB0] =	vst v3;
	v2 =	vmul.f32 $4.525483320e+01, v2  }
0x494: {  	v3 =	vld [tilespmem:s24+$0xFFFFFF30];
	[tilespmem:s15+$0xFFFFFEC0] =	vst v7;
	v6 =	vmul.f32 $4.525483320e+01, v6  }
0x495: {  	v7 =	vmul.f32 $4.525483320e+01, v9;
	v9 =	vld [tilespmem:s24+$0xFFFFFF40];
	[tilespmem:s15+$0xFFFFFED0] =	vst v2  }
0x496: {  	v2 =	vld [tilespmem:s24+$0xFFFFFF50];
	[tilespmem:s15+$0xFFFFFEE0] =	vst v6;
	v4 =	vmul.f32 $4.525483320e+01, v4  }
0x497: {  	[tilespmem:s15+$0xFFFFFE80] =	vst v7;
	v5 =	vmul.f32 $4.525483320e+01, v5;
	v6 =	vld [tilespmem:s24+$0xFFFFFF60]  }
0x498: {  	v7 =	vld [tilespmem:s24+$0xFFFFFF00];
	v8 =	vmul.f32 $4.525483320e+01, v8;
	[tilespmem:s15+$0xFFFFFF70] =	vst v4  }
0x499: {  	[tilespmem:s15+$0xFFFFFF10] =	vst v5;
	v3 =	vmul.f32 $4.525483320e+01, v3;
	v4 =	vld [tilespmem:s24+$0xFFFFFFF0]  }
0x49a: {  	v5 =	vld [tilespmem:s24+$0xFFFFFF90];
	[tilespmem:s15+$0xFFFFFF20] =	vst v8;
	v8 =	vmul.f32 $4.525483320e+01, v9  }
0x49b: {  	v9 =	vld [tilespmem:s24+$0xFFFFFFA0];
	[tilespmem:s15+$0xFFFFFF30] =	vst v3;
	v2 =	vmul.f32 $4.525483320e+01, v2  }
0x49c: {  	v3 =	vld [tilespmem:s24+$0xFFFFFFB0];
	[tilespmem:s15+$0xFFFFFF40] =	vst v8;
	v6 =	vmul.f32 $4.525483320e+01, v6  }
0x49d: {  	v7 =	vmul.f32 $4.525483320e+01, v7;
	v8 =	vld [tilespmem:s24+$0xFFFFFFC0];
	[tilespmem:s15+$0xFFFFFF50] =	vst v2  }
0x49e: {  	v2 =	vld [tilespmem:s24+$0xFFFFFFD0];
	[tilespmem:s15+$0xFFFFFF60] =	vst v6;
	v4 =	vmul.f32 $4.525483320e+01, v4  }
0x49f: {  	[tilespmem:s15+$0xFFFFFF00] =	vst v7;
	v5 =	vmul.f32 $4.525483320e+01, v5;
	v6 =	vld [tilespmem:s24+$0xFFFFFFE0]  }
0x4a0: {  	v7 =	vld [tilespmem:s24+$0xFFFFFF80];
	v9 =	vmul.f32 $4.525483320e+01, v9;
	[tilespmem:s15+$0xFFFFFFF0] =	vst v4  }
0x4a1: {  	[tilespmem:s15+$0xFFFFFF90] =	vst v5;
	v3 =	vmul.f32 $4.525483320e+01, v3;
	v4 =	vld [tilespmem:s24+$0x70]  }
0x4a2: {  	v5 =	vld [tilespmem:s24+$0x10];
	[tilespmem:s15+$0xFFFFFFA0] =	vst v9;
	v8 =	vmul.f32 $4.525483320e+01, v8  }
0x4a3: {  	v9 =	vld [tilespmem:s24+$0x20];
	[tilespmem:s15+$0xFFFFFFB0] =	vst v3;
	v2 =	vmul.f32 $4.525483320e+01, v2  }
0x4a4: {  	v3 =	vld [tilespmem:s24+$0x30];
	[tilespmem:s15+$0xFFFFFFC0] =	vst v8;
	v6 =	vmul.f32 $4.525483320e+01, v6  }
0x4a5: {  	v7 =	vmul.f32 $4.525483320e+01, v7;
	v8 =	vld [tilespmem:s24+$0x40];
	[tilespmem:s15+$0xFFFFFFD0] =	vst v2  }
0x4a6: {  	v2 =	vld [tilespmem:s24+$0x50];
	[tilespmem:s15+$0xFFFFFFE0] =	vst v6;
	v4 =	vmul.f32 $4.525483320e+01, v4  }
0x4a7: {  	[tilespmem:s15+$0xFFFFFF80] =	vst v7;
	v5 =	vmul.f32 $4.525483320e+01, v5;
	v6 =	vld [tilespmem:s24+$0x60]  }
0x4a8: {  	v7 =	vld [tilespmem:s24+$0x0];
	v9 =	vmul.f32 $4.525483320e+01, v9;
	[tilespmem:s15+$0x70] =	vst v4  }
0x4a9: {  	[tilespmem:s15+$0x10] =	vst v5;
	v3 =	vmul.f32 $4.525483320e+01, v3;
	v4 =	vld [tilespmem:s24+$0xF0]  }
0x4aa: {  	v5 =	vld [tilespmem:s24+$0x90];
	[tilespmem:s15+$0x20] =	vst v9;
	v8 =	vmul.f32 $4.525483320e+01, v8  }
0x4ab: {  	v9 =	vld [tilespmem:s24+$0xA0];
	[tilespmem:s15+$0x30] =	vst v3;
	v2 =	vmul.f32 $4.525483320e+01, v2  }
0x4ac: {  	v3 =	vld [tilespmem:s24+$0xB0];
	[tilespmem:s15+$0x40] =	vst v8;
	v6 =	vmul.f32 $4.525483320e+01, v6  }
0x4ad: {  	v7 =	vmul.f32 $4.525483320e+01, v7;
	v8 =	vld [tilespmem:s24+$0xC0];
	[tilespmem:s15+$0x50] =	vst v2  }
0x4ae: {  	v2 =	vld [tilespmem:s24+$0xD0];
	[tilespmem:s15+$0x60] =	vst v6;
	v4 =	vmul.f32 $4.525483320e+01, v4  }
0x4af: {  	[tilespmem:s15+$0x0] =	vst v7;
	v5 =	vmul.f32 $4.525483320e+01, v5;
	v6 =	vld [tilespmem:s24+$0xE0]  }
0x4b0: {  	v7 =	vld [tilespmem:s24+$0x80];
	v9 =	vmul.f32 $4.525483320e+01, v9;
	[tilespmem:s15+$0xF0] =	vst v4  }
0x4b1: {  	[tilespmem:s15+$0x90] =	vst v5;
	v3 =	vmul.f32 $4.525483320e+01, v3;
	v4 =	vld [tilespmem:s24+$0x170]  }
0x4b2: {  	v5 =	vld [tilespmem:s24+$0x110];
	[tilespmem:s15+$0xA0] =	vst v9;
	v8 =	vmul.f32 $4.525483320e+01, v8  }
0x4b3: {  	v9 =	vld [tilespmem:s24+$0x120];
	[tilespmem:s15+$0xB0] =	vst v3;
	v2 =	vmul.f32 $4.525483320e+01, v2  }
0x4b4: {  	v3 =	vld [tilespmem:s24+$0x130];
	[tilespmem:s15+$0xC0] =	vst v8;
	v6 =	vmul.f32 $4.525483320e+01, v6  }
0x4b5: {  	v7 =	vmul.f32 $4.525483320e+01, v7;
	v8 =	vld [tilespmem:s24+$0x140];
	[tilespmem:s15+$0xD0] =	vst v2  }
0x4b6: {  	v2 =	vld [tilespmem:s24+$0x150];
	[tilespmem:s15+$0xE0] =	vst v6;
	v4 =	vmul.f32 $4.525483320e+01, v4  }
0x4b7: {  	[tilespmem:s15+$0x80] =	vst v7;
	v5 =	vmul.f32 $4.525483320e+01, v5;
	v6 =	vld [tilespmem:s24+$0x160]  }
0x4b8: {  	v7 =	vld [tilespmem:s24+$0x100];
	v9 =	vmul.f32 $4.525483320e+01, v9;
	[tilespmem:s15+$0x170] =	vst v4  }
0x4b9: {  	[tilespmem:s15+$0x110] =	vst v5;
	v3 =	vmul.f32 $4.525483320e+01, v3;
	v5 =	vld [tilespmem:s24+$0x1F0]  }
0x4ba: {  	v10 =	vld [tilespmem:s24+$0x190];
	[tilespmem:s15+$0x120] =	vst v9;
	v4 =	vmul.f32 $4.525483320e+01, v8  }
0x4bb: {  	v9 =	vld [tilespmem:s24+$0x1A0];
	[tilespmem:s15+$0x130] =	vst v3;
	v3 =	vmul.f32 $4.525483320e+01, v2  }
.Ltmp7:
0x4bc: {  	v2 =	vld [tilespmem:s24+$0x1B0];
	[tilespmem:s15+$0x140] =	vst v4;
	v6 =	vmul.f32 $4.525483320e+01, v6;
	(pc) =	sbr.rel @p0 .LBB2_16-.Ltmp7, $4  }
0x4bd: {  	v7 =	vmul.f32 $4.525483320e+01, v7;
	v4 =	vld [tilespmem:s24+$0x1C0];
	[tilespmem:s15+$0x150] =	vst v3  }
0x4be: {  	v3 =	vld [tilespmem:s24+$0x1D0];
	[tilespmem:s15+$0x160] =	vst v6;
	v11 =	vmul.f32 $4.525483320e+01, v5  }
0x4bf: {  	[tilespmem:s15+$0x100] =	vst v7;
	v8 =	vmul.f32 $4.525483320e+01, v10;
	v5 =	vld [tilespmem:s24+$0x1E0]  }
0x4c0: {  	v6 =	vld [tilespmem:s24+$0x180];
	v7 =	vmul.f32 $4.525483320e+01, v9;
	[tilespmem:s15+$0x1F0] =	vst v11;
	s24 =	sadd.s32 $0x400, s24  }
0x4c1: {  	[tilespmem:s15+$0x190] =	vst v8;
	v2 =	vmul.f32 $4.525483320e+01, v2  }
0x4c2: {  	[tilespmem:s15+$0x1A0] =	vst v7;
	v4 =	vmul.f32 $4.525483320e+01, v4  }
0x4c3: {  	[tilespmem:s15+$0x1B0] =	vst v2;
	v2 =	vmul.f32 $4.525483320e+01, v3  }
0x4c4: {  	[tilespmem:s15+$0x1C0] =	vst v4;
	v3 =	vmul.f32 $4.525483320e+01, v5  }
0x4c5: {  	v4 =	vmul.f32 $4.525483320e+01, v6;
	[tilespmem:s15+$0x1D0] =	vst v2  }
0x4c6: {  	[tilespmem:s15+$0x1E0] =	vst v3  }
0x4c7: {  	[tilespmem:s15+$0x180] =	vst v4  }
0x4c8: {  	v2 =	vld.msk [tilespmem:$0x1F80], $0xff;
	_ =	sdelay $0x4  }
0x4c9: {  	v3 =	vshll.u32 v2, $0x4  }
0x4ca: {  	v2 =	vand.u32 $0x7, v2;
	v3 =	vand.u32 $0xFFFFFF80, v3  }
0x4cb: {  	v2 =	vor.u32 v2, v3  }
0x4cc: {  	v2 =	vperm.xlane v2, v0;
	_ =	sdelay $0x1  }
0x4cd: {  	v2 =	vadd.s32 v1, v2;
	_ =	sdelay $0x3  }
0x4ce: {  	s24 =	simm.s32 $0x0;
	s21 =	simm.s32 $0x2000  }
0x4cf: {  	[tilespmem:s21], [sflag:$0x1] =	stream.indirect_vreg.gather [hbm4b:s2+s24], $0x80, v2, vm0, $0xb8;
	[tilespmem:$0x1A000] =	vst v63  }
0x4d0: {  	s25 =	simm.s32 $0x2800  }
0x4d1: {  	[tilespmem:s25], [sflag:$0x1] =	stream.indirect_vreg.gather [hbm4b:s7+s24], $0x80, v2, vm0, $0xb8;
	[tilespmem:$0x1A000] =	vst v63  }
0x4d2: {  	s26 =	simm.s32 $0x3000  }
0x4d3: {  	[tilespmem:s26], [sflag:$0x1] =	stream.indirect_vreg.gather [hbm4b:s8+s24], $0x80, v2, vm0, $0xb8;
	[tilespmem:$0x1A000] =	vst v63  }
0x4d4: {  	s28 =	simm.s32 $0x3800  }
0x4d5: {  	[tilespmem:s28], [sflag:$0x1] =	stream.indirect_vreg.gather [hbm4b:s9+s24], $0x80, v2, vm0, $0xb8;
	[tilespmem:$0x1A000] =	vst v63  }
0x4d6: {  	_ = 	snop  }
0x4d7: {  	[tilespmem:s30], [sflag:$0x1] =	stream.indirect_vreg.gather [hbm4b:s10+s24], $0x80, v2, vm0, $0xb8;
	[tilespmem:$0x1A000] =	vst v63  }
0x4d8: {  	_ = 	snop  }
0x4d9: {  	[tilespmem:s31], [sflag:$0x1] =	stream.indirect_vreg.gather [hbm4b:s11+s24], $0x80, v2, vm0, $0xb8;
	[tilespmem:$0x1A000] =	vst v63  }
0x4da: {  	_ = 	snop  }
0x4db: {  	[tilespmem:s0], [sflag:$0x1] =	stream.indirect_vreg.gather [hbm4b:s12+s24], $0x80, v2, vm0, $0xb8;
	[tilespmem:$0x1A000] =	vst v63  }
0x4dc: {  	_ = 	snop  }
0x4dd: {  	[tilespmem:s1], [sflag:$0x1] =	stream.indirect_vreg.gather [hbm4b:s14+s24], $0x80, v2, vm0, $0xb8;
	[tilespmem:$0x1A000] =	vst v63  }
0x4de: {  	s29 =	rddreg [dreg:$0x8]  }
0x4df: {  	[hbm4b:s29+s24] =	stream.linear.scatter [tilespmem:s23], [sflag:$0x4], $0x4000, $0x38;
	[tilespmem:$0x1A000] =	vst v63  }
0x4e0: {  	_ =	swait.ge [sflag:s13], $0x4000  }
0x4e1: {  	[sflag:s13] =	ssyncset.done $0x0  }
0x4e2: {  	[sflag:s13] =	ssyncadd.s32 $0xFFFFC000  }
0x4e3: {  	_ =	swait.ge [sflag:s19], $0x4000  }
0x4e4: {  	[sflag:s19] =	ssyncset.done $0x0  }
0x4e5: {  	s15 =	simm.s32 $0x0;
	[sflag:s19] =	ssyncadd.s32 $0xFFFFC000  }
0x4e6: {  	v2 =	vld [tilespmem:s15+$0x6000]  }
0x4e7: {  	v3 =	vld [tilespmem:s15+$0x6080]  }
0x4e8: {  	v9 =	vld [tilespmem:s15+$0x63F0]  }
0x4e9: {  	v4 =	vld [tilespmem:s15+$0x6100]  }
0x4ea: {  	v5 =	vld [tilespmem:s15+$0x6180]  }
0x4eb: {  	v6 =	vld [tilespmem:s15+$0x6200]  }
0x4ec: {  	v13 =	vld [tilespmem:s15+$0x6190];
	v2 =	vmul.f32 $4.525483320e+01, v2  }
0x4ed: {  	v7 =	vld [tilespmem:s15+$0x6280];
	v9 =	vmul.f32 $4.525483320e+01, v9  }
0x4ee: {  	v10 =	vld [tilespmem:s15+$0x6010];
	v3 =	vmul.f32 $4.525483320e+01, v3;
	[tilespmem:s15+$0x12000] =	vst v2  }
0x4ef: {  	v8 =	vld [tilespmem:s15+$0x6300];
	v4 =	vmul.f32 $4.525483320e+01, v4;
	[tilespmem:s15+$0x123F0] =	vst v9  }
0x4f0: {  	v11 =	vld [tilespmem:s15+$0x6090];
	v5 =	vmul.f32 $4.525483320e+01, v5;
	[tilespmem:s15+$0x12080] =	vst v3  }
0x4f1: {  	v12 =	vld [tilespmem:s15+$0x6110];
	v62 =	vmul.f32 $4.525483320e+01, v13;
	[tilespmem:s15+$0x12100] =	vst v4  }
0x4f2: {  	v2 =	vld [tilespmem:s15+$0x6380];
	v4 =	vmul.f32 $4.525483320e+01, v6;
	[tilespmem:s15+$0x12180] =	vst v5  }
0x4f3: {  	v9 =	vmul.f32 $4.525483320e+01, v10;
	v10 =	vld [tilespmem:s15+$0x6290];
	[tilespmem:s15+$0x12190] =	vst v62  }
0x4f4: {  	v3 =	vld [tilespmem:s15+$0x6310];
	[tilespmem:s15+$0x12200] =	vst v4;
	v4 =	vmul.f32 $4.525483320e+01, v8  }
0x4f5: {  	v5 =	vmul.f32 $4.525483320e+01, v7;
	v7 =	vld [tilespmem:s15+$0x6020];
	[tilespmem:s15+$0x12010] =	vst v9  }
0x4f6: {  	v14 =	vld [tilespmem:s15+$0x6210];
	[tilespmem:s15+$0x12300] =	vst v4;
	v4 =	vmul.f32 $4.525483320e+01, v11  }
0x4f7: {  	[tilespmem:s15+$0x12280] =	vst v5;
	v5 =	vld [tilespmem:s15+$0x6120];
	v2 =	vmul.f32 $4.525483320e+01, v2  }
0x4f8: {  	v63 =	vld [tilespmem:s15+$0x63A0];
	v10 =	vmul.f32 $4.525483320e+01, v10;
	[tilespmem:s15+$0x12090] =	vst v4  }
0x4f9: {  	v8 =	vld [tilespmem:s15+$0x60A0];
	v3 =	vmul.f32 $4.525483320e+01, v3;
	[tilespmem:s15+$0x12380] =	vst v2  }
0x4fa: {  	v6 =	vld [tilespmem:s15+$0x6390];
	v4 =	vmul.f32 $4.525483320e+01, v7;
	[tilespmem:s15+$0x12290] =	vst v10  }
0x4fb: {  	v9 =	vld [tilespmem:s15+$0x61A0];
	v2 =	vmul.f32 $4.525483320e+01, v12;
	[tilespmem:s15+$0x12310] =	vst v3  }
0x4fc: {  	v11 =	vld [tilespmem:s15+$0x6220];
	v5 =	vmul.f32 $4.525483320e+01, v5;
	[tilespmem:s15+$0x12020] =	vst v4  }
0x4fd: {  	v4 =	vmul.f32 $4.525483320e+01, v14;
	[tilespmem:s15+$0x12110] =	vst v2;
	v2 =	vld [tilespmem:s15+$0x6320]  }
0x4fe: {  	v3 =	vmul.f32 $4.525483320e+01, v8;
	[tilespmem:s15+$0x12120] =	vst v5;
	v5 =	vld [tilespmem:s15+$0x62B0]  }
0x4ff: {  	v6 =	vmul.f32 $4.525483320e+01, v6;
	[tilespmem:s15+$0x12210] =	vst v4;
	v4 =	vld [tilespmem:s15+$0x6030]  }
0x500: {  	v10 =	vld [tilespmem:s15+$0x60B0];
	[tilespmem:s15+$0x120A0] =	vst v3;
	v3 =	vmul.f32 $4.525483320e+01, v9  }
0x501: {  	v7 =	vld [tilespmem:s15+$0x62A0];
	[tilespmem:s15+$0x12390] =	vst v6;
	v11 =	vmul.f32 $4.525483320e+01, v11  }
0x502: {  	v6 =	vld [tilespmem:s15+$0x61B0];
	[tilespmem:s15+$0x121A0] =	vst v3;
	v2 =	vmul.f32 $4.525483320e+01, v2  }
0x503: {  	v8 =	vld [tilespmem:s15+$0x6130];
	[tilespmem:s15+$0x12220] =	vst v11;
	v5 =	vmul.f32 $4.525483320e+01, v5  }
0x504: {  	v11 =	vld [tilespmem:s15+$0x6040];
	v4 =	vmul.f32 $4.525483320e+01, v4;
	[tilespmem:s15+$0x12320] =	vst v2  }
0x505: {  	v9 =	vld [tilespmem:s15+$0x6230];
	v2 =	vmul.f32 $4.525483320e+01, v10;
	[tilespmem:s15+$0x122B0] =	vst v5  }
0x506: {  	v3 =	vld [tilespmem:s15+$0x6330];
	[tilespmem:s15+$0x12030] =	vst v4;
	v4 =	vmul.f32 $4.525483320e+01, v7  }
0x507: {  	v7 =	vld [tilespmem:s15+$0x63B0];
	[tilespmem:s15+$0x120B0] =	vst v2;
	v2 =	vmul.f32 $4.525483320e+01, v6  }
0x508: {  	[tilespmem:s15+$0x122A0] =	vst v4;
	v4 =	vmul.f32 $4.525483320e+01, v63  }
0x509: {  	v10 =	vld [tilespmem:s15+$0x60C0];
	[tilespmem:s15+$0x121B0] =	vst v2;
	v2 =	vmul.f32 $4.525483320e+01, v11  }
0x50a: {  	[tilespmem:s15+$0x123A0] =	vst v4;
	v4 =	vmul.f32 $4.525483320e+01, v8;
	v8 =	vld [tilespmem:s15+$0x6140]  }
0x50b: {  	v6 =	vld [tilespmem:s15+$0x61C0];
	[tilespmem:s15+$0x12040] =	vst v2;
	v2 =	vmul.f32 $4.525483320e+01, v3  }
0x50c: {  	v3 =	vmul.f32 $4.525483320e+01, v7;
	[tilespmem:s15+$0x12130] =	vst v4;
	v4 =	vmul.f32 $4.525483320e+01, v9;
	v9 =	vld [tilespmem:s15+$0x6240]  }
0x50d: {  	v11 =	vld [tilespmem:s15+$0x62C0];
	[tilespmem:s15+$0x12330] =	vst v2  }
0x50e: {  	v7 =	vld [tilespmem:s15+$0x6050];
	v2 =	vmul.f32 $4.525483320e+01, v10;
	[tilespmem:s15+$0x123B0] =	vst v3  }
0x50f: {  	[tilespmem:s15+$0x12230] =	vst v4;
	v4 =	vld [tilespmem:s15+$0x6340];
	v3 =	vmul.f32 $4.525483320e+01, v8  }
0x510: {  	v5 =	vld [tilespmem:s15+$0x63C0];
	[tilespmem:s15+$0x120C0] =	vst v2;
	v2 =	vmul.f32 $4.525483320e+01, v6  }
0x511: {  	v8 =	vld [tilespmem:s15+$0x60D0];
	[tilespmem:s15+$0x12140] =	vst v3;
	v3 =	vmul.f32 $4.525483320e+01, v9  }
0x512: {  	v6 =	vld [tilespmem:s15+$0x6150];
	[tilespmem:s15+$0x121C0] =	vst v2;
	v2 =	vmul.f32 $4.525483320e+01, v11  }
0x513: {  	v9 =	vld [tilespmem:s15+$0x61D0];
	[tilespmem:s15+$0x12240] =	vst v3;
	v3 =	vmul.f32 $4.525483320e+01, v7  }
0x514: {  	v4 =	vmul.f32 $4.525483320e+01, v4;
	[tilespmem:s15+$0x122C0] =	vst v2;
	v2 =	vld [tilespmem:s15+$0x6350]  }
0x515: {  	v10 =	vld [tilespmem:s15+$0x6250];
	[tilespmem:s15+$0x12050] =	vst v3;
	v3 =	vmul.f32 $4.525483320e+01, v5  }
0x516: {  	v7 =	vld [tilespmem:s15+$0x62D0];
	[tilespmem:s15+$0x12340] =	vst v4;
	v4 =	vmul.f32 $4.525483320e+01, v8  }
0x517: {  	v5 =	vld [tilespmem:s15+$0x63D0];
	[tilespmem:s15+$0x123C0] =	vst v3;
	v3 =	vmul.f32 $4.525483320e+01, v6  }
0x518: {  	v6 =	vld [tilespmem:s15+$0x6060];
	[tilespmem:s15+$0x120D0] =	vst v4;
	v4 =	vmul.f32 $4.525483320e+01, v9  }
0x519: {  	v8 =	vld [tilespmem:s15+$0x60E0];
	v2 =	vmul.f32 $4.525483320e+01, v2;
	[tilespmem:s15+$0x12150] =	vst v3  }
0x51a: {  	v9 =	vld [tilespmem:s15+$0x6160];
	v3 =	vmul.f32 $4.525483320e+01, v10;
	[tilespmem:s15+$0x121D0] =	vst v4  }
0x51b: {  	v4 =	vmul.f32 $4.525483320e+01, v7;
	v7 =	vld [tilespmem:s15+$0x61E0];
	[tilespmem:s15+$0x12350] =	vst v2  }
0x51c: {  	v5 =	vmul.f32 $4.525483320e+01, v5;
	[tilespmem:s15+$0x12250] =	vst v3;
	v3 =	vld [tilespmem:s15+$0x6260]  }
0x51d: {  	[tilespmem:s15+$0x122D0] =	vst v4;
	v4 =	vmul.f32 $4.525483320e+01, v6;
	v6 =	vld [tilespmem:s15+$0x62E0]  }
0x51e: {  	v10 =	vld [tilespmem:s15+$0x6360];
	v2 =	vmul.f32 $4.525483320e+01, v8;
	[tilespmem:s15+$0x123D0] =	vst v5  }
0x51f: {  	v8 =	vld [tilespmem:s15+$0x63E0];
	[tilespmem:s15+$0x12060] =	vst v4;
	v4 =	vmul.f32 $4.525483320e+01, v9  }
0x520: {  	[tilespmem:s15+$0x120E0] =	vst v2;
	v2 =	vmul.f32 $4.525483320e+01, v7;
	v7 =	vld [tilespmem:s15+$0x6070]  }
0x521: {  	v5 =	vld [tilespmem:s15+$0x60F0];
	[tilespmem:s15+$0x12160] =	vst v4;
	v3 =	vmul.f32 $4.525483320e+01, v3  }
0x522: {  	[tilespmem:s15+$0x121E0] =	vst v2;
	v2 =	vld [tilespmem:s15+$0x6170];
	v4 =	vmul.f32 $4.525483320e+01, v6  }
0x523: {  	v6 =	vmul.f32 $4.525483320e+01, v10;
	[tilespmem:s15+$0x12260] =	vst v3;
	v3 =	vld [tilespmem:s15+$0x61F0]  }
0x524: {  	v8 =	vmul.f32 $4.525483320e+01, v8;
	[tilespmem:s15+$0x122E0] =	vst v4;
	v4 =	vld [tilespmem:s15+$0x6270]  }
0x525: {  	s21 =	simm.s32 $0x0;
	s24 =	simm.s32 $0x1000;
	[tilespmem:s15+$0x12360] =	vst v6;
	v7 =	vmul.f32 $4.525483320e+01, v7;
	v6 =	vld [tilespmem:s15+$0x62F0]  }
.LBB2_18:
0x526: {  	s25 =	sshra.s32 s24, $0x2;
	s21 =	sadd.s32 $0x8, s21;
	[tilespmem:s15+$0x123E0] =	vst v8;
	v5 =	vmul.f32 $4.525483320e+01, v5;
	v8 =	vld [tilespmem:s15+$0x6370]  }
0x527: {  	v9 =	vld [tilespmem:s25+$0x63F0];
	p0 =	slt.u32 s21, $0x78;
	[tilespmem:s15+$0x12070] =	vst v7;
	v2 =	vmul.f32 $4.525483320e+01, v2  }
0x528: {  	v7 =	vld [tilespmem:s25+$0x6000];
	[tilespmem:s15+$0x120F0] =	vst v5;
	v3 =	vmul.f32 $4.525483320e+01, v3  }
0x529: {  	v5 =	vld [tilespmem:s25+$0x6080];
	[tilespmem:s15+$0x12170] =	vst v2;
	v2 =	vmul.f32 $4.525483320e+01, v4  }
0x52a: {  	v4 =	vld [tilespmem:s25+$0x6100];
	[tilespmem:s15+$0x121F0] =	vst v3;
	v3 =	vmul.f32 $4.525483320e+01, v6  }
0x52b: {  	v6 =	vld [tilespmem:s25+$0x6180];
	[tilespmem:s15+$0x12270] =	vst v2;
	v2 =	vmul.f32 $4.525483320e+01, v8  }
0x52c: {  	v8 =	vld [tilespmem:s25+$0x6200];
	v9 =	vmul.f32 $4.525483320e+01, v9;
	[tilespmem:s15+$0x122F0] =	vst v3  }
0x52d: {  	v3 =	vmul.f32 $4.525483320e+01, v7;
	v7 =	vld [tilespmem:s25+$0x6280];
	[tilespmem:s15+$0x12370] =	vst v2;
	s15 =	smov.u32 s25  }
0x52e: {  	v2 =	vmul.f32 $4.525483320e+01, v5;
	v5 =	vld [tilespmem:s15+$0x6300];
	[tilespmem:s15+$0x123F0] =	vst v9  }
0x52f: {  	[tilespmem:s15+$0x12000] =	vst v3;
	v3 =	vmul.f32 $4.525483320e+01, v4;
	v4 =	vld [tilespmem:s15+$0x6380]  }
0x530: {  	[tilespmem:s15+$0x12080] =	vst v2;
	v2 =	vmul.f32 $4.525483320e+01, v6;
	v6 =	vld [tilespmem:s15+$0x6010]  }
0x531: {  	[tilespmem:s15+$0x12100] =	vst v3;
	v3 =	vmul.f32 $4.525483320e+01, v8;
	v8 =	vld [tilespmem:s15+$0x6090]  }
0x532: {  	[tilespmem:s15+$0x12180] =	vst v2;
	v2 =	vmul.f32 $4.525483320e+01, v7;
	v7 =	vld [tilespmem:s15+$0x6110]  }
0x533: {  	[tilespmem:s15+$0x12200] =	vst v3;
	v3 =	vmul.f32 $4.525483320e+01, v5;
	v5 =	vld [tilespmem:s15+$0x6190]  }
0x534: {  	[tilespmem:s15+$0x12280] =	vst v2;
	v2 =	vmul.f32 $4.525483320e+01, v4;
	v4 =	vld [tilespmem:s15+$0x6210]  }
0x535: {  	[tilespmem:s15+$0x12300] =	vst v3;
	v3 =	vmul.f32 $4.525483320e+01, v6;
	v6 =	vld [tilespmem:s15+$0x6290]  }
0x536: {  	[tilespmem:s15+$0x12380] =	vst v2;
	v2 =	vmul.f32 $4.525483320e+01, v8;
	v8 =	vld [tilespmem:s15+$0x6310]  }
0x537: {  	[tilespmem:s15+$0x12010] =	vst v3;
	v3 =	vmul.f32 $4.525483320e+01, v7;
	v7 =	vld [tilespmem:s15+$0x6390]  }
0x538: {  	[tilespmem:s15+$0x12090] =	vst v2;
	v2 =	vmul.f32 $4.525483320e+01, v5;
	v5 =	vld [tilespmem:s15+$0x6020]  }
0x539: {  	[tilespmem:s15+$0x12110] =	vst v3;
	v3 =	vmul.f32 $4.525483320e+01, v4;
	v4 =	vld [tilespmem:s15+$0x60A0]  }
0x53a: {  	[tilespmem:s15+$0x12190] =	vst v2;
	v2 =	vmul.f32 $4.525483320e+01, v6;
	v6 =	vld [tilespmem:s15+$0x6120]  }
0x53b: {  	[tilespmem:s15+$0x12210] =	vst v3;
	v3 =	vmul.f32 $4.525483320e+01, v8;
	v8 =	vld [tilespmem:s15+$0x61A0]  }
0x53c: {  	[tilespmem:s15+$0x12290] =	vst v2;
	v2 =	vmul.f32 $4.525483320e+01, v7;
	v7 =	vld [tilespmem:s15+$0x6220]  }
0x53d: {  	[tilespmem:s15+$0x12310] =	vst v3;
	v3 =	vmul.f32 $4.525483320e+01, v5;
	v5 =	vld [tilespmem:s15+$0x62A0]  }
0x53e: {  	[tilespmem:s15+$0x12390] =	vst v2;
	v2 =	vmul.f32 $4.525483320e+01, v4;
	v4 =	vld [tilespmem:s15+$0x6320]  }
0x53f: {  	[tilespmem:s15+$0x12020] =	vst v3;
	v3 =	vmul.f32 $4.525483320e+01, v6;
	v6 =	vld [tilespmem:s15+$0x63A0]  }
0x540: {  	[tilespmem:s15+$0x120A0] =	vst v2;
	v2 =	vmul.f32 $4.525483320e+01, v8;
	v8 =	vld [tilespmem:s15+$0x6030]  }
0x541: {  	[tilespmem:s15+$0x12120] =	vst v3;
	v3 =	vmul.f32 $4.525483320e+01, v7;
	v7 =	vld [tilespmem:s15+$0x60B0]  }
0x542: {  	[tilespmem:s15+$0x121A0] =	vst v2;
	v2 =	vmul.f32 $4.525483320e+01, v5;
	v5 =	vld [tilespmem:s15+$0x6130]  }
0x543: {  	[tilespmem:s15+$0x12220] =	vst v3;
	v3 =	vmul.f32 $4.525483320e+01, v4;
	v4 =	vld [tilespmem:s15+$0x61B0]  }
0x544: {  	[tilespmem:s15+$0x122A0] =	vst v2;
	v2 =	vmul.f32 $4.525483320e+01, v6;
	v6 =	vld [tilespmem:s15+$0x6230]  }
0x545: {  	[tilespmem:s15+$0x12320] =	vst v3;
	v3 =	vmul.f32 $4.525483320e+01, v8;
	v8 =	vld [tilespmem:s15+$0x62B0]  }
0x546: {  	[tilespmem:s15+$0x123A0] =	vst v2;
	v2 =	vmul.f32 $4.525483320e+01, v7;
	v7 =	vld [tilespmem:s15+$0x6330]  }
0x547: {  	[tilespmem:s15+$0x12030] =	vst v3;
	v3 =	vmul.f32 $4.525483320e+01, v5;
	v5 =	vld [tilespmem:s15+$0x63B0]  }
0x548: {  	[tilespmem:s15+$0x120B0] =	vst v2;
	v2 =	vmul.f32 $4.525483320e+01, v4;
	v4 =	vld [tilespmem:s15+$0x6040]  }
0x549: {  	[tilespmem:s15+$0x12130] =	vst v3;
	v3 =	vmul.f32 $4.525483320e+01, v6;
	v6 =	vld [tilespmem:s15+$0x60C0]  }
0x54a: {  	[tilespmem:s15+$0x121B0] =	vst v2;
	v2 =	vmul.f32 $4.525483320e+01, v8;
	v8 =	vld [tilespmem:s15+$0x6140]  }
0x54b: {  	[tilespmem:s15+$0x12230] =	vst v3;
	v3 =	vmul.f32 $4.525483320e+01, v7;
	v7 =	vld [tilespmem:s15+$0x61C0]  }
0x54c: {  	[tilespmem:s15+$0x122B0] =	vst v2;
	v2 =	vmul.f32 $4.525483320e+01, v5;
	v5 =	vld [tilespmem:s15+$0x6240]  }
0x54d: {  	[tilespmem:s15+$0x12330] =	vst v3;
	v3 =	vmul.f32 $4.525483320e+01, v4;
	v4 =	vld [tilespmem:s15+$0x62C0]  }
0x54e: {  	[tilespmem:s15+$0x123B0] =	vst v2;
	v2 =	vmul.f32 $4.525483320e+01, v6;
	v6 =	vld [tilespmem:s15+$0x6340]  }
0x54f: {  	[tilespmem:s15+$0x12040] =	vst v3;
	v3 =	vmul.f32 $4.525483320e+01, v8;
	v8 =	vld [tilespmem:s15+$0x63C0]  }
0x550: {  	[tilespmem:s15+$0x120C0] =	vst v2;
	v2 =	vmul.f32 $4.525483320e+01, v7;
	v7 =	vld [tilespmem:s15+$0x6050]  }
0x551: {  	[tilespmem:s15+$0x12140] =	vst v3;
	v3 =	vmul.f32 $4.525483320e+01, v5;
	v5 =	vld [tilespmem:s15+$0x60D0]  }
0x552: {  	[tilespmem:s15+$0x121C0] =	vst v2;
	v2 =	vmul.f32 $4.525483320e+01, v4;
	v4 =	vld [tilespmem:s15+$0x6150]  }
0x553: {  	[tilespmem:s15+$0x12240] =	vst v3;
	v3 =	vmul.f32 $4.525483320e+01, v6;
	v6 =	vld [tilespmem:s15+$0x61D0]  }
0x554: {  	[tilespmem:s15+$0x122C0] =	vst v2;
	v2 =	vmul.f32 $4.525483320e+01, v8;
	v8 =	vld [tilespmem:s15+$0x6250]  }
0x555: {  	[tilespmem:s15+$0x12340] =	vst v3;
	v3 =	vmul.f32 $4.525483320e+01, v7;
	v7 =	vld [tilespmem:s15+$0x62D0]  }
0x556: {  	[tilespmem:s15+$0x123C0] =	vst v2;
	v2 =	vmul.f32 $4.525483320e+01, v5;
	v5 =	vld [tilespmem:s15+$0x6350]  }
0x557: {  	[tilespmem:s15+$0x12050] =	vst v3;
	v3 =	vmul.f32 $4.525483320e+01, v4;
	v4 =	vld [tilespmem:s15+$0x63D0]  }
0x558: {  	[tilespmem:s15+$0x120D0] =	vst v2;
	v2 =	vmul.f32 $4.525483320e+01, v6;
	v6 =	vld [tilespmem:s15+$0x6060]  }
0x559: {  	[tilespmem:s15+$0x12150] =	vst v3;
	v3 =	vmul.f32 $4.525483320e+01, v8;
	v8 =	vld [tilespmem:s15+$0x60E0]  }
0x55a: {  	[tilespmem:s15+$0x121D0] =	vst v2;
	v2 =	vmul.f32 $4.525483320e+01, v7;
	v7 =	vld [tilespmem:s15+$0x6160]  }
0x55b: {  	[tilespmem:s15+$0x12250] =	vst v3;
	v3 =	vmul.f32 $4.525483320e+01, v5;
	v5 =	vld [tilespmem:s15+$0x61E0]  }
0x55c: {  	[tilespmem:s15+$0x122D0] =	vst v2;
	v2 =	vmul.f32 $4.525483320e+01, v4;
	v4 =	vld [tilespmem:s15+$0x6260]  }
0x55d: {  	[tilespmem:s15+$0x12350] =	vst v3;
	v3 =	vmul.f32 $4.525483320e+01, v6;
	v6 =	vld [tilespmem:s15+$0x62E0]  }
0x55e: {  	[tilespmem:s15+$0x123D0] =	vst v2;
	v2 =	vmul.f32 $4.525483320e+01, v8;
	v8 =	vld [tilespmem:s15+$0x6360]  }
0x55f: {  	[tilespmem:s15+$0x12060] =	vst v3;
	v3 =	vmul.f32 $4.525483320e+01, v7;
	v7 =	vld [tilespmem:s15+$0x63E0]  }
0x560: {  	[tilespmem:s15+$0x120E0] =	vst v2;
	v2 =	vmul.f32 $4.525483320e+01, v5;
	v9 =	vld [tilespmem:s15+$0x6070]  }
.Ltmp8:
0x561: {  	[tilespmem:s15+$0x12160] =	vst v3;
	v3 =	vmul.f32 $4.525483320e+01, v4;
	v5 =	vld [tilespmem:s15+$0x60F0];
	(pc) =	sbr.rel @p0 .LBB2_18-.Ltmp8, $4  }
0x562: {  	[tilespmem:s15+$0x121E0] =	vst v2;
	v4 =	vmul.f32 $4.525483320e+01, v6;
	v2 =	vld [tilespmem:s15+$0x6170]  }
0x563: {  	[tilespmem:s15+$0x12260] =	vst v3;
	v6 =	vmul.f32 $4.525483320e+01, v8;
	v3 =	vld [tilespmem:s15+$0x61F0]  }
0x564: {  	[tilespmem:s15+$0x122E0] =	vst v4;
	v8 =	vmul.f32 $4.525483320e+01, v7;
	v4 =	vld [tilespmem:s15+$0x6270]  }
0x565: {  	s24 =	sadd.s32 $0x1000, s24;
	[tilespmem:s15+$0x12360] =	vst v6;
	v7 =	vmul.f32 $4.525483320e+01, v9;
	v6 =	vld [tilespmem:s15+$0x62F0]  }
0x566: {  	[tilespmem:s15+$0x123E0] =	vst v8;
	v5 =	vmul.f32 $4.525483320e+01, v5;
	v8 =	vld [tilespmem:s15+$0x6370]  }
0x567: {  	[tilespmem:s15+$0x12070] =	vst v7;
	v2 =	vmul.f32 $4.525483320e+01, v2  }
0x568: {  	[tilespmem:s15+$0x120F0] =	vst v5;
	v3 =	vmul.f32 $4.525483320e+01, v3  }
0x569: {  	[tilespmem:s15+$0x12170] =	vst v2;
	v2 =	vmul.f32 $4.525483320e+01, v4  }
0x56a: {  	[tilespmem:s15+$0x121F0] =	vst v3;
	v3 =	vmul.f32 $4.525483320e+01, v6  }
0x56b: {  	[tilespmem:s15+$0x12270] =	vst v2;
	v2 =	vmul.f32 $4.525483320e+01, v8  }
0x56c: {  	[tilespmem:s15+$0x122F0] =	vst v3  }
0x56d: {  	[tilespmem:s15+$0x12370] =	vst v2  }
0x56e: {  	s29 =	simm.s32 $0x0;
	s24 =	simm.s32 $0x12000;
	s21 =	rddreg [dreg:$0x9]  }
0x56f: {  	[hbm4b:s21+s29] =	stream.linear.scatter [tilespmem:s24], [sflag:$0x5], $0x4000, $0x38;
	[tilespmem:$0x1A000] =	vst v63  }
0x570: {  	_ =	swait.ge [sflag:s6], $0x4000  }
0x571: {  	[sflag:s6] =	ssyncset.done $0x0  }
0x572: {  	[sflag:s6] =	ssyncadd.s32 $0xFFFFC000  }
0x573: {  	_ =	swait.ge [sflag:s20], $0x4000  }
0x574: {  	[sflag:s20] =	ssyncset.done $0x0  }
0x575: {  	s15 =	simm.s32 $0x0;
	[sflag:s20] =	ssyncadd.s32 $0xFFFFC000  }
0x576: {  	v2 =	vld [tilespmem:s15+$0xA000]  }
0x577: {  	v3 =	vld [tilespmem:s15+$0xA080]  }
0x578: {  	v9 =	vld [tilespmem:s15+$0xA3F0]  }
0x579: {  	v4 =	vld [tilespmem:s15+$0xA100]  }
0x57a: {  	v5 =	vld [tilespmem:s15+$0xA180]  }
0x57b: {  	v6 =	vld [tilespmem:s15+$0xA200]  }
0x57c: {  	v13 =	vld [tilespmem:s15+$0xA190];
	v2 =	vmul.f32 $4.525483320e+01, v2  }
0x57d: {  	v7 =	vld [tilespmem:s15+$0xA280];
	v9 =	vmul.f32 $4.525483320e+01, v9  }
0x57e: {  	v10 =	vld [tilespmem:s15+$0xA010];
	v3 =	vmul.f32 $4.525483320e+01, v3;
	[tilespmem:s15+$0x16000] =	vst v2  }
0x57f: {  	v8 =	vld [tilespmem:s15+$0xA300];
	v4 =	vmul.f32 $4.525483320e+01, v4;
	[tilespmem:s15+$0x163F0] =	vst v9  }
0x580: {  	v11 =	vld [tilespmem:s15+$0xA090];
	v5 =	vmul.f32 $4.525483320e+01, v5;
	[tilespmem:s15+$0x16080] =	vst v3  }
0x581: {  	v12 =	vld [tilespmem:s15+$0xA110];
	v62 =	vmul.f32 $4.525483320e+01, v13;
	[tilespmem:s15+$0x16100] =	vst v4  }
0x582: {  	v2 =	vld [tilespmem:s15+$0xA380];
	v4 =	vmul.f32 $4.525483320e+01, v6;
	[tilespmem:s15+$0x16180] =	vst v5  }
0x583: {  	v9 =	vmul.f32 $4.525483320e+01, v10;
	v10 =	vld [tilespmem:s15+$0xA290];
	[tilespmem:s15+$0x16190] =	vst v62  }
0x584: {  	v3 =	vld [tilespmem:s15+$0xA310];
	[tilespmem:s15+$0x16200] =	vst v4;
	v4 =	vmul.f32 $4.525483320e+01, v8  }
0x585: {  	v5 =	vmul.f32 $4.525483320e+01, v7;
	v7 =	vld [tilespmem:s15+$0xA020];
	[tilespmem:s15+$0x16010] =	vst v9  }
0x586: {  	v14 =	vld [tilespmem:s15+$0xA210];
	[tilespmem:s15+$0x16300] =	vst v4;
	v4 =	vmul.f32 $4.525483320e+01, v11  }
0x587: {  	[tilespmem:s15+$0x16280] =	vst v5;
	v5 =	vld [tilespmem:s15+$0xA120];
	v2 =	vmul.f32 $4.525483320e+01, v2  }
0x588: {  	v63 =	vld [tilespmem:s15+$0xA3A0];
	v10 =	vmul.f32 $4.525483320e+01, v10;
	[tilespmem:s15+$0x16090] =	vst v4  }
0x589: {  	v8 =	vld [tilespmem:s15+$0xA0A0];
	v3 =	vmul.f32 $4.525483320e+01, v3;
	[tilespmem:s15+$0x16380] =	vst v2  }
0x58a: {  	v6 =	vld [tilespmem:s15+$0xA390];
	v4 =	vmul.f32 $4.525483320e+01, v7;
	[tilespmem:s15+$0x16290] =	vst v10  }
0x58b: {  	v9 =	vld [tilespmem:s15+$0xA1A0];
	v2 =	vmul.f32 $4.525483320e+01, v12;
	[tilespmem:s15+$0x16310] =	vst v3  }
0x58c: {  	v11 =	vld [tilespmem:s15+$0xA220];
	v5 =	vmul.f32 $4.525483320e+01, v5;
	[tilespmem:s15+$0x16020] =	vst v4  }
0x58d: {  	v4 =	vmul.f32 $4.525483320e+01, v14;
	[tilespmem:s15+$0x16110] =	vst v2;
	v2 =	vld [tilespmem:s15+$0xA320]  }
0x58e: {  	v3 =	vmul.f32 $4.525483320e+01, v8;
	[tilespmem:s15+$0x16120] =	vst v5;
	v5 =	vld [tilespmem:s15+$0xA2B0]  }
0x58f: {  	v6 =	vmul.f32 $4.525483320e+01, v6;
	[tilespmem:s15+$0x16210] =	vst v4;
	v4 =	vld [tilespmem:s15+$0xA030]  }
0x590: {  	v10 =	vld [tilespmem:s15+$0xA0B0];
	[tilespmem:s15+$0x160A0] =	vst v3;
	v3 =	vmul.f32 $4.525483320e+01, v9  }
0x591: {  	v7 =	vld [tilespmem:s15+$0xA2A0];
	[tilespmem:s15+$0x16390] =	vst v6;
	v11 =	vmul.f32 $4.525483320e+01, v11  }
0x592: {  	v6 =	vld [tilespmem:s15+$0xA1B0];
	[tilespmem:s15+$0x161A0] =	vst v3;
	v2 =	vmul.f32 $4.525483320e+01, v2  }
0x593: {  	v8 =	vld [tilespmem:s15+$0xA130];
	[tilespmem:s15+$0x16220] =	vst v11;
	v5 =	vmul.f32 $4.525483320e+01, v5  }
0x594: {  	v11 =	vld [tilespmem:s15+$0xA040];
	v4 =	vmul.f32 $4.525483320e+01, v4;
	[tilespmem:s15+$0x16320] =	vst v2  }
0x595: {  	v9 =	vld [tilespmem:s15+$0xA230];
	v2 =	vmul.f32 $4.525483320e+01, v10;
	[tilespmem:s15+$0x162B0] =	vst v5  }
0x596: {  	v3 =	vld [tilespmem:s15+$0xA330];
	[tilespmem:s15+$0x16030] =	vst v4;
	v4 =	vmul.f32 $4.525483320e+01, v7  }
0x597: {  	v7 =	vld [tilespmem:s15+$0xA3B0];
	[tilespmem:s15+$0x160B0] =	vst v2;
	v2 =	vmul.f32 $4.525483320e+01, v6  }
0x598: {  	[tilespmem:s15+$0x162A0] =	vst v4;
	v4 =	vmul.f32 $4.525483320e+01, v63  }
0x599: {  	v10 =	vld [tilespmem:s15+$0xA0C0];
	[tilespmem:s15+$0x161B0] =	vst v2;
	v2 =	vmul.f32 $4.525483320e+01, v11  }
0x59a: {  	[tilespmem:s15+$0x163A0] =	vst v4;
	v4 =	vmul.f32 $4.525483320e+01, v8;
	v8 =	vld [tilespmem:s15+$0xA140]  }
0x59b: {  	v6 =	vld [tilespmem:s15+$0xA1C0];
	[tilespmem:s15+$0x16040] =	vst v2;
	v2 =	vmul.f32 $4.525483320e+01, v3  }
0x59c: {  	v3 =	vmul.f32 $4.525483320e+01, v7;
	[tilespmem:s15+$0x16130] =	vst v4;
	v4 =	vmul.f32 $4.525483320e+01, v9;
	v9 =	vld [tilespmem:s15+$0xA240]  }
0x59d: {  	v11 =	vld [tilespmem:s15+$0xA2C0];
	[tilespmem:s15+$0x16330] =	vst v2  }
0x59e: {  	v7 =	vld [tilespmem:s15+$0xA050];
	v2 =	vmul.f32 $4.525483320e+01, v10;
	[tilespmem:s15+$0x163B0] =	vst v3  }
0x59f: {  	[tilespmem:s15+$0x16230] =	vst v4;
	v4 =	vld [tilespmem:s15+$0xA340];
	v3 =	vmul.f32 $4.525483320e+01, v8  }
0x5a0: {  	v5 =	vld [tilespmem:s15+$0xA3C0];
	[tilespmem:s15+$0x160C0] =	vst v2;
	v2 =	vmul.f32 $4.525483320e+01, v6  }
0x5a1: {  	v8 =	vld [tilespmem:s15+$0xA0D0];
	[tilespmem:s15+$0x16140] =	vst v3;
	v3 =	vmul.f32 $4.525483320e+01, v9  }
0x5a2: {  	v6 =	vld [tilespmem:s15+$0xA150];
	[tilespmem:s15+$0x161C0] =	vst v2;
	v2 =	vmul.f32 $4.525483320e+01, v11  }
0x5a3: {  	v9 =	vld [tilespmem:s15+$0xA1D0];
	[tilespmem:s15+$0x16240] =	vst v3;
	v3 =	vmul.f32 $4.525483320e+01, v7  }
0x5a4: {  	v4 =	vmul.f32 $4.525483320e+01, v4;
	[tilespmem:s15+$0x162C0] =	vst v2;
	v2 =	vld [tilespmem:s15+$0xA350]  }
0x5a5: {  	v10 =	vld [tilespmem:s15+$0xA250];
	[tilespmem:s15+$0x16050] =	vst v3;
	v3 =	vmul.f32 $4.525483320e+01, v5  }
0x5a6: {  	v7 =	vld [tilespmem:s15+$0xA2D0];
	[tilespmem:s15+$0x16340] =	vst v4;
	v4 =	vmul.f32 $4.525483320e+01, v8  }
0x5a7: {  	v5 =	vld [tilespmem:s15+$0xA3D0];
	[tilespmem:s15+$0x163C0] =	vst v3;
	v3 =	vmul.f32 $4.525483320e+01, v6  }
0x5a8: {  	v6 =	vld [tilespmem:s15+$0xA060];
	[tilespmem:s15+$0x160D0] =	vst v4;
	v4 =	vmul.f32 $4.525483320e+01, v9  }
0x5a9: {  	v8 =	vld [tilespmem:s15+$0xA0E0];
	v2 =	vmul.f32 $4.525483320e+01, v2;
	[tilespmem:s15+$0x16150] =	vst v3  }
0x5aa: {  	v9 =	vld [tilespmem:s15+$0xA160];
	v3 =	vmul.f32 $4.525483320e+01, v10;
	[tilespmem:s15+$0x161D0] =	vst v4  }
0x5ab: {  	v4 =	vmul.f32 $4.525483320e+01, v7;
	v7 =	vld [tilespmem:s15+$0xA1E0];
	[tilespmem:s15+$0x16350] =	vst v2  }
0x5ac: {  	v5 =	vmul.f32 $4.525483320e+01, v5;
	[tilespmem:s15+$0x16250] =	vst v3;
	v3 =	vld [tilespmem:s15+$0xA260]  }
0x5ad: {  	[tilespmem:s15+$0x162D0] =	vst v4;
	v4 =	vmul.f32 $4.525483320e+01, v6;
	v6 =	vld [tilespmem:s15+$0xA2E0]  }
0x5ae: {  	v10 =	vld [tilespmem:s15+$0xA360];
	v2 =	vmul.f32 $4.525483320e+01, v8;
	[tilespmem:s15+$0x163D0] =	vst v5  }
0x5af: {  	v8 =	vld [tilespmem:s15+$0xA3E0];
	[tilespmem:s15+$0x16060] =	vst v4;
	v4 =	vmul.f32 $4.525483320e+01, v9  }
0x5b0: {  	[tilespmem:s15+$0x160E0] =	vst v2;
	v2 =	vmul.f32 $4.525483320e+01, v7;
	v7 =	vld [tilespmem:s15+$0xA070]  }
0x5b1: {  	v5 =	vld [tilespmem:s15+$0xA0F0];
	[tilespmem:s15+$0x16160] =	vst v4;
	v3 =	vmul.f32 $4.525483320e+01, v3  }
0x5b2: {  	[tilespmem:s15+$0x161E0] =	vst v2;
	v2 =	vld [tilespmem:s15+$0xA170];
	v4 =	vmul.f32 $4.525483320e+01, v6  }
0x5b3: {  	v6 =	vmul.f32 $4.525483320e+01, v10;
	[tilespmem:s15+$0x16260] =	vst v3;
	v3 =	vld [tilespmem:s15+$0xA1F0]  }
0x5b4: {  	v8 =	vmul.f32 $4.525483320e+01, v8;
	[tilespmem:s15+$0x162E0] =	vst v4;
	v4 =	vld [tilespmem:s15+$0xA270]  }
0x5b5: {  	s21 =	simm.s32 $0x0;
	s24 =	simm.s32 $0x1000;
	[tilespmem:s15+$0x16360] =	vst v6;
	v7 =	vmul.f32 $4.525483320e+01, v7;
	v6 =	vld [tilespmem:s15+$0xA2F0]  }
.LBB2_20:
0x5b6: {  	s25 =	sshra.s32 s24, $0x2;
	s21 =	sadd.s32 $0x8, s21;
	[tilespmem:s15+$0x163E0] =	vst v8;
	v5 =	vmul.f32 $4.525483320e+01, v5;
	v8 =	vld [tilespmem:s15+$0xA370]  }
0x5b7: {  	v9 =	vld [tilespmem:s25+$0xA3F0];
	p0 =	slt.u32 s21, $0x78;
	[tilespmem:s15+$0x16070] =	vst v7;
	v2 =	vmul.f32 $4.525483320e+01, v2  }
0x5b8: {  	v7 =	vld [tilespmem:s25+$0xA000];
	[tilespmem:s15+$0x160F0] =	vst v5;
	v3 =	vmul.f32 $4.525483320e+01, v3  }
0x5b9: {  	v5 =	vld [tilespmem:s25+$0xA080];
	[tilespmem:s15+$0x16170] =	vst v2;
	v2 =	vmul.f32 $4.525483320e+01, v4  }
0x5ba: {  	v4 =	vld [tilespmem:s25+$0xA100];
	[tilespmem:s15+$0x161F0] =	vst v3;
	v3 =	vmul.f32 $4.525483320e+01, v6  }
0x5bb: {  	v6 =	vld [tilespmem:s25+$0xA180];
	[tilespmem:s15+$0x16270] =	vst v2;
	v2 =	vmul.f32 $4.525483320e+01, v8  }
0x5bc: {  	v8 =	vld [tilespmem:s25+$0xA200];
	v9 =	vmul.f32 $4.525483320e+01, v9;
	[tilespmem:s15+$0x162F0] =	vst v3  }
0x5bd: {  	v3 =	vmul.f32 $4.525483320e+01, v7;
	v7 =	vld [tilespmem:s25+$0xA280];
	[tilespmem:s15+$0x16370] =	vst v2;
	s15 =	smov.u32 s25  }
0x5be: {  	v2 =	vmul.f32 $4.525483320e+01, v5;
	v5 =	vld [tilespmem:s15+$0xA300];
	[tilespmem:s15+$0x163F0] =	vst v9  }
0x5bf: {  	[tilespmem:s15+$0x16000] =	vst v3;
	v3 =	vmul.f32 $4.525483320e+01, v4;
	v4 =	vld [tilespmem:s15+$0xA380]  }
0x5c0: {  	[tilespmem:s15+$0x16080] =	vst v2;
	v2 =	vmul.f32 $4.525483320e+01, v6;
	v6 =	vld [tilespmem:s15+$0xA010]  }
0x5c1: {  	[tilespmem:s15+$0x16100] =	vst v3;
	v3 =	vmul.f32 $4.525483320e+01, v8;
	v8 =	vld [tilespmem:s15+$0xA090]  }
0x5c2: {  	[tilespmem:s15+$0x16180] =	vst v2;
	v2 =	vmul.f32 $4.525483320e+01, v7;
	v7 =	vld [tilespmem:s15+$0xA110]  }
0x5c3: {  	[tilespmem:s15+$0x16200] =	vst v3;
	v3 =	vmul.f32 $4.525483320e+01, v5;
	v5 =	vld [tilespmem:s15+$0xA190]  }
0x5c4: {  	[tilespmem:s15+$0x16280] =	vst v2;
	v2 =	vmul.f32 $4.525483320e+01, v4;
	v4 =	vld [tilespmem:s15+$0xA210]  }
0x5c5: {  	[tilespmem:s15+$0x16300] =	vst v3;
	v3 =	vmul.f32 $4.525483320e+01, v6;
	v6 =	vld [tilespmem:s15+$0xA290]  }
0x5c6: {  	[tilespmem:s15+$0x16380] =	vst v2;
	v2 =	vmul.f32 $4.525483320e+01, v8;
	v8 =	vld [tilespmem:s15+$0xA310]  }
0x5c7: {  	[tilespmem:s15+$0x16010] =	vst v3;
	v3 =	vmul.f32 $4.525483320e+01, v7;
	v7 =	vld [tilespmem:s15+$0xA390]  }
0x5c8: {  	[tilespmem:s15+$0x16090] =	vst v2;
	v2 =	vmul.f32 $4.525483320e+01, v5;
	v5 =	vld [tilespmem:s15+$0xA020]  }
0x5c9: {  	[tilespmem:s15+$0x16110] =	vst v3;
	v3 =	vmul.f32 $4.525483320e+01, v4;
	v4 =	vld [tilespmem:s15+$0xA0A0]  }
0x5ca: {  	[tilespmem:s15+$0x16190] =	vst v2;
	v2 =	vmul.f32 $4.525483320e+01, v6;
	v6 =	vld [tilespmem:s15+$0xA120]  }
0x5cb: {  	[tilespmem:s15+$0x16210] =	vst v3;
	v3 =	vmul.f32 $4.525483320e+01, v8;
	v8 =	vld [tilespmem:s15+$0xA1A0]  }
0x5cc: {  	[tilespmem:s15+$0x16290] =	vst v2;
	v2 =	vmul.f32 $4.525483320e+01, v7;
	v7 =	vld [tilespmem:s15+$0xA220]  }
0x5cd: {  	[tilespmem:s15+$0x16310] =	vst v3;
	v3 =	vmul.f32 $4.525483320e+01, v5;
	v5 =	vld [tilespmem:s15+$0xA2A0]  }
0x5ce: {  	[tilespmem:s15+$0x16390] =	vst v2;
	v2 =	vmul.f32 $4.525483320e+01, v4;
	v4 =	vld [tilespmem:s15+$0xA320]  }
0x5cf: {  	[tilespmem:s15+$0x16020] =	vst v3;
	v3 =	vmul.f32 $4.525483320e+01, v6;
	v6 =	vld [tilespmem:s15+$0xA3A0]  }
0x5d0: {  	[tilespmem:s15+$0x160A0] =	vst v2;
	v2 =	vmul.f32 $4.525483320e+01, v8;
	v8 =	vld [tilespmem:s15+$0xA030]  }
0x5d1: {  	[tilespmem:s15+$0x16120] =	vst v3;
	v3 =	vmul.f32 $4.525483320e+01, v7;
	v7 =	vld [tilespmem:s15+$0xA0B0]  }
0x5d2: {  	[tilespmem:s15+$0x161A0] =	vst v2;
	v2 =	vmul.f32 $4.525483320e+01, v5;
	v5 =	vld [tilespmem:s15+$0xA130]  }
0x5d3: {  	[tilespmem:s15+$0x16220] =	vst v3;
	v3 =	vmul.f32 $4.525483320e+01, v4;
	v4 =	vld [tilespmem:s15+$0xA1B0]  }
0x5d4: {  	[tilespmem:s15+$0x162A0] =	vst v2;
	v2 =	vmul.f32 $4.525483320e+01, v6;
	v6 =	vld [tilespmem:s15+$0xA230]  }
0x5d5: {  	[tilespmem:s15+$0x16320] =	vst v3;
	v3 =	vmul.f32 $4.525483320e+01, v8;
	v8 =	vld [tilespmem:s15+$0xA2B0]  }
0x5d6: {  	[tilespmem:s15+$0x163A0] =	vst v2;
	v2 =	vmul.f32 $4.525483320e+01, v7;
	v7 =	vld [tilespmem:s15+$0xA330]  }
0x5d7: {  	[tilespmem:s15+$0x16030] =	vst v3;
	v3 =	vmul.f32 $4.525483320e+01, v5;
	v5 =	vld [tilespmem:s15+$0xA3B0]  }
0x5d8: {  	[tilespmem:s15+$0x160B0] =	vst v2;
	v2 =	vmul.f32 $4.525483320e+01, v4;
	v4 =	vld [tilespmem:s15+$0xA040]  }
0x5d9: {  	[tilespmem:s15+$0x16130] =	vst v3;
	v3 =	vmul.f32 $4.525483320e+01, v6;
	v6 =	vld [tilespmem:s15+$0xA0C0]  }
0x5da: {  	[tilespmem:s15+$0x161B0] =	vst v2;
	v2 =	vmul.f32 $4.525483320e+01, v8;
	v8 =	vld [tilespmem:s15+$0xA140]  }
0x5db: {  	[tilespmem:s15+$0x16230] =	vst v3;
	v3 =	vmul.f32 $4.525483320e+01, v7;
	v7 =	vld [tilespmem:s15+$0xA1C0]  }
0x5dc: {  	[tilespmem:s15+$0x162B0] =	vst v2;
	v2 =	vmul.f32 $4.525483320e+01, v5;
	v5 =	vld [tilespmem:s15+$0xA240]  }
0x5dd: {  	[tilespmem:s15+$0x16330] =	vst v3;
	v3 =	vmul.f32 $4.525483320e+01, v4;
	v4 =	vld [tilespmem:s15+$0xA2C0]  }
0x5de: {  	[tilespmem:s15+$0x163B0] =	vst v2;
	v2 =	vmul.f32 $4.525483320e+01, v6;
	v6 =	vld [tilespmem:s15+$0xA340]  }
0x5df: {  	[tilespmem:s15+$0x16040] =	vst v3;
	v3 =	vmul.f32 $4.525483320e+01, v8;
	v8 =	vld [tilespmem:s15+$0xA3C0]  }
0x5e0: {  	[tilespmem:s15+$0x160C0] =	vst v2;
	v2 =	vmul.f32 $4.525483320e+01, v7;
	v7 =	vld [tilespmem:s15+$0xA050]  }
0x5e1: {  	[tilespmem:s15+$0x16140] =	vst v3;
	v3 =	vmul.f32 $4.525483320e+01, v5;
	v5 =	vld [tilespmem:s15+$0xA0D0]  }
0x5e2: {  	[tilespmem:s15+$0x161C0] =	vst v2;
	v2 =	vmul.f32 $4.525483320e+01, v4;
	v4 =	vld [tilespmem:s15+$0xA150]  }
0x5e3: {  	[tilespmem:s15+$0x16240] =	vst v3;
	v3 =	vmul.f32 $4.525483320e+01, v6;
	v6 =	vld [tilespmem:s15+$0xA1D0]  }
0x5e4: {  	[tilespmem:s15+$0x162C0] =	vst v2;
	v2 =	vmul.f32 $4.525483320e+01, v8;
	v8 =	vld [tilespmem:s15+$0xA250]  }
0x5e5: {  	[tilespmem:s15+$0x16340] =	vst v3;
	v3 =	vmul.f32 $4.525483320e+01, v7;
	v7 =	vld [tilespmem:s15+$0xA2D0]  }
0x5e6: {  	[tilespmem:s15+$0x163C0] =	vst v2;
	v2 =	vmul.f32 $4.525483320e+01, v5;
	v5 =	vld [tilespmem:s15+$0xA350]  }
0x5e7: {  	[tilespmem:s15+$0x16050] =	vst v3;
	v3 =	vmul.f32 $4.525483320e+01, v4;
	v4 =	vld [tilespmem:s15+$0xA3D0]  }
0x5e8: {  	[tilespmem:s15+$0x160D0] =	vst v2;
	v2 =	vmul.f32 $4.525483320e+01, v6;
	v6 =	vld [tilespmem:s15+$0xA060]  }
0x5e9: {  	[tilespmem:s15+$0x16150] =	vst v3;
	v3 =	vmul.f32 $4.525483320e+01, v8;
	v8 =	vld [tilespmem:s15+$0xA0E0]  }
0x5ea: {  	[tilespmem:s15+$0x161D0] =	vst v2;
	v2 =	vmul.f32 $4.525483320e+01, v7;
	v7 =	vld [tilespmem:s15+$0xA160]  }
0x5eb: {  	[tilespmem:s15+$0x16250] =	vst v3;
	v3 =	vmul.f32 $4.525483320e+01, v5;
	v5 =	vld [tilespmem:s15+$0xA1E0]  }
0x5ec: {  	[tilespmem:s15+$0x162D0] =	vst v2;
	v2 =	vmul.f32 $4.525483320e+01, v4;
	v4 =	vld [tilespmem:s15+$0xA260]  }
0x5ed: {  	[tilespmem:s15+$0x16350] =	vst v3;
	v3 =	vmul.f32 $4.525483320e+01, v6;
	v6 =	vld [tilespmem:s15+$0xA2E0]  }
0x5ee: {  	[tilespmem:s15+$0x163D0] =	vst v2;
	v2 =	vmul.f32 $4.525483320e+01, v8;
	v8 =	vld [tilespmem:s15+$0xA360]  }
0x5ef: {  	[tilespmem:s15+$0x16060] =	vst v3;
	v3 =	vmul.f32 $4.525483320e+01, v7;
	v7 =	vld [tilespmem:s15+$0xA3E0]  }
0x5f0: {  	[tilespmem:s15+$0x160E0] =	vst v2;
	v2 =	vmul.f32 $4.525483320e+01, v5;
	v9 =	vld [tilespmem:s15+$0xA070]  }
.Ltmp9:
0x5f1: {  	[tilespmem:s15+$0x16160] =	vst v3;
	v3 =	vmul.f32 $4.525483320e+01, v4;
	v5 =	vld [tilespmem:s15+$0xA0F0];
	(pc) =	sbr.rel @p0 .LBB2_20-.Ltmp9, $4  }
0x5f2: {  	[tilespmem:s15+$0x161E0] =	vst v2;
	v4 =	vmul.f32 $4.525483320e+01, v6;
	v2 =	vld [tilespmem:s15+$0xA170]  }
0x5f3: {  	[tilespmem:s15+$0x16260] =	vst v3;
	v6 =	vmul.f32 $4.525483320e+01, v8;
	v3 =	vld [tilespmem:s15+$0xA1F0]  }
0x5f4: {  	[tilespmem:s15+$0x162E0] =	vst v4;
	v8 =	vmul.f32 $4.525483320e+01, v7;
	v4 =	vld [tilespmem:s15+$0xA270]  }
0x5f5: {  	s24 =	sadd.s32 $0x1000, s24;
	[tilespmem:s15+$0x16360] =	vst v6;
	v7 =	vmul.f32 $4.525483320e+01, v9;
	v6 =	vld [tilespmem:s15+$0xA2F0]  }
0x5f6: {  	[tilespmem:s15+$0x163E0] =	vst v8;
	v5 =	vmul.f32 $4.525483320e+01, v5;
	v8 =	vld [tilespmem:s15+$0xA370]  }
0x5f7: {  	[tilespmem:s15+$0x16070] =	vst v7;
	v2 =	vmul.f32 $4.525483320e+01, v2  }
0x5f8: {  	[tilespmem:s15+$0x160F0] =	vst v5;
	v3 =	vmul.f32 $4.525483320e+01, v3  }
0x5f9: {  	[tilespmem:s15+$0x16170] =	vst v2;
	v2 =	vmul.f32 $4.525483320e+01, v4  }
0x5fa: {  	[tilespmem:s15+$0x161F0] =	vst v3;
	v3 =	vmul.f32 $4.525483320e+01, v6  }
0x5fb: {  	[tilespmem:s15+$0x16270] =	vst v2;
	v2 =	vmul.f32 $4.525483320e+01, v8  }
0x5fc: {  	[tilespmem:s15+$0x162F0] =	vst v3  }
0x5fd: {  	[tilespmem:s15+$0x16370] =	vst v2  }
0x5fe: {  	s21 =	simm.s32 $0x16000;
	s15 =	rddreg [dreg:$0xa]  }
0x5ff: {  	[hbm4b:s15+s4] =	stream.linear.scatter [tilespmem:s21], [sflag:$0x6], $0x4000, $0x38;
	[tilespmem:$0x1A000] =	vst v63  }
0x600: {  	_ =	swait.ge [sflag:s22], $0x4000  }
0x601: {  	[sflag:s22] =	ssyncset.done $0x0  }
0x602: {  	[sflag:s22] =	ssyncadd.s32 $0xFFFFC000  }
0x603: {  	_ =	swait.ge [sflag:s16], $0x4000  }
0x604: {  	[sflag:s16] =	ssyncset.done $0x0  }
0x605: {  	s24 =	simm.s32 $0x2200;
	[sflag:s16] =	ssyncadd.s32 $0xFFFFC000  }
0x606: {  	v2 =	vld [tilespmem:s24+$0xFFFFFE70]  }
0x607: {  	v3 =	vld [tilespmem:s24+$0xFFFFFE10]  }
0x608: {  	v4 =	vld [tilespmem:s24+$0xFFFFFE20]  }
0x609: {  	v5 =	vld [tilespmem:s24+$0xFFFFFE30]  }
0x60a: {  	v6 =	vld [tilespmem:s24+$0xFFFFFE40]  }
0x60b: {  	v7 =	vld [tilespmem:s24+$0xFFFFFE50];
	v2 =	vmul.f32 $4.525483320e+01, v2  }
0x60c: {  	s15 =	simm.s32 $0xE200;
	v8 =	vld [tilespmem:s24+$0xFFFFFE60];
	v3 =	vmul.f32 $4.525483320e+01, v3  }
0x60d: {  	v9 =	vld [tilespmem:s24+$0xFFFFFE00];
	v4 =	vmul.f32 $4.525483320e+01, v4;
	[tilespmem:s15+$0xFFFFFE70] =	vst v2  }
0x60e: {  	[tilespmem:s15+$0xFFFFFE10] =	vst v3;
	v2 =	vmul.f32 $4.525483320e+01, v5;
	v3 =	vld [tilespmem:s24+$0xFFFFFEF0]  }
0x60f: {  	[tilespmem:s15+$0xFFFFFE20] =	vst v4;
	v4 =	vmul.f32 $4.525483320e+01, v6;
	v5 =	vld [tilespmem:s24+$0xFFFFFE90]  }
0x610: {  	v6 =	vld [tilespmem:s24+$0xFFFFFEA0];
	[tilespmem:s15+$0xFFFFFE30] =	vst v2;
	v2 =	vmul.f32 $4.525483320e+01, v7  }
0x611: {  	[tilespmem:s15+$0xFFFFFE40] =	vst v4;
	v4 =	vmul.f32 $4.525483320e+01, v8;
	v7 =	vld [tilespmem:s24+$0xFFFFFEB0]  }
0x612: {  	v8 =	vmul.f32 $4.525483320e+01, v9;
	v9 =	vld [tilespmem:s24+$0xFFFFFEC0];
	[tilespmem:s15+$0xFFFFFE50] =	vst v2  }
0x613: {  	[tilespmem:s15+$0xFFFFFE60] =	vst v4;
	v2 =	vld [tilespmem:s24+$0xFFFFFED0];
	v3 =	vmul.f32 $4.525483320e+01, v3  }
0x614: {  	[tilespmem:s15+$0xFFFFFE00] =	vst v8;
	v4 =	vmul.f32 $4.525483320e+01, v5;
	v5 =	vld [tilespmem:s24+$0xFFFFFEE0]  }
0x615: {  	v8 =	vld [tilespmem:s24+$0xFFFFFE80];
	v6 =	vmul.f32 $4.525483320e+01, v6;
	[tilespmem:s15+$0xFFFFFEF0] =	vst v3  }
0x616: {  	[tilespmem:s15+$0xFFFFFE90] =	vst v4;
	v3 =	vmul.f32 $4.525483320e+01, v7;
	v4 =	vld [tilespmem:s24+$0xFFFFFF70]  }
0x617: {  	[tilespmem:s15+$0xFFFFFEA0] =	vst v6;
	v6 =	vmul.f32 $4.525483320e+01, v9;
	v7 =	vld [tilespmem:s24+$0xFFFFFF10]  }
0x618: {  	v9 =	vld [tilespmem:s24+$0xFFFFFF20];
	[tilespmem:s15+$0xFFFFFEB0] =	vst v3;
	v2 =	vmul.f32 $4.525483320e+01, v2  }
0x619: {  	[tilespmem:s15+$0xFFFFFEC0] =	vst v6;
	v3 =	vld [tilespmem:s24+$0xFFFFFF30];
	v5 =	vmul.f32 $4.525483320e+01, v5  }
0x61a: {  	v6 =	vmul.f32 $4.525483320e+01, v8;
	v8 =	vld [tilespmem:s24+$0xFFFFFF40];
	[tilespmem:s15+$0xFFFFFED0] =	vst v2  }
0x61b: {  	v2 =	vld [tilespmem:s24+$0xFFFFFF50];
	[tilespmem:s15+$0xFFFFFEE0] =	vst v5;
	v4 =	vmul.f32 $4.525483320e+01, v4  }
0x61c: {  	[tilespmem:s15+$0xFFFFFE80] =	vst v6;
	v5 =	vmul.f32 $4.525483320e+01, v7;
	v6 =	vld [tilespmem:s24+$0xFFFFFF60]  }
0x61d: {  	v7 =	vld [tilespmem:s24+$0xFFFFFF00];
	v9 =	vmul.f32 $4.525483320e+01, v9;
	[tilespmem:s15+$0xFFFFFF70] =	vst v4  }
0x61e: {  	[tilespmem:s15+$0xFFFFFF10] =	vst v5;
	v3 =	vmul.f32 $4.525483320e+01, v3;
	v4 =	vld [tilespmem:s24+$0xFFFFFFF0]  }
0x61f: {  	[tilespmem:s15+$0xFFFFFF20] =	vst v9;
	v8 =	vmul.f32 $4.525483320e+01, v8;
	v5 =	vld [tilespmem:s24+$0xFFFFFF90]  }
0x620: {  	v9 =	vld [tilespmem:s24+$0xFFFFFFA0];
	[tilespmem:s15+$0xFFFFFF30] =	vst v3;
	v2 =	vmul.f32 $4.525483320e+01, v2  }
0x621: {  	[tilespmem:s15+$0xFFFFFF40] =	vst v8;
	v3 =	vld [tilespmem:s24+$0xFFFFFFB0];
	v6 =	vmul.f32 $4.525483320e+01, v6  }
0x622: {  	v7 =	vmul.f32 $4.525483320e+01, v7;
	v8 =	vld [tilespmem:s24+$0xFFFFFFC0];
	[tilespmem:s15+$0xFFFFFF50] =	vst v2  }
0x623: {  	v2 =	vld [tilespmem:s24+$0xFFFFFFD0];
	[tilespmem:s15+$0xFFFFFF60] =	vst v6;
	v4 =	vmul.f32 $4.525483320e+01, v4  }
0x624: {  	[tilespmem:s15+$0xFFFFFF00] =	vst v7;
	v5 =	vmul.f32 $4.525483320e+01, v5;
	v6 =	vld [tilespmem:s24+$0xFFFFFFE0]  }
0x625: {  	v7 =	vld [tilespmem:s24+$0xFFFFFF80];
	v9 =	vmul.f32 $4.525483320e+01, v9;
	[tilespmem:s15+$0xFFFFFFF0] =	vst v4  }
0x626: {  	[tilespmem:s15+$0xFFFFFF90] =	vst v5;
	v3 =	vmul.f32 $4.525483320e+01, v3;
	v4 =	vld [tilespmem:s24+$0x70]  }
0x627: {  	[tilespmem:s15+$0xFFFFFFA0] =	vst v9;
	v8 =	vmul.f32 $4.525483320e+01, v8;
	v5 =	vld [tilespmem:s24+$0x10]  }
0x628: {  	v9 =	vld [tilespmem:s24+$0x20];
	[tilespmem:s15+$0xFFFFFFB0] =	vst v3;
	v2 =	vmul.f32 $4.525483320e+01, v2  }
0x629: {  	[tilespmem:s15+$0xFFFFFFC0] =	vst v8;
	v3 =	vld [tilespmem:s24+$0x30];
	v6 =	vmul.f32 $4.525483320e+01, v6  }
0x62a: {  	v7 =	vmul.f32 $4.525483320e+01, v7;
	v8 =	vld [tilespmem:s24+$0x40];
	[tilespmem:s15+$0xFFFFFFD0] =	vst v2  }
0x62b: {  	v2 =	vld [tilespmem:s24+$0x50];
	[tilespmem:s15+$0xFFFFFFE0] =	vst v6;
	v4 =	vmul.f32 $4.525483320e+01, v4  }
0x62c: {  	[tilespmem:s15+$0xFFFFFF80] =	vst v7;
	v5 =	vmul.f32 $4.525483320e+01, v5;
	v6 =	vld [tilespmem:s24+$0x60]  }
0x62d: {  	v7 =	vld [tilespmem:s24+$0x0];
	v9 =	vmul.f32 $4.525483320e+01, v9;
	[tilespmem:s15+$0x70] =	vst v4  }
0x62e: {  	[tilespmem:s15+$0x10] =	vst v5;
	v3 =	vmul.f32 $4.525483320e+01, v3;
	v4 =	vld [tilespmem:s24+$0xF0]  }
0x62f: {  	[tilespmem:s15+$0x20] =	vst v9;
	v8 =	vmul.f32 $4.525483320e+01, v8;
	v5 =	vld [tilespmem:s24+$0x90]  }
0x630: {  	v9 =	vld [tilespmem:s24+$0xA0];
	[tilespmem:s15+$0x30] =	vst v3;
	v2 =	vmul.f32 $4.525483320e+01, v2  }
0x631: {  	[tilespmem:s15+$0x40] =	vst v8;
	v3 =	vld [tilespmem:s24+$0xB0];
	v6 =	vmul.f32 $4.525483320e+01, v6  }
0x632: {  	v7 =	vmul.f32 $4.525483320e+01, v7;
	v8 =	vld [tilespmem:s24+$0xC0];
	[tilespmem:s15+$0x50] =	vst v2  }
0x633: {  	v2 =	vld [tilespmem:s24+$0xD0];
	[tilespmem:s15+$0x60] =	vst v6;
	v4 =	vmul.f32 $4.525483320e+01, v4  }
0x634: {  	[tilespmem:s15+$0x0] =	vst v7;
	v5 =	vmul.f32 $4.525483320e+01, v5;
	v6 =	vld [tilespmem:s24+$0xE0]  }
0x635: {  	v7 =	vld [tilespmem:s24+$0x80];
	v9 =	vmul.f32 $4.525483320e+01, v9;
	[tilespmem:s15+$0xF0] =	vst v4  }
0x636: {  	[tilespmem:s15+$0x90] =	vst v5;
	v3 =	vmul.f32 $4.525483320e+01, v3;
	v4 =	vld [tilespmem:s24+$0x170]  }
0x637: {  	[tilespmem:s15+$0xA0] =	vst v9;
	v8 =	vmul.f32 $4.525483320e+01, v8;
	v5 =	vld [tilespmem:s24+$0x110]  }
0x638: {  	v9 =	vld [tilespmem:s24+$0x120];
	[tilespmem:s15+$0xB0] =	vst v3;
	v2 =	vmul.f32 $4.525483320e+01, v2  }
0x639: {  	[tilespmem:s15+$0xC0] =	vst v8;
	v3 =	vld [tilespmem:s24+$0x130];
	v6 =	vmul.f32 $4.525483320e+01, v6  }
0x63a: {  	v7 =	vmul.f32 $4.525483320e+01, v7;
	v8 =	vld [tilespmem:s24+$0x140];
	[tilespmem:s15+$0xD0] =	vst v2  }
0x63b: {  	v2 =	vld [tilespmem:s24+$0x150];
	[tilespmem:s15+$0xE0] =	vst v6;
	v4 =	vmul.f32 $4.525483320e+01, v4  }
0x63c: {  	[tilespmem:s15+$0x80] =	vst v7;
	v5 =	vmul.f32 $4.525483320e+01, v5;
	v6 =	vld [tilespmem:s24+$0x160]  }
0x63d: {  	v7 =	vld [tilespmem:s24+$0x100];
	v9 =	vmul.f32 $4.525483320e+01, v9;
	[tilespmem:s15+$0x170] =	vst v4  }
0x63e: {  	[tilespmem:s15+$0x110] =	vst v5;
	v3 =	vmul.f32 $4.525483320e+01, v3;
	v5 =	vld [tilespmem:s24+$0x1F0]  }
0x63f: {  	[tilespmem:s15+$0x120] =	vst v9;
	v4 =	vmul.f32 $4.525483320e+01, v8;
	v10 =	vld [tilespmem:s24+$0x190]  }
0x640: {  	v9 =	vld [tilespmem:s24+$0x1A0];
	[tilespmem:s15+$0x130] =	vst v3;
	v3 =	vmul.f32 $4.525483320e+01, v2  }
0x641: {  	[tilespmem:s15+$0x140] =	vst v4;
	v2 =	vld [tilespmem:s24+$0x1B0];
	v6 =	vmul.f32 $4.525483320e+01, v6  }
0x642: {  	v7 =	vmul.f32 $4.525483320e+01, v7;
	v4 =	vld [tilespmem:s24+$0x1C0];
	[tilespmem:s15+$0x150] =	vst v3  }
0x643: {  	v3 =	vld [tilespmem:s24+$0x1D0];
	[tilespmem:s15+$0x160] =	vst v6;
	v11 =	vmul.f32 $4.525483320e+01, v5  }
0x644: {  	[tilespmem:s15+$0x100] =	vst v7;
	v5 =	vld [tilespmem:s24+$0x1E0];
	v8 =	vmul.f32 $4.525483320e+01, v10  }
0x645: {  	s21 =	simm.s32 $0x0;
	v6 =	vld [tilespmem:s24+$0x180];
	v7 =	vmul.f32 $4.525483320e+01, v9;
	s24 =	simm.s32 $0x2600;
	[tilespmem:s15+$0x1F0] =	vst v11  }
.LBB2_22:
0x646: {  	v9 =	vld [tilespmem:s24+$0xFFFFFE70];
	s21 =	sadd.s32 $0x8, s21;
	[tilespmem:s15+$0x190] =	vst v8;
	v2 =	vmul.f32 $4.525483320e+01, v2  }
0x647: {  	v8 =	vld [tilespmem:s24+$0xFFFFFE10];
	p0 =	slt.u32 s21, $0x78;
	[tilespmem:s15+$0x1A0] =	vst v7;
	v4 =	vmul.f32 $4.525483320e+01, v4  }
0x648: {  	v7 =	vld [tilespmem:s24+$0xFFFFFE20];
	[tilespmem:s15+$0x1B0] =	vst v2;
	v2 =	vmul.f32 $4.525483320e+01, v3  }
0x649: {  	v3 =	vld [tilespmem:s24+$0xFFFFFE30];
	[tilespmem:s15+$0x1C0] =	vst v4;
	v4 =	vmul.f32 $4.525483320e+01, v5  }
0x64a: {  	v5 =	vld [tilespmem:s24+$0xFFFFFE40];
	v6 =	vmul.f32 $4.525483320e+01, v6;
	[tilespmem:s15+$0x1D0] =	vst v2  }
0x64b: {  	v2 =	vld [tilespmem:s24+$0xFFFFFE50];
	v9 =	vmul.f32 $4.525483320e+01, v9;
	[tilespmem:s15+$0x1E0] =	vst v4  }
0x64c: {  	v4 =	vmul.f32 $4.525483320e+01, v8;
	v8 =	vld [tilespmem:s24+$0xFFFFFE60];
	[tilespmem:s15+$0x180] =	vst v6;
	s15 =	sadd.s32 $0x400, s15  }
0x64d: {  	v6 =	vld [tilespmem:s24+$0xFFFFFE00];
	v7 =	vmul.f32 $4.525483320e+01, v7;
	[tilespmem:s15+$0xFFFFFE70] =	vst v9  }
0x64e: {  	[tilespmem:s15+$0xFFFFFE10] =	vst v4;
	v3 =	vmul.f32 $4.525483320e+01, v3;
	v4 =	vld [tilespmem:s24+$0xFFFFFEF0]  }
0x64f: {  	v9 =	vld [tilespmem:s24+$0xFFFFFE90];
	[tilespmem:s15+$0xFFFFFE20] =	vst v7;
	v5 =	vmul.f32 $4.525483320e+01, v5  }
0x650: {  	v7 =	vld [tilespmem:s24+$0xFFFFFEA0];
	[tilespmem:s15+$0xFFFFFE30] =	vst v3;
	v2 =	vmul.f32 $4.525483320e+01, v2  }
0x651: {  	v3 =	vld [tilespmem:s24+$0xFFFFFEB0];
	[tilespmem:s15+$0xFFFFFE40] =	vst v5;
	v5 =	vmul.f32 $4.525483320e+01, v8  }
0x652: {  	v6 =	vmul.f32 $4.525483320e+01, v6;
	v8 =	vld [tilespmem:s24+$0xFFFFFEC0];
	[tilespmem:s15+$0xFFFFFE50] =	vst v2  }
0x653: {  	v2 =	vld [tilespmem:s24+$0xFFFFFED0];
	[tilespmem:s15+$0xFFFFFE60] =	vst v5;
	v4 =	vmul.f32 $4.525483320e+01, v4  }
0x654: {  	[tilespmem:s15+$0xFFFFFE00] =	vst v6;
	v5 =	vmul.f32 $4.525483320e+01, v9;
	v6 =	vld [tilespmem:s24+$0xFFFFFEE0]  }
0x655: {  	v9 =	vld [tilespmem:s24+$0xFFFFFE80];
	v7 =	vmul.f32 $4.525483320e+01, v7;
	[tilespmem:s15+$0xFFFFFEF0] =	vst v4  }
0x656: {  	[tilespmem:s15+$0xFFFFFE90] =	vst v5;
	v3 =	vmul.f32 $4.525483320e+01, v3;
	v4 =	vld [tilespmem:s24+$0xFFFFFF70]  }
0x657: {  	v5 =	vld [tilespmem:s24+$0xFFFFFF10];
	[tilespmem:s15+$0xFFFFFEA0] =	vst v7;
	v7 =	vmul.f32 $4.525483320e+01, v8  }
0x658: {  	v8 =	vld [tilespmem:s24+$0xFFFFFF20];
	[tilespmem:s15+$0xFFFFFEB0] =	vst v3;
	v2 =	vmul.f32 $4.525483320e+01, v2  }
0x659: {  	v3 =	vld [tilespmem:s24+$0xFFFFFF30];
	[tilespmem:s15+$0xFFFFFEC0] =	vst v7;
	v6 =	vmul.f32 $4.525483320e+01, v6  }
0x65a: {  	v7 =	vmul.f32 $4.525483320e+01, v9;
	v9 =	vld [tilespmem:s24+$0xFFFFFF40];
	[tilespmem:s15+$0xFFFFFED0] =	vst v2  }
0x65b: {  	v2 =	vld [tilespmem:s24+$0xFFFFFF50];
	[tilespmem:s15+$0xFFFFFEE0] =	vst v6;
	v4 =	vmul.f32 $4.525483320e+01, v4  }
0x65c: {  	[tilespmem:s15+$0xFFFFFE80] =	vst v7;
	v5 =	vmul.f32 $4.525483320e+01, v5;
	v6 =	vld [tilespmem:s24+$0xFFFFFF60]  }
0x65d: {  	v7 =	vld [tilespmem:s24+$0xFFFFFF00];
	v8 =	vmul.f32 $4.525483320e+01, v8;
	[tilespmem:s15+$0xFFFFFF70] =	vst v4  }
0x65e: {  	[tilespmem:s15+$0xFFFFFF10] =	vst v5;
	v3 =	vmul.f32 $4.525483320e+01, v3;
	v4 =	vld [tilespmem:s24+$0xFFFFFFF0]  }
0x65f: {  	v5 =	vld [tilespmem:s24+$0xFFFFFF90];
	[tilespmem:s15+$0xFFFFFF20] =	vst v8;
	v8 =	vmul.f32 $4.525483320e+01, v9  }
0x660: {  	v9 =	vld [tilespmem:s24+$0xFFFFFFA0];
	[tilespmem:s15+$0xFFFFFF30] =	vst v3;
	v2 =	vmul.f32 $4.525483320e+01, v2  }
0x661: {  	v3 =	vld [tilespmem:s24+$0xFFFFFFB0];
	[tilespmem:s15+$0xFFFFFF40] =	vst v8;
	v6 =	vmul.f32 $4.525483320e+01, v6  }
0x662: {  	v7 =	vmul.f32 $4.525483320e+01, v7;
	v8 =	vld [tilespmem:s24+$0xFFFFFFC0];
	[tilespmem:s15+$0xFFFFFF50] =	vst v2  }
0x663: {  	v2 =	vld [tilespmem:s24+$0xFFFFFFD0];
	[tilespmem:s15+$0xFFFFFF60] =	vst v6;
	v4 =	vmul.f32 $4.525483320e+01, v4  }
0x664: {  	[tilespmem:s15+$0xFFFFFF00] =	vst v7;
	v5 =	vmul.f32 $4.525483320e+01, v5;
	v6 =	vld [tilespmem:s24+$0xFFFFFFE0]  }
0x665: {  	v7 =	vld [tilespmem:s24+$0xFFFFFF80];
	v9 =	vmul.f32 $4.525483320e+01, v9;
	[tilespmem:s15+$0xFFFFFFF0] =	vst v4  }
0x666: {  	[tilespmem:s15+$0xFFFFFF90] =	vst v5;
	v3 =	vmul.f32 $4.525483320e+01, v3;
	v4 =	vld [tilespmem:s24+$0x70]  }
0x667: {  	v5 =	vld [tilespmem:s24+$0x10];
	[tilespmem:s15+$0xFFFFFFA0] =	vst v9;
	v8 =	vmul.f32 $4.525483320e+01, v8  }
0x668: {  	v9 =	vld [tilespmem:s24+$0x20];
	[tilespmem:s15+$0xFFFFFFB0] =	vst v3;
	v2 =	vmul.f32 $4.525483320e+01, v2  }
0x669: {  	v3 =	vld [tilespmem:s24+$0x30];
	[tilespmem:s15+$0xFFFFFFC0] =	vst v8;
	v6 =	vmul.f32 $4.525483320e+01, v6  }
0x66a: {  	v7 =	vmul.f32 $4.525483320e+01, v7;
	v8 =	vld [tilespmem:s24+$0x40];
	[tilespmem:s15+$0xFFFFFFD0] =	vst v2  }
0x66b: {  	v2 =	vld [tilespmem:s24+$0x50];
	[tilespmem:s15+$0xFFFFFFE0] =	vst v6;
	v4 =	vmul.f32 $4.525483320e+01, v4  }
0x66c: {  	[tilespmem:s15+$0xFFFFFF80] =	vst v7;
	v5 =	vmul.f32 $4.525483320e+01, v5;
	v6 =	vld [tilespmem:s24+$0x60]  }
0x66d: {  	v7 =	vld [tilespmem:s24+$0x0];
	v9 =	vmul.f32 $4.525483320e+01, v9;
	[tilespmem:s15+$0x70] =	vst v4  }
0x66e: {  	[tilespmem:s15+$0x10] =	vst v5;
	v3 =	vmul.f32 $4.525483320e+01, v3;
	v4 =	vld [tilespmem:s24+$0xF0]  }
0x66f: {  	v5 =	vld [tilespmem:s24+$0x90];
	[tilespmem:s15+$0x20] =	vst v9;
	v8 =	vmul.f32 $4.525483320e+01, v8  }
0x670: {  	v9 =	vld [tilespmem:s24+$0xA0];
	[tilespmem:s15+$0x30] =	vst v3;
	v2 =	vmul.f32 $4.525483320e+01, v2  }
0x671: {  	v3 =	vld [tilespmem:s24+$0xB0];
	[tilespmem:s15+$0x40] =	vst v8;
	v6 =	vmul.f32 $4.525483320e+01, v6  }
0x672: {  	v7 =	vmul.f32 $4.525483320e+01, v7;
	v8 =	vld [tilespmem:s24+$0xC0];
	[tilespmem:s15+$0x50] =	vst v2  }
0x673: {  	v2 =	vld [tilespmem:s24+$0xD0];
	[tilespmem:s15+$0x60] =	vst v6;
	v4 =	vmul.f32 $4.525483320e+01, v4  }
0x674: {  	[tilespmem:s15+$0x0] =	vst v7;
	v5 =	vmul.f32 $4.525483320e+01, v5;
	v6 =	vld [tilespmem:s24+$0xE0]  }
0x675: {  	v7 =	vld [tilespmem:s24+$0x80];
	v9 =	vmul.f32 $4.525483320e+01, v9;
	[tilespmem:s15+$0xF0] =	vst v4  }
0x676: {  	[tilespmem:s15+$0x90] =	vst v5;
	v3 =	vmul.f32 $4.525483320e+01, v3;
	v4 =	vld [tilespmem:s24+$0x170]  }
0x677: {  	v5 =	vld [tilespmem:s24+$0x110];
	[tilespmem:s15+$0xA0] =	vst v9;
	v8 =	vmul.f32 $4.525483320e+01, v8  }
0x678: {  	v9 =	vld [tilespmem:s24+$0x120];
	[tilespmem:s15+$0xB0] =	vst v3;
	v2 =	vmul.f32 $4.525483320e+01, v2  }
0x679: {  	v3 =	vld [tilespmem:s24+$0x130];
	[tilespmem:s15+$0xC0] =	vst v8;
	v6 =	vmul.f32 $4.525483320e+01, v6  }
0x67a: {  	v7 =	vmul.f32 $4.525483320e+01, v7;
	v8 =	vld [tilespmem:s24+$0x140];
	[tilespmem:s15+$0xD0] =	vst v2  }
0x67b: {  	v2 =	vld [tilespmem:s24+$0x150];
	[tilespmem:s15+$0xE0] =	vst v6;
	v4 =	vmul.f32 $4.525483320e+01, v4  }
0x67c: {  	[tilespmem:s15+$0x80] =	vst v7;
	v5 =	vmul.f32 $4.525483320e+01, v5;
	v6 =	vld [tilespmem:s24+$0x160]  }
0x67d: {  	v7 =	vld [tilespmem:s24+$0x100];
	v9 =	vmul.f32 $4.525483320e+01, v9;
	[tilespmem:s15+$0x170] =	vst v4  }
0x67e: {  	[tilespmem:s15+$0x110] =	vst v5;
	v3 =	vmul.f32 $4.525483320e+01, v3;
	v5 =	vld [tilespmem:s24+$0x1F0]  }
0x67f: {  	v10 =	vld [tilespmem:s24+$0x190];
	[tilespmem:s15+$0x120] =	vst v9;
	v4 =	vmul.f32 $4.525483320e+01, v8  }
0x680: {  	v9 =	vld [tilespmem:s24+$0x1A0];
	[tilespmem:s15+$0x130] =	vst v3;
	v3 =	vmul.f32 $4.525483320e+01, v2  }
.Ltmp10:
0x681: {  	v2 =	vld [tilespmem:s24+$0x1B0];
	[tilespmem:s15+$0x140] =	vst v4;
	v6 =	vmul.f32 $4.525483320e+01, v6;
	(pc) =	sbr.rel @p0 .LBB2_22-.Ltmp10, $4  }
0x682: {  	v7 =	vmul.f32 $4.525483320e+01, v7;
	v4 =	vld [tilespmem:s24+$0x1C0];
	[tilespmem:s15+$0x150] =	vst v3  }
0x683: {  	v3 =	vld [tilespmem:s24+$0x1D0];
	[tilespmem:s15+$0x160] =	vst v6;
	v11 =	vmul.f32 $4.525483320e+01, v5  }
0x684: {  	[tilespmem:s15+$0x100] =	vst v7;
	v8 =	vmul.f32 $4.525483320e+01, v10;
	v5 =	vld [tilespmem:s24+$0x1E0]  }
0x685: {  	v6 =	vld [tilespmem:s24+$0x180];
	v7 =	vmul.f32 $4.525483320e+01, v9;
	[tilespmem:s15+$0x1F0] =	vst v11;
	s24 =	sadd.s32 $0x400, s24  }
0x686: {  	[tilespmem:s15+$0x190] =	vst v8;
	v2 =	vmul.f32 $4.525483320e+01, v2  }
0x687: {  	[tilespmem:s15+$0x1A0] =	vst v7;
	v4 =	vmul.f32 $4.525483320e+01, v4  }
0x688: {  	[tilespmem:s15+$0x1B0] =	vst v2;
	v2 =	vmul.f32 $4.525483320e+01, v3  }
0x689: {  	[tilespmem:s15+$0x1C0] =	vst v4;
	v3 =	vmul.f32 $4.525483320e+01, v5  }
0x68a: {  	v63 =	vmul.f32 $4.525483320e+01, v6;
	[tilespmem:s15+$0x1D0] =	vst v2  }
0x68b: {  	[tilespmem:s15+$0x1E0] =	vst v3  }
0x68c: {  	[tilespmem:s15+$0x180] =	vst v63  }
0x68d: {  	s15 =	rddreg [dreg:$0xb]  }
0x68e: {  	[hbm4b:s15+s4] =	stream.linear.scatter [tilespmem:s23], [sflag:$0x4], $0x4000, $0x38;
	[tilespmem:$0x1A000] =	vst v63  }
0x68f: {  	_ =	swait.ge [sflag:s16], $0x4000  }
0x690: {  	[sflag:s16] =	ssyncset.done $0x0  }
0x691: {  	[sflag:s16] =	ssyncadd.s32 $0xFFFFC000  }
0x692: {  	_ =	swait.ge [sflag:s19], $0x4000  }
0x693: {  	[sflag:s19] =	ssyncset.done $0x0  }
0x694: {  	[sflag:s19] =	ssyncadd.s32 $0xFFFFC000  }
0x695: {  	_ =	swait.ge [sflag:s20], $0x4000  }
0x696: {  	s21 =	rddreg [dreg:$0xd]  }
0x697: {  	s29 =	rddreg [dreg:$0xc];
	s21 =	sadd.s32 $0x1, s21  }
0x698: {  	p0 =	sne.s32 s21, s29  }
.Ltmp11:
0x699: {  	_ = 	snop;
	(pc) =	sbr.rel @p0 .LBB2_1-.Ltmp11, $3  }
0x69a: {  	_ =	sdelay $0x1  }
0x69b: {  	[sflag:s20] =	ssyncset.done $0x0  }
0x69c: {  	[sflag:s20] =	ssyncadd.s32 $0xFFFFC000  }
0x69d: {  	_ =	sfence.sel $0x180000  }
0x69e: {  	[bflag:$0x0] =	sbarrier.arrive $0xFFFF  }
0x69f: {  	_ =	strace $0x90000047  }
0x6a0: {  	s0 =	stileid.u32;
	[bflag:$0x2] =	sbarrier.arrive $0xFFFF  }
0x6a1: {  	p0 =	sne.s32 s0, $0x0;
	s0 =	rddreg [dreg:$0x3]  }
0x6a2: {  	s0 =	sadd.s32 @!p0 $0x100000, s0  }
0x6a3: {  	[sflag:s0] =	ssyncadd.tile.s32 @!p0 $0x1;
	_ =	shalt  }
.Lfunc_end2:
_tile_overlayer_lowered:
.L_overlay_start_2:
0x6a4: {  	(tag) =	ssettag $0x2  }
0x6a5: {  	s0 =	rddreg [dreg:$0x0];
	s2 =	stileid.u32  }
0x6a6: {  	s1 =	rddreg [dreg:$0x1];
	p0 =	sne.s32 s2, $0x0  }
0x6a7: {  	s3 =	rddreg [dreg:$0x2];
	[bflag:$0x3] =	sbarrier.arrive $0xFFFF;
	s2 =	simm.s32 @!p0 $0x1C07  }
0x6a8: {  	[timem:s3], [sflag:s2] =	dma.local @!p0 [hbm:s0], s1  }
0x6a9: {  	s0 =	simm.s32 @!p0 $0x7  }
0x6aa: {  	_ =	swait.ge @!p0 [sflag:s0], s1  }
0x6ab: {  	s1 =	ssub.s32 @!p0 $0x0, s1;
	[sflag:s0] =	ssyncset.done @!p0 $0x0  }
0x6ac: {  	[sflag:s0] =	ssyncadd.s32 @!p0 s1  }
0x6ad: {  	[bflag:$0x3] =	sbarrier.arrive $0xFFFF  }
0x6ae: {  	_ =	shalt  }

</sc_bundles>
